<compile_context>
chip_gen: v7x
topology: tpu7x:2x2x1
jax: 0.10.2.dev20260603
libtpu: 0.0.44.dev20260713+nightly
codegen_flags: <defaults>
</compile_context>

<pallas_src>
import functools

import jax
import jax.numpy as jnp
from jax import lax
from jax.experimental import pallas as pl
from jax.experimental.pallas import tpu as pltpu
from jax.experimental.pallas import tpu_sc as plsc

N_PTS = 50000
K = 16
INC = 512
HIDDEN = INC // 4

NC = 2
NS = 16
NW = NC * NS

G = 8
NB = 8

PPW = -(-N_PTS // (NW * G)) * G
PAD_N = PPW * NW
PPW0 = 1664
PPW1 = 1472
assert PPW0 * NS + PPW1 * NS == PAD_N
OFF1 = PPW0 * NS
NGH0 = PPW0 // (2 * G)
NGH1 = PPW1 // (2 * G)
PAD_N_IDX = PAD_N + PPW0 - PPW1

_MESH = plsc.VectorSubcoreMesh(core_axis_name="c", subcore_axis_name="s")


@functools.partial(
    pl.kernel,
    mesh=_MESH,
    out_type=jax.ShapeDtypeStruct((PAD_N, INC), jnp.float32),
    scratch_types=[
        pltpu.VMEM((PPW0 * K,), jnp.int32),
        pltpu.VMEM((NB, K, INC), jnp.float32),
        pltpu.VMEM((2, G, INC), jnp.float32),
        pltpu.SemaphoreType.DMA,
        pltpu.SemaphoreType.DMA,
    ],
)
def _gather_sum(f_hbm, idx_hbm, sum_hbm, idx_v, rows_v, out_v, gsem, osem):
    c = lax.axis_index("c")
    s = lax.axis_index("s")
    on0 = c == 0
    base = lax.select(on0, s * PPW0, OFF1 + s * PPW1)
    ppw = lax.select(on0, jnp.int32(PPW0), jnp.int32(PPW1))
    ng_half = lax.select(on0, jnp.int32(NGH0), jnp.int32(NGH1))

    pltpu.sync_copy(idx_hbm.at[pl.ds(base * K, PPW0 * K)], idx_v)

    def fire(p, b):
        ivec = idx_v[pl.ds(p * K, K)]
        pltpu.async_copy(f_hbm.at[ivec], rows_v.at[b], gsem)

    def wait_gather(b):
        pltpu.make_async_copy(f_hbm.at[pl.ds(0, K)], rows_v.at[b], gsem).wait()

    def wait_out(ob):
        pltpu.make_async_copy(out_v.at[ob], sum_hbm.at[pl.ds(0, G)], osem).wait()

    for b in range(NB):
        fire(b, b)

    def reduce_point(b, ob, j):
        def cbody(c, carry):
            col = c * 16
            vals = [rows_v[b, k, pl.ds(col, 16)] for k in range(K)]
            while len(vals) > 1:
                vals = [vals[i] + vals[i + 1] for i in range(0, len(vals), 2)]
            out_v[ob, j, pl.ds(col, 16)] = vals[0]
            return carry

        lax.fori_loop(0, INC // 16, cbody, 0)

    def pair_body(m, carry):
        @pl.when(m < ng_half)
        def _():
            for ob in range(2):
                g = m * 2 + ob

                @pl.when(m > 0)
                def _():
                    wait_out(ob)

                for j in range(G):
                    b = j % NB
                    p = g * G + j
                    wait_gather(b)
                    reduce_point(b, ob, j)
                    nxt = p + NB

                    @pl.when(nxt < ppw)
                    def _():
                        fire(nxt, b)

                pltpu.async_copy(out_v.at[ob],
                                 sum_hbm.at[pl.ds(base + g * G, G)], osem)
        return carry

    lax.fori_loop(0, NGH0, pair_body, 0)

    wait_out(0)
    wait_out(1)


_BR = 1000


def _mlp_body(f_ref, s_ref, w1_ref, b1_ref, w2_ref, b2_ref, o_ref):
    avg = s_ref[...] * (1.0 / K)
    h = jnp.maximum(
        jnp.dot(avg, w1_ref[...], preferred_element_type=jnp.float32)
        + b1_ref[...], 0.0)
    logits = (jnp.dot(h, w2_ref[...], preferred_element_type=jnp.float32)
              + b2_ref[...])
    o_ref[...] = f_ref[...] * jax.nn.sigmoid(logits)


def _mlp(F, sums, W1, b1, W2, b2):
    grid = (N_PTS // _BR,)
    return pl.pallas_call(
        _mlp_body,
        grid=grid,
        in_specs=[
            pl.BlockSpec((_BR, INC), lambda i: (i, 0)),
            pl.BlockSpec((_BR, INC), lambda i: (i, 0)),
            pl.BlockSpec((INC, HIDDEN), lambda i: (0, 0)),
            pl.BlockSpec((1, HIDDEN), lambda i: (0, 0)),
            pl.BlockSpec((HIDDEN, INC), lambda i: (0, 0)),
            pl.BlockSpec((1, INC), lambda i: (0, 0)),
        ],
        out_specs=pl.BlockSpec((_BR, INC), lambda i: (i, 0)),
        out_shape=jax.ShapeDtypeStruct((N_PTS, INC), jnp.float32),
        compiler_params=pltpu.CompilerParams(
            dimension_semantics=("arbitrary",)),
    )(F, sums, W1, b1, W2, b2)


def kernel(F, idx, W1, b1, W2, b2):
    idx32 = idx.astype(jnp.int32)
    idx_pad = jnp.pad(idx32, ((0, PAD_N_IDX - N_PTS), (0, 0)))
    sums = _gather_sum(F, idx_pad.reshape(PAD_N_IDX * K))
    return _mlp(F, sums, W1, b1.reshape(1, HIDDEN), W2, b2.reshape(1, INC))

# --- scband reference (transcript-rebuilt; emitter-appended) ---
"""Pipeline reference for scband-se-86947317940508 (READ-ONLY COPY).

The authoritative reference and input builder live on the scoring server;
editing this copy changes nothing except your own understanding.
"""

import jax, jax.numpy as jnp
import numpy as np

N = 50000
K = 16
INC = 512
HIDDEN = INC // 4

def setup_inputs(seed: int = 0) -> dict:
    key = jax.random.key(seed)
    k1, k2, k3, k4, k5, k6 = jax.random.split(key, 6)
    F = jax.random.normal(k1, (N, INC), dtype=jnp.float32)
    idx = jax.random.randint(k2, (N, K), 0, N).astype(jnp.int64)
    # SE MLP params: Linear(inc->hidden), Linear(hidden->inc)
    W1 = jax.random.normal(k3, (INC, HIDDEN), dtype=jnp.float32) * (1.0 / np.sqrt(INC))
    b1 = jax.random.normal(k4, (HIDDEN,), dtype=jnp.float32) * 0.01
    W2 = jax.random.normal(k5, (HIDDEN, INC), dtype=jnp.float32) * (1.0 / np.sqrt(HIDDEN))
    b2 = jax.random.normal(k6, (INC,), dtype=jnp.float32) * 0.01
    return {"F": F, "idx": idx, "W1": W1, "b1": b1, "W2": W2, "b2": b2}

def reference(F, idx, W1, b1, W2, b2):
    n = F.shape[0]
    # avg = x.F[idx].mean(1).view(n, -1)
    gathered = jnp.take(F, idx, axis=0)          # [N, K, INC]
    avg = gathered.mean(axis=1).reshape(n, -1)   # [N, INC]
    # MLP: Linear -> ReLU -> Linear -> Sigmoid
    h = jax.nn.relu(avg @ W1 + b1)
    mlpout = jax.nn.sigmoid(h @ W2 + b2)
    out = F * mlpout
    return out

if __name__ == "__main__":
    import jax
    _d = setup_inputs()
    print(jax.jit(kernel)(*tuple(_d.values())))

</pallas_src>

<mosaic_0001>
#map = affine_map<(d0, d1) -> (0, 0)>
#map1 = affine_map<(d0, d1) -> (0)>
module attributes {stable_mosaic.version = 14 : i64} {
  func.func @_gather_sum(%arg0: i32, %arg1: i32, %arg2: memref<50000x512xf32, #tpu.memory_space<hbm>>, %arg3: memref<805888xi32, #tpu.memory_space<hbm>>, %arg4: memref<50176x512xf32, #tpu.memory_space<hbm>>, %arg5: memref<26624xi32, #tpu.memory_space<vmem>>, %arg6: memref<8x16x512xf32, #tpu.memory_space<vmem>>, %arg7: memref<2x8x512xf32, #tpu.memory_space<vmem>>, %arg8: memref<!tpu.dma_semaphore, #tpu.memory_space<semaphore_mem>>, %arg9: memref<!tpu.dma_semaphore, #tpu.memory_space<semaphore_mem>>) attributes {dimension_semantics = [#tpu.dimension_semantics<core_parallel>, #tpu.dimension_semantics<subcore_parallel>], iteration_bounds = array<i64: 2, 16>, scalar_prefetch = 0 : i64, scratch_operands = 5 : i64, tpu.core_type = #tpu.core_type<sc_vector_subcore>, window_params = [{transform_indices = #map}, {transform_indices = #map1}, {transform_indices = #map}]} {
    %eq3A = arith.constant 0 : i32
    %eq3A_0 = arith.cmpi eq, %arg0, %eq3A : i32
    %mul3A = arith.constant 1664 : i32
    %mul3A_1 = arith.muli %arg1, %mul3A : i32
    %mul3A_2 = arith.constant 1472 : i32
    %mul3A_3 = arith.muli %arg1, %mul3A_2 : i32
    %add3A = arith.constant 26624 : i32
    %add3A_4 = arith.addi %add3A, %mul3A_3 : i32
    %select_n3A = arith.select %eq3A_0, %mul3A_1, %add3A_4 : i32
    %select_n3A_5 = arith.constant 1472 : i32
    %select_n3A_6 = arith.constant 1664 : i32
    %select_n3A_7 = arith.select %eq3A_0, %select_n3A_6, %select_n3A_5 : i32
    %select_n3A_8 = arith.constant 92 : i32
    %select_n3A_9 = arith.constant 104 : i32
    %select_n3A_10 = arith.select %eq3A_0, %select_n3A_9, %select_n3A_8 : i32
    %mul3A_11 = arith.constant 16 : i32
    %mul3A_12 = arith.muli %select_n3A, %mul3A_11 : i32
    "tpu.region"() ({
      %run_scoped3A = tpu.sem_alloc : memref<!tpu.dma_semaphore, #tpu.memory_space<semaphore_mem>>
      %dma_start3A_133 = tpu.memref_slice %arg3[%mul3A_12] : memref<805888xi32, #tpu.memory_space<hbm>> -> memref<26624xi32, #tpu.memory_space<hbm>>
      %dma_start3A_134 = tpu.memref_slice %arg3[%mul3A_12] : memref<805888xi32, #tpu.memory_space<hbm>> -> memref<26624xi32, #tpu.memory_space<hbm>>
      tpu.enqueue_dma source(%dma_start3A_134 : memref<26624xi32, #tpu.memory_space<hbm>>) target(%arg5 : memref<26624xi32, #tpu.memory_space<vmem>>) target_semaphore(%run_scoped3A : memref<!tpu.dma_semaphore, #tpu.memory_space<semaphore_mem>>)
      %dma_wait3A_135 = tpu.memref_slice %arg3[%mul3A_12] : memref<805888xi32, #tpu.memory_space<hbm>> -> memref<26624xi32, #tpu.memory_space<hbm>>
      %dma_wait3A_136 = tpu.memref_slice %arg3[%mul3A_12] : memref<805888xi32, #tpu.memory_space<hbm>> -> memref<26624xi32, #tpu.memory_space<hbm>>
      tpu.wait_dma2 semaphore(%run_scoped3A : memref<!tpu.dma_semaphore, #tpu.memory_space<semaphore_mem>>) src(%dma_wait3A_136 : memref<26624xi32, #tpu.memory_space<hbm>>) dst(%arg5 : memref<26624xi32, #tpu.memory_space<vmem>>)
      tpu.yield
    }) : () -> ()
    %get3A = arith.constant 0 : index
    %get3A_13 = tpu.vector_load %arg5[%get3A] {strides = array<i32>} : memref<26624xi32, #tpu.memory_space<vmem>>, vector<16xi32>,
    %get3A_14 = vector.shape_cast %get3A_13 : vector<16xi32> to vector<16xi32>
    %dma_start3A = arith.constant 0 : i32
    %dma_start3A_15 = arith.constant 0 : i32
    %dma_start3A_16 = arith.constant 0 : i32
    %dma_start3A_17 = tpu.memref_slice %arg6[%dma_start3A, %dma_start3A_15, %dma_start3A_16] : memref<8x16x512xf32, #tpu.memory_space<vmem>> -> memref<1x16x512xf32, #tpu.memory_space<vmem>>
    %dma_start3A_18 = tpu.memref_squeeze %dma_start3A_17 : memref<1x16x512xf32, #tpu.memory_space<vmem>> -> memref<16x512xf32, #tpu.memory_space<vmem>>
    %dma_start3A_19 = arith.constant 0 : i32
    %dma_start3A_20 = arith.constant 0 : i32
    %dma_start3A_21 = tpu.memref_slice %arg2[%dma_start3A_19, %dma_start3A_20] : memref<50000x512xf32, #tpu.memory_space<hbm>> -> memref<50000x512xf32, #tpu.memory_space<hbm>>
    tpu.enqueue_indirect_dma source(%dma_start3A_21 : memref<50000x512xf32, #tpu.memory_space<hbm>>) target(%dma_start3A_18 : memref<16x512xf32, #tpu.memory_space<vmem>>) offsets(%get3A_14 : vector<16xi32>) semaphore(%arg8 : memref<!tpu.dma_semaphore, #tpu.memory_space<semaphore_mem>>)
    %get3A_22 = arith.constant 16 : index
    %get3A_23 = tpu.vector_load %arg5[%get3A_22] {strides = array<i32>} : memref<26624xi32, #tpu.memory_space<vmem>>, vector<16xi32>,
    %get3A_24 = vector.shape_cast %get3A_23 : vector<16xi32> to vector<16xi32>
    %dma_start3A_25 = arith.constant 1 : i32
    %dma_start3A_26 = arith.constant 0 : i32
    %dma_start3A_27 = arith.constant 0 : i32
    %dma_start3A_28 = tpu.memref_slice %arg6[%dma_start3A_25, %dma_start3A_26, %dma_start3A_27] : memref<8x16x512xf32, #tpu.memory_space<vmem>> -> memref<1x16x512xf32, #tpu.memory_space<vmem>>
    %dma_start3A_29 = tpu.memref_squeeze %dma_start3A_28 : memref<1x16x512xf32, #tpu.memory_space<vmem>> -> memref<16x512xf32, #tpu.memory_space<vmem>>
    %dma_start3A_30 = arith.constant 0 : i32
    %dma_start3A_31 = arith.constant 0 : i32
    %dma_start3A_32 = tpu.memref_slice %arg2[%dma_start3A_30, %dma_start3A_31] : memref<50000x512xf32, #tpu.memory_space<hbm>> -> memref<50000x512xf32, #tpu.memory_space<hbm>>
    tpu.enqueue_indirect_dma source(%dma_start3A_32 : memref<50000x512xf32, #tpu.memory_space<hbm>>) target(%dma_start3A_29 : memref<16x512xf32, #tpu.memory_space<vmem>>) offsets(%get3A_24 : vector<16xi32>) semaphore(%arg8 : memref<!tpu.dma_semaphore, #tpu.memory_space<semaphore_mem>>)
    %get3A_33 = arith.constant 32 : index
    %get3A_34 = tpu.vector_load %arg5[%get3A_33] {strides = array<i32>} : memref<26624xi32, #tpu.memory_space<vmem>>, vector<16xi32>,
    %get3A_35 = vector.shape_cast %get3A_34 : vector<16xi32> to vector<16xi32>
    %dma_start3A_36 = arith.constant 2 : i32
    %dma_start3A_37 = arith.constant 0 : i32
    %dma_start3A_38 = arith.constant 0 : i32
    %dma_start3A_39 = tpu.memref_slice %arg6[%dma_start3A_36, %dma_start3A_37, %dma_start3A_38] : memref<8x16x512xf32, #tpu.memory_space<vmem>> -> memref<1x16x512xf32, #tpu.memory_space<vmem>>
    %dma_start3A_40 = tpu.memref_squeeze %dma_start3A_39 : memref<1x16x512xf32, #tpu.memory_space<vmem>> -> memref<16x512xf32, #tpu.memory_space<vmem>>
    %dma_start3A_41 = arith.constant 0 : i32
    %dma_start3A_42 = arith.constant 0 : i32
    %dma_start3A_43 = tpu.memref_slice %arg2[%dma_start3A_41, %dma_start3A_42] : memref<50000x512xf32, #tpu.memory_space<hbm>> -> memref<50000x512xf32, #tpu.memory_space<hbm>>
    tpu.enqueue_indirect_dma source(%dma_start3A_43 : memref<50000x512xf32, #tpu.memory_space<hbm>>) target(%dma_start3A_40 : memref<16x512xf32, #tpu.memory_space<vmem>>) offsets(%get3A_35 : vector<16xi32>) semaphore(%arg8 : memref<!tpu.dma_semaphore, #tpu.memory_space<semaphore_mem>>)
    %get3A_44 = arith.constant 48 : index
    %get3A_45 = tpu.vector_load %arg5[%get3A_44] {strides = array<i32>} : memref<26624xi32, #tpu.memory_space<vmem>>, vector<16xi32>,
    %get3A_46 = vector.shape_cast %get3A_45 : vector<16xi32> to vector<16xi32>
    %dma_start3A_47 = arith.constant 3 : i32
    %dma_start3A_48 = arith.constant 0 : i32
    %dma_start3A_49 = arith.constant 0 : i32
    %dma_start3A_50 = tpu.memref_slice %arg6[%dma_start3A_47, %dma_start3A_48, %dma_start3A_49] : memref<8x16x512xf32, #tpu.memory_space<vmem>> -> memref<1x16x512xf32, #tpu.memory_space<vmem>>
    %dma_start3A_51 = tpu.memref_squeeze %dma_start3A_50 : memref<1x16x512xf32, #tpu.memory_space<vmem>> -> memref<16x512xf32, #tpu.memory_space<vmem>>
    %dma_start3A_52 = arith.constant 0 : i32
    %dma_start3A_53 = arith.constant 0 : i32
    %dma_start3A_54 = tpu.memref_slice %arg2[%dma_start3A_52, %dma_start3A_53] : memref<50000x512xf32, #tpu.memory_space<hbm>> -> memref<50000x512xf32, #tpu.memory_space<hbm>>
    tpu.enqueue_indirect_dma source(%dma_start3A_54 : memref<50000x512xf32, #tpu.memory_space<hbm>>) target(%dma_start3A_51 : memref<16x512xf32, #tpu.memory_space<vmem>>) offsets(%get3A_46 : vector<16xi32>) semaphore(%arg8 : memref<!tpu.dma_semaphore, #tpu.memory_space<semaphore_mem>>)
    %get3A_55 = arith.constant 64 : index
    %get3A_56 = tpu.vector_load %arg5[%get3A_55] {strides = array<i32>} : memref<26624xi32, #tpu.memory_space<vmem>>, vector<16xi32>,
    %get3A_57 = vector.shape_cast %get3A_56 : vector<16xi32> to vector<16xi32>
    %dma_start3A_58 = arith.constant 4 : i32
    %dma_start3A_59 = arith.constant 0 : i32
    %dma_start3A_60 = arith.constant 0 : i32
    %dma_start3A_61 = tpu.memref_slice %arg6[%dma_start3A_58, %dma_start3A_59, %dma_start3A_60] : memref<8x16x512xf32, #tpu.memory_space<vmem>> -> memref<1x16x512xf32, #tpu.memory_space<vmem>>
    %dma_start3A_62 = tpu.memref_squeeze %dma_start3A_61 : memref<1x16x512xf32, #tpu.memory_space<vmem>> -> memref<16x512xf32, #tpu.memory_space<vmem>>
    %dma_start3A_63 = arith.constant 0 : i32
    %dma_start3A_64 = arith.constant 0 : i32
    %dma_start3A_65 = tpu.memref_slice %arg2[%dma_start3A_63, %dma_start3A_64] : memref<50000x512xf32, #tpu.memory_space<hbm>> -> memref<50000x512xf32, #tpu.memory_space<hbm>>
    tpu.enqueue_indirect_dma source(%dma_start3A_65 : memref<50000x512xf32, #tpu.memory_space<hbm>>) target(%dma_start3A_62 : memref<16x512xf32, #tpu.memory_space<vmem>>) offsets(%get3A_57 : vector<16xi32>) semaphore(%arg8 : memref<!tpu.dma_semaphore, #tpu.memory_space<semaphore_mem>>)
    %get3A_66 = arith.constant 80 : index
    %get3A_67 = tpu.vector_load %arg5[%get3A_66] {strides = array<i32>} : memref<26624xi32, #tpu.memory_space<vmem>>, vector<16xi32>,
    %get3A_68 = vector.shape_cast %get3A_67 : vector<16xi32> to vector<16xi32>
    %dma_start3A_69 = arith.constant 5 : i32
    %dma_start3A_70 = arith.constant 0 : i32
    %dma_start3A_71 = arith.constant 0 : i32
    %dma_start3A_72 = tpu.memref_slice %arg6[%dma_start3A_69, %dma_start3A_70, %dma_start3A_71] : memref<8x16x512xf32, #tpu.memory_space<vmem>> -> memref<1x16x512xf32, #tpu.memory_space<vmem>>
    %dma_start3A_73 = tpu.memref_squeeze %dma_start3A_72 : memref<1x16x512xf32, #tpu.memory_space<vmem>> -> memref<16x512xf32, #tpu.memory_space<vmem>>
    %dma_start3A_74 = arith.constant 0 : i32
    %dma_start3A_75 = arith.constant 0 : i32
    %dma_start3A_76 = tpu.memref_slice %arg2[%dma_start3A_74, %dma_start3A_75] : memref<50000x512xf32, #tpu.memory_space<hbm>> -> memref<50000x512xf32, #tpu.memory_space<hbm>>
    tpu.enqueue_indirect_dma source(%dma_start3A_76 : memref<50000x512xf32, #tpu.memory_space<hbm>>) target(%dma_start3A_73 : memref<16x512xf32, #tpu.memory_space<vmem>>) offsets(%get3A_68 : vector<16xi32>) semaphore(%arg8 : memref<!tpu.dma_semaphore, #tpu.memory_space<semaphore_mem>>)
    %get3A_77 = arith.constant 96 : index
    %get3A_78 = tpu.vector_load %arg5[%get3A_77] {strides = array<i32>} : memref<26624xi32, #tpu.memory_space<vmem>>, vector<16xi32>,
    %get3A_79 = vector.shape_cast %get3A_78 : vector<16xi32> to vector<16xi32>
    %dma_start3A_80 = arith.constant 6 : i32
    %dma_start3A_81 = arith.constant 0 : i32
    %dma_start3A_82 = arith.constant 0 : i32
    %dma_start3A_83 = tpu.memref_slice %arg6[%dma_start3A_80, %dma_start3A_81, %dma_start3A_82] : memref<8x16x512xf32, #tpu.memory_space<vmem>> -> memref<1x16x512xf32, #tpu.memory_space<vmem>>
    %dma_start3A_84 = tpu.memref_squeeze %dma_start3A_83 : memref<1x16x512xf32, #tpu.memory_space<vmem>> -> memref<16x512xf32, #tpu.memory_space<vmem>>
    %dma_start3A_85 = arith.constant 0 : i32
    %dma_start3A_86 = arith.constant 0 : i32
    %dma_start3A_87 = tpu.memref_slice %arg2[%dma_start3A_85, %dma_start3A_86] : memref<50000x512xf32, #tpu.memory_space<hbm>> -> memref<50000x512xf32, #tpu.memory_space<hbm>>
    tpu.enqueue_indirect_dma source(%dma_start3A_87 : memref<50000x512xf32, #tpu.memory_space<hbm>>) target(%dma_start3A_84 : memref<16x512xf32, #tpu.memory_space<vmem>>) offsets(%get3A_79 : vector<16xi32>) semaphore(%arg8 : memref<!tpu.dma_semaphore, #tpu.memory_space<semaphore_mem>>)
    %get3A_88 = arith.constant 112 : index
    %get3A_89 = tpu.vector_load %arg5[%get3A_88] {strides = array<i32>} : memref<26624xi32, #tpu.memory_space<vmem>>, vector<16xi32>,
    %get3A_90 = vector.shape_cast %get3A_89 : vector<16xi32> to vector<16xi32>
    %dma_start3A_91 = arith.constant 7 : i32
    %dma_start3A_92 = arith.constant 0 : i32
    %dma_start3A_93 = arith.constant 0 : i32
    %dma_start3A_94 = tpu.memref_slice %arg6[%dma_start3A_91, %dma_start3A_92, %dma_start3A_93] : memref<8x16x512xf32, #tpu.memory_space<vmem>> -> memref<1x16x512xf32, #tpu.memory_space<vmem>>
    %dma_start3A_95 = tpu.memref_squeeze %dma_start3A_94 : memref<1x16x512xf32, #tpu.memory_space<vmem>> -> memref<16x512xf32, #tpu.memory_space<vmem>>
    %dma_start3A_96 = arith.constant 0 : i32
    %dma_start3A_97 = arith.constant 0 : i32
    %dma_start3A_98 = tpu.memref_slice %arg2[%dma_start3A_96, %dma_start3A_97] : memref<50000x512xf32, #tpu.memory_space<hbm>> -> memref<50000x512xf32, #tpu.memory_space<hbm>>
    tpu.enqueue_indirect_dma source(%dma_start3A_98 : memref<50000x512xf32, #tpu.memory_space<hbm>>) target(%dma_start3A_95 : memref<16x512xf32, #tpu.memory_space<vmem>>) offsets(%get3A_90 : vector<16xi32>) semaphore(%arg8 : memref<!tpu.dma_semaphore, #tpu.memory_space<semaphore_mem>>)
    %scan3A = arith.constant 0 : i32
    %scan3A_99 = arith.constant 0 : i32
    %scan3A_100 = arith.constant 104 : i32
    %scan3A_101 = arith.addi %scan3A_99, %scan3A_100 : i32
    %scan3A_102 = arith.constant 1 : i32
    scf.for %scan3A_133 = %scan3A_99 to %scan3A_101 step %scan3A_102  : i32 {
      %lt3A = arith.cmpi slt, %scan3A_133, %select_n3A_10 : i32
      %convert_element_type3A = arith.extui %lt3A : i1 to i32
      %cond3A = arith.constant 0 : i32
      %cond3A_134 = arith.cmpi ne, %convert_element_type3A, %cond3A : i32
      scf.if %cond3A_134 {
        %mul3A_135 = arith.constant 2 : i32
        %mul3A_136 = arith.muli %scan3A_133, %mul3A_135 : i32
        %add3A_137 = arith.constant 0 : i32
        %add3A_138 = arith.addi %mul3A_136, %add3A_137 : i32
        %gt3A = arith.constant 0 : i32
        %gt3A_139 = arith.cmpi sgt, %scan3A_133, %gt3A : i32
        %convert_element_type3A_140 = arith.extui %gt3A_139 : i1 to i32
        %cond3A_141 = arith.constant 0 : i32
        %cond3A_142 = arith.cmpi ne, %convert_element_type3A_140, %cond3A_141 : i32
        scf.if %cond3A_142 {
          %dma_wait3A_680 = arith.constant 0 : i32
          %dma_wait3A_681 = arith.constant 0 : i32
          %dma_wait3A_682 = arith.constant 0 : i32
          %dma_wait3A_683 = tpu.memref_slice %arg7[%dma_wait3A_680, %dma_wait3A_681, %dma_wait3A_682] : memref<2x8x512xf32, #tpu.memory_space<vmem>> -> memref<1x8x512xf32, #tpu.memory_space<vmem>>
          %dma_wait3A_684 = tpu.memref_squeeze %dma_wait3A_683 : memref<1x8x512xf32, #tpu.memory_space<vmem>> -> memref<8x512xf32, #tpu.memory_space<vmem>>
          %dma_wait3A_685 = arith.constant 0 : i32
          %dma_wait3A_686 = arith.constant 0 : i32
          %dma_wait3A_687 = tpu.memref_slice %arg4[%dma_wait3A_685, %dma_wait3A_686] : memref<50176x512xf32, #tpu.memory_space<hbm>> -> memref<8x512xf32, #tpu.memory_space<hbm>>
          %dma_wait3A_688 = arith.constant 0 : i32
          %dma_wait3A_689 = arith.constant 0 : i32
          %dma_wait3A_690 = tpu.memref_slice %arg4[%dma_wait3A_688, %dma_wait3A_689] : memref<50176x512xf32, #tpu.memory_space<hbm>> -> memref<8x512xf32, #tpu.memory_space<hbm>>
          %dma_wait3A_691 = arith.constant 0 : i32
          %dma_wait3A_692 = arith.constant 0 : i32
          %dma_wait3A_693 = tpu.memref_slice %arg7[%dma_wait3A_680, %dma_wait3A_691, %dma_wait3A_692] : memref<2x8x512xf32, #tpu.memory_space<vmem>> -> memref<1x8x512xf32, #tpu.memory_space<vmem>>
          %dma_wait3A_694 = tpu.memref_squeeze %dma_wait3A_693 : memref<1x8x512xf32, #tpu.memory_space<vmem>> -> memref<8x512xf32, #tpu.memory_space<vmem>>
          tpu.wait_dma2 semaphore(%arg9 : memref<!tpu.dma_semaphore, #tpu.memory_space<semaphore_mem>>) src(%dma_wait3A_694 : memref<8x512xf32, #tpu.memory_space<vmem>>) dst(%dma_wait3A_690 : memref<8x512xf32, #tpu.memory_space<hbm>>)
        } else {
        }
        %mul3A_143 = arith.constant 8 : i32
        %mul3A_144 = arith.muli %add3A_138, %mul3A_143 : i32
        %add3A_145 = arith.constant 0 : i32
        %add3A_146 = arith.addi %mul3A_144, %add3A_145 : i32
        %dma_wait3A_147 = arith.constant 0 : i32
        %dma_wait3A_148 = arith.constant 0 : i32
        %dma_wait3A_149 = arith.constant 0 : i32
        %dma_wait3A_150 = tpu.memref_slice %arg6[%dma_wait3A_147, %dma_wait3A_148, %dma_wait3A_149] : memref<8x16x512xf32, #tpu.memory_space<vmem>> -> memref<1x16x512xf32, #tpu.memory_space<vmem>>
        %dma_wait3A_151 = tpu.memref_squeeze %dma_wait3A_150 : memref<1x16x512xf32, #tpu.memory_space<vmem>> -> memref<16x512xf32, #tpu.memory_space<vmem>>
        %dma_wait3A_152 = arith.constant 0 : i32
        %dma_wait3A_153 = arith.constant 0 : i32
        %dma_wait3A_154 = tpu.memref_slice %arg2[%dma_wait3A_152, %dma_wait3A_153] : memref<50000x512xf32, #tpu.memory_space<hbm>> -> memref<16x512xf32, #tpu.memory_space<hbm>>
        %dma_wait3A_155 = arith.constant 0 : i32
        %dma_wait3A_156 = arith.constant 0 : i32
        %dma_wait3A_157 = tpu.memref_slice %arg6[%dma_wait3A_147, %dma_wait3A_155, %dma_wait3A_156] : memref<8x16x512xf32, #tpu.memory_space<vmem>> -> memref<1x16x512xf32, #tpu.memory_space<vmem>>
        %dma_wait3A_158 = tpu.memref_squeeze %dma_wait3A_157 : memref<1x16x512xf32, #tpu.memory_space<vmem>> -> memref<16x512xf32, #tpu.memory_space<vmem>>
        %dma_wait3A_159 = arith.constant 0 : i32
        %dma_wait3A_160 = arith.constant 0 : i32
        %dma_wait3A_161 = tpu.memref_slice %arg2[%dma_wait3A_159, %dma_wait3A_160] : memref<50000x512xf32, #tpu.memory_space<hbm>> -> memref<16x512xf32, #tpu.memory_space<hbm>>
        tpu.wait_dma2 semaphore(%arg8 : memref<!tpu.dma_semaphore, #tpu.memory_space<semaphore_mem>>) src(%dma_wait3A_161 : memref<16x512xf32, #tpu.memory_space<hbm>>) dst(%dma_wait3A_158 : memref<16x512xf32, #tpu.memory_space<vmem>>)
        %scan3A_162 = arith.constant 0 : i32
        %scan3A_163 = arith.constant 0 : i32
        %scan3A_164 = arith.constant 32 : i32
        %scan3A_165 = arith.addi %scan3A_163, %scan3A_164 : i32
        %scan3A_166 = arith.constant 1 : i32
        scf.for %scan3A_680 = %scan3A_163 to %scan3A_165 step %scan3A_166  : i32 {
          %mul3A_681 = arith.constant 16 : i32
          %mul3A_682 = arith.muli %scan3A_680, %mul3A_681 : i32
          %get3A_683 = arith.constant 0 : i32
          %get3A_684 = arith.constant 0 : i32
          %get3A_685 = arith.index_cast %get3A_683 : i32 to index
          %get3A_686 = arith.index_cast %get3A_684 : i32 to index
          %get3A_687 = arith.index_cast %mul3A_682 : i32 to index
          %get3A_688 = tpu.vector_load %arg6[%get3A_685, %get3A_686, %get3A_687] {strides = array<i32>} : memref<8x16x512xf32, #tpu.memory_space<vmem>>, vector<1x1x16xf32>,
          %get3A_689 = vector.shape_cast %get3A_688 : vector<1x1x16xf32> to vector<16xf32>
          %get3A_690 = arith.constant 0 : i32
          %get3A_691 = arith.constant 1 : i32
          %get3A_692 = arith.index_cast %get3A_690 : i32 to index
          %get3A_693 = arith.index_cast %get3A_691 : i32 to index
          %get3A_694 = arith.index_cast %mul3A_682 : i32 to index
          %get3A_695 = tpu.vector_load %arg6[%get3A_692, %get3A_693, %get3A_694] {strides = array<i32>} : memref<8x16x512xf32, #tpu.memory_space<vmem>>, vector<1x1x16xf32>,
          %get3A_696 = vector.shape_cast %get3A_695 : vector<1x1x16xf32> to vector<16xf32>
          %get3A_697 = arith.constant 0 : i32
          %get3A_698 = arith.constant 2 : i32
          %get3A_699 = arith.index_cast %get3A_697 : i32 to index
          %get3A_700 = arith.index_cast %get3A_698 : i32 to index
          %get3A_701 = arith.index_cast %mul3A_682 : i32 to index
          %get3A_702 = tpu.vector_load %arg6[%get3A_699, %get3A_700, %get3A_701] {strides = array<i32>} : memref<8x16x512xf32, #tpu.memory_space<vmem>>, vector<1x1x16xf32>,
          %get3A_703 = vector.shape_cast %get3A_702 : vector<1x1x16xf32> to vector<16xf32>
          %get3A_704 = arith.constant 0 : i32
          %get3A_705 = arith.constant 3 : i32
          %get3A_706 = arith.index_cast %get3A_704 : i32 to index
          %get3A_707 = arith.index_cast %get3A_705 : i32 to index
          %get3A_708 = arith.index_cast %mul3A_682 : i32 to index
          %get3A_709 = tpu.vector_load %arg6[%get3A_706, %get3A_707, %get3A_708] {strides = array<i32>} : memref<8x16x512xf32, #tpu.memory_space<vmem>>, vector<1x1x16xf32>,
          %get3A_710 = vector.shape_cast %get3A_709 : vector<1x1x16xf32> to vector<16xf32>
          %get3A_711 = arith.constant 0 : i32
          %get3A_712 = arith.constant 4 : i32
          %get3A_713 = arith.index_cast %get3A_711 : i32 to index
          %get3A_714 = arith.index_cast %get3A_712 : i32 to index
          %get3A_715 = arith.index_cast %mul3A_682 : i32 to index
          %get3A_716 = tpu.vector_load %arg6[%get3A_713, %get3A_714, %get3A_715] {strides = array<i32>} : memref<8x16x512xf32, #tpu.memory_space<vmem>>, vector<1x1x16xf32>,
          %get3A_717 = vector.shape_cast %get3A_716 : vector<1x1x16xf32> to vector<16xf32>
          %get3A_718 = arith.constant 0 : i32
          %get3A_719 = arith.constant 5 : i32
          %get3A_720 = arith.index_cast %get3A_718 : i32 to index
          %get3A_721 = arith.index_cast %get3A_719 : i32 to index
          %get3A_722 = arith.index_cast %mul3A_682 : i32 to index
          %get3A_723 = tpu.vector_load %arg6[%get3A_720, %get3A_721, %get3A_722] {strides = array<i32>} : memref<8x16x512xf32, #tpu.memory_space<vmem>>, vector<1x1x16xf32>,
          %get3A_724 = vector.shape_cast %get3A_723 : vector<1x1x16xf32> to vector<16xf32>
          %get3A_725 = arith.constant 0 : i32
          %get3A_726 = arith.constant 6 : i32
          %get3A_727 = arith.index_cast %get3A_725 : i32 to index
          %get3A_728 = arith.index_cast %get3A_726 : i32 to index
          %get3A_729 = arith.index_cast %mul3A_682 : i32 to index
          %get3A_730 = tpu.vector_load %arg6[%get3A_727, %get3A_728, %get3A_729] {strides = array<i32>} : memref<8x16x512xf32, #tpu.memory_space<vmem>>, vector<1x1x16xf32>,
          %get3A_731 = vector.shape_cast %get3A_730 : vector<1x1x16xf32> to vector<16xf32>
          %get3A_732 = arith.constant 0 : i32
          %get3A_733 = arith.constant 7 : i32
          %get3A_734 = arith.index_cast %get3A_732 : i32 to index
          %get3A_735 = arith.index_cast %get3A_733 : i32 to index
          %get3A_736 = arith.index_cast %mul3A_682 : i32 to index
          %get3A_737 = tpu.vector_load %arg6[%get3A_734, %get3A_735, %get3A_736] {strides = array<i32>} : memref<8x16x512xf32, #tpu.memory_space<vmem>>, vector<1x1x16xf32>,
          %get3A_738 = vector.shape_cast %get3A_737 : vector<1x1x16xf32> to vector<16xf32>
          %get3A_739 = arith.constant 0 : i32
          %get3A_740 = arith.constant 8 : i32
          %get3A_741 = arith.index_cast %get3A_739 : i32 to index
          %get3A_742 = arith.index_cast %get3A_740 : i32 to index
          %get3A_743 = arith.index_cast %mul3A_682 : i32 to index
          %get3A_744 = tpu.vector_load %arg6[%get3A_741, %get3A_742, %get3A_743] {strides = array<i32>} : memref<8x16x512xf32, #tpu.memory_space<vmem>>, vector<1x1x16xf32>,
          %get3A_745 = vector.shape_cast %get3A_744 : vector<1x1x16xf32> to vector<16xf32>
          %get3A_746 = arith.constant 0 : i32
          %get3A_747 = arith.constant 9 : i32
          %get3A_748 = arith.index_cast %get3A_746 : i32 to index
          %get3A_749 = arith.index_cast %get3A_747 : i32 to index
          %get3A_750 = arith.index_cast %mul3A_682 : i32 to index
          %get3A_751 = tpu.vector_load %arg6[%get3A_748, %get3A_749, %get3A_750] {strides = array<i32>} : memref<8x16x512xf32, #tpu.memory_space<vmem>>, vector<1x1x16xf32>,
          %get3A_752 = vector.shape_cast %get3A_751 : vector<1x1x16xf32> to vector<16xf32>
          %get3A_753 = arith.constant 0 : i32
          %get3A_754 = arith.constant 10 : i32
          %get3A_755 = arith.index_cast %get3A_753 : i32 to index
          %get3A_756 = arith.index_cast %get3A_754 : i32 to index
          %get3A_757 = arith.index_cast %mul3A_682 : i32 to index
          %get3A_758 = tpu.vector_load %arg6[%get3A_755, %get3A_756, %get3A_757] {strides = array<i32>} : memref<8x16x512xf32, #tpu.memory_space<vmem>>, vector<1x1x16xf32>,
          %get3A_759 = vector.shape_cast %get3A_758 : vector<1x1x16xf32> to vector<16xf32>
          %get3A_760 = arith.constant 0 : i32
          %get3A_761 = arith.constant 11 : i32
          %get3A_762 = arith.index_cast %get3A_760 : i32 to index
          %get3A_763 = arith.index_cast %get3A_761 : i32 to index
          %get3A_764 = arith.index_cast %mul3A_682 : i32 to index
          %get3A_765 = tpu.vector_load %arg6[%get3A_762, %get3A_763, %get3A_764] {strides = array<i32>} : memref<8x16x512xf32, #tpu.memory_space<vmem>>, vector<1x1x16xf32>,
          %get3A_766 = vector.shape_cast %get3A_765 : vector<1x1x16xf32> to vector<16xf32>
          %get3A_767 = arith.constant 0 : i32
          %get3A_768 = arith.constant 12 : i32
          %get3A_769 = arith.index_cast %get3A_767 : i32 to index
          %get3A_770 = arith.index_cast %get3A_768 : i32 to index
          %get3A_771 = arith.index_cast %mul3A_682 : i32 to index
          %get3A_772 = tpu.vector_load %arg6[%get3A_769, %get3A_770, %get3A_771] {strides = array<i32>} : memref<8x16x512xf32, #tpu.memory_space<vmem>>, vector<1x1x16xf32>,
          %get3A_773 = vector.shape_cast %get3A_772 : vector<1x1x16xf32> to vector<16xf32>
          %get3A_774 = arith.constant 0 : i32
          %get3A_775 = arith.constant 13 : i32
          %get3A_776 = arith.index_cast %get3A_774 : i32 to index
          %get3A_777 = arith.index_cast %get3A_775 : i32 to index
          %get3A_778 = arith.index_cast %mul3A_682 : i32 to index
          %get3A_779 = tpu.vector_load %arg6[%get3A_776, %get3A_777, %get3A_778] {strides = array<i32>} : memref<8x16x512xf32, #tpu.memory_space<vmem>>, vector<1x1x16xf32>,
          %get3A_780 = vector.shape_cast %get3A_779 : vector<1x1x16xf32> to vector<16xf32>
          %get3A_781 = arith.constant 0 : i32
          %get3A_782 = arith.constant 14 : i32
          %get3A_783 = arith.index_cast %get3A_781 : i32 to index
          %get3A_784 = arith.index_cast %get3A_782 : i32 to index
          %get3A_785 = arith.index_cast %mul3A_682 : i32 to index
          %get3A_786 = tpu.vector_load %arg6[%get3A_783, %get3A_784, %get3A_785] {strides = array<i32>} : memref<8x16x512xf32, #tpu.memory_space<vmem>>, vector<1x1x16xf32>,
          %get3A_787 = vector.shape_cast %get3A_786 : vector<1x1x16xf32> to vector<16xf32>
          %get3A_788 = arith.constant 0 : i32
          %get3A_789 = arith.constant 15 : i32
          %get3A_790 = arith.index_cast %get3A_788 : i32 to index
          %get3A_791 = arith.index_cast %get3A_789 : i32 to index
          %get3A_792 = arith.index_cast %mul3A_682 : i32 to index
          %get3A_793 = tpu.vector_load %arg6[%get3A_790, %get3A_791, %get3A_792] {strides = array<i32>} : memref<8x16x512xf32, #tpu.memory_space<vmem>>, vector<1x1x16xf32>,
          %get3A_794 = vector.shape_cast %get3A_793 : vector<1x1x16xf32> to vector<16xf32>
          %add3A_795 = arith.addf %get3A_689, %get3A_696 : vector<16xf32>
          %add3A_796 = arith.addf %get3A_703, %get3A_710 : vector<16xf32>
          %add3A_797 = arith.addf %get3A_717, %get3A_724 : vector<16xf32>
          %add3A_798 = arith.addf %get3A_731, %get3A_738 : vector<16xf32>
          %add3A_799 = arith.addf %get3A_745, %get3A_752 : vector<16xf32>
          %add3A_800 = arith.addf %get3A_759, %get3A_766 : vector<16xf32>
          %add3A_801 = arith.addf %get3A_773, %get3A_780 : vector<16xf32>
          %add3A_802 = arith.addf %get3A_787, %get3A_794 : vector<16xf32>
          %add3A_803 = arith.addf %add3A_795, %add3A_796 : vector<16xf32>
          %add3A_804 = arith.addf %add3A_797, %add3A_798 : vector<16xf32>
          %add3A_805 = arith.addf %add3A_799, %add3A_800 : vector<16xf32>
          %add3A_806 = arith.addf %add3A_801, %add3A_802 : vector<16xf32>
          %add3A_807 = arith.addf %add3A_803, %add3A_804 : vector<16xf32>
          %add3A_808 = arith.addf %add3A_805, %add3A_806 : vector<16xf32>
          %add3A_809 = arith.addf %add3A_807, %add3A_808 : vector<16xf32>
          %swap3A = arith.constant 0 : i32
          %swap3A_810 = arith.constant 0 : i32
          %swap3A_811 = arith.index_cast %swap3A : i32 to index
          %swap3A_812 = arith.index_cast %swap3A_810 : i32 to index
          %swap3A_813 = arith.index_cast %mul3A_682 : i32 to index
          %swap3A_814 = tpu.vector_load %arg7[%swap3A_811, %swap3A_812, %swap3A_813] {strides = array<i32>} : memref<2x8x512xf32, #tpu.memory_space<vmem>>, vector<1x1x16xf32>,
          %swap3A_815 = vector.shape_cast %swap3A_814 : vector<1x1x16xf32> to vector<16xf32>
          %swap3A_816 = vector.shape_cast %add3A_809 : vector<16xf32> to vector<1x1x16xf32>
          tpu.vector_store %arg7[%swap3A_811, %swap3A_812, %swap3A_813], %swap3A_816 {strides = array<i32>} : memref<2x8x512xf32, #tpu.memory_space<vmem>>, vector<1x1x16xf32>,
        }
        %scan3A_167 = arith.constant 32 : i32
        %add3A_168 = arith.constant 8 : i32
        %add3A_169 = arith.addi %add3A_146, %add3A_168 : i32
        %lt3A_170 = arith.cmpi slt, %add3A_169, %select_n3A_7 : i32
        %convert_element_type3A_171 = arith.extui %lt3A_170 : i1 to i32
        %cond3A_172 = arith.constant 0 : i32
        %cond3A_173 = arith.cmpi ne, %convert_element_type3A_171, %cond3A_172 : i32
        scf.if %cond3A_173 {
          %mul3A_680 = arith.constant 16 : i32
          %mul3A_681 = arith.muli %add3A_169, %mul3A_680 : i32
          %get3A_682 = arith.index_cast %mul3A_681 : i32 to index
          %get3A_683 = tpu.vector_load %arg5[%get3A_682] {strides = array<i32>} : memref<26624xi32, #tpu.memory_space<vmem>>, vector<16xi32>,
          %get3A_684 = vector.shape_cast %get3A_683 : vector<16xi32> to vector<16xi32>
          %dma_start3A_685 = arith.constant 0 : i32
          %dma_start3A_686 = arith.constant 0 : i32
          %dma_start3A_687 = arith.constant 0 : i32
          %dma_start3A_688 = tpu.memref_slice %arg6[%dma_start3A_685, %dma_start3A_686, %dma_start3A_687] : memref<8x16x512xf32, #tpu.memory_space<vmem>> -> memref<1x16x512xf32, #tpu.memory_space<vmem>>
          %dma_start3A_689 = tpu.memref_squeeze %dma_start3A_688 : memref<1x16x512xf32, #tpu.memory_space<vmem>> -> memref<16x512xf32, #tpu.memory_space<vmem>>
          %dma_start3A_690 = arith.constant 0 : i32
          %dma_start3A_691 = arith.constant 0 : i32
          %dma_start3A_692 = tpu.memref_slice %arg2[%dma_start3A_690, %dma_start3A_691] : memref<50000x512xf32, #tpu.memory_space<hbm>> -> memref<50000x512xf32, #tpu.memory_space<hbm>>
          tpu.enqueue_indirect_dma source(%dma_start3A_692 : memref<50000x512xf32, #tpu.memory_space<hbm>>) target(%dma_start3A_689 : memref<16x512xf32, #tpu.memory_space<vmem>>) offsets(%get3A_684 : vector<16xi32>) semaphore(%arg8 : memref<!tpu.dma_semaphore, #tpu.memory_space<semaphore_mem>>)
        } else {
        }
        %mul3A_174 = arith.constant 8 : i32
        %mul3A_175 = arith.muli %add3A_138, %mul3A_174 : i32
        %add3A_176 = arith.constant 1 : i32
        %add3A_177 = arith.addi %mul3A_175, %add3A_176 : i32
        %dma_wait3A_178 = arith.constant 1 : i32
        %dma_wait3A_179 = arith.constant 0 : i32
        %dma_wait3A_180 = arith.constant 0 : i32
        %dma_wait3A_181 = tpu.memref_slice %arg6[%dma_wait3A_178, %dma_wait3A_179, %dma_wait3A_180] : memref<8x16x512xf32, #tpu.memory_space<vmem>> -> memref<1x16x512xf32, #tpu.memory_space<vmem>>
        %dma_wait3A_182 = tpu.memref_squeeze %dma_wait3A_181 : memref<1x16x512xf32, #tpu.memory_space<vmem>> -> memref<16x512xf32, #tpu.memory_space<vmem>>
        %dma_wait3A_183 = arith.constant 0 : i32
        %dma_wait3A_184 = arith.constant 0 : i32
        %dma_wait3A_185 = tpu.memref_slice %arg2[%dma_wait3A_183, %dma_wait3A_184] : memref<50000x512xf32, #tpu.memory_space<hbm>> -> memref<16x512xf32, #tpu.memory_space<hbm>>
        %dma_wait3A_186 = arith.constant 0 : i32
        %dma_wait3A_187 = arith.constant 0 : i32
        %dma_wait3A_188 = tpu.memref_slice %arg6[%dma_wait3A_178, %dma_wait3A_186, %dma_wait3A_187] : memref<8x16x512xf32, #tpu.memory_space<vmem>> -> memref<1x16x512xf32, #tpu.memory_space<vmem>>
        %dma_wait3A_189 = tpu.memref_squeeze %dma_wait3A_188 : memref<1x16x512xf32, #tpu.memory_space<vmem>> -> memref<16x512xf32, #tpu.memory_space<vmem>>
        %dma_wait3A_190 = arith.constant 0 : i32
        %dma_wait3A_191 = arith.constant 0 : i32
        %dma_wait3A_192 = tpu.memref_slice %arg2[%dma_wait3A_190, %dma_wait3A_191] : memref<50000x512xf32, #tpu.memory_space<hbm>> -> memref<16x512xf32, #tpu.memory_space<hbm>>
        tpu.wait_dma2 semaphore(%arg8 : memref<!tpu.dma_semaphore, #tpu.memory_space<semaphore_mem>>) src(%dma_wait3A_192 : memref<16x512xf32, #tpu.memory_space<hbm>>) dst(%dma_wait3A_189 : memref<16x512xf32, #tpu.memory_space<vmem>>)
        %scan3A_193 = arith.constant 0 : i32
        %scan3A_194 = arith.constant 0 : i32
        %scan3A_195 = arith.constant 32 : i32
        %scan3A_196 = arith.addi %scan3A_194, %scan3A_195 : i32
        %scan3A_197 = arith.constant 1 : i32
        scf.for %scan3A_680 = %scan3A_194 to %scan3A_196 step %scan3A_197  : i32 {
          %mul3A_681 = arith.constant 16 : i32
          %mul3A_682 = arith.muli %scan3A_680, %mul3A_681 : i32
          %get3A_683 = arith.constant 1 : i32
          %get3A_684 = arith.constant 0 : i32
          %get3A_685 = arith.index_cast %get3A_683 : i32 to index
          %get3A_686 = arith.index_cast %get3A_684 : i32 to index
          %get3A_687 = arith.index_cast %mul3A_682 : i32 to index
          %get3A_688 = tpu.vector_load %arg6[%get3A_685, %get3A_686, %get3A_687] {strides = array<i32>} : memref<8x16x512xf32, #tpu.memory_space<vmem>>, vector<1x1x16xf32>,
          %get3A_689 = vector.shape_cast %get3A_688 : vector<1x1x16xf32> to vector<16xf32>
          %get3A_690 = arith.constant 1 : i32
          %get3A_691 = arith.constant 1 : i32
          %get3A_692 = arith.index_cast %get3A_690 : i32 to index
          %get3A_693 = arith.index_cast %get3A_691 : i32 to index
          %get3A_694 = arith.index_cast %mul3A_682 : i32 to index
          %get3A_695 = tpu.vector_load %arg6[%get3A_692, %get3A_693, %get3A_694] {strides = array<i32>} : memref<8x16x512xf32, #tpu.memory_space<vmem>>, vector<1x1x16xf32>,
          %get3A_696 = vector.shape_cast %get3A_695 : vector<1x1x16xf32> to vector<16xf32>
          %get3A_697 = arith.constant 1 : i32
          %get3A_698 = arith.constant 2 : i32
          %get3A_699 = arith.index_cast %get3A_697 : i32 to index
          %get3A_700 = arith.index_cast %get3A_698 : i32 to index
          %get3A_701 = arith.index_cast %mul3A_682 : i32 to index
          %get3A_702 = tpu.vector_load %arg6[%get3A_699, %get3A_700, %get3A_701] {strides = array<i32>} : memref<8x16x512xf32, #tpu.memory_space<vmem>>, vector<1x1x16xf32>,
          %get3A_703 = vector.shape_cast %get3A_702 : vector<1x1x16xf32> to vector<16xf32>
          %get3A_704 = arith.constant 1 : i32
          %get3A_705 = arith.constant 3 : i32
          %get3A_706 = arith.index_cast %get3A_704 : i32 to index
          %get3A_707 = arith.index_cast %get3A_705 : i32 to index
          %get3A_708 = arith.index_cast %mul3A_682 : i32 to index
          %get3A_709 = tpu.vector_load %arg6[%get3A_706, %get3A_707, %get3A_708] {strides = array<i32>} : memref<8x16x512xf32, #tpu.memory_space<vmem>>, vector<1x1x16xf32>,
          %get3A_710 = vector.shape_cast %get3A_709 : vector<1x1x16xf32> to vector<16xf32>
          %get3A_711 = arith.constant 1 : i32
          %get3A_712 = arith.constant 4 : i32
          %get3A_713 = arith.index_cast %get3A_711 : i32 to index
          %get3A_714 = arith.index_cast %get3A_712 : i32 to index
          %get3A_715 = arith.index_cast %mul3A_682 : i32 to index
          %get3A_716 = tpu.vector_load %arg6[%get3A_713, %get3A_714, %get3A_715] {strides = array<i32>} : memref<8x16x512xf32, #tpu.memory_space<vmem>>, vector<1x1x16xf32>,
          %get3A_717 = vector.shape_cast %get3A_716 : vector<1x1x16xf32> to vector<16xf32>
          %get3A_718 = arith.constant 1 : i32
          %get3A_719 = arith.constant 5 : i32
          %get3A_720 = arith.index_cast %get3A_718 : i32 to index
          %get3A_721 = arith.index_cast %get3A_719 : i32 to index
          %get3A_722 = arith.index_cast %mul3A_682 : i32 to index
          %get3A_723 = tpu.vector_load %arg6[%get3A_720, %get3A_721, %get3A_722] {strides = array<i32>} : memref<8x16x512xf32, #tpu.memory_space<vmem>>, vector<1x1x16xf32>,
          %get3A_724 = vector.shape_cast %get3A_723 : vector<1x1x16xf32> to vector<16xf32>
          %get3A_725 = arith.constant 1 : i32
          %get3A_726 = arith.constant 6 : i32
          %get3A_727 = arith.index_cast %get3A_725 : i32 to index
          %get3A_728 = arith.index_cast %get3A_726 : i32 to index
          %get3A_729 = arith.index_cast %mul3A_682 : i32 to index
          %get3A_730 = tpu.vector_load %arg6[%get3A_727, %get3A_728, %get3A_729] {strides = array<i32>} : memref<8x16x512xf32, #tpu.memory_space<vmem>>, vector<1x1x16xf32>,
          %get3A_731 = vector.shape_cast %get3A_730 : vector<1x1x16xf32> to vector<16xf32>
          %get3A_732 = arith.constant 1 : i32
          %get3A_733 = arith.constant 7 : i32
          %get3A_734 = arith.index_cast %get3A_732 : i32 to index
          %get3A_735 = arith.index_cast %get3A_733 : i32 to index
          %get3A_736 = arith.index_cast %mul3A_682 : i32 to index
          %get3A_737 = tpu.vector_load %arg6[%get3A_734, %get3A_735, %get3A_736] {strides = array<i32>} : memref<8x16x512xf32, #tpu.memory_space<vmem>>, vector<1x1x16xf32>,
          %get3A_738 = vector.shape_cast %get3A_737 : vector<1x1x16xf32> to vector<16xf32>
          %get3A_739 = arith.constant 1 : i32
          %get3A_740 = arith.constant 8 : i32
          %get3A_741 = arith.index_cast %get3A_739 : i32 to index
          %get3A_742 = arith.index_cast %get3A_740 : i32 to index
          %get3A_743 = arith.index_cast %mul3A_682 : i32 to index
          %get3A_744 = tpu.vector_load %arg6[%get3A_741, %get3A_742, %get3A_743] {strides = array<i32>} : memref<8x16x512xf32, #tpu.memory_space<vmem>>, vector<1x1x16xf32>,
          %get3A_745 = vector.shape_cast %get3A_744 : vector<1x1x16xf32> to vector<16xf32>
          %get3A_746 = arith.constant 1 : i32
          %get3A_747 = arith.constant 9 : i32
          %get3A_748 = arith.index_cast %get3A_746 : i32 to index
          %get3A_749 = arith.index_cast %get3A_747 : i32 to index
          %get3A_750 = arith.index_cast %mul3A_682 : i32 to index
          %get3A_751 = tpu.vector_load %arg6[%get3A_748, %get3A_749, %get3A_750] {strides = array<i32>} : memref<8x16x512xf32, #tpu.memory_space<vmem>>, vector<1x1x16xf32>,
          %get3A_752 = vector.shape_cast %get3A_751 : vector<1x1x16xf32> to vector<16xf32>
          %get3A_753 = arith.constant 1 : i32
          %get3A_754 = arith.constant 10 : i32
          %get3A_755 = arith.index_cast %get3A_753 : i32 to index
          %get3A_756 = arith.index_cast %get3A_754 : i32 to index
          %get3A_757 = arith.index_cast %mul3A_682 : i32 to index
          %get3A_758 = tpu.vector_load %arg6[%get3A_755, %get3A_756, %get3A_757] {strides = array<i32>} : memref<8x16x512xf32, #tpu.memory_space<vmem>>, vector<1x1x16xf32>,
          %get3A_759 = vector.shape_cast %get3A_758 : vector<1x1x16xf32> to vector<16xf32>
          %get3A_760 = arith.constant 1 : i32
          %get3A_761 = arith.constant 11 : i32
          %get3A_762 = arith.index_cast %get3A_760 : i32 to index
          %get3A_763 = arith.index_cast %get3A_761 : i32 to index
          %get3A_764 = arith.index_cast %mul3A_682 : i32 to index
          %get3A_765 = tpu.vector_load %arg6[%get3A_762, %get3A_763, %get3A_764] {strides = array<i32>} : memref<8x16x512xf32, #tpu.memory_space<vmem>>, vector<1x1x16xf32>,
          %get3A_766 = vector.shape_cast %get3A_765 : vector<1x1x16xf32> to vector<16xf32>
          %get3A_767 = arith.constant 1 : i32
          %get3A_768 = arith.constant 12 : i32
          %get3A_769 = arith.index_cast %get3A_767 : i32 to index
          %get3A_770 = arith.index_cast %get3A_768 : i32 to index
          %get3A_771 = arith.index_cast %mul3A_682 : i32 to index
          %get3A_772 = tpu.vector_load %arg6[%get3A_769, %get3A_770, %get3A_771] {strides = array<i32>} : memref<8x16x512xf32, #tpu.memory_space<vmem>>, vector<1x1x16xf32>,
          %get3A_773 = vector.shape_cast %get3A_772 : vector<1x1x16xf32> to vector<16xf32>
          %get3A_774 = arith.constant 1 : i32
          %get3A_775 = arith.constant 13 : i32
          %get3A_776 = arith.index_cast %get3A_774 : i32 to index
          %get3A_777 = arith.index_cast %get3A_775 : i32 to index
          %get3A_778 = arith.index_cast %mul3A_682 : i32 to index
          %get3A_779 = tpu.vector_load %arg6[%get3A_776, %get3A_777, %get3A_778] {strides = array<i32>} : memref<8x16x512xf32, #tpu.memory_space<vmem>>, vector<1x1x16xf32>,
          %get3A_780 = vector.shape_cast %get3A_779 : vector<1x1x16xf32> to vector<16xf32>
          %get3A_781 = arith.constant 1 : i32
          %get3A_782 = arith.constant 14 : i32
          %get3A_783 = arith.index_cast %get3A_781 : i32 to index
          %get3A_784 = arith.index_cast %get3A_782 : i32 to index
          %get3A_785 = arith.index_cast %mul3A_682 : i32 to index
          %get3A_786 = tpu.vector_load %arg6[%get3A_783, %get3A_784, %get3A_785] {strides = array<i32>} : memref<8x16x512xf32, #tpu.memory_space<vmem>>, vector<1x1x16xf32>,
          %get3A_787 = vector.shape_cast %get3A_786 : vector<1x1x16xf32> to vector<16xf32>
          %get3A_788 = arith.constant 1 : i32
          %get3A_789 = arith.constant 15 : i32
          %get3A_790 = arith.index_cast %get3A_788 : i32 to index
          %get3A_791 = arith.index_cast %get3A_789 : i32 to index
          %get3A_792 = arith.index_cast %mul3A_682 : i32 to index
          %get3A_793 = tpu.vector_load %arg6[%get3A_790, %get3A_791, %get3A_792] {strides = array<i32>} : memref<8x16x512xf32, #tpu.memory_space<vmem>>, vector<1x1x16xf32>,
          %get3A_794 = vector.shape_cast %get3A_793 : vector<1x1x16xf32> to vector<16xf32>
          %add3A_795 = arith.addf %get3A_689, %get3A_696 : vector<16xf32>
          %add3A_796 = arith.addf %get3A_703, %get3A_710 : vector<16xf32>
          %add3A_797 = arith.addf %get3A_717, %get3A_724 : vector<16xf32>
          %add3A_798 = arith.addf %get3A_731, %get3A_738 : vector<16xf32>
          %add3A_799 = arith.addf %get3A_745, %get3A_752 : vector<16xf32>
          %add3A_800 = arith.addf %get3A_759, %get3A_766 : vector<16xf32>
          %add3A_801 = arith.addf %get3A_773, %get3A_780 : vector<16xf32>
          %add3A_802 = arith.addf %get3A_787, %get3A_794 : vector<16xf32>
          %add3A_803 = arith.addf %add3A_795, %add3A_796 : vector<16xf32>
          %add3A_804 = arith.addf %add3A_797, %add3A_798 : vector<16xf32>
          %add3A_805 = arith.addf %add3A_799, %add3A_800 : vector<16xf32>
          %add3A_806 = arith.addf %add3A_801, %add3A_802 : vector<16xf32>
          %add3A_807 = arith.addf %add3A_803, %add3A_804 : vector<16xf32>
          %add3A_808 = arith.addf %add3A_805, %add3A_806 : vector<16xf32>
          %add3A_809 = arith.addf %add3A_807, %add3A_808 : vector<16xf32>
          %swap3A = arith.constant 0 : i32
          %swap3A_810 = arith.constant 1 : i32
          %swap3A_811 = arith.index_cast %swap3A : i32 to index
          %swap3A_812 = arith.index_cast %swap3A_810 : i32 to index
          %swap3A_813 = arith.index_cast %mul3A_682 : i32 to index
          %swap3A_814 = tpu.vector_load %arg7[%swap3A_811, %swap3A_812, %swap3A_813] {strides = array<i32>} : memref<2x8x512xf32, #tpu.memory_space<vmem>>, vector<1x1x16xf32>,
          %swap3A_815 = vector.shape_cast %swap3A_814 : vector<1x1x16xf32> to vector<16xf32>
          %swap3A_816 = vector.shape_cast %add3A_809 : vector<16xf32> to vector<1x1x16xf32>
          tpu.vector_store %arg7[%swap3A_811, %swap3A_812, %swap3A_813], %swap3A_816 {strides = array<i32>} : memref<2x8x512xf32, #tpu.memory_space<vmem>>, vector<1x1x16xf32>,
        }
        %scan3A_198 = arith.constant 32 : i32
        %add3A_199 = arith.constant 8 : i32
        %add3A_200 = arith.addi %add3A_177, %add3A_199 : i32
        %lt3A_201 = arith.cmpi slt, %add3A_200, %select_n3A_7 : i32
        %convert_element_type3A_202 = arith.extui %lt3A_201 : i1 to i32
        %cond3A_203 = arith.constant 0 : i32
        %cond3A_204 = arith.cmpi ne, %convert_element_type3A_202, %cond3A_203 : i32
        scf.if %cond3A_204 {
          %mul3A_680 = arith.constant 16 : i32
          %mul3A_681 = arith.muli %add3A_200, %mul3A_680 : i32
          %get3A_682 = arith.index_cast %mul3A_681 : i32 to index
          %get3A_683 = tpu.vector_load %arg5[%get3A_682] {strides = array<i32>} : memref<26624xi32, #tpu.memory_space<vmem>>, vector<16xi32>,
          %get3A_684 = vector.shape_cast %get3A_683 : vector<16xi32> to vector<16xi32>
          %dma_start3A_685 = arith.constant 1 : i32
          %dma_start3A_686 = arith.constant 0 : i32
          %dma_start3A_687 = arith.constant 0 : i32
          %dma_start3A_688 = tpu.memref_slice %arg6[%dma_start3A_685, %dma_start3A_686, %dma_start3A_687] : memref<8x16x512xf32, #tpu.memory_space<vmem>> -> memref<1x16x512xf32, #tpu.memory_space<vmem>>
          %dma_start3A_689 = tpu.memref_squeeze %dma_start3A_688 : memref<1x16x512xf32, #tpu.memory_space<vmem>> -> memref<16x512xf32, #tpu.memory_space<vmem>>
          %dma_start3A_690 = arith.constant 0 : i32
          %dma_start3A_691 = arith.constant 0 : i32
          %dma_start3A_692 = tpu.memref_slice %arg2[%dma_start3A_690, %dma_start3A_691] : memref<50000x512xf32, #tpu.memory_space<hbm>> -> memref<50000x512xf32, #tpu.memory_space<hbm>>
          tpu.enqueue_indirect_dma source(%dma_start3A_692 : memref<50000x512xf32, #tpu.memory_space<hbm>>) target(%dma_start3A_689 : memref<16x512xf32, #tpu.memory_space<vmem>>) offsets(%get3A_684 : vector<16xi32>) semaphore(%arg8 : memref<!tpu.dma_semaphore, #tpu.memory_space<semaphore_mem>>)
        } else {
        }
        %mul3A_205 = arith.constant 8 : i32
        %mul3A_206 = arith.muli %add3A_138, %mul3A_205 : i32
        %add3A_207 = arith.constant 2 : i32
        %add3A_208 = arith.addi %mul3A_206, %add3A_207 : i32
        %dma_wait3A_209 = arith.constant 2 : i32
        %dma_wait3A_210 = arith.constant 0 : i32
        %dma_wait3A_211 = arith.constant 0 : i32
        %dma_wait3A_212 = tpu.memref_slice %arg6[%dma_wait3A_209, %dma_wait3A_210, %dma_wait3A_211] : memref<8x16x512xf32, #tpu.memory_space<vmem>> -> memref<1x16x512xf32, #tpu.memory_space<vmem>>
        %dma_wait3A_213 = tpu.memref_squeeze %dma_wait3A_212 : memref<1x16x512xf32, #tpu.memory_space<vmem>> -> memref<16x512xf32, #tpu.memory_space<vmem>>
        %dma_wait3A_214 = arith.constant 0 : i32
        %dma_wait3A_215 = arith.constant 0 : i32
        %dma_wait3A_216 = tpu.memref_slice %arg2[%dma_wait3A_214, %dma_wait3A_215] : memref<50000x512xf32, #tpu.memory_space<hbm>> -> memref<16x512xf32, #tpu.memory_space<hbm>>
        %dma_wait3A_217 = arith.constant 0 : i32
        %dma_wait3A_218 = arith.constant 0 : i32
        %dma_wait3A_219 = tpu.memref_slice %arg6[%dma_wait3A_209, %dma_wait3A_217, %dma_wait3A_218] : memref<8x16x512xf32, #tpu.memory_space<vmem>> -> memref<1x16x512xf32, #tpu.memory_space<vmem>>
        %dma_wait3A_220 = tpu.memref_squeeze %dma_wait3A_219 : memref<1x16x512xf32, #tpu.memory_space<vmem>> -> memref<16x512xf32, #tpu.memory_space<vmem>>
        %dma_wait3A_221 = arith.constant 0 : i32
        %dma_wait3A_222 = arith.constant 0 : i32
        %dma_wait3A_223 = tpu.memref_slice %arg2[%dma_wait3A_221, %dma_wait3A_222] : memref<50000x512xf32, #tpu.memory_space<hbm>> -> memref<16x512xf32, #tpu.memory_space<hbm>>
        tpu.wait_dma2 semaphore(%arg8 : memref<!tpu.dma_semaphore, #tpu.memory_space<semaphore_mem>>) src(%dma_wait3A_223 : memref<16x512xf32, #tpu.memory_space<hbm>>) dst(%dma_wait3A_220 : memref<16x512xf32, #tpu.memory_space<vmem>>)
        %scan3A_224 = arith.constant 0 : i32
        %scan3A_225 = arith.constant 0 : i32
        %scan3A_226 = arith.constant 32 : i32
        %scan3A_227 = arith.addi %scan3A_225, %scan3A_226 : i32
        %scan3A_228 = arith.constant 1 : i32
        scf.for %scan3A_680 = %scan3A_225 to %scan3A_227 step %scan3A_228  : i32 {
          %mul3A_681 = arith.constant 16 : i32
          %mul3A_682 = arith.muli %scan3A_680, %mul3A_681 : i32
          %get3A_683 = arith.constant 2 : i32
          %get3A_684 = arith.constant 0 : i32
          %get3A_685 = arith.index_cast %get3A_683 : i32 to index
          %get3A_686 = arith.index_cast %get3A_684 : i32 to index
          %get3A_687 = arith.index_cast %mul3A_682 : i32 to index
          %get3A_688 = tpu.vector_load %arg6[%get3A_685, %get3A_686, %get3A_687] {strides = array<i32>} : memref<8x16x512xf32, #tpu.memory_space<vmem>>, vector<1x1x16xf32>,
          %get3A_689 = vector.shape_cast %get3A_688 : vector<1x1x16xf32> to vector<16xf32>
          %get3A_690 = arith.constant 2 : i32
          %get3A_691 = arith.constant 1 : i32
          %get3A_692 = arith.index_cast %get3A_690 : i32 to index
          %get3A_693 = arith.index_cast %get3A_691 : i32 to index
          %get3A_694 = arith.index_cast %mul3A_682 : i32 to index
          %get3A_695 = tpu.vector_load %arg6[%get3A_692, %get3A_693, %get3A_694] {strides = array<i32>} : memref<8x16x512xf32, #tpu.memory_space<vmem>>, vector<1x1x16xf32>,
          %get3A_696 = vector.shape_cast %get3A_695 : vector<1x1x16xf32> to vector<16xf32>
          %get3A_697 = arith.constant 2 : i32
          %get3A_698 = arith.constant 2 : i32
          %get3A_699 = arith.index_cast %get3A_697 : i32 to index
          %get3A_700 = arith.index_cast %get3A_698 : i32 to index
          %get3A_701 = arith.index_cast %mul3A_682 : i32 to index
          %get3A_702 = tpu.vector_load %arg6[%get3A_699, %get3A_700, %get3A_701] {strides = array<i32>} : memref<8x16x512xf32, #tpu.memory_space<vmem>>, vector<1x1x16xf32>,
          %get3A_703 = vector.shape_cast %get3A_702 : vector<1x1x16xf32> to vector<16xf32>
          %get3A_704 = arith.constant 2 : i32
          %get3A_705 = arith.constant 3 : i32
          %get3A_706 = arith.index_cast %get3A_704 : i32 to index
          %get3A_707 = arith.index_cast %get3A_705 : i32 to index
          %get3A_708 = arith.index_cast %mul3A_682 : i32 to index
          %get3A_709 = tpu.vector_load %arg6[%get3A_706, %get3A_707, %get3A_708] {strides = array<i32>} : memref<8x16x512xf32, #tpu.memory_space<vmem>>, vector<1x1x16xf32>,
          %get3A_710 = vector.shape_cast %get3A_709 : vector<1x1x16xf32> to vector<16xf32>
          %get3A_711 = arith.constant 2 : i32
          %get3A_712 = arith.constant 4 : i32
          %get3A_713 = arith.index_cast %get3A_711 : i32 to index
          %get3A_714 = arith.index_cast %get3A_712 : i32 to index
          %get3A_715 = arith.index_cast %mul3A_682 : i32 to index
          %get3A_716 = tpu.vector_load %arg6[%get3A_713, %get3A_714, %get3A_715] {strides = array<i32>} : memref<8x16x512xf32, #tpu.memory_space<vmem>>, vector<1x1x16xf32>,
          %get3A_717 = vector.shape_cast %get3A_716 : vector<1x1x16xf32> to vector<16xf32>
          %get3A_718 = arith.constant 2 : i32
          %get3A_719 = arith.constant 5 : i32
          %get3A_720 = arith.index_cast %get3A_718 : i32 to index
          %get3A_721 = arith.index_cast %get3A_719 : i32 to index
          %get3A_722 = arith.index_cast %mul3A_682 : i32 to index
          %get3A_723 = tpu.vector_load %arg6[%get3A_720, %get3A_721, %get3A_722] {strides = array<i32>} : memref<8x16x512xf32, #tpu.memory_space<vmem>>, vector<1x1x16xf32>,
          %get3A_724 = vector.shape_cast %get3A_723 : vector<1x1x16xf32> to vector<16xf32>
          %get3A_725 = arith.constant 2 : i32
          %get3A_726 = arith.constant 6 : i32
          %get3A_727 = arith.index_cast %get3A_725 : i32 to index
          %get3A_728 = arith.index_cast %get3A_726 : i32 to index
          %get3A_729 = arith.index_cast %mul3A_682 : i32 to index
          %get3A_730 = tpu.vector_load %arg6[%get3A_727, %get3A_728, %get3A_729] {strides = array<i32>} : memref<8x16x512xf32, #tpu.memory_space<vmem>>, vector<1x1x16xf32>,
          %get3A_731 = vector.shape_cast %get3A_730 : vector<1x1x16xf32> to vector<16xf32>
          %get3A_732 = arith.constant 2 : i32
          %get3A_733 = arith.constant 7 : i32
          %get3A_734 = arith.index_cast %get3A_732 : i32 to index
          %get3A_735 = arith.index_cast %get3A_733 : i32 to index
          %get3A_736 = arith.index_cast %mul3A_682 : i32 to index
          %get3A_737 = tpu.vector_load %arg6[%get3A_734, %get3A_735, %get3A_736] {strides = array<i32>} : memref<8x16x512xf32, #tpu.memory_space<vmem>>, vector<1x1x16xf32>,
          %get3A_738 = vector.shape_cast %get3A_737 : vector<1x1x16xf32> to vector<16xf32>
          %get3A_739 = arith.constant 2 : i32
          %get3A_740 = arith.constant 8 : i32
          %get3A_741 = arith.index_cast %get3A_739 : i32 to index
          %get3A_742 = arith.index_cast %get3A_740 : i32 to index
          %get3A_743 = arith.index_cast %mul3A_682 : i32 to index
          %get3A_744 = tpu.vector_load %arg6[%get3A_741, %get3A_742, %get3A_743] {strides = array<i32>} : memref<8x16x512xf32, #tpu.memory_space<vmem>>, vector<1x1x16xf32>,
          %get3A_745 = vector.shape_cast %get3A_744 : vector<1x1x16xf32> to vector<16xf32>
          %get3A_746 = arith.constant 2 : i32
          %get3A_747 = arith.constant 9 : i32
          %get3A_748 = arith.index_cast %get3A_746 : i32 to index
          %get3A_749 = arith.index_cast %get3A_747 : i32 to index
          %get3A_750 = arith.index_cast %mul3A_682 : i32 to index
          %get3A_751 = tpu.vector_load %arg6[%get3A_748, %get3A_749, %get3A_750] {strides = array<i32>} : memref<8x16x512xf32, #tpu.memory_space<vmem>>, vector<1x1x16xf32>,
          %get3A_752 = vector.shape_cast %get3A_751 : vector<1x1x16xf32> to vector<16xf32>
          %get3A_753 = arith.constant 2 : i32
          %get3A_754 = arith.constant 10 : i32
          %get3A_755 = arith.index_cast %get3A_753 : i32 to index
          %get3A_756 = arith.index_cast %get3A_754 : i32 to index
          %get3A_757 = arith.index_cast %mul3A_682 : i32 to index
          %get3A_758 = tpu.vector_load %arg6[%get3A_755, %get3A_756, %get3A_757] {strides = array<i32>} : memref<8x16x512xf32, #tpu.memory_space<vmem>>, vector<1x1x16xf32>,
          %get3A_759 = vector.shape_cast %get3A_758 : vector<1x1x16xf32> to vector<16xf32>
          %get3A_760 = arith.constant 2 : i32
          %get3A_761 = arith.constant 11 : i32
          %get3A_762 = arith.index_cast %get3A_760 : i32 to index
          %get3A_763 = arith.index_cast %get3A_761 : i32 to index
          %get3A_764 = arith.index_cast %mul3A_682 : i32 to index
          %get3A_765 = tpu.vector_load %arg6[%get3A_762, %get3A_763, %get3A_764] {strides = array<i32>} : memref<8x16x512xf32, #tpu.memory_space<vmem>>, vector<1x1x16xf32>,
          %get3A_766 = vector.shape_cast %get3A_765 : vector<1x1x16xf32> to vector<16xf32>
          %get3A_767 = arith.constant 2 : i32
          %get3A_768 = arith.constant 12 : i32
          %get3A_769 = arith.index_cast %get3A_767 : i32 to index
          %get3A_770 = arith.index_cast %get3A_768 : i32 to index
          %get3A_771 = arith.index_cast %mul3A_682 : i32 to index
          %get3A_772 = tpu.vector_load %arg6[%get3A_769, %get3A_770, %get3A_771] {strides = array<i32>} : memref<8x16x512xf32, #tpu.memory_space<vmem>>, vector<1x1x16xf32>,
          %get3A_773 = vector.shape_cast %get3A_772 : vector<1x1x16xf32> to vector<16xf32>
          %get3A_774 = arith.constant 2 : i32
          %get3A_775 = arith.constant 13 : i32
          %get3A_776 = arith.index_cast %get3A_774 : i32 to index
          %get3A_777 = arith.index_cast %get3A_775 : i32 to index
          %get3A_778 = arith.index_cast %mul3A_682 : i32 to index
          %get3A_779 = tpu.vector_load %arg6[%get3A_776, %get3A_777, %get3A_778] {strides = array<i32>} : memref<8x16x512xf32, #tpu.memory_space<vmem>>, vector<1x1x16xf32>,
          %get3A_780 = vector.shape_cast %get3A_779 : vector<1x1x16xf32> to vector<16xf32>
          %get3A_781 = arith.constant 2 : i32
          %get3A_782 = arith.constant 14 : i32
          %get3A_783 = arith.index_cast %get3A_781 : i32 to index
          %get3A_784 = arith.index_cast %get3A_782 : i32 to index
          %get3A_785 = arith.index_cast %mul3A_682 : i32 to index
          %get3A_786 = tpu.vector_load %arg6[%get3A_783, %get3A_784, %get3A_785] {strides = array<i32>} : memref<8x16x512xf32, #tpu.memory_space<vmem>>, vector<1x1x16xf32>,
          %get3A_787 = vector.shape_cast %get3A_786 : vector<1x1x16xf32> to vector<16xf32>
          %get3A_788 = arith.constant 2 : i32
          %get3A_789 = arith.constant 15 : i32
          %get3A_790 = arith.index_cast %get3A_788 : i32 to index
          %get3A_791 = arith.index_cast %get3A_789 : i32 to index
          %get3A_792 = arith.index_cast %mul3A_682 : i32 to index
          %get3A_793 = tpu.vector_load %arg6[%get3A_790, %get3A_791, %get3A_792] {strides = array<i32>} : memref<8x16x512xf32, #tpu.memory_space<vmem>>, vector<1x1x16xf32>,
          %get3A_794 = vector.shape_cast %get3A_793 : vector<1x1x16xf32> to vector<16xf32>
          %add3A_795 = arith.addf %get3A_689, %get3A_696 : vector<16xf32>
          %add3A_796 = arith.addf %get3A_703, %get3A_710 : vector<16xf32>
          %add3A_797 = arith.addf %get3A_717, %get3A_724 : vector<16xf32>
          %add3A_798 = arith.addf %get3A_731, %get3A_738 : vector<16xf32>
          %add3A_799 = arith.addf %get3A_745, %get3A_752 : vector<16xf32>
          %add3A_800 = arith.addf %get3A_759, %get3A_766 : vector<16xf32>
          %add3A_801 = arith.addf %get3A_773, %get3A_780 : vector<16xf32>
          %add3A_802 = arith.addf %get3A_787, %get3A_794 : vector<16xf32>
          %add3A_803 = arith.addf %add3A_795, %add3A_796 : vector<16xf32>
          %add3A_804 = arith.addf %add3A_797, %add3A_798 : vector<16xf32>
          %add3A_805 = arith.addf %add3A_799, %add3A_800 : vector<16xf32>
          %add3A_806 = arith.addf %add3A_801, %add3A_802 : vector<16xf32>
          %add3A_807 = arith.addf %add3A_803, %add3A_804 : vector<16xf32>
          %add3A_808 = arith.addf %add3A_805, %add3A_806 : vector<16xf32>
          %add3A_809 = arith.addf %add3A_807, %add3A_808 : vector<16xf32>
          %swap3A = arith.constant 0 : i32
          %swap3A_810 = arith.constant 2 : i32
          %swap3A_811 = arith.index_cast %swap3A : i32 to index
          %swap3A_812 = arith.index_cast %swap3A_810 : i32 to index
          %swap3A_813 = arith.index_cast %mul3A_682 : i32 to index
          %swap3A_814 = tpu.vector_load %arg7[%swap3A_811, %swap3A_812, %swap3A_813] {strides = array<i32>} : memref<2x8x512xf32, #tpu.memory_space<vmem>>, vector<1x1x16xf32>,
          %swap3A_815 = vector.shape_cast %swap3A_814 : vector<1x1x16xf32> to vector<16xf32>
          %swap3A_816 = vector.shape_cast %add3A_809 : vector<16xf32> to vector<1x1x16xf32>
          tpu.vector_store %arg7[%swap3A_811, %swap3A_812, %swap3A_813], %swap3A_816 {strides = array<i32>} : memref<2x8x512xf32, #tpu.memory_space<vmem>>, vector<1x1x16xf32>,
        }
        %scan3A_229 = arith.constant 32 : i32
        %add3A_230 = arith.constant 8 : i32
        %add3A_231 = arith.addi %add3A_208, %add3A_230 : i32
        %lt3A_232 = arith.cmpi slt, %add3A_231, %select_n3A_7 : i32
        %convert_element_type3A_233 = arith.extui %lt3A_232 : i1 to i32
        %cond3A_234 = arith.constant 0 : i32
        %cond3A_235 = arith.cmpi ne, %convert_element_type3A_233, %cond3A_234 : i32
        scf.if %cond3A_235 {
          %mul3A_680 = arith.constant 16 : i32
          %mul3A_681 = arith.muli %add3A_231, %mul3A_680 : i32
          %get3A_682 = arith.index_cast %mul3A_681 : i32 to index
          %get3A_683 = tpu.vector_load %arg5[%get3A_682] {strides = array<i32>} : memref<26624xi32, #tpu.memory_space<vmem>>, vector<16xi32>,
          %get3A_684 = vector.shape_cast %get3A_683 : vector<16xi32> to vector<16xi32>
          %dma_start3A_685 = arith.constant 2 : i32
          %dma_start3A_686 = arith.constant 0 : i32
          %dma_start3A_687 = arith.constant 0 : i32
          %dma_start3A_688 = tpu.memref_slice %arg6[%dma_start3A_685, %dma_start3A_686, %dma_start3A_687] : memref<8x16x512xf32, #tpu.memory_space<vmem>> -> memref<1x16x512xf32, #tpu.memory_space<vmem>>
          %dma_start3A_689 = tpu.memref_squeeze %dma_start3A_688 : memref<1x16x512xf32, #tpu.memory_space<vmem>> -> memref<16x512xf32, #tpu.memory_space<vmem>>
          %dma_start3A_690 = arith.constant 0 : i32
          %dma_start3A_691 = arith.constant 0 : i32
          %dma_start3A_692 = tpu.memref_slice %arg2[%dma_start3A_690, %dma_start3A_691] : memref<50000x512xf32, #tpu.memory_space<hbm>> -> memref<50000x512xf32, #tpu.memory_space<hbm>>
          tpu.enqueue_indirect_dma source(%dma_start3A_692 : memref<50000x512xf32, #tpu.memory_space<hbm>>) target(%dma_start3A_689 : memref<16x512xf32, #tpu.memory_space<vmem>>) offsets(%get3A_684 : vector<16xi32>) semaphore(%arg8 : memref<!tpu.dma_semaphore, #tpu.memory_space<semaphore_mem>>)
        } else {
        }
        %mul3A_236 = arith.constant 8 : i32
        %mul3A_237 = arith.muli %add3A_138, %mul3A_236 : i32
        %add3A_238 = arith.constant 3 : i32
        %add3A_239 = arith.addi %mul3A_237, %add3A_238 : i32
        %dma_wait3A_240 = arith.constant 3 : i32
        %dma_wait3A_241 = arith.constant 0 : i32
        %dma_wait3A_242 = arith.constant 0 : i32
        %dma_wait3A_243 = tpu.memref_slice %arg6[%dma_wait3A_240, %dma_wait3A_241, %dma_wait3A_242] : memref<8x16x512xf32, #tpu.memory_space<vmem>> -> memref<1x16x512xf32, #tpu.memory_space<vmem>>
        %dma_wait3A_244 = tpu.memref_squeeze %dma_wait3A_243 : memref<1x16x512xf32, #tpu.memory_space<vmem>> -> memref<16x512xf32, #tpu.memory_space<vmem>>
        %dma_wait3A_245 = arith.constant 0 : i32
        %dma_wait3A_246 = arith.constant 0 : i32
        %dma_wait3A_247 = tpu.memref_slice %arg2[%dma_wait3A_245, %dma_wait3A_246] : memref<50000x512xf32, #tpu.memory_space<hbm>> -> memref<16x512xf32, #tpu.memory_space<hbm>>
        %dma_wait3A_248 = arith.constant 0 : i32
        %dma_wait3A_249 = arith.constant 0 : i32
        %dma_wait3A_250 = tpu.memref_slice %arg6[%dma_wait3A_240, %dma_wait3A_248, %dma_wait3A_249] : memref<8x16x512xf32, #tpu.memory_space<vmem>> -> memref<1x16x512xf32, #tpu.memory_space<vmem>>
        %dma_wait3A_251 = tpu.memref_squeeze %dma_wait3A_250 : memref<1x16x512xf32, #tpu.memory_space<vmem>> -> memref<16x512xf32, #tpu.memory_space<vmem>>
        %dma_wait3A_252 = arith.constant 0 : i32
        %dma_wait3A_253 = arith.constant 0 : i32
        %dma_wait3A_254 = tpu.memref_slice %arg2[%dma_wait3A_252, %dma_wait3A_253] : memref<50000x512xf32, #tpu.memory_space<hbm>> -> memref<16x512xf32, #tpu.memory_space<hbm>>
        tpu.wait_dma2 semaphore(%arg8 : memref<!tpu.dma_semaphore, #tpu.memory_space<semaphore_mem>>) src(%dma_wait3A_254 : memref<16x512xf32, #tpu.memory_space<hbm>>) dst(%dma_wait3A_251 : memref<16x512xf32, #tpu.memory_space<vmem>>)
        %scan3A_255 = arith.constant 0 : i32
        %scan3A_256 = arith.constant 0 : i32
        %scan3A_257 = arith.constant 32 : i32
        %scan3A_258 = arith.addi %scan3A_256, %scan3A_257 : i32
        %scan3A_259 = arith.constant 1 : i32
        scf.for %scan3A_680 = %scan3A_256 to %scan3A_258 step %scan3A_259  : i32 {
          %mul3A_681 = arith.constant 16 : i32
          %mul3A_682 = arith.muli %scan3A_680, %mul3A_681 : i32
          %get3A_683 = arith.constant 3 : i32
          %get3A_684 = arith.constant 0 : i32
          %get3A_685 = arith.index_cast %get3A_683 : i32 to index
          %get3A_686 = arith.index_cast %get3A_684 : i32 to index
          %get3A_687 = arith.index_cast %mul3A_682 : i32 to index
          %get3A_688 = tpu.vector_load %arg6[%get3A_685, %get3A_686, %get3A_687] {strides = array<i32>} : memref<8x16x512xf32, #tpu.memory_space<vmem>>, vector<1x1x16xf32>,
          %get3A_689 = vector.shape_cast %get3A_688 : vector<1x1x16xf32> to vector<16xf32>
          %get3A_690 = arith.constant 3 : i32
          %get3A_691 = arith.constant 1 : i32
          %get3A_692 = arith.index_cast %get3A_690 : i32 to index
          %get3A_693 = arith.index_cast %get3A_691 : i32 to index
          %get3A_694 = arith.index_cast %mul3A_682 : i32 to index
          %get3A_695 = tpu.vector_load %arg6[%get3A_692, %get3A_693, %get3A_694] {strides = array<i32>} : memref<8x16x512xf32, #tpu.memory_space<vmem>>, vector<1x1x16xf32>,
          %get3A_696 = vector.shape_cast %get3A_695 : vector<1x1x16xf32> to vector<16xf32>
          %get3A_697 = arith.constant 3 : i32
          %get3A_698 = arith.constant 2 : i32
          %get3A_699 = arith.index_cast %get3A_697 : i32 to index
          %get3A_700 = arith.index_cast %get3A_698 : i32 to index
          %get3A_701 = arith.index_cast %mul3A_682 : i32 to index
          %get3A_702 = tpu.vector_load %arg6[%get3A_699, %get3A_700, %get3A_701] {strides = array<i32>} : memref<8x16x512xf32, #tpu.memory_space<vmem>>, vector<1x1x16xf32>,
          %get3A_703 = vector.shape_cast %get3A_702 : vector<1x1x16xf32> to vector<16xf32>
          %get3A_704 = arith.constant 3 : i32
          %get3A_705 = arith.constant 3 : i32
          %get3A_706 = arith.index_cast %get3A_704 : i32 to index
          %get3A_707 = arith.index_cast %get3A_705 : i32 to index
          %get3A_708 = arith.index_cast %mul3A_682 : i32 to index
          %get3A_709 = tpu.vector_load %arg6[%get3A_706, %get3A_707, %get3A_708] {strides = array<i32>} : memref<8x16x512xf32, #tpu.memory_space<vmem>>, vector<1x1x16xf32>,
          %get3A_710 = vector.shape_cast %get3A_709 : vector<1x1x16xf32> to vector<16xf32>
          %get3A_711 = arith.constant 3 : i32
          %get3A_712 = arith.constant 4 : i32
          %get3A_713 = arith.index_cast %get3A_711 : i32 to index
          %get3A_714 = arith.index_cast %get3A_712 : i32 to index
          %get3A_715 = arith.index_cast %mul3A_682 : i32 to index
          %get3A_716 = tpu.vector_load %arg6[%get3A_713, %get3A_714, %get3A_715] {strides = array<i32>} : memref<8x16x512xf32, #tpu.memory_space<vmem>>, vector<1x1x16xf32>,
          %get3A_717 = vector.shape_cast %get3A_716 : vector<1x1x16xf32> to vector<16xf32>
          %get3A_718 = arith.constant 3 : i32
          %get3A_719 = arith.constant 5 : i32
          %get3A_720 = arith.index_cast %get3A_718 : i32 to index
          %get3A_721 = arith.index_cast %get3A_719 : i32 to index
          %get3A_722 = arith.index_cast %mul3A_682 : i32 to index
          %get3A_723 = tpu.vector_load %arg6[%get3A_720, %get3A_721, %get3A_722] {strides = array<i32>} : memref<8x16x512xf32, #tpu.memory_space<vmem>>, vector<1x1x16xf32>,
          %get3A_724 = vector.shape_cast %get3A_723 : vector<1x1x16xf32> to vector<16xf32>
          %get3A_725 = arith.constant 3 : i32
          %get3A_726 = arith.constant 6 : i32
          %get3A_727 = arith.index_cast %get3A_725 : i32 to index
          %get3A_728 = arith.index_cast %get3A_726 : i32 to index
          %get3A_729 = arith.index_cast %mul3A_682 : i32 to index
          %get3A_730 = tpu.vector_load %arg6[%get3A_727, %get3A_728, %get3A_729] {strides = array<i32>} : memref<8x16x512xf32, #tpu.memory_space<vmem>>, vector<1x1x16xf32>,
          %get3A_731 = vector.shape_cast %get3A_730 : vector<1x1x16xf32> to vector<16xf32>
          %get3A_732 = arith.constant 3 : i32
          %get3A_733 = arith.constant 7 : i32
          %get3A_734 = arith.index_cast %get3A_732 : i32 to index
          %get3A_735 = arith.index_cast %get3A_733 : i32 to index
          %get3A_736 = arith.index_cast %mul3A_682 : i32 to index
          %get3A_737 = tpu.vector_load %arg6[%get3A_734, %get3A_735, %get3A_736] {strides = array<i32>} : memref<8x16x512xf32, #tpu.memory_space<vmem>>, vector<1x1x16xf32>,
          %get3A_738 = vector.shape_cast %get3A_737 : vector<1x1x16xf32> to vector<16xf32>
          %get3A_739 = arith.constant 3 : i32
          %get3A_740 = arith.constant 8 : i32
          %get3A_741 = arith.index_cast %get3A_739 : i32 to index
          %get3A_742 = arith.index_cast %get3A_740 : i32 to index
          %get3A_743 = arith.index_cast %mul3A_682 : i32 to index
          %get3A_744 = tpu.vector_load %arg6[%get3A_741, %get3A_742, %get3A_743] {strides = array<i32>} : memref<8x16x512xf32, #tpu.memory_space<vmem>>, vector<1x1x16xf32>,
          %get3A_745 = vector.shape_cast %get3A_744 : vector<1x1x16xf32> to vector<16xf32>
          %get3A_746 = arith.constant 3 : i32
          %get3A_747 = arith.constant 9 : i32
          %get3A_748 = arith.index_cast %get3A_746 : i32 to index
          %get3A_749 = arith.index_cast %get3A_747 : i32 to index
          %get3A_750 = arith.index_cast %mul3A_682 : i32 to index
          %get3A_751 = tpu.vector_load %arg6[%get3A_748, %get3A_749, %get3A_750] {strides = array<i32>} : memref<8x16x512xf32, #tpu.memory_space<vmem>>, vector<1x1x16xf32>,
          %get3A_752 = vector.shape_cast %get3A_751 : vector<1x1x16xf32> to vector<16xf32>
          %get3A_753 = arith.constant 3 : i32
          %get3A_754 = arith.constant 10 : i32
          %get3A_755 = arith.index_cast %get3A_753 : i32 to index
          %get3A_756 = arith.index_cast %get3A_754 : i32 to index
          %get3A_757 = arith.index_cast %mul3A_682 : i32 to index
          %get3A_758 = tpu.vector_load %arg6[%get3A_755, %get3A_756, %get3A_757] {strides = array<i32>} : memref<8x16x512xf32, #tpu.memory_space<vmem>>, vector<1x1x16xf32>,
          %get3A_759 = vector.shape_cast %get3A_758 : vector<1x1x16xf32> to vector<16xf32>
          %get3A_760 = arith.constant 3 : i32
          %get3A_761 = arith.constant 11 : i32
          %get3A_762 = arith.index_cast %get3A_760 : i32 to index
          %get3A_763 = arith.index_cast %get3A_761 : i32 to index
          %get3A_764 = arith.index_cast %mul3A_682 : i32 to index
          %get3A_765 = tpu.vector_load %arg6[%get3A_762, %get3A_763, %get3A_764] {strides = array<i32>} : memref<8x16x512xf32, #tpu.memory_space<vmem>>, vector<1x1x16xf32>,
          %get3A_766 = vector.shape_cast %get3A_765 : vector<1x1x16xf32> to vector<16xf32>
          %get3A_767 = arith.constant 3 : i32
          %get3A_768 = arith.constant 12 : i32
          %get3A_769 = arith.index_cast %get3A_767 : i32 to index
          %get3A_770 = arith.index_cast %get3A_768 : i32 to index
          %get3A_771 = arith.index_cast %mul3A_682 : i32 to index
          %get3A_772 = tpu.vector_load %arg6[%get3A_769, %get3A_770, %get3A_771] {strides = array<i32>} : memref<8x16x512xf32, #tpu.memory_space<vmem>>, vector<1x1x16xf32>,
          %get3A_773 = vector.shape_cast %get3A_772 : vector<1x1x16xf32> to vector<16xf32>
          %get3A_774 = arith.constant 3 : i32
          %get3A_775 = arith.constant 13 : i32
          %get3A_776 = arith.index_cast %get3A_774 : i32 to index
          %get3A_777 = arith.index_cast %get3A_775 : i32 to index
          %get3A_778 = arith.index_cast %mul3A_682 : i32 to index
          %get3A_779 = tpu.vector_load %arg6[%get3A_776, %get3A_777, %get3A_778] {strides = array<i32>} : memref<8x16x512xf32, #tpu.memory_space<vmem>>, vector<1x1x16xf32>,
          %get3A_780 = vector.shape_cast %get3A_779 : vector<1x1x16xf32> to vector<16xf32>
          %get3A_781 = arith.constant 3 : i32
          %get3A_782 = arith.constant 14 : i32
          %get3A_783 = arith.index_cast %get3A_781 : i32 to index
          %get3A_784 = arith.index_cast %get3A_782 : i32 to index
          %get3A_785 = arith.index_cast %mul3A_682 : i32 to index
          %get3A_786 = tpu.vector_load %arg6[%get3A_783, %get3A_784, %get3A_785] {strides = array<i32>} : memref<8x16x512xf32, #tpu.memory_space<vmem>>, vector<1x1x16xf32>,
          %get3A_787 = vector.shape_cast %get3A_786 : vector<1x1x16xf32> to vector<16xf32>
          %get3A_788 = arith.constant 3 : i32
          %get3A_789 = arith.constant 15 : i32
          %get3A_790 = arith.index_cast %get3A_788 : i32 to index
          %get3A_791 = arith.index_cast %get3A_789 : i32 to index
          %get3A_792 = arith.index_cast %mul3A_682 : i32 to index
          %get3A_793 = tpu.vector_load %arg6[%get3A_790, %get3A_791, %get3A_792] {strides = array<i32>} : memref<8x16x512xf32, #tpu.memory_space<vmem>>, vector<1x1x16xf32>,
          %get3A_794 = vector.shape_cast %get3A_793 : vector<1x1x16xf32> to vector<16xf32>
          %add3A_795 = arith.addf %get3A_689, %get3A_696 : vector<16xf32>
          %add3A_796 = arith.addf %get3A_703, %get3A_710 : vector<16xf32>
          %add3A_797 = arith.addf %get3A_717, %get3A_724 : vector<16xf32>
          %add3A_798 = arith.addf %get3A_731, %get3A_738 : vector<16xf32>
          %add3A_799 = arith.addf %get3A_745, %get3A_752 : vector<16xf32>
          %add3A_800 = arith.addf %get3A_759, %get3A_766 : vector<16xf32>
          %add3A_801 = arith.addf %get3A_773, %get3A_780 : vector<16xf32>
          %add3A_802 = arith.addf %get3A_787, %get3A_794 : vector<16xf32>
          %add3A_803 = arith.addf %add3A_795, %add3A_796 : vector<16xf32>
          %add3A_804 = arith.addf %add3A_797, %add3A_798 : vector<16xf32>
          %add3A_805 = arith.addf %add3A_799, %add3A_800 : vector<16xf32>
          %add3A_806 = arith.addf %add3A_801, %add3A_802 : vector<16xf32>
          %add3A_807 = arith.addf %add3A_803, %add3A_804 : vector<16xf32>
          %add3A_808 = arith.addf %add3A_805, %add3A_806 : vector<16xf32>
          %add3A_809 = arith.addf %add3A_807, %add3A_808 : vector<16xf32>
          %swap3A = arith.constant 0 : i32
          %swap3A_810 = arith.constant 3 : i32
          %swap3A_811 = arith.index_cast %swap3A : i32 to index
          %swap3A_812 = arith.index_cast %swap3A_810 : i32 to index
          %swap3A_813 = arith.index_cast %mul3A_682 : i32 to index
          %swap3A_814 = tpu.vector_load %arg7[%swap3A_811, %swap3A_812, %swap3A_813] {strides = array<i32>} : memref<2x8x512xf32, #tpu.memory_space<vmem>>, vector<1x1x16xf32>,
          %swap3A_815 = vector.shape_cast %swap3A_814 : vector<1x1x16xf32> to vector<16xf32>
          %swap3A_816 = vector.shape_cast %add3A_809 : vector<16xf32> to vector<1x1x16xf32>
          tpu.vector_store %arg7[%swap3A_811, %swap3A_812, %swap3A_813], %swap3A_816 {strides = array<i32>} : memref<2x8x512xf32, #tpu.memory_space<vmem>>, vector<1x1x16xf32>,
        }
        %scan3A_260 = arith.constant 32 : i32
        %add3A_261 = arith.constant 8 : i32
        %add3A_262 = arith.addi %add3A_239, %add3A_261 : i32
        %lt3A_263 = arith.cmpi slt, %add3A_262, %select_n3A_7 : i32
        %convert_element_type3A_264 = arith.extui %lt3A_263 : i1 to i32
        %cond3A_265 = arith.constant 0 : i32
        %cond3A_266 = arith.cmpi ne, %convert_element_type3A_264, %cond3A_265 : i32
        scf.if %cond3A_266 {
          %mul3A_680 = arith.constant 16 : i32
          %mul3A_681 = arith.muli %add3A_262, %mul3A_680 : i32
          %get3A_682 = arith.index_cast %mul3A_681 : i32 to index
          %get3A_683 = tpu.vector_load %arg5[%get3A_682] {strides = array<i32>} : memref<26624xi32, #tpu.memory_space<vmem>>, vector<16xi32>,
          %get3A_684 = vector.shape_cast %get3A_683 : vector<16xi32> to vector<16xi32>
          %dma_start3A_685 = arith.constant 3 : i32
          %dma_start3A_686 = arith.constant 0 : i32
          %dma_start3A_687 = arith.constant 0 : i32
          %dma_start3A_688 = tpu.memref_slice %arg6[%dma_start3A_685, %dma_start3A_686, %dma_start3A_687] : memref<8x16x512xf32, #tpu.memory_space<vmem>> -> memref<1x16x512xf32, #tpu.memory_space<vmem>>
          %dma_start3A_689 = tpu.memref_squeeze %dma_start3A_688 : memref<1x16x512xf32, #tpu.memory_space<vmem>> -> memref<16x512xf32, #tpu.memory_space<vmem>>
          %dma_start3A_690 = arith.constant 0 : i32
          %dma_start3A_691 = arith.constant 0 : i32
          %dma_start3A_692 = tpu.memref_slice %arg2[%dma_start3A_690, %dma_start3A_691] : memref<50000x512xf32, #tpu.memory_space<hbm>> -> memref<50000x512xf32, #tpu.memory_space<hbm>>
          tpu.enqueue_indirect_dma source(%dma_start3A_692 : memref<50000x512xf32, #tpu.memory_space<hbm>>) target(%dma_start3A_689 : memref<16x512xf32, #tpu.memory_space<vmem>>) offsets(%get3A_684 : vector<16xi32>) semaphore(%arg8 : memref<!tpu.dma_semaphore, #tpu.memory_space<semaphore_mem>>)
        } else {
        }
        %mul3A_267 = arith.constant 8 : i32
        %mul3A_268 = arith.muli %add3A_138, %mul3A_267 : i32
        %add3A_269 = arith.constant 4 : i32
        %add3A_270 = arith.addi %mul3A_268, %add3A_269 : i32
        %dma_wait3A_271 = arith.constant 4 : i32
        %dma_wait3A_272 = arith.constant 0 : i32
        %dma_wait3A_273 = arith.constant 0 : i32
        %dma_wait3A_274 = tpu.memref_slice %arg6[%dma_wait3A_271, %dma_wait3A_272, %dma_wait3A_273] : memref<8x16x512xf32, #tpu.memory_space<vmem>> -> memref<1x16x512xf32, #tpu.memory_space<vmem>>
        %dma_wait3A_275 = tpu.memref_squeeze %dma_wait3A_274 : memref<1x16x512xf32, #tpu.memory_space<vmem>> -> memref<16x512xf32, #tpu.memory_space<vmem>>
        %dma_wait3A_276 = arith.constant 0 : i32
        %dma_wait3A_277 = arith.constant 0 : i32
        %dma_wait3A_278 = tpu.memref_slice %arg2[%dma_wait3A_276, %dma_wait3A_277] : memref<50000x512xf32, #tpu.memory_space<hbm>> -> memref<16x512xf32, #tpu.memory_space<hbm>>
        %dma_wait3A_279 = arith.constant 0 : i32
        %dma_wait3A_280 = arith.constant 0 : i32
        %dma_wait3A_281 = tpu.memref_slice %arg6[%dma_wait3A_271, %dma_wait3A_279, %dma_wait3A_280] : memref<8x16x512xf32, #tpu.memory_space<vmem>> -> memref<1x16x512xf32, #tpu.memory_space<vmem>>
        %dma_wait3A_282 = tpu.memref_squeeze %dma_wait3A_281 : memref<1x16x512xf32, #tpu.memory_space<vmem>> -> memref<16x512xf32, #tpu.memory_space<vmem>>
        %dma_wait3A_283 = arith.constant 0 : i32
        %dma_wait3A_284 = arith.constant 0 : i32
        %dma_wait3A_285 = tpu.memref_slice %arg2[%dma_wait3A_283, %dma_wait3A_284] : memref<50000x512xf32, #tpu.memory_space<hbm>> -> memref<16x512xf32, #tpu.memory_space<hbm>>
        tpu.wait_dma2 semaphore(%arg8 : memref<!tpu.dma_semaphore, #tpu.memory_space<semaphore_mem>>) src(%dma_wait3A_285 : memref<16x512xf32, #tpu.memory_space<hbm>>) dst(%dma_wait3A_282 : memref<16x512xf32, #tpu.memory_space<vmem>>)
        %scan3A_286 = arith.constant 0 : i32
        %scan3A_287 = arith.constant 0 : i32
        %scan3A_288 = arith.constant 32 : i32
        %scan3A_289 = arith.addi %scan3A_287, %scan3A_288 : i32
        %scan3A_290 = arith.constant 1 : i32
        scf.for %scan3A_680 = %scan3A_287 to %scan3A_289 step %scan3A_290  : i32 {
          %mul3A_681 = arith.constant 16 : i32
          %mul3A_682 = arith.muli %scan3A_680, %mul3A_681 : i32
          %get3A_683 = arith.constant 4 : i32
          %get3A_684 = arith.constant 0 : i32
          %get3A_685 = arith.index_cast %get3A_683 : i32 to index
          %get3A_686 = arith.index_cast %get3A_684 : i32 to index
          %get3A_687 = arith.index_cast %mul3A_682 : i32 to index
          %get3A_688 = tpu.vector_load %arg6[%get3A_685, %get3A_686, %get3A_687] {strides = array<i32>} : memref<8x16x512xf32, #tpu.memory_space<vmem>>, vector<1x1x16xf32>,
          %get3A_689 = vector.shape_cast %get3A_688 : vector<1x1x16xf32> to vector<16xf32>
          %get3A_690 = arith.constant 4 : i32
          %get3A_691 = arith.constant 1 : i32
          %get3A_692 = arith.index_cast %get3A_690 : i32 to index
          %get3A_693 = arith.index_cast %get3A_691 : i32 to index
          %get3A_694 = arith.index_cast %mul3A_682 : i32 to index
          %get3A_695 = tpu.vector_load %arg6[%get3A_692, %get3A_693, %get3A_694] {strides = array<i32>} : memref<8x16x512xf32, #tpu.memory_space<vmem>>, vector<1x1x16xf32>,
          %get3A_696 = vector.shape_cast %get3A_695 : vector<1x1x16xf32> to vector<16xf32>
          %get3A_697 = arith.constant 4 : i32
          %get3A_698 = arith.constant 2 : i32
          %get3A_699 = arith.index_cast %get3A_697 : i32 to index
          %get3A_700 = arith.index_cast %get3A_698 : i32 to index
          %get3A_701 = arith.index_cast %mul3A_682 : i32 to index
          %get3A_702 = tpu.vector_load %arg6[%get3A_699, %get3A_700, %get3A_701] {strides = array<i32>} : memref<8x16x512xf32, #tpu.memory_space<vmem>>, vector<1x1x16xf32>,
          %get3A_703 = vector.shape_cast %get3A_702 : vector<1x1x16xf32> to vector<16xf32>
          %get3A_704 = arith.constant 4 : i32
          %get3A_705 = arith.constant 3 : i32
          %get3A_706 = arith.index_cast %get3A_704 : i32 to index
          %get3A_707 = arith.index_cast %get3A_705 : i32 to index
          %get3A_708 = arith.index_cast %mul3A_682 : i32 to index
          %get3A_709 = tpu.vector_load %arg6[%get3A_706, %get3A_707, %get3A_708] {strides = array<i32>} : memref<8x16x512xf32, #tpu.memory_space<vmem>>, vector<1x1x16xf32>,
          %get3A_710 = vector.shape_cast %get3A_709 : vector<1x1x16xf32> to vector<16xf32>
          %get3A_711 = arith.constant 4 : i32
          %get3A_712 = arith.constant 4 : i32
          %get3A_713 = arith.index_cast %get3A_711 : i32 to index
          %get3A_714 = arith.index_cast %get3A_712 : i32 to index
          %get3A_715 = arith.index_cast %mul3A_682 : i32 to index
          %get3A_716 = tpu.vector_load %arg6[%get3A_713, %get3A_714, %get3A_715] {strides = array<i32>} : memref<8x16x512xf32, #tpu.memory_space<vmem>>, vector<1x1x16xf32>,
          %get3A_717 = vector.shape_cast %get3A_716 : vector<1x1x16xf32> to vector<16xf32>
          %get3A_718 = arith.constant 4 : i32
          %get3A_719 = arith.constant 5 : i32
          %get3A_720 = arith.index_cast %get3A_718 : i32 to index
          %get3A_721 = arith.index_cast %get3A_719 : i32 to index
          %get3A_722 = arith.index_cast %mul3A_682 : i32 to index
          %get3A_723 = tpu.vector_load %arg6[%get3A_720, %get3A_721, %get3A_722] {strides = array<i32>} : memref<8x16x512xf32, #tpu.memory_space<vmem>>, vector<1x1x16xf32>,
          %get3A_724 = vector.shape_cast %get3A_723 : vector<1x1x16xf32> to vector<16xf32>
          %get3A_725 = arith.constant 4 : i32
          %get3A_726 = arith.constant 6 : i32
          %get3A_727 = arith.index_cast %get3A_725 : i32 to index
          %get3A_728 = arith.index_cast %get3A_726 : i32 to index
          %get3A_729 = arith.index_cast %mul3A_682 : i32 to index
          %get3A_730 = tpu.vector_load %arg6[%get3A_727, %get3A_728, %get3A_729] {strides = array<i32>} : memref<8x16x512xf32, #tpu.memory_space<vmem>>, vector<1x1x16xf32>,
          %get3A_731 = vector.shape_cast %get3A_730 : vector<1x1x16xf32> to vector<16xf32>
          %get3A_732 = arith.constant 4 : i32
          %get3A_733 = arith.constant 7 : i32
          %get3A_734 = arith.index_cast %get3A_732 : i32 to index
          %get3A_735 = arith.index_cast %get3A_733 : i32 to index
          %get3A_736 = arith.index_cast %mul3A_682 : i32 to index
          %get3A_737 = tpu.vector_load %arg6[%get3A_734, %get3A_735, %get3A_736] {strides = array<i32>} : memref<8x16x512xf32, #tpu.memory_space<vmem>>, vector<1x1x16xf32>,
          %get3A_738 = vector.shape_cast %get3A_737 : vector<1x1x16xf32> to vector<16xf32>
          %get3A_739 = arith.constant 4 : i32
          %get3A_740 = arith.constant 8 : i32
          %get3A_741 = arith.index_cast %get3A_739 : i32 to index
          %get3A_742 = arith.index_cast %get3A_740 : i32 to index
          %get3A_743 = arith.index_cast %mul3A_682 : i32 to index
          %get3A_744 = tpu.vector_load %arg6[%get3A_741, %get3A_742, %get3A_743] {strides = array<i32>} : memref<8x16x512xf32, #tpu.memory_space<vmem>>, vector<1x1x16xf32>,
          %get3A_745 = vector.shape_cast %get3A_744 : vector<1x1x16xf32> to vector<16xf32>
          %get3A_746 = arith.constant 4 : i32
          %get3A_747 = arith.constant 9 : i32
          %get3A_748 = arith.index_cast %get3A_746 : i32 to index
          %get3A_749 = arith.index_cast %get3A_747 : i32 to index
          %get3A_750 = arith.index_cast %mul3A_682 : i32 to index
          %get3A_751 = tpu.vector_load %arg6[%get3A_748, %get3A_749, %get3A_750] {strides = array<i32>} : memref<8x16x512xf32, #tpu.memory_space<vmem>>, vector<1x1x16xf32>,
          %get3A_752 = vector.shape_cast %get3A_751 : vector<1x1x16xf32> to vector<16xf32>
          %get3A_753 = arith.constant 4 : i32
          %get3A_754 = arith.constant 10 : i32
          %get3A_755 = arith.index_cast %get3A_753 : i32 to index
          %get3A_756 = arith.index_cast %get3A_754 : i32 to index
          %get3A_757 = arith.index_cast %mul3A_682 : i32 to index
          %get3A_758 = tpu.vector_load %arg6[%get3A_755, %get3A_756, %get3A_757] {strides = array<i32>} : memref<8x16x512xf32, #tpu.memory_space<vmem>>, vector<1x1x16xf32>,
          %get3A_759 = vector.shape_cast %get3A_758 : vector<1x1x16xf32> to vector<16xf32>
          %get3A_760 = arith.constant 4 : i32
          %get3A_761 = arith.constant 11 : i32
          %get3A_762 = arith.index_cast %get3A_760 : i32 to index
          %get3A_763 = arith.index_cast %get3A_761 : i32 to index
          %get3A_764 = arith.index_cast %mul3A_682 : i32 to index
          %get3A_765 = tpu.vector_load %arg6[%get3A_762, %get3A_763, %get3A_764] {strides = array<i32>} : memref<8x16x512xf32, #tpu.memory_space<vmem>>, vector<1x1x16xf32>,
          %get3A_766 = vector.shape_cast %get3A_765 : vector<1x1x16xf32> to vector<16xf32>
          %get3A_767 = arith.constant 4 : i32
          %get3A_768 = arith.constant 12 : i32
          %get3A_769 = arith.index_cast %get3A_767 : i32 to index
          %get3A_770 = arith.index_cast %get3A_768 : i32 to index
          %get3A_771 = arith.index_cast %mul3A_682 : i32 to index
          %get3A_772 = tpu.vector_load %arg6[%get3A_769, %get3A_770, %get3A_771] {strides = array<i32>} : memref<8x16x512xf32, #tpu.memory_space<vmem>>, vector<1x1x16xf32>,
          %get3A_773 = vector.shape_cast %get3A_772 : vector<1x1x16xf32> to vector<16xf32>
          %get3A_774 = arith.constant 4 : i32
          %get3A_775 = arith.constant 13 : i32
          %get3A_776 = arith.index_cast %get3A_774 : i32 to index
          %get3A_777 = arith.index_cast %get3A_775 : i32 to index
          %get3A_778 = arith.index_cast %mul3A_682 : i32 to index
          %get3A_779 = tpu.vector_load %arg6[%get3A_776, %get3A_777, %get3A_778] {strides = array<i32>} : memref<8x16x512xf32, #tpu.memory_space<vmem>>, vector<1x1x16xf32>,
          %get3A_780 = vector.shape_cast %get3A_779 : vector<1x1x16xf32> to vector<16xf32>
          %get3A_781 = arith.constant 4 : i32
          %get3A_782 = arith.constant 14 : i32
          %get3A_783 = arith.index_cast %get3A_781 : i32 to index
          %get3A_784 = arith.index_cast %get3A_782 : i32 to index
          %get3A_785 = arith.index_cast %mul3A_682 : i32 to index
          %get3A_786 = tpu.vector_load %arg6[%get3A_783, %get3A_784, %get3A_785] {strides = array<i32>} : memref<8x16x512xf32, #tpu.memory_space<vmem>>, vector<1x1x16xf32>,
          %get3A_787 = vector.shape_cast %get3A_786 : vector<1x1x16xf32> to vector<16xf32>
          %get3A_788 = arith.constant 4 : i32
          %get3A_789 = arith.constant 15 : i32
          %get3A_790 = arith.index_cast %get3A_788 : i32 to index
          %get3A_791 = arith.index_cast %get3A_789 : i32 to index
          %get3A_792 = arith.index_cast %mul3A_682 : i32 to index
          %get3A_793 = tpu.vector_load %arg6[%get3A_790, %get3A_791, %get3A_792] {strides = array<i32>} : memref<8x16x512xf32, #tpu.memory_space<vmem>>, vector<1x1x16xf32>,
          %get3A_794 = vector.shape_cast %get3A_793 : vector<1x1x16xf32> to vector<16xf32>
          %add3A_795 = arith.addf %get3A_689, %get3A_696 : vector<16xf32>
          %add3A_796 = arith.addf %get3A_703, %get3A_710 : vector<16xf32>
          %add3A_797 = arith.addf %get3A_717, %get3A_724 : vector<16xf32>
          %add3A_798 = arith.addf %get3A_731, %get3A_738 : vector<16xf32>
          %add3A_799 = arith.addf %get3A_745, %get3A_752 : vector<16xf32>
          %add3A_800 = arith.addf %get3A_759, %get3A_766 : vector<16xf32>
          %add3A_801 = arith.addf %get3A_773, %get3A_780 : vector<16xf32>
          %add3A_802 = arith.addf %get3A_787, %get3A_794 : vector<16xf32>
          %add3A_803 = arith.addf %add3A_795, %add3A_796 : vector<16xf32>
          %add3A_804 = arith.addf %add3A_797, %add3A_798 : vector<16xf32>
          %add3A_805 = arith.addf %add3A_799, %add3A_800 : vector<16xf32>
          %add3A_806 = arith.addf %add3A_801, %add3A_802 : vector<16xf32>
          %add3A_807 = arith.addf %add3A_803, %add3A_804 : vector<16xf32>
          %add3A_808 = arith.addf %add3A_805, %add3A_806 : vector<16xf32>
          %add3A_809 = arith.addf %add3A_807, %add3A_808 : vector<16xf32>
          %swap3A = arith.constant 0 : i32
          %swap3A_810 = arith.constant 4 : i32
          %swap3A_811 = arith.index_cast %swap3A : i32 to index
          %swap3A_812 = arith.index_cast %swap3A_810 : i32 to index
          %swap3A_813 = arith.index_cast %mul3A_682 : i32 to index
          %swap3A_814 = tpu.vector_load %arg7[%swap3A_811, %swap3A_812, %swap3A_813] {strides = array<i32>} : memref<2x8x512xf32, #tpu.memory_space<vmem>>, vector<1x1x16xf32>,
          %swap3A_815 = vector.shape_cast %swap3A_814 : vector<1x1x16xf32> to vector<16xf32>
          %swap3A_816 = vector.shape_cast %add3A_809 : vector<16xf32> to vector<1x1x16xf32>
          tpu.vector_store %arg7[%swap3A_811, %swap3A_812, %swap3A_813], %swap3A_816 {strides = array<i32>} : memref<2x8x512xf32, #tpu.memory_space<vmem>>, vector<1x1x16xf32>,
        }
        %scan3A_291 = arith.constant 32 : i32
        %add3A_292 = arith.constant 8 : i32
        %add3A_293 = arith.addi %add3A_270, %add3A_292 : i32
        %lt3A_294 = arith.cmpi slt, %add3A_293, %select_n3A_7 : i32
        %convert_element_type3A_295 = arith.extui %lt3A_294 : i1 to i32
        %cond3A_296 = arith.constant 0 : i32
        %cond3A_297 = arith.cmpi ne, %convert_element_type3A_295, %cond3A_296 : i32
        scf.if %cond3A_297 {
          %mul3A_680 = arith.constant 16 : i32
          %mul3A_681 = arith.muli %add3A_293, %mul3A_680 : i32
          %get3A_682 = arith.index_cast %mul3A_681 : i32 to index
          %get3A_683 = tpu.vector_load %arg5[%get3A_682] {strides = array<i32>} : memref<26624xi32, #tpu.memory_space<vmem>>, vector<16xi32>,
          %get3A_684 = vector.shape_cast %get3A_683 : vector<16xi32> to vector<16xi32>
          %dma_start3A_685 = arith.constant 4 : i32
          %dma_start3A_686 = arith.constant 0 : i32
          %dma_start3A_687 = arith.constant 0 : i32
          %dma_start3A_688 = tpu.memref_slice %arg6[%dma_start3A_685, %dma_start3A_686, %dma_start3A_687] : memref<8x16x512xf32, #tpu.memory_space<vmem>> -> memref<1x16x512xf32, #tpu.memory_space<vmem>>
          %dma_start3A_689 = tpu.memref_squeeze %dma_start3A_688 : memref<1x16x512xf32, #tpu.memory_space<vmem>> -> memref<16x512xf32, #tpu.memory_space<vmem>>
          %dma_start3A_690 = arith.constant 0 : i32
          %dma_start3A_691 = arith.constant 0 : i32
          %dma_start3A_692 = tpu.memref_slice %arg2[%dma_start3A_690, %dma_start3A_691] : memref<50000x512xf32, #tpu.memory_space<hbm>> -> memref<50000x512xf32, #tpu.memory_space<hbm>>
          tpu.enqueue_indirect_dma source(%dma_start3A_692 : memref<50000x512xf32, #tpu.memory_space<hbm>>) target(%dma_start3A_689 : memref<16x512xf32, #tpu.memory_space<vmem>>) offsets(%get3A_684 : vector<16xi32>) semaphore(%arg8 : memref<!tpu.dma_semaphore, #tpu.memory_space<semaphore_mem>>)
        } else {
        }
        %mul3A_298 = arith.constant 8 : i32
        %mul3A_299 = arith.muli %add3A_138, %mul3A_298 : i32
        %add3A_300 = arith.constant 5 : i32
        %add3A_301 = arith.addi %mul3A_299, %add3A_300 : i32
        %dma_wait3A_302 = arith.constant 5 : i32
        %dma_wait3A_303 = arith.constant 0 : i32
        %dma_wait3A_304 = arith.constant 0 : i32
        %dma_wait3A_305 = tpu.memref_slice %arg6[%dma_wait3A_302, %dma_wait3A_303, %dma_wait3A_304] : memref<8x16x512xf32, #tpu.memory_space<vmem>> -> memref<1x16x512xf32, #tpu.memory_space<vmem>>
        %dma_wait3A_306 = tpu.memref_squeeze %dma_wait3A_305 : memref<1x16x512xf32, #tpu.memory_space<vmem>> -> memref<16x512xf32, #tpu.memory_space<vmem>>
        %dma_wait3A_307 = arith.constant 0 : i32
        %dma_wait3A_308 = arith.constant 0 : i32
        %dma_wait3A_309 = tpu.memref_slice %arg2[%dma_wait3A_307, %dma_wait3A_308] : memref<50000x512xf32, #tpu.memory_space<hbm>> -> memref<16x512xf32, #tpu.memory_space<hbm>>
        %dma_wait3A_310 = arith.constant 0 : i32
        %dma_wait3A_311 = arith.constant 0 : i32
        %dma_wait3A_312 = tpu.memref_slice %arg6[%dma_wait3A_302, %dma_wait3A_310, %dma_wait3A_311] : memref<8x16x512xf32, #tpu.memory_space<vmem>> -> memref<1x16x512xf32, #tpu.memory_space<vmem>>
        %dma_wait3A_313 = tpu.memref_squeeze %dma_wait3A_312 : memref<1x16x512xf32, #tpu.memory_space<vmem>> -> memref<16x512xf32, #tpu.memory_space<vmem>>
        %dma_wait3A_314 = arith.constant 0 : i32
        %dma_wait3A_315 = arith.constant 0 : i32
        %dma_wait3A_316 = tpu.memref_slice %arg2[%dma_wait3A_314, %dma_wait3A_315] : memref<50000x512xf32, #tpu.memory_space<hbm>> -> memref<16x512xf32, #tpu.memory_space<hbm>>
        tpu.wait_dma2 semaphore(%arg8 : memref<!tpu.dma_semaphore, #tpu.memory_space<semaphore_mem>>) src(%dma_wait3A_316 : memref<16x512xf32, #tpu.memory_space<hbm>>) dst(%dma_wait3A_313 : memref<16x512xf32, #tpu.memory_space<vmem>>)
        %scan3A_317 = arith.constant 0 : i32
        %scan3A_318 = arith.constant 0 : i32
        %scan3A_319 = arith.constant 32 : i32
        %scan3A_320 = arith.addi %scan3A_318, %scan3A_319 : i32
        %scan3A_321 = arith.constant 1 : i32
        scf.for %scan3A_680 = %scan3A_318 to %scan3A_320 step %scan3A_321  : i32 {
          %mul3A_681 = arith.constant 16 : i32
          %mul3A_682 = arith.muli %scan3A_680, %mul3A_681 : i32
          %get3A_683 = arith.constant 5 : i32
          %get3A_684 = arith.constant 0 : i32
          %get3A_685 = arith.index_cast %get3A_683 : i32 to index
          %get3A_686 = arith.index_cast %get3A_684 : i32 to index
          %get3A_687 = arith.index_cast %mul3A_682 : i32 to index
          %get3A_688 = tpu.vector_load %arg6[%get3A_685, %get3A_686, %get3A_687] {strides = array<i32>} : memref<8x16x512xf32, #tpu.memory_space<vmem>>, vector<1x1x16xf32>,
          %get3A_689 = vector.shape_cast %get3A_688 : vector<1x1x16xf32> to vector<16xf32>
          %get3A_690 = arith.constant 5 : i32
          %get3A_691 = arith.constant 1 : i32
          %get3A_692 = arith.index_cast %get3A_690 : i32 to index
          %get3A_693 = arith.index_cast %get3A_691 : i32 to index
          %get3A_694 = arith.index_cast %mul3A_682 : i32 to index
          %get3A_695 = tpu.vector_load %arg6[%get3A_692, %get3A_693, %get3A_694] {strides = array<i32>} : memref<8x16x512xf32, #tpu.memory_space<vmem>>, vector<1x1x16xf32>,
          %get3A_696 = vector.shape_cast %get3A_695 : vector<1x1x16xf32> to vector<16xf32>
          %get3A_697 = arith.constant 5 : i32
          %get3A_698 = arith.constant 2 : i32
          %get3A_699 = arith.index_cast %get3A_697 : i32 to index
          %get3A_700 = arith.index_cast %get3A_698 : i32 to index
          %get3A_701 = arith.index_cast %mul3A_682 : i32 to index
          %get3A_702 = tpu.vector_load %arg6[%get3A_699, %get3A_700, %get3A_701] {strides = array<i32>} : memref<8x16x512xf32, #tpu.memory_space<vmem>>, vector<1x1x16xf32>,
          %get3A_703 = vector.shape_cast %get3A_702 : vector<1x1x16xf32> to vector<16xf32>
          %get3A_704 = arith.constant 5 : i32
          %get3A_705 = arith.constant 3 : i32
          %get3A_706 = arith.index_cast %get3A_704 : i32 to index
          %get3A_707 = arith.index_cast %get3A_705 : i32 to index
          %get3A_708 = arith.index_cast %mul3A_682 : i32 to index
          %get3A_709 = tpu.vector_load %arg6[%get3A_706, %get3A_707, %get3A_708] {strides = array<i32>} : memref<8x16x512xf32, #tpu.memory_space<vmem>>, vector<1x1x16xf32>,
          %get3A_710 = vector.shape_cast %get3A_709 : vector<1x1x16xf32> to vector<16xf32>
          %get3A_711 = arith.constant 5 : i32
          %get3A_712 = arith.constant 4 : i32
          %get3A_713 = arith.index_cast %get3A_711 : i32 to index
          %get3A_714 = arith.index_cast %get3A_712 : i32 to index
          %get3A_715 = arith.index_cast %mul3A_682 : i32 to index
          %get3A_716 = tpu.vector_load %arg6[%get3A_713, %get3A_714, %get3A_715] {strides = array<i32>} : memref<8x16x512xf32, #tpu.memory_space<vmem>>, vector<1x1x16xf32>,
          %get3A_717 = vector.shape_cast %get3A_716 : vector<1x1x16xf32> to vector<16xf32>
          %get3A_718 = arith.constant 5 : i32
          %get3A_719 = arith.constant 5 : i32
          %get3A_720 = arith.index_cast %get3A_718 : i32 to index
          %get3A_721 = arith.index_cast %get3A_719 : i32 to index
          %get3A_722 = arith.index_cast %mul3A_682 : i32 to index
          %get3A_723 = tpu.vector_load %arg6[%get3A_720, %get3A_721, %get3A_722] {strides = array<i32>} : memref<8x16x512xf32, #tpu.memory_space<vmem>>, vector<1x1x16xf32>,
          %get3A_724 = vector.shape_cast %get3A_723 : vector<1x1x16xf32> to vector<16xf32>
          %get3A_725 = arith.constant 5 : i32
          %get3A_726 = arith.constant 6 : i32
          %get3A_727 = arith.index_cast %get3A_725 : i32 to index
          %get3A_728 = arith.index_cast %get3A_726 : i32 to index
          %get3A_729 = arith.index_cast %mul3A_682 : i32 to index
          %get3A_730 = tpu.vector_load %arg6[%get3A_727, %get3A_728, %get3A_729] {strides = array<i32>} : memref<8x16x512xf32, #tpu.memory_space<vmem>>, vector<1x1x16xf32>,
          %get3A_731 = vector.shape_cast %get3A_730 : vector<1x1x16xf32> to vector<16xf32>
          %get3A_732 = arith.constant 5 : i32
          %get3A_733 = arith.constant 7 : i32
          %get3A_734 = arith.index_cast %get3A_732 : i32 to index
          %get3A_735 = arith.index_cast %get3A_733 : i32 to index
          %get3A_736 = arith.index_cast %mul3A_682 : i32 to index
          %get3A_737 = tpu.vector_load %arg6[%get3A_734, %get3A_735, %get3A_736] {strides = array<i32>} : memref<8x16x512xf32, #tpu.memory_space<vmem>>, vector<1x1x16xf32>,
          %get3A_738 = vector.shape_cast %get3A_737 : vector<1x1x16xf32> to vector<16xf32>
          %get3A_739 = arith.constant 5 : i32
          %get3A_740 = arith.constant 8 : i32
          %get3A_741 = arith.index_cast %get3A_739 : i32 to index
          %get3A_742 = arith.index_cast %get3A_740 : i32 to index
          %get3A_743 = arith.index_cast %mul3A_682 : i32 to index
          %get3A_744 = tpu.vector_load %arg6[%get3A_741, %get3A_742, %get3A_743] {strides = array<i32>} : memref<8x16x512xf32, #tpu.memory_space<vmem>>, vector<1x1x16xf32>,
          %get3A_745 = vector.shape_cast %get3A_744 : vector<1x1x16xf32> to vector<16xf32>
          %get3A_746 = arith.constant 5 : i32
          %get3A_747 = arith.constant 9 : i32
          %get3A_748 = arith.index_cast %get3A_746 : i32 to index
          %get3A_749 = arith.index_cast %get3A_747 : i32 to index
          %get3A_750 = arith.index_cast %mul3A_682 : i32 to index
          %get3A_751 = tpu.vector_load %arg6[%get3A_748, %get3A_749, %get3A_750] {strides = array<i32>} : memref<8x16x512xf32, #tpu.memory_space<vmem>>, vector<1x1x16xf32>,
          %get3A_752 = vector.shape_cast %get3A_751 : vector<1x1x16xf32> to vector<16xf32>
          %get3A_753 = arith.constant 5 : i32
          %get3A_754 = arith.constant 10 : i32
          %get3A_755 = arith.index_cast %get3A_753 : i32 to index
          %get3A_756 = arith.index_cast %get3A_754 : i32 to index
          %get3A_757 = arith.index_cast %mul3A_682 : i32 to index
          %get3A_758 = tpu.vector_load %arg6[%get3A_755, %get3A_756, %get3A_757] {strides = array<i32>} : memref<8x16x512xf32, #tpu.memory_space<vmem>>, vector<1x1x16xf32>,
          %get3A_759 = vector.shape_cast %get3A_758 : vector<1x1x16xf32> to vector<16xf32>
          %get3A_760 = arith.constant 5 : i32
          %get3A_761 = arith.constant 11 : i32
          %get3A_762 = arith.index_cast %get3A_760 : i32 to index
          %get3A_763 = arith.index_cast %get3A_761 : i32 to index
          %get3A_764 = arith.index_cast %mul3A_682 : i32 to index
          %get3A_765 = tpu.vector_load %arg6[%get3A_762, %get3A_763, %get3A_764] {strides = array<i32>} : memref<8x16x512xf32, #tpu.memory_space<vmem>>, vector<1x1x16xf32>,
          %get3A_766 = vector.shape_cast %get3A_765 : vector<1x1x16xf32> to vector<16xf32>
          %get3A_767 = arith.constant 5 : i32
          %get3A_768 = arith.constant 12 : i32
          %get3A_769 = arith.index_cast %get3A_767 : i32 to index
          %get3A_770 = arith.index_cast %get3A_768 : i32 to index
          %get3A_771 = arith.index_cast %mul3A_682 : i32 to index
          %get3A_772 = tpu.vector_load %arg6[%get3A_769, %get3A_770, %get3A_771] {strides = array<i32>} : memref<8x16x512xf32, #tpu.memory_space<vmem>>, vector<1x1x16xf32>,
          %get3A_773 = vector.shape_cast %get3A_772 : vector<1x1x16xf32> to vector<16xf32>
          %get3A_774 = arith.constant 5 : i32
          %get3A_775 = arith.constant 13 : i32
          %get3A_776 = arith.index_cast %get3A_774 : i32 to index
          %get3A_777 = arith.index_cast %get3A_775 : i32 to index
          %get3A_778 = arith.index_cast %mul3A_682 : i32 to index
          %get3A_779 = tpu.vector_load %arg6[%get3A_776, %get3A_777, %get3A_778] {strides = array<i32>} : memref<8x16x512xf32, #tpu.memory_space<vmem>>, vector<1x1x16xf32>,
          %get3A_780 = vector.shape_cast %get3A_779 : vector<1x1x16xf32> to vector<16xf32>
          %get3A_781 = arith.constant 5 : i32
          %get3A_782 = arith.constant 14 : i32
          %get3A_783 = arith.index_cast %get3A_781 : i32 to index
          %get3A_784 = arith.index_cast %get3A_782 : i32 to index
          %get3A_785 = arith.index_cast %mul3A_682 : i32 to index
          %get3A_786 = tpu.vector_load %arg6[%get3A_783, %get3A_784, %get3A_785] {strides = array<i32>} : memref<8x16x512xf32, #tpu.memory_space<vmem>>, vector<1x1x16xf32>,
          %get3A_787 = vector.shape_cast %get3A_786 : vector<1x1x16xf32> to vector<16xf32>
          %get3A_788 = arith.constant 5 : i32
          %get3A_789 = arith.constant 15 : i32
          %get3A_790 = arith.index_cast %get3A_788 : i32 to index
          %get3A_791 = arith.index_cast %get3A_789 : i32 to index
          %get3A_792 = arith.index_cast %mul3A_682 : i32 to index
          %get3A_793 = tpu.vector_load %arg6[%get3A_790, %get3A_791, %get3A_792] {strides = array<i32>} : memref<8x16x512xf32, #tpu.memory_space<vmem>>, vector<1x1x16xf32>,
          %get3A_794 = vector.shape_cast %get3A_793 : vector<1x1x16xf32> to vector<16xf32>
          %add3A_795 = arith.addf %get3A_689, %get3A_696 : vector<16xf32>
          %add3A_796 = arith.addf %get3A_703, %get3A_710 : vector<16xf32>
          %add3A_797 = arith.addf %get3A_717, %get3A_724 : vector<16xf32>
          %add3A_798 = arith.addf %get3A_731, %get3A_738 : vector<16xf32>
          %add3A_799 = arith.addf %get3A_745, %get3A_752 : vector<16xf32>
          %add3A_800 = arith.addf %get3A_759, %get3A_766 : vector<16xf32>
          %add3A_801 = arith.addf %get3A_773, %get3A_780 : vector<16xf32>
          %add3A_802 = arith.addf %get3A_787, %get3A_794 : vector<16xf32>
          %add3A_803 = arith.addf %add3A_795, %add3A_796 : vector<16xf32>
          %add3A_804 = arith.addf %add3A_797, %add3A_798 : vector<16xf32>
          %add3A_805 = arith.addf %add3A_799, %add3A_800 : vector<16xf32>
          %add3A_806 = arith.addf %add3A_801, %add3A_802 : vector<16xf32>
          %add3A_807 = arith.addf %add3A_803, %add3A_804 : vector<16xf32>
          %add3A_808 = arith.addf %add3A_805, %add3A_806 : vector<16xf32>
          %add3A_809 = arith.addf %add3A_807, %add3A_808 : vector<16xf32>
          %swap3A = arith.constant 0 : i32
          %swap3A_810 = arith.constant 5 : i32
          %swap3A_811 = arith.index_cast %swap3A : i32 to index
          %swap3A_812 = arith.index_cast %swap3A_810 : i32 to index
          %swap3A_813 = arith.index_cast %mul3A_682 : i32 to index
          %swap3A_814 = tpu.vector_load %arg7[%swap3A_811, %swap3A_812, %swap3A_813] {strides = array<i32>} : memref<2x8x512xf32, #tpu.memory_space<vmem>>, vector<1x1x16xf32>,
          %swap3A_815 = vector.shape_cast %swap3A_814 : vector<1x1x16xf32> to vector<16xf32>
          %swap3A_816 = vector.shape_cast %add3A_809 : vector<16xf32> to vector<1x1x16xf32>
          tpu.vector_store %arg7[%swap3A_811, %swap3A_812, %swap3A_813], %swap3A_816 {strides = array<i32>} : memref<2x8x512xf32, #tpu.memory_space<vmem>>, vector<1x1x16xf32>,
        }
        %scan3A_322 = arith.constant 32 : i32
        %add3A_323 = arith.constant 8 : i32
        %add3A_324 = arith.addi %add3A_301, %add3A_323 : i32
        %lt3A_325 = arith.cmpi slt, %add3A_324, %select_n3A_7 : i32
        %convert_element_type3A_326 = arith.extui %lt3A_325 : i1 to i32
        %cond3A_327 = arith.constant 0 : i32
        %cond3A_328 = arith.cmpi ne, %convert_element_type3A_326, %cond3A_327 : i32
        scf.if %cond3A_328 {
          %mul3A_680 = arith.constant 16 : i32
          %mul3A_681 = arith.muli %add3A_324, %mul3A_680 : i32
          %get3A_682 = arith.index_cast %mul3A_681 : i32 to index
          %get3A_683 = tpu.vector_load %arg5[%get3A_682] {strides = array<i32>} : memref<26624xi32, #tpu.memory_space<vmem>>, vector<16xi32>,
          %get3A_684 = vector.shape_cast %get3A_683 : vector<16xi32> to vector<16xi32>
          %dma_start3A_685 = arith.constant 5 : i32
          %dma_start3A_686 = arith.constant 0 : i32
          %dma_start3A_687 = arith.constant 0 : i32
          %dma_start3A_688 = tpu.memref_slice %arg6[%dma_start3A_685, %dma_start3A_686, %dma_start3A_687] : memref<8x16x512xf32, #tpu.memory_space<vmem>> -> memref<1x16x512xf32, #tpu.memory_space<vmem>>
          %dma_start3A_689 = tpu.memref_squeeze %dma_start3A_688 : memref<1x16x512xf32, #tpu.memory_space<vmem>> -> memref<16x512xf32, #tpu.memory_space<vmem>>
          %dma_start3A_690 = arith.constant 0 : i32
          %dma_start3A_691 = arith.constant 0 : i32
          %dma_start3A_692 = tpu.memref_slice %arg2[%dma_start3A_690, %dma_start3A_691] : memref<50000x512xf32, #tpu.memory_space<hbm>> -> memref<50000x512xf32, #tpu.memory_space<hbm>>
          tpu.enqueue_indirect_dma source(%dma_start3A_692 : memref<50000x512xf32, #tpu.memory_space<hbm>>) target(%dma_start3A_689 : memref<16x512xf32, #tpu.memory_space<vmem>>) offsets(%get3A_684 : vector<16xi32>) semaphore(%arg8 : memref<!tpu.dma_semaphore, #tpu.memory_space<semaphore_mem>>)
        } else {
        }
        %mul3A_329 = arith.constant 8 : i32
        %mul3A_330 = arith.muli %add3A_138, %mul3A_329 : i32
        %add3A_331 = arith.constant 6 : i32
        %add3A_332 = arith.addi %mul3A_330, %add3A_331 : i32
        %dma_wait3A_333 = arith.constant 6 : i32
        %dma_wait3A_334 = arith.constant 0 : i32
        %dma_wait3A_335 = arith.constant 0 : i32
        %dma_wait3A_336 = tpu.memref_slice %arg6[%dma_wait3A_333, %dma_wait3A_334, %dma_wait3A_335] : memref<8x16x512xf32, #tpu.memory_space<vmem>> -> memref<1x16x512xf32, #tpu.memory_space<vmem>>
        %dma_wait3A_337 = tpu.memref_squeeze %dma_wait3A_336 : memref<1x16x512xf32, #tpu.memory_space<vmem>> -> memref<16x512xf32, #tpu.memory_space<vmem>>
        %dma_wait3A_338 = arith.constant 0 : i32
        %dma_wait3A_339 = arith.constant 0 : i32
        %dma_wait3A_340 = tpu.memref_slice %arg2[%dma_wait3A_338, %dma_wait3A_339] : memref<50000x512xf32, #tpu.memory_space<hbm>> -> memref<16x512xf32, #tpu.memory_space<hbm>>
        %dma_wait3A_341 = arith.constant 0 : i32
        %dma_wait3A_342 = arith.constant 0 : i32
        %dma_wait3A_343 = tpu.memref_slice %arg6[%dma_wait3A_333, %dma_wait3A_341, %dma_wait3A_342] : memref<8x16x512xf32, #tpu.memory_space<vmem>> -> memref<1x16x512xf32, #tpu.memory_space<vmem>>
        %dma_wait3A_344 = tpu.memref_squeeze %dma_wait3A_343 : memref<1x16x512xf32, #tpu.memory_space<vmem>> -> memref<16x512xf32, #tpu.memory_space<vmem>>
        %dma_wait3A_345 = arith.constant 0 : i32
        %dma_wait3A_346 = arith.constant 0 : i32
        %dma_wait3A_347 = tpu.memref_slice %arg2[%dma_wait3A_345, %dma_wait3A_346] : memref<50000x512xf32, #tpu.memory_space<hbm>> -> memref<16x512xf32, #tpu.memory_space<hbm>>
        tpu.wait_dma2 semaphore(%arg8 : memref<!tpu.dma_semaphore, #tpu.memory_space<semaphore_mem>>) src(%dma_wait3A_347 : memref<16x512xf32, #tpu.memory_space<hbm>>) dst(%dma_wait3A_344 : memref<16x512xf32, #tpu.memory_space<vmem>>)
        %scan3A_348 = arith.constant 0 : i32
        %scan3A_349 = arith.constant 0 : i32
        %scan3A_350 = arith.constant 32 : i32
        %scan3A_351 = arith.addi %scan3A_349, %scan3A_350 : i32
        %scan3A_352 = arith.constant 1 : i32
        scf.for %scan3A_680 = %scan3A_349 to %scan3A_351 step %scan3A_352  : i32 {
          %mul3A_681 = arith.constant 16 : i32
          %mul3A_682 = arith.muli %scan3A_680, %mul3A_681 : i32
          %get3A_683 = arith.constant 6 : i32
          %get3A_684 = arith.constant 0 : i32
          %get3A_685 = arith.index_cast %get3A_683 : i32 to index
          %get3A_686 = arith.index_cast %get3A_684 : i32 to index
          %get3A_687 = arith.index_cast %mul3A_682 : i32 to index
          %get3A_688 = tpu.vector_load %arg6[%get3A_685, %get3A_686, %get3A_687] {strides = array<i32>} : memref<8x16x512xf32, #tpu.memory_space<vmem>>, vector<1x1x16xf32>,
          %get3A_689 = vector.shape_cast %get3A_688 : vector<1x1x16xf32> to vector<16xf32>
          %get3A_690 = arith.constant 6 : i32
          %get3A_691 = arith.constant 1 : i32
          %get3A_692 = arith.index_cast %get3A_690 : i32 to index
          %get3A_693 = arith.index_cast %get3A_691 : i32 to index
          %get3A_694 = arith.index_cast %mul3A_682 : i32 to index
          %get3A_695 = tpu.vector_load %arg6[%get3A_692, %get3A_693, %get3A_694] {strides = array<i32>} : memref<8x16x512xf32, #tpu.memory_space<vmem>>, vector<1x1x16xf32>,
          %get3A_696 = vector.shape_cast %get3A_695 : vector<1x1x16xf32> to vector<16xf32>
          %get3A_697 = arith.constant 6 : i32
          %get3A_698 = arith.constant 2 : i32
          %get3A_699 = arith.index_cast %get3A_697 : i32 to index
          %get3A_700 = arith.index_cast %get3A_698 : i32 to index
          %get3A_701 = arith.index_cast %mul3A_682 : i32 to index
          %get3A_702 = tpu.vector_load %arg6[%get3A_699, %get3A_700, %get3A_701] {strides = array<i32>} : memref<8x16x512xf32, #tpu.memory_space<vmem>>, vector<1x1x16xf32>,
          %get3A_703 = vector.shape_cast %get3A_702 : vector<1x1x16xf32> to vector<16xf32>
          %get3A_704 = arith.constant 6 : i32
          %get3A_705 = arith.constant 3 : i32
          %get3A_706 = arith.index_cast %get3A_704 : i32 to index
          %get3A_707 = arith.index_cast %get3A_705 : i32 to index
          %get3A_708 = arith.index_cast %mul3A_682 : i32 to index
          %get3A_709 = tpu.vector_load %arg6[%get3A_706, %get3A_707, %get3A_708] {strides = array<i32>} : memref<8x16x512xf32, #tpu.memory_space<vmem>>, vector<1x1x16xf32>,
          %get3A_710 = vector.shape_cast %get3A_709 : vector<1x1x16xf32> to vector<16xf32>
          %get3A_711 = arith.constant 6 : i32
          %get3A_712 = arith.constant 4 : i32
          %get3A_713 = arith.index_cast %get3A_711 : i32 to index
          %get3A_714 = arith.index_cast %get3A_712 : i32 to index
          %get3A_715 = arith.index_cast %mul3A_682 : i32 to index
          %get3A_716 = tpu.vector_load %arg6[%get3A_713, %get3A_714, %get3A_715] {strides = array<i32>} : memref<8x16x512xf32, #tpu.memory_space<vmem>>, vector<1x1x16xf32>,
          %get3A_717 = vector.shape_cast %get3A_716 : vector<1x1x16xf32> to vector<16xf32>
          %get3A_718 = arith.constant 6 : i32
          %get3A_719 = arith.constant 5 : i32
          %get3A_720 = arith.index_cast %get3A_718 : i32 to index
          %get3A_721 = arith.index_cast %get3A_719 : i32 to index
          %get3A_722 = arith.index_cast %mul3A_682 : i32 to index
          %get3A_723 = tpu.vector_load %arg6[%get3A_720, %get3A_721, %get3A_722] {strides = array<i32>} : memref<8x16x512xf32, #tpu.memory_space<vmem>>, vector<1x1x16xf32>,
          %get3A_724 = vector.shape_cast %get3A_723 : vector<1x1x16xf32> to vector<16xf32>
          %get3A_725 = arith.constant 6 : i32
          %get3A_726 = arith.constant 6 : i32
          %get3A_727 = arith.index_cast %get3A_725 : i32 to index
          %get3A_728 = arith.index_cast %get3A_726 : i32 to index
          %get3A_729 = arith.index_cast %mul3A_682 : i32 to index
          %get3A_730 = tpu.vector_load %arg6[%get3A_727, %get3A_728, %get3A_729] {strides = array<i32>} : memref<8x16x512xf32, #tpu.memory_space<vmem>>, vector<1x1x16xf32>,
          %get3A_731 = vector.shape_cast %get3A_730 : vector<1x1x16xf32> to vector<16xf32>
          %get3A_732 = arith.constant 6 : i32
          %get3A_733 = arith.constant 7 : i32
          %get3A_734 = arith.index_cast %get3A_732 : i32 to index
          %get3A_735 = arith.index_cast %get3A_733 : i32 to index
          %get3A_736 = arith.index_cast %mul3A_682 : i32 to index
          %get3A_737 = tpu.vector_load %arg6[%get3A_734, %get3A_735, %get3A_736] {strides = array<i32>} : memref<8x16x512xf32, #tpu.memory_space<vmem>>, vector<1x1x16xf32>,
          %get3A_738 = vector.shape_cast %get3A_737 : vector<1x1x16xf32> to vector<16xf32>
          %get3A_739 = arith.constant 6 : i32
          %get3A_740 = arith.constant 8 : i32
          %get3A_741 = arith.index_cast %get3A_739 : i32 to index
          %get3A_742 = arith.index_cast %get3A_740 : i32 to index
          %get3A_743 = arith.index_cast %mul3A_682 : i32 to index
          %get3A_744 = tpu.vector_load %arg6[%get3A_741, %get3A_742, %get3A_743] {strides = array<i32>} : memref<8x16x512xf32, #tpu.memory_space<vmem>>, vector<1x1x16xf32>,
          %get3A_745 = vector.shape_cast %get3A_744 : vector<1x1x16xf32> to vector<16xf32>
          %get3A_746 = arith.constant 6 : i32
          %get3A_747 = arith.constant 9 : i32
          %get3A_748 = arith.index_cast %get3A_746 : i32 to index
          %get3A_749 = arith.index_cast %get3A_747 : i32 to index
          %get3A_750 = arith.index_cast %mul3A_682 : i32 to index
          %get3A_751 = tpu.vector_load %arg6[%get3A_748, %get3A_749, %get3A_750] {strides = array<i32>} : memref<8x16x512xf32, #tpu.memory_space<vmem>>, vector<1x1x16xf32>,
          %get3A_752 = vector.shape_cast %get3A_751 : vector<1x1x16xf32> to vector<16xf32>
          %get3A_753 = arith.constant 6 : i32
          %get3A_754 = arith.constant 10 : i32
          %get3A_755 = arith.index_cast %get3A_753 : i32 to index
          %get3A_756 = arith.index_cast %get3A_754 : i32 to index
          %get3A_757 = arith.index_cast %mul3A_682 : i32 to index
          %get3A_758 = tpu.vector_load %arg6[%get3A_755, %get3A_756, %get3A_757] {strides = array<i32>} : memref<8x16x512xf32, #tpu.memory_space<vmem>>, vector<1x1x16xf32>,
          %get3A_759 = vector.shape_cast %get3A_758 : vector<1x1x16xf32> to vector<16xf32>
          %get3A_760 = arith.constant 6 : i32
          %get3A_761 = arith.constant 11 : i32
          %get3A_762 = arith.index_cast %get3A_760 : i32 to index
          %get3A_763 = arith.index_cast %get3A_761 : i32 to index
          %get3A_764 = arith.index_cast %mul3A_682 : i32 to index
          %get3A_765 = tpu.vector_load %arg6[%get3A_762, %get3A_763, %get3A_764] {strides = array<i32>} : memref<8x16x512xf32, #tpu.memory_space<vmem>>, vector<1x1x16xf32>,
          %get3A_766 = vector.shape_cast %get3A_765 : vector<1x1x16xf32> to vector<16xf32>
          %get3A_767 = arith.constant 6 : i32
          %get3A_768 = arith.constant 12 : i32
          %get3A_769 = arith.index_cast %get3A_767 : i32 to index
          %get3A_770 = arith.index_cast %get3A_768 : i32 to index
          %get3A_771 = arith.index_cast %mul3A_682 : i32 to index
          %get3A_772 = tpu.vector_load %arg6[%get3A_769, %get3A_770, %get3A_771] {strides = array<i32>} : memref<8x16x512xf32, #tpu.memory_space<vmem>>, vector<1x1x16xf32>,
          %get3A_773 = vector.shape_cast %get3A_772 : vector<1x1x16xf32> to vector<16xf32>
          %get3A_774 = arith.constant 6 : i32
          %get3A_775 = arith.constant 13 : i32
          %get3A_776 = arith.index_cast %get3A_774 : i32 to index
          %get3A_777 = arith.index_cast %get3A_775 : i32 to index
          %get3A_778 = arith.index_cast %mul3A_682 : i32 to index
          %get3A_779 = tpu.vector_load %arg6[%get3A_776, %get3A_777, %get3A_778] {strides = array<i32>} : memref<8x16x512xf32, #tpu.memory_space<vmem>>, vector<1x1x16xf32>,
          %get3A_780 = vector.shape_cast %get3A_779 : vector<1x1x16xf32> to vector<16xf32>
          %get3A_781 = arith.constant 6 : i32
          %get3A_782 = arith.constant 14 : i32
          %get3A_783 = arith.index_cast %get3A_781 : i32 to index
          %get3A_784 = arith.index_cast %get3A_782 : i32 to index
          %get3A_785 = arith.index_cast %mul3A_682 : i32 to index
          %get3A_786 = tpu.vector_load %arg6[%get3A_783, %get3A_784, %get3A_785] {strides = array<i32>} : memref<8x16x512xf32, #tpu.memory_space<vmem>>, vector<1x1x16xf32>,
          %get3A_787 = vector.shape_cast %get3A_786 : vector<1x1x16xf32> to vector<16xf32>
          %get3A_788 = arith.constant 6 : i32
          %get3A_789 = arith.constant 15 : i32
          %get3A_790 = arith.index_cast %get3A_788 : i32 to index
          %get3A_791 = arith.index_cast %get3A_789 : i32 to index
          %get3A_792 = arith.index_cast %mul3A_682 : i32 to index
          %get3A_793 = tpu.vector_load %arg6[%get3A_790, %get3A_791, %get3A_792] {strides = array<i32>} : memref<8x16x512xf32, #tpu.memory_space<vmem>>, vector<1x1x16xf32>,
          %get3A_794 = vector.shape_cast %get3A_793 : vector<1x1x16xf32> to vector<16xf32>
          %add3A_795 = arith.addf %get3A_689, %get3A_696 : vector<16xf32>
          %add3A_796 = arith.addf %get3A_703, %get3A_710 : vector<16xf32>
          %add3A_797 = arith.addf %get3A_717, %get3A_724 : vector<16xf32>
          %add3A_798 = arith.addf %get3A_731, %get3A_738 : vector<16xf32>
          %add3A_799 = arith.addf %get3A_745, %get3A_752 : vector<16xf32>
          %add3A_800 = arith.addf %get3A_759, %get3A_766 : vector<16xf32>
          %add3A_801 = arith.addf %get3A_773, %get3A_780 : vector<16xf32>
          %add3A_802 = arith.addf %get3A_787, %get3A_794 : vector<16xf32>
          %add3A_803 = arith.addf %add3A_795, %add3A_796 : vector<16xf32>
          %add3A_804 = arith.addf %add3A_797, %add3A_798 : vector<16xf32>
          %add3A_805 = arith.addf %add3A_799, %add3A_800 : vector<16xf32>
          %add3A_806 = arith.addf %add3A_801, %add3A_802 : vector<16xf32>
          %add3A_807 = arith.addf %add3A_803, %add3A_804 : vector<16xf32>
          %add3A_808 = arith.addf %add3A_805, %add3A_806 : vector<16xf32>
          %add3A_809 = arith.addf %add3A_807, %add3A_808 : vector<16xf32>
          %swap3A = arith.constant 0 : i32
          %swap3A_810 = arith.constant 6 : i32
          %swap3A_811 = arith.index_cast %swap3A : i32 to index
          %swap3A_812 = arith.index_cast %swap3A_810 : i32 to index
          %swap3A_813 = arith.index_cast %mul3A_682 : i32 to index
          %swap3A_814 = tpu.vector_load %arg7[%swap3A_811, %swap3A_812, %swap3A_813] {strides = array<i32>} : memref<2x8x512xf32, #tpu.memory_space<vmem>>, vector<1x1x16xf32>,
          %swap3A_815 = vector.shape_cast %swap3A_814 : vector<1x1x16xf32> to vector<16xf32>
          %swap3A_816 = vector.shape_cast %add3A_809 : vector<16xf32> to vector<1x1x16xf32>
          tpu.vector_store %arg7[%swap3A_811, %swap3A_812, %swap3A_813], %swap3A_816 {strides = array<i32>} : memref<2x8x512xf32, #tpu.memory_space<vmem>>, vector<1x1x16xf32>,
        }
        %scan3A_353 = arith.constant 32 : i32
        %add3A_354 = arith.constant 8 : i32
        %add3A_355 = arith.addi %add3A_332, %add3A_354 : i32
        %lt3A_356 = arith.cmpi slt, %add3A_355, %select_n3A_7 : i32
        %convert_element_type3A_357 = arith.extui %lt3A_356 : i1 to i32
        %cond3A_358 = arith.constant 0 : i32
        %cond3A_359 = arith.cmpi ne, %convert_element_type3A_357, %cond3A_358 : i32
        scf.if %cond3A_359 {
          %mul3A_680 = arith.constant 16 : i32
          %mul3A_681 = arith.muli %add3A_355, %mul3A_680 : i32
          %get3A_682 = arith.index_cast %mul3A_681 : i32 to index
          %get3A_683 = tpu.vector_load %arg5[%get3A_682] {strides = array<i32>} : memref<26624xi32, #tpu.memory_space<vmem>>, vector<16xi32>,
          %get3A_684 = vector.shape_cast %get3A_683 : vector<16xi32> to vector<16xi32>
          %dma_start3A_685 = arith.constant 6 : i32
          %dma_start3A_686 = arith.constant 0 : i32
          %dma_start3A_687 = arith.constant 0 : i32
          %dma_start3A_688 = tpu.memref_slice %arg6[%dma_start3A_685, %dma_start3A_686, %dma_start3A_687] : memref<8x16x512xf32, #tpu.memory_space<vmem>> -> memref<1x16x512xf32, #tpu.memory_space<vmem>>
          %dma_start3A_689 = tpu.memref_squeeze %dma_start3A_688 : memref<1x16x512xf32, #tpu.memory_space<vmem>> -> memref<16x512xf32, #tpu.memory_space<vmem>>
          %dma_start3A_690 = arith.constant 0 : i32
          %dma_start3A_691 = arith.constant 0 : i32
          %dma_start3A_692 = tpu.memref_slice %arg2[%dma_start3A_690, %dma_start3A_691] : memref<50000x512xf32, #tpu.memory_space<hbm>> -> memref<50000x512xf32, #tpu.memory_space<hbm>>
          tpu.enqueue_indirect_dma source(%dma_start3A_692 : memref<50000x512xf32, #tpu.memory_space<hbm>>) target(%dma_start3A_689 : memref<16x512xf32, #tpu.memory_space<vmem>>) offsets(%get3A_684 : vector<16xi32>) semaphore(%arg8 : memref<!tpu.dma_semaphore, #tpu.memory_space<semaphore_mem>>)
        } else {
        }
        %mul3A_360 = arith.constant 8 : i32
        %mul3A_361 = arith.muli %add3A_138, %mul3A_360 : i32
        %add3A_362 = arith.constant 7 : i32
        %add3A_363 = arith.addi %mul3A_361, %add3A_362 : i32
        %dma_wait3A_364 = arith.constant 7 : i32
        %dma_wait3A_365 = arith.constant 0 : i32
        %dma_wait3A_366 = arith.constant 0 : i32
        %dma_wait3A_367 = tpu.memref_slice %arg6[%dma_wait3A_364, %dma_wait3A_365, %dma_wait3A_366] : memref<8x16x512xf32, #tpu.memory_space<vmem>> -> memref<1x16x512xf32, #tpu.memory_space<vmem>>
        %dma_wait3A_368 = tpu.memref_squeeze %dma_wait3A_367 : memref<1x16x512xf32, #tpu.memory_space<vmem>> -> memref<16x512xf32, #tpu.memory_space<vmem>>
        %dma_wait3A_369 = arith.constant 0 : i32
        %dma_wait3A_370 = arith.constant 0 : i32
        %dma_wait3A_371 = tpu.memref_slice %arg2[%dma_wait3A_369, %dma_wait3A_370] : memref<50000x512xf32, #tpu.memory_space<hbm>> -> memref<16x512xf32, #tpu.memory_space<hbm>>
        %dma_wait3A_372 = arith.constant 0 : i32
        %dma_wait3A_373 = arith.constant 0 : i32
        %dma_wait3A_374 = tpu.memref_slice %arg6[%dma_wait3A_364, %dma_wait3A_372, %dma_wait3A_373] : memref<8x16x512xf32, #tpu.memory_space<vmem>> -> memref<1x16x512xf32, #tpu.memory_space<vmem>>
        %dma_wait3A_375 = tpu.memref_squeeze %dma_wait3A_374 : memref<1x16x512xf32, #tpu.memory_space<vmem>> -> memref<16x512xf32, #tpu.memory_space<vmem>>
        %dma_wait3A_376 = arith.constant 0 : i32
        %dma_wait3A_377 = arith.constant 0 : i32
        %dma_wait3A_378 = tpu.memref_slice %arg2[%dma_wait3A_376, %dma_wait3A_377] : memref<50000x512xf32, #tpu.memory_space<hbm>> -> memref<16x512xf32, #tpu.memory_space<hbm>>
        tpu.wait_dma2 semaphore(%arg8 : memref<!tpu.dma_semaphore, #tpu.memory_space<semaphore_mem>>) src(%dma_wait3A_378 : memref<16x512xf32, #tpu.memory_space<hbm>>) dst(%dma_wait3A_375 : memref<16x512xf32, #tpu.memory_space<vmem>>)
        %scan3A_379 = arith.constant 0 : i32
        %scan3A_380 = arith.constant 0 : i32
        %scan3A_381 = arith.constant 32 : i32
        %scan3A_382 = arith.addi %scan3A_380, %scan3A_381 : i32
        %scan3A_383 = arith.constant 1 : i32
        scf.for %scan3A_680 = %scan3A_380 to %scan3A_382 step %scan3A_383  : i32 {
          %mul3A_681 = arith.constant 16 : i32
          %mul3A_682 = arith.muli %scan3A_680, %mul3A_681 : i32
          %get3A_683 = arith.constant 7 : i32
          %get3A_684 = arith.constant 0 : i32
          %get3A_685 = arith.index_cast %get3A_683 : i32 to index
          %get3A_686 = arith.index_cast %get3A_684 : i32 to index
          %get3A_687 = arith.index_cast %mul3A_682 : i32 to index
          %get3A_688 = tpu.vector_load %arg6[%get3A_685, %get3A_686, %get3A_687] {strides = array<i32>} : memref<8x16x512xf32, #tpu.memory_space<vmem>>, vector<1x1x16xf32>,
          %get3A_689 = vector.shape_cast %get3A_688 : vector<1x1x16xf32> to vector<16xf32>
          %get3A_690 = arith.constant 7 : i32
          %get3A_691 = arith.constant 1 : i32
          %get3A_692 = arith.index_cast %get3A_690 : i32 to index
          %get3A_693 = arith.index_cast %get3A_691 : i32 to index
          %get3A_694 = arith.index_cast %mul3A_682 : i32 to index
          %get3A_695 = tpu.vector_load %arg6[%get3A_692, %get3A_693, %get3A_694] {strides = array<i32>} : memref<8x16x512xf32, #tpu.memory_space<vmem>>, vector<1x1x16xf32>,
          %get3A_696 = vector.shape_cast %get3A_695 : vector<1x1x16xf32> to vector<16xf32>
          %get3A_697 = arith.constant 7 : i32
          %get3A_698 = arith.constant 2 : i32
          %get3A_699 = arith.index_cast %get3A_697 : i32 to index
          %get3A_700 = arith.index_cast %get3A_698 : i32 to index
          %get3A_701 = arith.index_cast %mul3A_682 : i32 to index
          %get3A_702 = tpu.vector_load %arg6[%get3A_699, %get3A_700, %get3A_701] {strides = array<i32>} : memref<8x16x512xf32, #tpu.memory_space<vmem>>, vector<1x1x16xf32>,
          %get3A_703 = vector.shape_cast %get3A_702 : vector<1x1x16xf32> to vector<16xf32>
          %get3A_704 = arith.constant 7 : i32
          %get3A_705 = arith.constant 3 : i32
          %get3A_706 = arith.index_cast %get3A_704 : i32 to index
          %get3A_707 = arith.index_cast %get3A_705 : i32 to index
          %get3A_708 = arith.index_cast %mul3A_682 : i32 to index
          %get3A_709 = tpu.vector_load %arg6[%get3A_706, %get3A_707, %get3A_708] {strides = array<i32>} : memref<8x16x512xf32, #tpu.memory_space<vmem>>, vector<1x1x16xf32>,
          %get3A_710 = vector.shape_cast %get3A_709 : vector<1x1x16xf32> to vector<16xf32>
          %get3A_711 = arith.constant 7 : i32
          %get3A_712 = arith.constant 4 : i32
          %get3A_713 = arith.index_cast %get3A_711 : i32 to index
          %get3A_714 = arith.index_cast %get3A_712 : i32 to index
          %get3A_715 = arith.index_cast %mul3A_682 : i32 to index
          %get3A_716 = tpu.vector_load %arg6[%get3A_713, %get3A_714, %get3A_715] {strides = array<i32>} : memref<8x16x512xf32, #tpu.memory_space<vmem>>, vector<1x1x16xf32>,
          %get3A_717 = vector.shape_cast %get3A_716 : vector<1x1x16xf32> to vector<16xf32>
          %get3A_718 = arith.constant 7 : i32
          %get3A_719 = arith.constant 5 : i32
          %get3A_720 = arith.index_cast %get3A_718 : i32 to index
          %get3A_721 = arith.index_cast %get3A_719 : i32 to index
          %get3A_722 = arith.index_cast %mul3A_682 : i32 to index
          %get3A_723 = tpu.vector_load %arg6[%get3A_720, %get3A_721, %get3A_722] {strides = array<i32>} : memref<8x16x512xf32, #tpu.memory_space<vmem>>, vector<1x1x16xf32>,
          %get3A_724 = vector.shape_cast %get3A_723 : vector<1x1x16xf32> to vector<16xf32>
          %get3A_725 = arith.constant 7 : i32
          %get3A_726 = arith.constant 6 : i32
          %get3A_727 = arith.index_cast %get3A_725 : i32 to index
          %get3A_728 = arith.index_cast %get3A_726 : i32 to index
          %get3A_729 = arith.index_cast %mul3A_682 : i32 to index
          %get3A_730 = tpu.vector_load %arg6[%get3A_727, %get3A_728, %get3A_729] {strides = array<i32>} : memref<8x16x512xf32, #tpu.memory_space<vmem>>, vector<1x1x16xf32>,
          %get3A_731 = vector.shape_cast %get3A_730 : vector<1x1x16xf32> to vector<16xf32>
          %get3A_732 = arith.constant 7 : i32
          %get3A_733 = arith.constant 7 : i32
          %get3A_734 = arith.index_cast %get3A_732 : i32 to index
          %get3A_735 = arith.index_cast %get3A_733 : i32 to index
          %get3A_736 = arith.index_cast %mul3A_682 : i32 to index
          %get3A_737 = tpu.vector_load %arg6[%get3A_734, %get3A_735, %get3A_736] {strides = array<i32>} : memref<8x16x512xf32, #tpu.memory_space<vmem>>, vector<1x1x16xf32>,
          %get3A_738 = vector.shape_cast %get3A_737 : vector<1x1x16xf32> to vector<16xf32>
          %get3A_739 = arith.constant 7 : i32
          %get3A_740 = arith.constant 8 : i32
          %get3A_741 = arith.index_cast %get3A_739 : i32 to index
          %get3A_742 = arith.index_cast %get3A_740 : i32 to index
          %get3A_743 = arith.index_cast %mul3A_682 : i32 to index
          %get3A_744 = tpu.vector_load %arg6[%get3A_741, %get3A_742, %get3A_743] {strides = array<i32>} : memref<8x16x512xf32, #tpu.memory_space<vmem>>, vector<1x1x16xf32>,
          %get3A_745 = vector.shape_cast %get3A_744 : vector<1x1x16xf32> to vector<16xf32>
          %get3A_746 = arith.constant 7 : i32
          %get3A_747 = arith.constant 9 : i32
          %get3A_748 = arith.index_cast %get3A_746 : i32 to index
          %get3A_749 = arith.index_cast %get3A_747 : i32 to index
          %get3A_750 = arith.index_cast %mul3A_682 : i32 to index
          %get3A_751 = tpu.vector_load %arg6[%get3A_748, %get3A_749, %get3A_750] {strides = array<i32>} : memref<8x16x512xf32, #tpu.memory_space<vmem>>, vector<1x1x16xf32>,
          %get3A_752 = vector.shape_cast %get3A_751 : vector<1x1x16xf32> to vector<16xf32>
          %get3A_753 = arith.constant 7 : i32
          %get3A_754 = arith.constant 10 : i32
          %get3A_755 = arith.index_cast %get3A_753 : i32 to index
          %get3A_756 = arith.index_cast %get3A_754 : i32 to index
          %get3A_757 = arith.index_cast %mul3A_682 : i32 to index
          %get3A_758 = tpu.vector_load %arg6[%get3A_755, %get3A_756, %get3A_757] {strides = array<i32>} : memref<8x16x512xf32, #tpu.memory_space<vmem>>, vector<1x1x16xf32>,
          %get3A_759 = vector.shape_cast %get3A_758 : vector<1x1x16xf32> to vector<16xf32>
          %get3A_760 = arith.constant 7 : i32
          %get3A_761 = arith.constant 11 : i32
          %get3A_762 = arith.index_cast %get3A_760 : i32 to index
          %get3A_763 = arith.index_cast %get3A_761 : i32 to index
          %get3A_764 = arith.index_cast %mul3A_682 : i32 to index
          %get3A_765 = tpu.vector_load %arg6[%get3A_762, %get3A_763, %get3A_764] {strides = array<i32>} : memref<8x16x512xf32, #tpu.memory_space<vmem>>, vector<1x1x16xf32>,
          %get3A_766 = vector.shape_cast %get3A_765 : vector<1x1x16xf32> to vector<16xf32>
          %get3A_767 = arith.constant 7 : i32
          %get3A_768 = arith.constant 12 : i32
          %get3A_769 = arith.index_cast %get3A_767 : i32 to index
          %get3A_770 = arith.index_cast %get3A_768 : i32 to index
          %get3A_771 = arith.index_cast %mul3A_682 : i32 to index
          %get3A_772 = tpu.vector_load %arg6[%get3A_769, %get3A_770, %get3A_771] {strides = array<i32>} : memref<8x16x512xf32, #tpu.memory_space<vmem>>, vector<1x1x16xf32>,
          %get3A_773 = vector.shape_cast %get3A_772 : vector<1x1x16xf32> to vector<16xf32>
          %get3A_774 = arith.constant 7 : i32
          %get3A_775 = arith.constant 13 : i32
          %get3A_776 = arith.index_cast %get3A_774 : i32 to index
          %get3A_777 = arith.index_cast %get3A_775 : i32 to index
          %get3A_778 = arith.index_cast %mul3A_682 : i32 to index
          %get3A_779 = tpu.vector_load %arg6[%get3A_776, %get3A_777, %get3A_778] {strides = array<i32>} : memref<8x16x512xf32, #tpu.memory_space<vmem>>, vector<1x1x16xf32>,
          %get3A_780 = vector.shape_cast %get3A_779 : vector<1x1x16xf32> to vector<16xf32>
          %get3A_781 = arith.constant 7 : i32
          %get3A_782 = arith.constant 14 : i32
          %get3A_783 = arith.index_cast %get3A_781 : i32 to index
          %get3A_784 = arith.index_cast %get3A_782 : i32 to index
          %get3A_785 = arith.index_cast %mul3A_682 : i32 to index
          %get3A_786 = tpu.vector_load %arg6[%get3A_783, %get3A_784, %get3A_785] {strides = array<i32>} : memref<8x16x512xf32, #tpu.memory_space<vmem>>, vector<1x1x16xf32>,
          %get3A_787 = vector.shape_cast %get3A_786 : vector<1x1x16xf32> to vector<16xf32>
          %get3A_788 = arith.constant 7 : i32
          %get3A_789 = arith.constant 15 : i32
          %get3A_790 = arith.index_cast %get3A_788 : i32 to index
          %get3A_791 = arith.index_cast %get3A_789 : i32 to index
          %get3A_792 = arith.index_cast %mul3A_682 : i32 to index
          %get3A_793 = tpu.vector_load %arg6[%get3A_790, %get3A_791, %get3A_792] {strides = array<i32>} : memref<8x16x512xf32, #tpu.memory_space<vmem>>, vector<1x1x16xf32>,
          %get3A_794 = vector.shape_cast %get3A_793 : vector<1x1x16xf32> to vector<16xf32>
          %add3A_795 = arith.addf %get3A_689, %get3A_696 : vector<16xf32>
          %add3A_796 = arith.addf %get3A_703, %get3A_710 : vector<16xf32>
          %add3A_797 = arith.addf %get3A_717, %get3A_724 : vector<16xf32>
          %add3A_798 = arith.addf %get3A_731, %get3A_738 : vector<16xf32>
          %add3A_799 = arith.addf %get3A_745, %get3A_752 : vector<16xf32>
          %add3A_800 = arith.addf %get3A_759, %get3A_766 : vector<16xf32>
          %add3A_801 = arith.addf %get3A_773, %get3A_780 : vector<16xf32>
          %add3A_802 = arith.addf %get3A_787, %get3A_794 : vector<16xf32>
          %add3A_803 = arith.addf %add3A_795, %add3A_796 : vector<16xf32>
          %add3A_804 = arith.addf %add3A_797, %add3A_798 : vector<16xf32>
          %add3A_805 = arith.addf %add3A_799, %add3A_800 : vector<16xf32>
          %add3A_806 = arith.addf %add3A_801, %add3A_802 : vector<16xf32>
          %add3A_807 = arith.addf %add3A_803, %add3A_804 : vector<16xf32>
          %add3A_808 = arith.addf %add3A_805, %add3A_806 : vector<16xf32>
          %add3A_809 = arith.addf %add3A_807, %add3A_808 : vector<16xf32>
          %swap3A = arith.constant 0 : i32
          %swap3A_810 = arith.constant 7 : i32
          %swap3A_811 = arith.index_cast %swap3A : i32 to index
          %swap3A_812 = arith.index_cast %swap3A_810 : i32 to index
          %swap3A_813 = arith.index_cast %mul3A_682 : i32 to index
          %swap3A_814 = tpu.vector_load %arg7[%swap3A_811, %swap3A_812, %swap3A_813] {strides = array<i32>} : memref<2x8x512xf32, #tpu.memory_space<vmem>>, vector<1x1x16xf32>,
          %swap3A_815 = vector.shape_cast %swap3A_814 : vector<1x1x16xf32> to vector<16xf32>
          %swap3A_816 = vector.shape_cast %add3A_809 : vector<16xf32> to vector<1x1x16xf32>
          tpu.vector_store %arg7[%swap3A_811, %swap3A_812, %swap3A_813], %swap3A_816 {strides = array<i32>} : memref<2x8x512xf32, #tpu.memory_space<vmem>>, vector<1x1x16xf32>,
        }
        %scan3A_384 = arith.constant 32 : i32
        %add3A_385 = arith.constant 8 : i32
        %add3A_386 = arith.addi %add3A_363, %add3A_385 : i32
        %lt3A_387 = arith.cmpi slt, %add3A_386, %select_n3A_7 : i32
        %convert_element_type3A_388 = arith.extui %lt3A_387 : i1 to i32
        %cond3A_389 = arith.constant 0 : i32
        %cond3A_390 = arith.cmpi ne, %convert_element_type3A_388, %cond3A_389 : i32
        scf.if %cond3A_390 {
          %mul3A_680 = arith.constant 16 : i32
          %mul3A_681 = arith.muli %add3A_386, %mul3A_680 : i32
          %get3A_682 = arith.index_cast %mul3A_681 : i32 to index
          %get3A_683 = tpu.vector_load %arg5[%get3A_682] {strides = array<i32>} : memref<26624xi32, #tpu.memory_space<vmem>>, vector<16xi32>,
          %get3A_684 = vector.shape_cast %get3A_683 : vector<16xi32> to vector<16xi32>
          %dma_start3A_685 = arith.constant 7 : i32
          %dma_start3A_686 = arith.constant 0 : i32
          %dma_start3A_687 = arith.constant 0 : i32
          %dma_start3A_688 = tpu.memref_slice %arg6[%dma_start3A_685, %dma_start3A_686, %dma_start3A_687] : memref<8x16x512xf32, #tpu.memory_space<vmem>> -> memref<1x16x512xf32, #tpu.memory_space<vmem>>
          %dma_start3A_689 = tpu.memref_squeeze %dma_start3A_688 : memref<1x16x512xf32, #tpu.memory_space<vmem>> -> memref<16x512xf32, #tpu.memory_space<vmem>>
          %dma_start3A_690 = arith.constant 0 : i32
          %dma_start3A_691 = arith.constant 0 : i32
          %dma_start3A_692 = tpu.memref_slice %arg2[%dma_start3A_690, %dma_start3A_691] : memref<50000x512xf32, #tpu.memory_space<hbm>> -> memref<50000x512xf32, #tpu.memory_space<hbm>>
          tpu.enqueue_indirect_dma source(%dma_start3A_692 : memref<50000x512xf32, #tpu.memory_space<hbm>>) target(%dma_start3A_689 : memref<16x512xf32, #tpu.memory_space<vmem>>) offsets(%get3A_684 : vector<16xi32>) semaphore(%arg8 : memref<!tpu.dma_semaphore, #tpu.memory_space<semaphore_mem>>)
        } else {
        }
        %mul3A_391 = arith.constant 8 : i32
        %mul3A_392 = arith.muli %add3A_138, %mul3A_391 : i32
        %add3A_393 = arith.addi %select_n3A, %mul3A_392 : i32
        %dma_start3A_394 = arith.constant 0 : i32
        %dma_start3A_395 = arith.constant 0 : i32
        %dma_start3A_396 = arith.constant 0 : i32
        %dma_start3A_397 = tpu.memref_slice %arg7[%dma_start3A_394, %dma_start3A_395, %dma_start3A_396] : memref<2x8x512xf32, #tpu.memory_space<vmem>> -> memref<1x8x512xf32, #tpu.memory_space<vmem>>
        %dma_start3A_398 = tpu.memref_squeeze %dma_start3A_397 : memref<1x8x512xf32, #tpu.memory_space<vmem>> -> memref<8x512xf32, #tpu.memory_space<vmem>>
        %dma_start3A_399 = arith.constant 0 : i32
        %dma_start3A_400 = tpu.memref_slice %arg4[%add3A_393, %dma_start3A_399] : memref<50176x512xf32, #tpu.memory_space<hbm>> -> memref<8x512xf32, #tpu.memory_space<hbm>>
        %dma_start3A_401 = arith.constant 0 : i32
        %dma_start3A_402 = tpu.memref_slice %arg4[%add3A_393, %dma_start3A_401] : memref<50176x512xf32, #tpu.memory_space<hbm>> -> memref<8x512xf32, #tpu.memory_space<hbm>>
        %dma_start3A_403 = arith.constant 0 : i32
        %dma_start3A_404 = arith.constant 0 : i32
        %dma_start3A_405 = tpu.memref_slice %arg7[%dma_start3A_394, %dma_start3A_403, %dma_start3A_404] : memref<2x8x512xf32, #tpu.memory_space<vmem>> -> memref<1x8x512xf32, #tpu.memory_space<vmem>>
        %dma_start3A_406 = tpu.memref_squeeze %dma_start3A_405 : memref<1x8x512xf32, #tpu.memory_space<vmem>> -> memref<8x512xf32, #tpu.memory_space<vmem>>
        tpu.enqueue_dma source(%dma_start3A_406 : memref<8x512xf32, #tpu.memory_space<vmem>>) target(%dma_start3A_402 : memref<8x512xf32, #tpu.memory_space<hbm>>) target_semaphore(%arg9 : memref<!tpu.dma_semaphore, #tpu.memory_space<semaphore_mem>>)
        %mul3A_407 = arith.constant 2 : i32
        %mul3A_408 = arith.muli %scan3A_133, %mul3A_407 : i32
        %add3A_409 = arith.constant 1 : i32
        %add3A_410 = arith.addi %mul3A_408, %add3A_409 : i32
        %gt3A_411 = arith.constant 0 : i32
        %gt3A_412 = arith.cmpi sgt, %scan3A_133, %gt3A_411 : i32
        %convert_element_type3A_413 = arith.extui %gt3A_412 : i1 to i32
        %cond3A_414 = arith.constant 0 : i32
        %cond3A_415 = arith.cmpi ne, %convert_element_type3A_413, %cond3A_414 : i32
        scf.if %cond3A_415 {
          %dma_wait3A_680 = arith.constant 1 : i32
          %dma_wait3A_681 = arith.constant 0 : i32
          %dma_wait3A_682 = arith.constant 0 : i32
          %dma_wait3A_683 = tpu.memref_slice %arg7[%dma_wait3A_680, %dma_wait3A_681, %dma_wait3A_682] : memref<2x8x512xf32, #tpu.memory_space<vmem>> -> memref<1x8x512xf32, #tpu.memory_space<vmem>>
          %dma_wait3A_684 = tpu.memref_squeeze %dma_wait3A_683 : memref<1x8x512xf32, #tpu.memory_space<vmem>> -> memref<8x512xf32, #tpu.memory_space<vmem>>
          %dma_wait3A_685 = arith.constant 0 : i32
          %dma_wait3A_686 = arith.constant 0 : i32
          %dma_wait3A_687 = tpu.memref_slice %arg4[%dma_wait3A_685, %dma_wait3A_686] : memref<50176x512xf32, #tpu.memory_space<hbm>> -> memref<8x512xf32, #tpu.memory_space<hbm>>
          %dma_wait3A_688 = arith.constant 0 : i32
          %dma_wait3A_689 = arith.constant 0 : i32
          %dma_wait3A_690 = tpu.memref_slice %arg4[%dma_wait3A_688, %dma_wait3A_689] : memref<50176x512xf32, #tpu.memory_space<hbm>> -> memref<8x512xf32, #tpu.memory_space<hbm>>
          %dma_wait3A_691 = arith.constant 0 : i32
          %dma_wait3A_692 = arith.constant 0 : i32
          %dma_wait3A_693 = tpu.memref_slice %arg7[%dma_wait3A_680, %dma_wait3A_691, %dma_wait3A_692] : memref<2x8x512xf32, #tpu.memory_space<vmem>> -> memref<1x8x512xf32, #tpu.memory_space<vmem>>
          %dma_wait3A_694 = tpu.memref_squeeze %dma_wait3A_693 : memref<1x8x512xf32, #tpu.memory_space<vmem>> -> memref<8x512xf32, #tpu.memory_space<vmem>>
          tpu.wait_dma2 semaphore(%arg9 : memref<!tpu.dma_semaphore, #tpu.memory_space<semaphore_mem>>) src(%dma_wait3A_694 : memref<8x512xf32, #tpu.memory_space<vmem>>) dst(%dma_wait3A_690 : memref<8x512xf32, #tpu.memory_space<hbm>>)
        } else {
        }
        %mul3A_416 = arith.constant 8 : i32
        %mul3A_417 = arith.muli %add3A_410, %mul3A_416 : i32
        %add3A_418 = arith.constant 0 : i32
        %add3A_419 = arith.addi %mul3A_417, %add3A_418 : i32
        %dma_wait3A_420 = arith.constant 0 : i32
        %dma_wait3A_421 = arith.constant 0 : i32
        %dma_wait3A_422 = arith.constant 0 : i32
        %dma_wait3A_423 = tpu.memref_slice %arg6[%dma_wait3A_420, %dma_wait3A_421, %dma_wait3A_422] : memref<8x16x512xf32, #tpu.memory_space<vmem>> -> memref<1x16x512xf32, #tpu.memory_space<vmem>>
        %dma_wait3A_424 = tpu.memref_squeeze %dma_wait3A_423 : memref<1x16x512xf32, #tpu.memory_space<vmem>> -> memref<16x512xf32, #tpu.memory_space<vmem>>
        %dma_wait3A_425 = arith.constant 0 : i32
        %dma_wait3A_426 = arith.constant 0 : i32
        %dma_wait3A_427 = tpu.memref_slice %arg2[%dma_wait3A_425, %dma_wait3A_426] : memref<50000x512xf32, #tpu.memory_space<hbm>> -> memref<16x512xf32, #tpu.memory_space<hbm>>
        %dma_wait3A_428 = arith.constant 0 : i32
        %dma_wait3A_429 = arith.constant 0 : i32
        %dma_wait3A_430 = tpu.memref_slice %arg6[%dma_wait3A_420, %dma_wait3A_428, %dma_wait3A_429] : memref<8x16x512xf32, #tpu.memory_space<vmem>> -> memref<1x16x512xf32, #tpu.memory_space<vmem>>
        %dma_wait3A_431 = tpu.memref_squeeze %dma_wait3A_430 : memref<1x16x512xf32, #tpu.memory_space<vmem>> -> memref<16x512xf32, #tpu.memory_space<vmem>>
        %dma_wait3A_432 = arith.constant 0 : i32
        %dma_wait3A_433 = arith.constant 0 : i32
        %dma_wait3A_434 = tpu.memref_slice %arg2[%dma_wait3A_432, %dma_wait3A_433] : memref<50000x512xf32, #tpu.memory_space<hbm>> -> memref<16x512xf32, #tpu.memory_space<hbm>>
        tpu.wait_dma2 semaphore(%arg8 : memref<!tpu.dma_semaphore, #tpu.memory_space<semaphore_mem>>) src(%dma_wait3A_434 : memref<16x512xf32, #tpu.memory_space<hbm>>) dst(%dma_wait3A_431 : memref<16x512xf32, #tpu.memory_space<vmem>>)
        %scan3A_435 = arith.constant 0 : i32
        %scan3A_436 = arith.constant 0 : i32
        %scan3A_437 = arith.constant 32 : i32
        %scan3A_438 = arith.addi %scan3A_436, %scan3A_437 : i32
        %scan3A_439 = arith.constant 1 : i32
        scf.for %scan3A_680 = %scan3A_436 to %scan3A_438 step %scan3A_439  : i32 {
          %mul3A_681 = arith.constant 16 : i32
          %mul3A_682 = arith.muli %scan3A_680, %mul3A_681 : i32
          %get3A_683 = arith.constant 0 : i32
          %get3A_684 = arith.constant 0 : i32
          %get3A_685 = arith.index_cast %get3A_683 : i32 to index
          %get3A_686 = arith.index_cast %get3A_684 : i32 to index
          %get3A_687 = arith.index_cast %mul3A_682 : i32 to index
          %get3A_688 = tpu.vector_load %arg6[%get3A_685, %get3A_686, %get3A_687] {strides = array<i32>} : memref<8x16x512xf32, #tpu.memory_space<vmem>>, vector<1x1x16xf32>,
          %get3A_689 = vector.shape_cast %get3A_688 : vector<1x1x16xf32> to vector<16xf32>
          %get3A_690 = arith.constant 0 : i32
          %get3A_691 = arith.constant 1 : i32
          %get3A_692 = arith.index_cast %get3A_690 : i32 to index
          %get3A_693 = arith.index_cast %get3A_691 : i32 to index
          %get3A_694 = arith.index_cast %mul3A_682 : i32 to index
          %get3A_695 = tpu.vector_load %arg6[%get3A_692, %get3A_693, %get3A_694] {strides = array<i32>} : memref<8x16x512xf32, #tpu.memory_space<vmem>>, vector<1x1x16xf32>,
          %get3A_696 = vector.shape_cast %get3A_695 : vector<1x1x16xf32> to vector<16xf32>
          %get3A_697 = arith.constant 0 : i32
          %get3A_698 = arith.constant 2 : i32
          %get3A_699 = arith.index_cast %get3A_697 : i32 to index
          %get3A_700 = arith.index_cast %get3A_698 : i32 to index
          %get3A_701 = arith.index_cast %mul3A_682 : i32 to index
          %get3A_702 = tpu.vector_load %arg6[%get3A_699, %get3A_700, %get3A_701] {strides = array<i32>} : memref<8x16x512xf32, #tpu.memory_space<vmem>>, vector<1x1x16xf32>,
          %get3A_703 = vector.shape_cast %get3A_702 : vector<1x1x16xf32> to vector<16xf32>
          %get3A_704 = arith.constant 0 : i32
          %get3A_705 = arith.constant 3 : i32
          %get3A_706 = arith.index_cast %get3A_704 : i32 to index
          %get3A_707 = arith.index_cast %get3A_705 : i32 to index
          %get3A_708 = arith.index_cast %mul3A_682 : i32 to index
          %get3A_709 = tpu.vector_load %arg6[%get3A_706, %get3A_707, %get3A_708] {strides = array<i32>} : memref<8x16x512xf32, #tpu.memory_space<vmem>>, vector<1x1x16xf32>,
          %get3A_710 = vector.shape_cast %get3A_709 : vector<1x1x16xf32> to vector<16xf32>
          %get3A_711 = arith.constant 0 : i32
          %get3A_712 = arith.constant 4 : i32
          %get3A_713 = arith.index_cast %get3A_711 : i32 to index
          %get3A_714 = arith.index_cast %get3A_712 : i32 to index
          %get3A_715 = arith.index_cast %mul3A_682 : i32 to index
          %get3A_716 = tpu.vector_load %arg6[%get3A_713, %get3A_714, %get3A_715] {strides = array<i32>} : memref<8x16x512xf32, #tpu.memory_space<vmem>>, vector<1x1x16xf32>,
          %get3A_717 = vector.shape_cast %get3A_716 : vector<1x1x16xf32> to vector<16xf32>
          %get3A_718 = arith.constant 0 : i32
          %get3A_719 = arith.constant 5 : i32
          %get3A_720 = arith.index_cast %get3A_718 : i32 to index
          %get3A_721 = arith.index_cast %get3A_719 : i32 to index
          %get3A_722 = arith.index_cast %mul3A_682 : i32 to index
          %get3A_723 = tpu.vector_load %arg6[%get3A_720, %get3A_721, %get3A_722] {strides = array<i32>} : memref<8x16x512xf32, #tpu.memory_space<vmem>>, vector<1x1x16xf32>,
          %get3A_724 = vector.shape_cast %get3A_723 : vector<1x1x16xf32> to vector<16xf32>
          %get3A_725 = arith.constant 0 : i32
          %get3A_726 = arith.constant 6 : i32
          %get3A_727 = arith.index_cast %get3A_725 : i32 to index
          %get3A_728 = arith.index_cast %get3A_726 : i32 to index
          %get3A_729 = arith.index_cast %mul3A_682 : i32 to index
          %get3A_730 = tpu.vector_load %arg6[%get3A_727, %get3A_728, %get3A_729] {strides = array<i32>} : memref<8x16x512xf32, #tpu.memory_space<vmem>>, vector<1x1x16xf32>,
          %get3A_731 = vector.shape_cast %get3A_730 : vector<1x1x16xf32> to vector<16xf32>
          %get3A_732 = arith.constant 0 : i32
          %get3A_733 = arith.constant 7 : i32
          %get3A_734 = arith.index_cast %get3A_732 : i32 to index
          %get3A_735 = arith.index_cast %get3A_733 : i32 to index
          %get3A_736 = arith.index_cast %mul3A_682 : i32 to index
          %get3A_737 = tpu.vector_load %arg6[%get3A_734, %get3A_735, %get3A_736] {strides = array<i32>} : memref<8x16x512xf32, #tpu.memory_space<vmem>>, vector<1x1x16xf32>,
          %get3A_738 = vector.shape_cast %get3A_737 : vector<1x1x16xf32> to vector<16xf32>
          %get3A_739 = arith.constant 0 : i32
          %get3A_740 = arith.constant 8 : i32
          %get3A_741 = arith.index_cast %get3A_739 : i32 to index
          %get3A_742 = arith.index_cast %get3A_740 : i32 to index
          %get3A_743 = arith.index_cast %mul3A_682 : i32 to index
          %get3A_744 = tpu.vector_load %arg6[%get3A_741, %get3A_742, %get3A_743] {strides = array<i32>} : memref<8x16x512xf32, #tpu.memory_space<vmem>>, vector<1x1x16xf32>,
          %get3A_745 = vector.shape_cast %get3A_744 : vector<1x1x16xf32> to vector<16xf32>
          %get3A_746 = arith.constant 0 : i32
          %get3A_747 = arith.constant 9 : i32
          %get3A_748 = arith.index_cast %get3A_746 : i32 to index
          %get3A_749 = arith.index_cast %get3A_747 : i32 to index
          %get3A_750 = arith.index_cast %mul3A_682 : i32 to index
          %get3A_751 = tpu.vector_load %arg6[%get3A_748, %get3A_749, %get3A_750] {strides = array<i32>} : memref<8x16x512xf32, #tpu.memory_space<vmem>>, vector<1x1x16xf32>,
          %get3A_752 = vector.shape_cast %get3A_751 : vector<1x1x16xf32> to vector<16xf32>
          %get3A_753 = arith.constant 0 : i32
          %get3A_754 = arith.constant 10 : i32
          %get3A_755 = arith.index_cast %get3A_753 : i32 to index
          %get3A_756 = arith.index_cast %get3A_754 : i32 to index
          %get3A_757 = arith.index_cast %mul3A_682 : i32 to index
          %get3A_758 = tpu.vector_load %arg6[%get3A_755, %get3A_756, %get3A_757] {strides = array<i32>} : memref<8x16x512xf32, #tpu.memory_space<vmem>>, vector<1x1x16xf32>,
          %get3A_759 = vector.shape_cast %get3A_758 : vector<1x1x16xf32> to vector<16xf32>
          %get3A_760 = arith.constant 0 : i32
          %get3A_761 = arith.constant 11 : i32
          %get3A_762 = arith.index_cast %get3A_760 : i32 to index
          %get3A_763 = arith.index_cast %get3A_761 : i32 to index
          %get3A_764 = arith.index_cast %mul3A_682 : i32 to index
          %get3A_765 = tpu.vector_load %arg6[%get3A_762, %get3A_763, %get3A_764] {strides = array<i32>} : memref<8x16x512xf32, #tpu.memory_space<vmem>>, vector<1x1x16xf32>,
          %get3A_766 = vector.shape_cast %get3A_765 : vector<1x1x16xf32> to vector<16xf32>
          %get3A_767 = arith.constant 0 : i32
          %get3A_768 = arith.constant 12 : i32
          %get3A_769 = arith.index_cast %get3A_767 : i32 to index
          %get3A_770 = arith.index_cast %get3A_768 : i32 to index
          %get3A_771 = arith.index_cast %mul3A_682 : i32 to index
          %get3A_772 = tpu.vector_load %arg6[%get3A_769, %get3A_770, %get3A_771] {strides = array<i32>} : memref<8x16x512xf32, #tpu.memory_space<vmem>>, vector<1x1x16xf32>,
          %get3A_773 = vector.shape_cast %get3A_772 : vector<1x1x16xf32> to vector<16xf32>
          %get3A_774 = arith.constant 0 : i32
          %get3A_775 = arith.constant 13 : i32
          %get3A_776 = arith.index_cast %get3A_774 : i32 to index
          %get3A_777 = arith.index_cast %get3A_775 : i32 to index
          %get3A_778 = arith.index_cast %mul3A_682 : i32 to index
          %get3A_779 = tpu.vector_load %arg6[%get3A_776, %get3A_777, %get3A_778] {strides = array<i32>} : memref<8x16x512xf32, #tpu.memory_space<vmem>>, vector<1x1x16xf32>,
          %get3A_780 = vector.shape_cast %get3A_779 : vector<1x1x16xf32> to vector<16xf32>
          %get3A_781 = arith.constant 0 : i32
          %get3A_782 = arith.constant 14 : i32
          %get3A_783 = arith.index_cast %get3A_781 : i32 to index
          %get3A_784 = arith.index_cast %get3A_782 : i32 to index
          %get3A_785 = arith.index_cast %mul3A_682 : i32 to index
          %get3A_786 = tpu.vector_load %arg6[%get3A_783, %get3A_784, %get3A_785] {strides = array<i32>} : memref<8x16x512xf32, #tpu.memory_space<vmem>>, vector<1x1x16xf32>,
          %get3A_787 = vector.shape_cast %get3A_786 : vector<1x1x16xf32> to vector<16xf32>
          %get3A_788 = arith.constant 0 : i32
          %get3A_789 = arith.constant 15 : i32
          %get3A_790 = arith.index_cast %get3A_788 : i32 to index
          %get3A_791 = arith.index_cast %get3A_789 : i32 to index
          %get3A_792 = arith.index_cast %mul3A_682 : i32 to index
          %get3A_793 = tpu.vector_load %arg6[%get3A_790, %get3A_791, %get3A_792] {strides = array<i32>} : memref<8x16x512xf32, #tpu.memory_space<vmem>>, vector<1x1x16xf32>,
          %get3A_794 = vector.shape_cast %get3A_793 : vector<1x1x16xf32> to vector<16xf32>
          %add3A_795 = arith.addf %get3A_689, %get3A_696 : vector<16xf32>
          %add3A_796 = arith.addf %get3A_703, %get3A_710 : vector<16xf32>
          %add3A_797 = arith.addf %get3A_717, %get3A_724 : vector<16xf32>
          %add3A_798 = arith.addf %get3A_731, %get3A_738 : vector<16xf32>
          %add3A_799 = arith.addf %get3A_745, %get3A_752 : vector<16xf32>
          %add3A_800 = arith.addf %get3A_759, %get3A_766 : vector<16xf32>
          %add3A_801 = arith.addf %get3A_773, %get3A_780 : vector<16xf32>
          %add3A_802 = arith.addf %get3A_787, %get3A_794 : vector<16xf32>
          %add3A_803 = arith.addf %add3A_795, %add3A_796 : vector<16xf32>
          %add3A_804 = arith.addf %add3A_797, %add3A_798 : vector<16xf32>
          %add3A_805 = arith.addf %add3A_799, %add3A_800 : vector<16xf32>
          %add3A_806 = arith.addf %add3A_801, %add3A_802 : vector<16xf32>
          %add3A_807 = arith.addf %add3A_803, %add3A_804 : vector<16xf32>
          %add3A_808 = arith.addf %add3A_805, %add3A_806 : vector<16xf32>
          %add3A_809 = arith.addf %add3A_807, %add3A_808 : vector<16xf32>
          %swap3A = arith.constant 1 : i32
          %swap3A_810 = arith.constant 0 : i32
          %swap3A_811 = arith.index_cast %swap3A : i32 to index
          %swap3A_812 = arith.index_cast %swap3A_810 : i32 to index
          %swap3A_813 = arith.index_cast %mul3A_682 : i32 to index
          %swap3A_814 = tpu.vector_load %arg7[%swap3A_811, %swap3A_812, %swap3A_813] {strides = array<i32>} : memref<2x8x512xf32, #tpu.memory_space<vmem>>, vector<1x1x16xf32>,
          %swap3A_815 = vector.shape_cast %swap3A_814 : vector<1x1x16xf32> to vector<16xf32>
          %swap3A_816 = vector.shape_cast %add3A_809 : vector<16xf32> to vector<1x1x16xf32>
          tpu.vector_store %arg7[%swap3A_811, %swap3A_812, %swap3A_813], %swap3A_816 {strides = array<i32>} : memref<2x8x512xf32, #tpu.memory_space<vmem>>, vector<1x1x16xf32>,
        }
        %scan3A_440 = arith.constant 32 : i32
        %add3A_441 = arith.constant 8 : i32
        %add3A_442 = arith.addi %add3A_419, %add3A_441 : i32
        %lt3A_443 = arith.cmpi slt, %add3A_442, %select_n3A_7 : i32
        %convert_element_type3A_444 = arith.extui %lt3A_443 : i1 to i32
        %cond3A_445 = arith.constant 0 : i32
        %cond3A_446 = arith.cmpi ne, %convert_element_type3A_444, %cond3A_445 : i32
        scf.if %cond3A_446 {
          %mul3A_680 = arith.constant 16 : i32
          %mul3A_681 = arith.muli %add3A_442, %mul3A_680 : i32
          %get3A_682 = arith.index_cast %mul3A_681 : i32 to index
          %get3A_683 = tpu.vector_load %arg5[%get3A_682] {strides = array<i32>} : memref<26624xi32, #tpu.memory_space<vmem>>, vector<16xi32>,
          %get3A_684 = vector.shape_cast %get3A_683 : vector<16xi32> to vector<16xi32>
          %dma_start3A_685 = arith.constant 0 : i32
          %dma_start3A_686 = arith.constant 0 : i32
          %dma_start3A_687 = arith.constant 0 : i32
          %dma_start3A_688 = tpu.memref_slice %arg6[%dma_start3A_685, %dma_start3A_686, %dma_start3A_687] : memref<8x16x512xf32, #tpu.memory_space<vmem>> -> memref<1x16x512xf32, #tpu.memory_space<vmem>>
          %dma_start3A_689 = tpu.memref_squeeze %dma_start3A_688 : memref<1x16x512xf32, #tpu.memory_space<vmem>> -> memref<16x512xf32, #tpu.memory_space<vmem>>
          %dma_start3A_690 = arith.constant 0 : i32
          %dma_start3A_691 = arith.constant 0 : i32
          %dma_start3A_692 = tpu.memref_slice %arg2[%dma_start3A_690, %dma_start3A_691] : memref<50000x512xf32, #tpu.memory_space<hbm>> -> memref<50000x512xf32, #tpu.memory_space<hbm>>
          tpu.enqueue_indirect_dma source(%dma_start3A_692 : memref<50000x512xf32, #tpu.memory_space<hbm>>) target(%dma_start3A_689 : memref<16x512xf32, #tpu.memory_space<vmem>>) offsets(%get3A_684 : vector<16xi32>) semaphore(%arg8 : memref<!tpu.dma_semaphore, #tpu.memory_space<semaphore_mem>>)
        } else {
        }
        %mul3A_447 = arith.constant 8 : i32
        %mul3A_448 = arith.muli %add3A_410, %mul3A_447 : i32
        %add3A_449 = arith.constant 1 : i32
        %add3A_450 = arith.addi %mul3A_448, %add3A_449 : i32
        %dma_wait3A_451 = arith.constant 1 : i32
        %dma_wait3A_452 = arith.constant 0 : i32
        %dma_wait3A_453 = arith.constant 0 : i32
        %dma_wait3A_454 = tpu.memref_slice %arg6[%dma_wait3A_451, %dma_wait3A_452, %dma_wait3A_453] : memref<8x16x512xf32, #tpu.memory_space<vmem>> -> memref<1x16x512xf32, #tpu.memory_space<vmem>>
        %dma_wait3A_455 = tpu.memref_squeeze %dma_wait3A_454 : memref<1x16x512xf32, #tpu.memory_space<vmem>> -> memref<16x512xf32, #tpu.memory_space<vmem>>
        %dma_wait3A_456 = arith.constant 0 : i32
        %dma_wait3A_457 = arith.constant 0 : i32
        %dma_wait3A_458 = tpu.memref_slice %arg2[%dma_wait3A_456, %dma_wait3A_457] : memref<50000x512xf32, #tpu.memory_space<hbm>> -> memref<16x512xf32, #tpu.memory_space<hbm>>
        %dma_wait3A_459 = arith.constant 0 : i32
        %dma_wait3A_460 = arith.constant 0 : i32
        %dma_wait3A_461 = tpu.memref_slice %arg6[%dma_wait3A_451, %dma_wait3A_459, %dma_wait3A_460] : memref<8x16x512xf32, #tpu.memory_space<vmem>> -> memref<1x16x512xf32, #tpu.memory_space<vmem>>
        %dma_wait3A_462 = tpu.memref_squeeze %dma_wait3A_461 : memref<1x16x512xf32, #tpu.memory_space<vmem>> -> memref<16x512xf32, #tpu.memory_space<vmem>>
        %dma_wait3A_463 = arith.constant 0 : i32
        %dma_wait3A_464 = arith.constant 0 : i32
        %dma_wait3A_465 = tpu.memref_slice %arg2[%dma_wait3A_463, %dma_wait3A_464] : memref<50000x512xf32, #tpu.memory_space<hbm>> -> memref<16x512xf32, #tpu.memory_space<hbm>>
        tpu.wait_dma2 semaphore(%arg8 : memref<!tpu.dma_semaphore, #tpu.memory_space<semaphore_mem>>) src(%dma_wait3A_465 : memref<16x512xf32, #tpu.memory_space<hbm>>) dst(%dma_wait3A_462 : memref<16x512xf32, #tpu.memory_space<vmem>>)
        %scan3A_466 = arith.constant 0 : i32
        %scan3A_467 = arith.constant 0 : i32
        %scan3A_468 = arith.constant 32 : i32
        %scan3A_469 = arith.addi %scan3A_467, %scan3A_468 : i32
        %scan3A_470 = arith.constant 1 : i32
        scf.for %scan3A_680 = %scan3A_467 to %scan3A_469 step %scan3A_470  : i32 {
          %mul3A_681 = arith.constant 16 : i32
          %mul3A_682 = arith.muli %scan3A_680, %mul3A_681 : i32
          %get3A_683 = arith.constant 1 : i32
          %get3A_684 = arith.constant 0 : i32
          %get3A_685 = arith.index_cast %get3A_683 : i32 to index
          %get3A_686 = arith.index_cast %get3A_684 : i32 to index
          %get3A_687 = arith.index_cast %mul3A_682 : i32 to index
          %get3A_688 = tpu.vector_load %arg6[%get3A_685, %get3A_686, %get3A_687] {strides = array<i32>} : memref<8x16x512xf32, #tpu.memory_space<vmem>>, vector<1x1x16xf32>,
          %get3A_689 = vector.shape_cast %get3A_688 : vector<1x1x16xf32> to vector<16xf32>
          %get3A_690 = arith.constant 1 : i32
          %get3A_691 = arith.constant 1 : i32
          %get3A_692 = arith.index_cast %get3A_690 : i32 to index
          %get3A_693 = arith.index_cast %get3A_691 : i32 to index
          %get3A_694 = arith.index_cast %mul3A_682 : i32 to index
          %get3A_695 = tpu.vector_load %arg6[%get3A_692, %get3A_693, %get3A_694] {strides = array<i32>} : memref<8x16x512xf32, #tpu.memory_space<vmem>>, vector<1x1x16xf32>,
          %get3A_696 = vector.shape_cast %get3A_695 : vector<1x1x16xf32> to vector<16xf32>
          %get3A_697 = arith.constant 1 : i32
          %get3A_698 = arith.constant 2 : i32
          %get3A_699 = arith.index_cast %get3A_697 : i32 to index
          %get3A_700 = arith.index_cast %get3A_698 : i32 to index
          %get3A_701 = arith.index_cast %mul3A_682 : i32 to index
          %get3A_702 = tpu.vector_load %arg6[%get3A_699, %get3A_700, %get3A_701] {strides = array<i32>} : memref<8x16x512xf32, #tpu.memory_space<vmem>>, vector<1x1x16xf32>,
          %get3A_703 = vector.shape_cast %get3A_702 : vector<1x1x16xf32> to vector<16xf32>
          %get3A_704 = arith.constant 1 : i32
          %get3A_705 = arith.constant 3 : i32
          %get3A_706 = arith.index_cast %get3A_704 : i32 to index
          %get3A_707 = arith.index_cast %get3A_705 : i32 to index
          %get3A_708 = arith.index_cast %mul3A_682 : i32 to index
          %get3A_709 = tpu.vector_load %arg6[%get3A_706, %get3A_707, %get3A_708] {strides = array<i32>} : memref<8x16x512xf32, #tpu.memory_space<vmem>>, vector<1x1x16xf32>,
          %get3A_710 = vector.shape_cast %get3A_709 : vector<1x1x16xf32> to vector<16xf32>
          %get3A_711 = arith.constant 1 : i32
          %get3A_712 = arith.constant 4 : i32
          %get3A_713 = arith.index_cast %get3A_711 : i32 to index
          %get3A_714 = arith.index_cast %get3A_712 : i32 to index
          %get3A_715 = arith.index_cast %mul3A_682 : i32 to index
          %get3A_716 = tpu.vector_load %arg6[%get3A_713, %get3A_714, %get3A_715] {strides = array<i32>} : memref<8x16x512xf32, #tpu.memory_space<vmem>>, vector<1x1x16xf32>,
          %get3A_717 = vector.shape_cast %get3A_716 : vector<1x1x16xf32> to vector<16xf32>
          %get3A_718 = arith.constant 1 : i32
          %get3A_719 = arith.constant 5 : i32
          %get3A_720 = arith.index_cast %get3A_718 : i32 to index
          %get3A_721 = arith.index_cast %get3A_719 : i32 to index
          %get3A_722 = arith.index_cast %mul3A_682 : i32 to index
          %get3A_723 = tpu.vector_load %arg6[%get3A_720, %get3A_721, %get3A_722] {strides = array<i32>} : memref<8x16x512xf32, #tpu.memory_space<vmem>>, vector<1x1x16xf32>,
          %get3A_724 = vector.shape_cast %get3A_723 : vector<1x1x16xf32> to vector<16xf32>
          %get3A_725 = arith.constant 1 : i32
          %get3A_726 = arith.constant 6 : i32
          %get3A_727 = arith.index_cast %get3A_725 : i32 to index
          %get3A_728 = arith.index_cast %get3A_726 : i32 to index
          %get3A_729 = arith.index_cast %mul3A_682 : i32 to index
          %get3A_730 = tpu.vector_load %arg6[%get3A_727, %get3A_728, %get3A_729] {strides = array<i32>} : memref<8x16x512xf32, #tpu.memory_space<vmem>>, vector<1x1x16xf32>,
          %get3A_731 = vector.shape_cast %get3A_730 : vector<1x1x16xf32> to vector<16xf32>
          %get3A_732 = arith.constant 1 : i32
          %get3A_733 = arith.constant 7 : i32
          %get3A_734 = arith.index_cast %get3A_732 : i32 to index
          %get3A_735 = arith.index_cast %get3A_733 : i32 to index
          %get3A_736 = arith.index_cast %mul3A_682 : i32 to index
          %get3A_737 = tpu.vector_load %arg6[%get3A_734, %get3A_735, %get3A_736] {strides = array<i32>} : memref<8x16x512xf32, #tpu.memory_space<vmem>>, vector<1x1x16xf32>,
          %get3A_738 = vector.shape_cast %get3A_737 : vector<1x1x16xf32> to vector<16xf32>
          %get3A_739 = arith.constant 1 : i32
          %get3A_740 = arith.constant 8 : i32
          %get3A_741 = arith.index_cast %get3A_739 : i32 to index
          %get3A_742 = arith.index_cast %get3A_740 : i32 to index
          %get3A_743 = arith.index_cast %mul3A_682 : i32 to index
          %get3A_744 = tpu.vector_load %arg6[%get3A_741, %get3A_742, %get3A_743] {strides = array<i32>} : memref<8x16x512xf32, #tpu.memory_space<vmem>>, vector<1x1x16xf32>,
          %get3A_745 = vector.shape_cast %get3A_744 : vector<1x1x16xf32> to vector<16xf32>
          %get3A_746 = arith.constant 1 : i32
          %get3A_747 = arith.constant 9 : i32
          %get3A_748 = arith.index_cast %get3A_746 : i32 to index
          %get3A_749 = arith.index_cast %get3A_747 : i32 to index
          %get3A_750 = arith.index_cast %mul3A_682 : i32 to index
          %get3A_751 = tpu.vector_load %arg6[%get3A_748, %get3A_749, %get3A_750] {strides = array<i32>} : memref<8x16x512xf32, #tpu.memory_space<vmem>>, vector<1x1x16xf32>,
          %get3A_752 = vector.shape_cast %get3A_751 : vector<1x1x16xf32> to vector<16xf32>
          %get3A_753 = arith.constant 1 : i32
          %get3A_754 = arith.constant 10 : i32
          %get3A_755 = arith.index_cast %get3A_753 : i32 to index
          %get3A_756 = arith.index_cast %get3A_754 : i32 to index
          %get3A_757 = arith.index_cast %mul3A_682 : i32 to index
          %get3A_758 = tpu.vector_load %arg6[%get3A_755, %get3A_756, %get3A_757] {strides = array<i32>} : memref<8x16x512xf32, #tpu.memory_space<vmem>>, vector<1x1x16xf32>,
          %get3A_759 = vector.shape_cast %get3A_758 : vector<1x1x16xf32> to vector<16xf32>
          %get3A_760 = arith.constant 1 : i32
          %get3A_761 = arith.constant 11 : i32
          %get3A_762 = arith.index_cast %get3A_760 : i32 to index
          %get3A_763 = arith.index_cast %get3A_761 : i32 to index
          %get3A_764 = arith.index_cast %mul3A_682 : i32 to index
          %get3A_765 = tpu.vector_load %arg6[%get3A_762, %get3A_763, %get3A_764] {strides = array<i32>} : memref<8x16x512xf32, #tpu.memory_space<vmem>>, vector<1x1x16xf32>,
          %get3A_766 = vector.shape_cast %get3A_765 : vector<1x1x16xf32> to vector<16xf32>
          %get3A_767 = arith.constant 1 : i32
          %get3A_768 = arith.constant 12 : i32
          %get3A_769 = arith.index_cast %get3A_767 : i32 to index
          %get3A_770 = arith.index_cast %get3A_768 : i32 to index
          %get3A_771 = arith.index_cast %mul3A_682 : i32 to index
          %get3A_772 = tpu.vector_load %arg6[%get3A_769, %get3A_770, %get3A_771] {strides = array<i32>} : memref<8x16x512xf32, #tpu.memory_space<vmem>>, vector<1x1x16xf32>,
          %get3A_773 = vector.shape_cast %get3A_772 : vector<1x1x16xf32> to vector<16xf32>
          %get3A_774 = arith.constant 1 : i32
          %get3A_775 = arith.constant 13 : i32
          %get3A_776 = arith.index_cast %get3A_774 : i32 to index
          %get3A_777 = arith.index_cast %get3A_775 : i32 to index
          %get3A_778 = arith.index_cast %mul3A_682 : i32 to index
          %get3A_779 = tpu.vector_load %arg6[%get3A_776, %get3A_777, %get3A_778] {strides = array<i32>} : memref<8x16x512xf32, #tpu.memory_space<vmem>>, vector<1x1x16xf32>,
          %get3A_780 = vector.shape_cast %get3A_779 : vector<1x1x16xf32> to vector<16xf32>
          %get3A_781 = arith.constant 1 : i32
          %get3A_782 = arith.constant 14 : i32
          %get3A_783 = arith.index_cast %get3A_781 : i32 to index
          %get3A_784 = arith.index_cast %get3A_782 : i32 to index
          %get3A_785 = arith.index_cast %mul3A_682 : i32 to index
          %get3A_786 = tpu.vector_load %arg6[%get3A_783, %get3A_784, %get3A_785] {strides = array<i32>} : memref<8x16x512xf32, #tpu.memory_space<vmem>>, vector<1x1x16xf32>,
          %get3A_787 = vector.shape_cast %get3A_786 : vector<1x1x16xf32> to vector<16xf32>
          %get3A_788 = arith.constant 1 : i32
          %get3A_789 = arith.constant 15 : i32
          %get3A_790 = arith.index_cast %get3A_788 : i32 to index
          %get3A_791 = arith.index_cast %get3A_789 : i32 to index
          %get3A_792 = arith.index_cast %mul3A_682 : i32 to index
          %get3A_793 = tpu.vector_load %arg6[%get3A_790, %get3A_791, %get3A_792] {strides = array<i32>} : memref<8x16x512xf32, #tpu.memory_space<vmem>>, vector<1x1x16xf32>,
          %get3A_794 = vector.shape_cast %get3A_793 : vector<1x1x16xf32> to vector<16xf32>
          %add3A_795 = arith.addf %get3A_689, %get3A_696 : vector<16xf32>
          %add3A_796 = arith.addf %get3A_703, %get3A_710 : vector<16xf32>
          %add3A_797 = arith.addf %get3A_717, %get3A_724 : vector<16xf32>
          %add3A_798 = arith.addf %get3A_731, %get3A_738 : vector<16xf32>
          %add3A_799 = arith.addf %get3A_745, %get3A_752 : vector<16xf32>
          %add3A_800 = arith.addf %get3A_759, %get3A_766 : vector<16xf32>
          %add3A_801 = arith.addf %get3A_773, %get3A_780 : vector<16xf32>
          %add3A_802 = arith.addf %get3A_787, %get3A_794 : vector<16xf32>
          %add3A_803 = arith.addf %add3A_795, %add3A_796 : vector<16xf32>
          %add3A_804 = arith.addf %add3A_797, %add3A_798 : vector<16xf32>
          %add3A_805 = arith.addf %add3A_799, %add3A_800 : vector<16xf32>
          %add3A_806 = arith.addf %add3A_801, %add3A_802 : vector<16xf32>
          %add3A_807 = arith.addf %add3A_803, %add3A_804 : vector<16xf32>
          %add3A_808 = arith.addf %add3A_805, %add3A_806 : vector<16xf32>
          %add3A_809 = arith.addf %add3A_807, %add3A_808 : vector<16xf32>
          %swap3A = arith.constant 1 : i32
          %swap3A_810 = arith.constant 1 : i32
          %swap3A_811 = arith.index_cast %swap3A : i32 to index
          %swap3A_812 = arith.index_cast %swap3A_810 : i32 to index
          %swap3A_813 = arith.index_cast %mul3A_682 : i32 to index
          %swap3A_814 = tpu.vector_load %arg7[%swap3A_811, %swap3A_812, %swap3A_813] {strides = array<i32>} : memref<2x8x512xf32, #tpu.memory_space<vmem>>, vector<1x1x16xf32>,
          %swap3A_815 = vector.shape_cast %swap3A_814 : vector<1x1x16xf32> to vector<16xf32>
          %swap3A_816 = vector.shape_cast %add3A_809 : vector<16xf32> to vector<1x1x16xf32>
          tpu.vector_store %arg7[%swap3A_811, %swap3A_812, %swap3A_813], %swap3A_816 {strides = array<i32>} : memref<2x8x512xf32, #tpu.memory_space<vmem>>, vector<1x1x16xf32>,
        }
        %scan3A_471 = arith.constant 32 : i32
        %add3A_472 = arith.constant 8 : i32
        %add3A_473 = arith.addi %add3A_450, %add3A_472 : i32
        %lt3A_474 = arith.cmpi slt, %add3A_473, %select_n3A_7 : i32
        %convert_element_type3A_475 = arith.extui %lt3A_474 : i1 to i32
        %cond3A_476 = arith.constant 0 : i32
        %cond3A_477 = arith.cmpi ne, %convert_element_type3A_475, %cond3A_476 : i32
        scf.if %cond3A_477 {
          %mul3A_680 = arith.constant 16 : i32
          %mul3A_681 = arith.muli %add3A_473, %mul3A_680 : i32
          %get3A_682 = arith.index_cast %mul3A_681 : i32 to index
          %get3A_683 = tpu.vector_load %arg5[%get3A_682] {strides = array<i32>} : memref<26624xi32, #tpu.memory_space<vmem>>, vector<16xi32>,
          %get3A_684 = vector.shape_cast %get3A_683 : vector<16xi32> to vector<16xi32>
          %dma_start3A_685 = arith.constant 1 : i32
          %dma_start3A_686 = arith.constant 0 : i32
          %dma_start3A_687 = arith.constant 0 : i32
          %dma_start3A_688 = tpu.memref_slice %arg6[%dma_start3A_685, %dma_start3A_686, %dma_start3A_687] : memref<8x16x512xf32, #tpu.memory_space<vmem>> -> memref<1x16x512xf32, #tpu.memory_space<vmem>>
          %dma_start3A_689 = tpu.memref_squeeze %dma_start3A_688 : memref<1x16x512xf32, #tpu.memory_space<vmem>> -> memref<16x512xf32, #tpu.memory_space<vmem>>
          %dma_start3A_690 = arith.constant 0 : i32
          %dma_start3A_691 = arith.constant 0 : i32
          %dma_start3A_692 = tpu.memref_slice %arg2[%dma_start3A_690, %dma_start3A_691] : memref<50000x512xf32, #tpu.memory_space<hbm>> -> memref<50000x512xf32, #tpu.memory_space<hbm>>
          tpu.enqueue_indirect_dma source(%dma_start3A_692 : memref<50000x512xf32, #tpu.memory_space<hbm>>) target(%dma_start3A_689 : memref<16x512xf32, #tpu.memory_space<vmem>>) offsets(%get3A_684 : vector<16xi32>) semaphore(%arg8 : memref<!tpu.dma_semaphore, #tpu.memory_space<semaphore_mem>>)
        } else {
        }
        %mul3A_478 = arith.constant 8 : i32
        %mul3A_479 = arith.muli %add3A_410, %mul3A_478 : i32
        %add3A_480 = arith.constant 2 : i32
        %add3A_481 = arith.addi %mul3A_479, %add3A_480 : i32
        %dma_wait3A_482 = arith.constant 2 : i32
        %dma_wait3A_483 = arith.constant 0 : i32
        %dma_wait3A_484 = arith.constant 0 : i32
        %dma_wait3A_485 = tpu.memref_slice %arg6[%dma_wait3A_482, %dma_wait3A_483, %dma_wait3A_484] : memref<8x16x512xf32, #tpu.memory_space<vmem>> -> memref<1x16x512xf32, #tpu.memory_space<vmem>>
        %dma_wait3A_486 = tpu.memref_squeeze %dma_wait3A_485 : memref<1x16x512xf32, #tpu.memory_space<vmem>> -> memref<16x512xf32, #tpu.memory_space<vmem>>
        %dma_wait3A_487 = arith.constant 0 : i32
        %dma_wait3A_488 = arith.constant 0 : i32
        %dma_wait3A_489 = tpu.memref_slice %arg2[%dma_wait3A_487, %dma_wait3A_488] : memref<50000x512xf32, #tpu.memory_space<hbm>> -> memref<16x512xf32, #tpu.memory_space<hbm>>
        %dma_wait3A_490 = arith.constant 0 : i32
        %dma_wait3A_491 = arith.constant 0 : i32
        %dma_wait3A_492 = tpu.memref_slice %arg6[%dma_wait3A_482, %dma_wait3A_490, %dma_wait3A_491] : memref<8x16x512xf32, #tpu.memory_space<vmem>> -> memref<1x16x512xf32, #tpu.memory_space<vmem>>
        %dma_wait3A_493 = tpu.memref_squeeze %dma_wait3A_492 : memref<1x16x512xf32, #tpu.memory_space<vmem>> -> memref<16x512xf32, #tpu.memory_space<vmem>>
        %dma_wait3A_494 = arith.constant 0 : i32
        %dma_wait3A_495 = arith.constant 0 : i32
        %dma_wait3A_496 = tpu.memref_slice %arg2[%dma_wait3A_494, %dma_wait3A_495] : memref<50000x512xf32, #tpu.memory_space<hbm>> -> memref<16x512xf32, #tpu.memory_space<hbm>>
        tpu.wait_dma2 semaphore(%arg8 : memref<!tpu.dma_semaphore, #tpu.memory_space<semaphore_mem>>) src(%dma_wait3A_496 : memref<16x512xf32, #tpu.memory_space<hbm>>) dst(%dma_wait3A_493 : memref<16x512xf32, #tpu.memory_space<vmem>>)
        %scan3A_497 = arith.constant 0 : i32
        %scan3A_498 = arith.constant 0 : i32
        %scan3A_499 = arith.constant 32 : i32
        %scan3A_500 = arith.addi %scan3A_498, %scan3A_499 : i32
        %scan3A_501 = arith.constant 1 : i32
        scf.for %scan3A_680 = %scan3A_498 to %scan3A_500 step %scan3A_501  : i32 {
          %mul3A_681 = arith.constant 16 : i32
          %mul3A_682 = arith.muli %scan3A_680, %mul3A_681 : i32
          %get3A_683 = arith.constant 2 : i32
          %get3A_684 = arith.constant 0 : i32
          %get3A_685 = arith.index_cast %get3A_683 : i32 to index
          %get3A_686 = arith.index_cast %get3A_684 : i32 to index
          %get3A_687 = arith.index_cast %mul3A_682 : i32 to index
          %get3A_688 = tpu.vector_load %arg6[%get3A_685, %get3A_686, %get3A_687] {strides = array<i32>} : memref<8x16x512xf32, #tpu.memory_space<vmem>>, vector<1x1x16xf32>,
          %get3A_689 = vector.shape_cast %get3A_688 : vector<1x1x16xf32> to vector<16xf32>
          %get3A_690 = arith.constant 2 : i32
          %get3A_691 = arith.constant 1 : i32
          %get3A_692 = arith.index_cast %get3A_690 : i32 to index
          %get3A_693 = arith.index_cast %get3A_691 : i32 to index
          %get3A_694 = arith.index_cast %mul3A_682 : i32 to index
          %get3A_695 = tpu.vector_load %arg6[%get3A_692, %get3A_693, %get3A_694] {strides = array<i32>} : memref<8x16x512xf32, #tpu.memory_space<vmem>>, vector<1x1x16xf32>,
          %get3A_696 = vector.shape_cast %get3A_695 : vector<1x1x16xf32> to vector<16xf32>
          %get3A_697 = arith.constant 2 : i32
          %get3A_698 = arith.constant 2 : i32
          %get3A_699 = arith.index_cast %get3A_697 : i32 to index
          %get3A_700 = arith.index_cast %get3A_698 : i32 to index
          %get3A_701 = arith.index_cast %mul3A_682 : i32 to index
          %get3A_702 = tpu.vector_load %arg6[%get3A_699, %get3A_700, %get3A_701] {strides = array<i32>} : memref<8x16x512xf32, #tpu.memory_space<vmem>>, vector<1x1x16xf32>,
          %get3A_703 = vector.shape_cast %get3A_702 : vector<1x1x16xf32> to vector<16xf32>
          %get3A_704 = arith.constant 2 : i32
          %get3A_705 = arith.constant 3 : i32
          %get3A_706 = arith.index_cast %get3A_704 : i32 to index
          %get3A_707 = arith.index_cast %get3A_705 : i32 to index
          %get3A_708 = arith.index_cast %mul3A_682 : i32 to index
          %get3A_709 = tpu.vector_load %arg6[%get3A_706, %get3A_707, %get3A_708] {strides = array<i32>} : memref<8x16x512xf32, #tpu.memory_space<vmem>>, vector<1x1x16xf32>,
          %get3A_710 = vector.shape_cast %get3A_709 : vector<1x1x16xf32> to vector<16xf32>
          %get3A_711 = arith.constant 2 : i32
          %get3A_712 = arith.constant 4 : i32
          %get3A_713 = arith.index_cast %get3A_711 : i32 to index
          %get3A_714 = arith.index_cast %get3A_712 : i32 to index
          %get3A_715 = arith.index_cast %mul3A_682 : i32 to index
          %get3A_716 = tpu.vector_load %arg6[%get3A_713, %get3A_714, %get3A_715] {strides = array<i32>} : memref<8x16x512xf32, #tpu.memory_space<vmem>>, vector<1x1x16xf32>,
          %get3A_717 = vector.shape_cast %get3A_716 : vector<1x1x16xf32> to vector<16xf32>
          %get3A_718 = arith.constant 2 : i32
          %get3A_719 = arith.constant 5 : i32
          %get3A_720 = arith.index_cast %get3A_718 : i32 to index
          %get3A_721 = arith.index_cast %get3A_719 : i32 to index
          %get3A_722 = arith.index_cast %mul3A_682 : i32 to index
          %get3A_723 = tpu.vector_load %arg6[%get3A_720, %get3A_721, %get3A_722] {strides = array<i32>} : memref<8x16x512xf32, #tpu.memory_space<vmem>>, vector<1x1x16xf32>,
          %get3A_724 = vector.shape_cast %get3A_723 : vector<1x1x16xf32> to vector<16xf32>
          %get3A_725 = arith.constant 2 : i32
          %get3A_726 = arith.constant 6 : i32
          %get3A_727 = arith.index_cast %get3A_725 : i32 to index
          %get3A_728 = arith.index_cast %get3A_726 : i32 to index
          %get3A_729 = arith.index_cast %mul3A_682 : i32 to index
          %get3A_730 = tpu.vector_load %arg6[%get3A_727, %get3A_728, %get3A_729] {strides = array<i32>} : memref<8x16x512xf32, #tpu.memory_space<vmem>>, vector<1x1x16xf32>,
          %get3A_731 = vector.shape_cast %get3A_730 : vector<1x1x16xf32> to vector<16xf32>
          %get3A_732 = arith.constant 2 : i32
          %get3A_733 = arith.constant 7 : i32
          %get3A_734 = arith.index_cast %get3A_732 : i32 to index
          %get3A_735 = arith.index_cast %get3A_733 : i32 to index
          %get3A_736 = arith.index_cast %mul3A_682 : i32 to index
          %get3A_737 = tpu.vector_load %arg6[%get3A_734, %get3A_735, %get3A_736] {strides = array<i32>} : memref<8x16x512xf32, #tpu.memory_space<vmem>>, vector<1x1x16xf32>,
          %get3A_738 = vector.shape_cast %get3A_737 : vector<1x1x16xf32> to vector<16xf32>
          %get3A_739 = arith.constant 2 : i32
          %get3A_740 = arith.constant 8 : i32
          %get3A_741 = arith.index_cast %get3A_739 : i32 to index
          %get3A_742 = arith.index_cast %get3A_740 : i32 to index
          %get3A_743 = arith.index_cast %mul3A_682 : i32 to index
          %get3A_744 = tpu.vector_load %arg6[%get3A_741, %get3A_742, %get3A_743] {strides = array<i32>} : memref<8x16x512xf32, #tpu.memory_space<vmem>>, vector<1x1x16xf32>,
          %get3A_745 = vector.shape_cast %get3A_744 : vector<1x1x16xf32> to vector<16xf32>
          %get3A_746 = arith.constant 2 : i32
          %get3A_747 = arith.constant 9 : i32
          %get3A_748 = arith.index_cast %get3A_746 : i32 to index
          %get3A_749 = arith.index_cast %get3A_747 : i32 to index
          %get3A_750 = arith.index_cast %mul3A_682 : i32 to index
          %get3A_751 = tpu.vector_load %arg6[%get3A_748, %get3A_749, %get3A_750] {strides = array<i32>} : memref<8x16x512xf32, #tpu.memory_space<vmem>>, vector<1x1x16xf32>,
          %get3A_752 = vector.shape_cast %get3A_751 : vector<1x1x16xf32> to vector<16xf32>
          %get3A_753 = arith.constant 2 : i32
          %get3A_754 = arith.constant 10 : i32
          %get3A_755 = arith.index_cast %get3A_753 : i32 to index
          %get3A_756 = arith.index_cast %get3A_754 : i32 to index
          %get3A_757 = arith.index_cast %mul3A_682 : i32 to index
          %get3A_758 = tpu.vector_load %arg6[%get3A_755, %get3A_756, %get3A_757] {strides = array<i32>} : memref<8x16x512xf32, #tpu.memory_space<vmem>>, vector<1x1x16xf32>,
          %get3A_759 = vector.shape_cast %get3A_758 : vector<1x1x16xf32> to vector<16xf32>
          %get3A_760 = arith.constant 2 : i32
          %get3A_761 = arith.constant 11 : i32
          %get3A_762 = arith.index_cast %get3A_760 : i32 to index
          %get3A_763 = arith.index_cast %get3A_761 : i32 to index
          %get3A_764 = arith.index_cast %mul3A_682 : i32 to index
          %get3A_765 = tpu.vector_load %arg6[%get3A_762, %get3A_763, %get3A_764] {strides = array<i32>} : memref<8x16x512xf32, #tpu.memory_space<vmem>>, vector<1x1x16xf32>,
          %get3A_766 = vector.shape_cast %get3A_765 : vector<1x1x16xf32> to vector<16xf32>
          %get3A_767 = arith.constant 2 : i32
          %get3A_768 = arith.constant 12 : i32
          %get3A_769 = arith.index_cast %get3A_767 : i32 to index
          %get3A_770 = arith.index_cast %get3A_768 : i32 to index
          %get3A_771 = arith.index_cast %mul3A_682 : i32 to index
          %get3A_772 = tpu.vector_load %arg6[%get3A_769, %get3A_770, %get3A_771] {strides = array<i32>} : memref<8x16x512xf32, #tpu.memory_space<vmem>>, vector<1x1x16xf32>,
          %get3A_773 = vector.shape_cast %get3A_772 : vector<1x1x16xf32> to vector<16xf32>
          %get3A_774 = arith.constant 2 : i32
          %get3A_775 = arith.constant 13 : i32
          %get3A_776 = arith.index_cast %get3A_774 : i32 to index
          %get3A_777 = arith.index_cast %get3A_775 : i32 to index
          %get3A_778 = arith.index_cast %mul3A_682 : i32 to index
          %get3A_779 = tpu.vector_load %arg6[%get3A_776, %get3A_777, %get3A_778] {strides = array<i32>} : memref<8x16x512xf32, #tpu.memory_space<vmem>>, vector<1x1x16xf32>,
          %get3A_780 = vector.shape_cast %get3A_779 : vector<1x1x16xf32> to vector<16xf32>
          %get3A_781 = arith.constant 2 : i32
          %get3A_782 = arith.constant 14 : i32
          %get3A_783 = arith.index_cast %get3A_781 : i32 to index
          %get3A_784 = arith.index_cast %get3A_782 : i32 to index
          %get3A_785 = arith.index_cast %mul3A_682 : i32 to index
          %get3A_786 = tpu.vector_load %arg6[%get3A_783, %get3A_784, %get3A_785] {strides = array<i32>} : memref<8x16x512xf32, #tpu.memory_space<vmem>>, vector<1x1x16xf32>,
          %get3A_787 = vector.shape_cast %get3A_786 : vector<1x1x16xf32> to vector<16xf32>
          %get3A_788 = arith.constant 2 : i32
          %get3A_789 = arith.constant 15 : i32
          %get3A_790 = arith.index_cast %get3A_788 : i32 to index
          %get3A_791 = arith.index_cast %get3A_789 : i32 to index
          %get3A_792 = arith.index_cast %mul3A_682 : i32 to index
          %get3A_793 = tpu.vector_load %arg6[%get3A_790, %get3A_791, %get3A_792] {strides = array<i32>} : memref<8x16x512xf32, #tpu.memory_space<vmem>>, vector<1x1x16xf32>,
          %get3A_794 = vector.shape_cast %get3A_793 : vector<1x1x16xf32> to vector<16xf32>
          %add3A_795 = arith.addf %get3A_689, %get3A_696 : vector<16xf32>
          %add3A_796 = arith.addf %get3A_703, %get3A_710 : vector<16xf32>
          %add3A_797 = arith.addf %get3A_717, %get3A_724 : vector<16xf32>
          %add3A_798 = arith.addf %get3A_731, %get3A_738 : vector<16xf32>
          %add3A_799 = arith.addf %get3A_745, %get3A_752 : vector<16xf32>
          %add3A_800 = arith.addf %get3A_759, %get3A_766 : vector<16xf32>
          %add3A_801 = arith.addf %get3A_773, %get3A_780 : vector<16xf32>
          %add3A_802 = arith.addf %get3A_787, %get3A_794 : vector<16xf32>
          %add3A_803 = arith.addf %add3A_795, %add3A_796 : vector<16xf32>
          %add3A_804 = arith.addf %add3A_797, %add3A_798 : vector<16xf32>
          %add3A_805 = arith.addf %add3A_799, %add3A_800 : vector<16xf32>
          %add3A_806 = arith.addf %add3A_801, %add3A_802 : vector<16xf32>
          %add3A_807 = arith.addf %add3A_803, %add3A_804 : vector<16xf32>
          %add3A_808 = arith.addf %add3A_805, %add3A_806 : vector<16xf32>
          %add3A_809 = arith.addf %add3A_807, %add3A_808 : vector<16xf32>
          %swap3A = arith.constant 1 : i32
          %swap3A_810 = arith.constant 2 : i32
          %swap3A_811 = arith.index_cast %swap3A : i32 to index
          %swap3A_812 = arith.index_cast %swap3A_810 : i32 to index
          %swap3A_813 = arith.index_cast %mul3A_682 : i32 to index
          %swap3A_814 = tpu.vector_load %arg7[%swap3A_811, %swap3A_812, %swap3A_813] {strides = array<i32>} : memref<2x8x512xf32, #tpu.memory_space<vmem>>, vector<1x1x16xf32>,
          %swap3A_815 = vector.shape_cast %swap3A_814 : vector<1x1x16xf32> to vector<16xf32>
          %swap3A_816 = vector.shape_cast %add3A_809 : vector<16xf32> to vector<1x1x16xf32>
          tpu.vector_store %arg7[%swap3A_811, %swap3A_812, %swap3A_813], %swap3A_816 {strides = array<i32>} : memref<2x8x512xf32, #tpu.memory_space<vmem>>, vector<1x1x16xf32>,
        }
        %scan3A_502 = arith.constant 32 : i32
        %add3A_503 = arith.constant 8 : i32
        %add3A_504 = arith.addi %add3A_481, %add3A_503 : i32
        %lt3A_505 = arith.cmpi slt, %add3A_504, %select_n3A_7 : i32
        %convert_element_type3A_506 = arith.extui %lt3A_505 : i1 to i32
        %cond3A_507 = arith.constant 0 : i32
        %cond3A_508 = arith.cmpi ne, %convert_element_type3A_506, %cond3A_507 : i32
        scf.if %cond3A_508 {
          %mul3A_680 = arith.constant 16 : i32
          %mul3A_681 = arith.muli %add3A_504, %mul3A_680 : i32
          %get3A_682 = arith.index_cast %mul3A_681 : i32 to index
          %get3A_683 = tpu.vector_load %arg5[%get3A_682] {strides = array<i32>} : memref<26624xi32, #tpu.memory_space<vmem>>, vector<16xi32>,
          %get3A_684 = vector.shape_cast %get3A_683 : vector<16xi32> to vector<16xi32>
          %dma_start3A_685 = arith.constant 2 : i32
          %dma_start3A_686 = arith.constant 0 : i32
          %dma_start3A_687 = arith.constant 0 : i32
          %dma_start3A_688 = tpu.memref_slice %arg6[%dma_start3A_685, %dma_start3A_686, %dma_start3A_687] : memref<8x16x512xf32, #tpu.memory_space<vmem>> -> memref<1x16x512xf32, #tpu.memory_space<vmem>>
          %dma_start3A_689 = tpu.memref_squeeze %dma_start3A_688 : memref<1x16x512xf32, #tpu.memory_space<vmem>> -> memref<16x512xf32, #tpu.memory_space<vmem>>
          %dma_start3A_690 = arith.constant 0 : i32
          %dma_start3A_691 = arith.constant 0 : i32
          %dma_start3A_692 = tpu.memref_slice %arg2[%dma_start3A_690, %dma_start3A_691] : memref<50000x512xf32, #tpu.memory_space<hbm>> -> memref<50000x512xf32, #tpu.memory_space<hbm>>
          tpu.enqueue_indirect_dma source(%dma_start3A_692 : memref<50000x512xf32, #tpu.memory_space<hbm>>) target(%dma_start3A_689 : memref<16x512xf32, #tpu.memory_space<vmem>>) offsets(%get3A_684 : vector<16xi32>) semaphore(%arg8 : memref<!tpu.dma_semaphore, #tpu.memory_space<semaphore_mem>>)
        } else {
        }
        %mul3A_509 = arith.constant 8 : i32
        %mul3A_510 = arith.muli %add3A_410, %mul3A_509 : i32
        %add3A_511 = arith.constant 3 : i32
        %add3A_512 = arith.addi %mul3A_510, %add3A_511 : i32
        %dma_wait3A_513 = arith.constant 3 : i32
        %dma_wait3A_514 = arith.constant 0 : i32
        %dma_wait3A_515 = arith.constant 0 : i32
        %dma_wait3A_516 = tpu.memref_slice %arg6[%dma_wait3A_513, %dma_wait3A_514, %dma_wait3A_515] : memref<8x16x512xf32, #tpu.memory_space<vmem>> -> memref<1x16x512xf32, #tpu.memory_space<vmem>>
        %dma_wait3A_517 = tpu.memref_squeeze %dma_wait3A_516 : memref<1x16x512xf32, #tpu.memory_space<vmem>> -> memref<16x512xf32, #tpu.memory_space<vmem>>
        %dma_wait3A_518 = arith.constant 0 : i32
        %dma_wait3A_519 = arith.constant 0 : i32
        %dma_wait3A_520 = tpu.memref_slice %arg2[%dma_wait3A_518, %dma_wait3A_519] : memref<50000x512xf32, #tpu.memory_space<hbm>> -> memref<16x512xf32, #tpu.memory_space<hbm>>
        %dma_wait3A_521 = arith.constant 0 : i32
        %dma_wait3A_522 = arith.constant 0 : i32
        %dma_wait3A_523 = tpu.memref_slice %arg6[%dma_wait3A_513, %dma_wait3A_521, %dma_wait3A_522] : memref<8x16x512xf32, #tpu.memory_space<vmem>> -> memref<1x16x512xf32, #tpu.memory_space<vmem>>
        %dma_wait3A_524 = tpu.memref_squeeze %dma_wait3A_523 : memref<1x16x512xf32, #tpu.memory_space<vmem>> -> memref<16x512xf32, #tpu.memory_space<vmem>>
        %dma_wait3A_525 = arith.constant 0 : i32
        %dma_wait3A_526 = arith.constant 0 : i32
        %dma_wait3A_527 = tpu.memref_slice %arg2[%dma_wait3A_525, %dma_wait3A_526] : memref<50000x512xf32, #tpu.memory_space<hbm>> -> memref<16x512xf32, #tpu.memory_space<hbm>>
        tpu.wait_dma2 semaphore(%arg8 : memref<!tpu.dma_semaphore, #tpu.memory_space<semaphore_mem>>) src(%dma_wait3A_527 : memref<16x512xf32, #tpu.memory_space<hbm>>) dst(%dma_wait3A_524 : memref<16x512xf32, #tpu.memory_space<vmem>>)
        %scan3A_528 = arith.constant 0 : i32
        %scan3A_529 = arith.constant 0 : i32
        %scan3A_530 = arith.constant 32 : i32
        %scan3A_531 = arith.addi %scan3A_529, %scan3A_530 : i32
        %scan3A_532 = arith.constant 1 : i32
        scf.for %scan3A_680 = %scan3A_529 to %scan3A_531 step %scan3A_532  : i32 {
          %mul3A_681 = arith.constant 16 : i32
          %mul3A_682 = arith.muli %scan3A_680, %mul3A_681 : i32
          %get3A_683 = arith.constant 3 : i32
          %get3A_684 = arith.constant 0 : i32
          %get3A_685 = arith.index_cast %get3A_683 : i32 to index
          %get3A_686 = arith.index_cast %get3A_684 : i32 to index
          %get3A_687 = arith.index_cast %mul3A_682 : i32 to index
          %get3A_688 = tpu.vector_load %arg6[%get3A_685, %get3A_686, %get3A_687] {strides = array<i32>} : memref<8x16x512xf32, #tpu.memory_space<vmem>>, vector<1x1x16xf32>,
          %get3A_689 = vector.shape_cast %get3A_688 : vector<1x1x16xf32> to vector<16xf32>
          %get3A_690 = arith.constant 3 : i32
          %get3A_691 = arith.constant 1 : i32
          %get3A_692 = arith.index_cast %get3A_690 : i32 to index
          %get3A_693 = arith.index_cast %get3A_691 : i32 to index
          %get3A_694 = arith.index_cast %mul3A_682 : i32 to index
          %get3A_695 = tpu.vector_load %arg6[%get3A_692, %get3A_693, %get3A_694] {strides = array<i32>} : memref<8x16x512xf32, #tpu.memory_space<vmem>>, vector<1x1x16xf32>,
          %get3A_696 = vector.shape_cast %get3A_695 : vector<1x1x16xf32> to vector<16xf32>
          %get3A_697 = arith.constant 3 : i32
          %get3A_698 = arith.constant 2 : i32
          %get3A_699 = arith.index_cast %get3A_697 : i32 to index
          %get3A_700 = arith.index_cast %get3A_698 : i32 to index
          %get3A_701 = arith.index_cast %mul3A_682 : i32 to index
          %get3A_702 = tpu.vector_load %arg6[%get3A_699, %get3A_700, %get3A_701] {strides = array<i32>} : memref<8x16x512xf32, #tpu.memory_space<vmem>>, vector<1x1x16xf32>,
          %get3A_703 = vector.shape_cast %get3A_702 : vector<1x1x16xf32> to vector<16xf32>
          %get3A_704 = arith.constant 3 : i32
          %get3A_705 = arith.constant 3 : i32
          %get3A_706 = arith.index_cast %get3A_704 : i32 to index
          %get3A_707 = arith.index_cast %get3A_705 : i32 to index
          %get3A_708 = arith.index_cast %mul3A_682 : i32 to index
          %get3A_709 = tpu.vector_load %arg6[%get3A_706, %get3A_707, %get3A_708] {strides = array<i32>} : memref<8x16x512xf32, #tpu.memory_space<vmem>>, vector<1x1x16xf32>,
          %get3A_710 = vector.shape_cast %get3A_709 : vector<1x1x16xf32> to vector<16xf32>
          %get3A_711 = arith.constant 3 : i32
          %get3A_712 = arith.constant 4 : i32
          %get3A_713 = arith.index_cast %get3A_711 : i32 to index
          %get3A_714 = arith.index_cast %get3A_712 : i32 to index
          %get3A_715 = arith.index_cast %mul3A_682 : i32 to index
          %get3A_716 = tpu.vector_load %arg6[%get3A_713, %get3A_714, %get3A_715] {strides = array<i32>} : memref<8x16x512xf32, #tpu.memory_space<vmem>>, vector<1x1x16xf32>,
          %get3A_717 = vector.shape_cast %get3A_716 : vector<1x1x16xf32> to vector<16xf32>
          %get3A_718 = arith.constant 3 : i32
          %get3A_719 = arith.constant 5 : i32
          %get3A_720 = arith.index_cast %get3A_718 : i32 to index
          %get3A_721 = arith.index_cast %get3A_719 : i32 to index
          %get3A_722 = arith.index_cast %mul3A_682 : i32 to index
          %get3A_723 = tpu.vector_load %arg6[%get3A_720, %get3A_721, %get3A_722] {strides = array<i32>} : memref<8x16x512xf32, #tpu.memory_space<vmem>>, vector<1x1x16xf32>,
          %get3A_724 = vector.shape_cast %get3A_723 : vector<1x1x16xf32> to vector<16xf32>
          %get3A_725 = arith.constant 3 : i32
          %get3A_726 = arith.constant 6 : i32
          %get3A_727 = arith.index_cast %get3A_725 : i32 to index
          %get3A_728 = arith.index_cast %get3A_726 : i32 to index
          %get3A_729 = arith.index_cast %mul3A_682 : i32 to index
          %get3A_730 = tpu.vector_load %arg6[%get3A_727, %get3A_728, %get3A_729] {strides = array<i32>} : memref<8x16x512xf32, #tpu.memory_space<vmem>>, vector<1x1x16xf32>,
          %get3A_731 = vector.shape_cast %get3A_730 : vector<1x1x16xf32> to vector<16xf32>
          %get3A_732 = arith.constant 3 : i32
          %get3A_733 = arith.constant 7 : i32
          %get3A_734 = arith.index_cast %get3A_732 : i32 to index
          %get3A_735 = arith.index_cast %get3A_733 : i32 to index
          %get3A_736 = arith.index_cast %mul3A_682 : i32 to index
          %get3A_737 = tpu.vector_load %arg6[%get3A_734, %get3A_735, %get3A_736] {strides = array<i32>} : memref<8x16x512xf32, #tpu.memory_space<vmem>>, vector<1x1x16xf32>,
          %get3A_738 = vector.shape_cast %get3A_737 : vector<1x1x16xf32> to vector<16xf32>
          %get3A_739 = arith.constant 3 : i32
          %get3A_740 = arith.constant 8 : i32
          %get3A_741 = arith.index_cast %get3A_739 : i32 to index
          %get3A_742 = arith.index_cast %get3A_740 : i32 to index
          %get3A_743 = arith.index_cast %mul3A_682 : i32 to index
          %get3A_744 = tpu.vector_load %arg6[%get3A_741, %get3A_742, %get3A_743] {strides = array<i32>} : memref<8x16x512xf32, #tpu.memory_space<vmem>>, vector<1x1x16xf32>,
          %get3A_745 = vector.shape_cast %get3A_744 : vector<1x1x16xf32> to vector<16xf32>
          %get3A_746 = arith.constant 3 : i32
          %get3A_747 = arith.constant 9 : i32
          %get3A_748 = arith.index_cast %get3A_746 : i32 to index
          %get3A_749 = arith.index_cast %get3A_747 : i32 to index
          %get3A_750 = arith.index_cast %mul3A_682 : i32 to index
          %get3A_751 = tpu.vector_load %arg6[%get3A_748, %get3A_749, %get3A_750] {strides = array<i32>} : memref<8x16x512xf32, #tpu.memory_space<vmem>>, vector<1x1x16xf32>,
          %get3A_752 = vector.shape_cast %get3A_751 : vector<1x1x16xf32> to vector<16xf32>
          %get3A_753 = arith.constant 3 : i32
          %get3A_754 = arith.constant 10 : i32
          %get3A_755 = arith.index_cast %get3A_753 : i32 to index
          %get3A_756 = arith.index_cast %get3A_754 : i32 to index
          %get3A_757 = arith.index_cast %mul3A_682 : i32 to index
          %get3A_758 = tpu.vector_load %arg6[%get3A_755, %get3A_756, %get3A_757] {strides = array<i32>} : memref<8x16x512xf32, #tpu.memory_space<vmem>>, vector<1x1x16xf32>,
          %get3A_759 = vector.shape_cast %get3A_758 : vector<1x1x16xf32> to vector<16xf32>
          %get3A_760 = arith.constant 3 : i32
          %get3A_761 = arith.constant 11 : i32
          %get3A_762 = arith.index_cast %get3A_760 : i32 to index
          %get3A_763 = arith.index_cast %get3A_761 : i32 to index
          %get3A_764 = arith.index_cast %mul3A_682 : i32 to index
          %get3A_765 = tpu.vector_load %arg6[%get3A_762, %get3A_763, %get3A_764] {strides = array<i32>} : memref<8x16x512xf32, #tpu.memory_space<vmem>>, vector<1x1x16xf32>,
          %get3A_766 = vector.shape_cast %get3A_765 : vector<1x1x16xf32> to vector<16xf32>
          %get3A_767 = arith.constant 3 : i32
          %get3A_768 = arith.constant 12 : i32
          %get3A_769 = arith.index_cast %get3A_767 : i32 to index
          %get3A_770 = arith.index_cast %get3A_768 : i32 to index
          %get3A_771 = arith.index_cast %mul3A_682 : i32 to index
          %get3A_772 = tpu.vector_load %arg6[%get3A_769, %get3A_770, %get3A_771] {strides = array<i32>} : memref<8x16x512xf32, #tpu.memory_space<vmem>>, vector<1x1x16xf32>,
          %get3A_773 = vector.shape_cast %get3A_772 : vector<1x1x16xf32> to vector<16xf32>
          %get3A_774 = arith.constant 3 : i32
          %get3A_775 = arith.constant 13 : i32
          %get3A_776 = arith.index_cast %get3A_774 : i32 to index
          %get3A_777 = arith.index_cast %get3A_775 : i32 to index
          %get3A_778 = arith.index_cast %mul3A_682 : i32 to index
          %get3A_779 = tpu.vector_load %arg6[%get3A_776, %get3A_777, %get3A_778] {strides = array<i32>} : memref<8x16x512xf32, #tpu.memory_space<vmem>>, vector<1x1x16xf32>,
          %get3A_780 = vector.shape_cast %get3A_779 : vector<1x1x16xf32> to vector<16xf32>
          %get3A_781 = arith.constant 3 : i32
          %get3A_782 = arith.constant 14 : i32
          %get3A_783 = arith.index_cast %get3A_781 : i32 to index
          %get3A_784 = arith.index_cast %get3A_782 : i32 to index
          %get3A_785 = arith.index_cast %mul3A_682 : i32 to index
          %get3A_786 = tpu.vector_load %arg6[%get3A_783, %get3A_784, %get3A_785] {strides = array<i32>} : memref<8x16x512xf32, #tpu.memory_space<vmem>>, vector<1x1x16xf32>,
          %get3A_787 = vector.shape_cast %get3A_786 : vector<1x1x16xf32> to vector<16xf32>
          %get3A_788 = arith.constant 3 : i32
          %get3A_789 = arith.constant 15 : i32
          %get3A_790 = arith.index_cast %get3A_788 : i32 to index
          %get3A_791 = arith.index_cast %get3A_789 : i32 to index
          %get3A_792 = arith.index_cast %mul3A_682 : i32 to index
          %get3A_793 = tpu.vector_load %arg6[%get3A_790, %get3A_791, %get3A_792] {strides = array<i32>} : memref<8x16x512xf32, #tpu.memory_space<vmem>>, vector<1x1x16xf32>,
          %get3A_794 = vector.shape_cast %get3A_793 : vector<1x1x16xf32> to vector<16xf32>
          %add3A_795 = arith.addf %get3A_689, %get3A_696 : vector<16xf32>
          %add3A_796 = arith.addf %get3A_703, %get3A_710 : vector<16xf32>
          %add3A_797 = arith.addf %get3A_717, %get3A_724 : vector<16xf32>
          %add3A_798 = arith.addf %get3A_731, %get3A_738 : vector<16xf32>
          %add3A_799 = arith.addf %get3A_745, %get3A_752 : vector<16xf32>
          %add3A_800 = arith.addf %get3A_759, %get3A_766 : vector<16xf32>
          %add3A_801 = arith.addf %get3A_773, %get3A_780 : vector<16xf32>
          %add3A_802 = arith.addf %get3A_787, %get3A_794 : vector<16xf32>
          %add3A_803 = arith.addf %add3A_795, %add3A_796 : vector<16xf32>
          %add3A_804 = arith.addf %add3A_797, %add3A_798 : vector<16xf32>
          %add3A_805 = arith.addf %add3A_799, %add3A_800 : vector<16xf32>
          %add3A_806 = arith.addf %add3A_801, %add3A_802 : vector<16xf32>
          %add3A_807 = arith.addf %add3A_803, %add3A_804 : vector<16xf32>
          %add3A_808 = arith.addf %add3A_805, %add3A_806 : vector<16xf32>
          %add3A_809 = arith.addf %add3A_807, %add3A_808 : vector<16xf32>
          %swap3A = arith.constant 1 : i32
          %swap3A_810 = arith.constant 3 : i32
          %swap3A_811 = arith.index_cast %swap3A : i32 to index
          %swap3A_812 = arith.index_cast %swap3A_810 : i32 to index
          %swap3A_813 = arith.index_cast %mul3A_682 : i32 to index
          %swap3A_814 = tpu.vector_load %arg7[%swap3A_811, %swap3A_812, %swap3A_813] {strides = array<i32>} : memref<2x8x512xf32, #tpu.memory_space<vmem>>, vector<1x1x16xf32>,
          %swap3A_815 = vector.shape_cast %swap3A_814 : vector<1x1x16xf32> to vector<16xf32>
          %swap3A_816 = vector.shape_cast %add3A_809 : vector<16xf32> to vector<1x1x16xf32>
          tpu.vector_store %arg7[%swap3A_811, %swap3A_812, %swap3A_813], %swap3A_816 {strides = array<i32>} : memref<2x8x512xf32, #tpu.memory_space<vmem>>, vector<1x1x16xf32>,
        }
        %scan3A_533 = arith.constant 32 : i32
        %add3A_534 = arith.constant 8 : i32
        %add3A_535 = arith.addi %add3A_512, %add3A_534 : i32
        %lt3A_536 = arith.cmpi slt, %add3A_535, %select_n3A_7 : i32
        %convert_element_type3A_537 = arith.extui %lt3A_536 : i1 to i32
        %cond3A_538 = arith.constant 0 : i32
        %cond3A_539 = arith.cmpi ne, %convert_element_type3A_537, %cond3A_538 : i32
        scf.if %cond3A_539 {
          %mul3A_680 = arith.constant 16 : i32
          %mul3A_681 = arith.muli %add3A_535, %mul3A_680 : i32
          %get3A_682 = arith.index_cast %mul3A_681 : i32 to index
          %get3A_683 = tpu.vector_load %arg5[%get3A_682] {strides = array<i32>} : memref<26624xi32, #tpu.memory_space<vmem>>, vector<16xi32>,
          %get3A_684 = vector.shape_cast %get3A_683 : vector<16xi32> to vector<16xi32>
          %dma_start3A_685 = arith.constant 3 : i32
          %dma_start3A_686 = arith.constant 0 : i32
          %dma_start3A_687 = arith.constant 0 : i32
          %dma_start3A_688 = tpu.memref_slice %arg6[%dma_start3A_685, %dma_start3A_686, %dma_start3A_687] : memref<8x16x512xf32, #tpu.memory_space<vmem>> -> memref<1x16x512xf32, #tpu.memory_space<vmem>>
          %dma_start3A_689 = tpu.memref_squeeze %dma_start3A_688 : memref<1x16x512xf32, #tpu.memory_space<vmem>> -> memref<16x512xf32, #tpu.memory_space<vmem>>
          %dma_start3A_690 = arith.constant 0 : i32
          %dma_start3A_691 = arith.constant 0 : i32
          %dma_start3A_692 = tpu.memref_slice %arg2[%dma_start3A_690, %dma_start3A_691] : memref<50000x512xf32, #tpu.memory_space<hbm>> -> memref<50000x512xf32, #tpu.memory_space<hbm>>
          tpu.enqueue_indirect_dma source(%dma_start3A_692 : memref<50000x512xf32, #tpu.memory_space<hbm>>) target(%dma_start3A_689 : memref<16x512xf32, #tpu.memory_space<vmem>>) offsets(%get3A_684 : vector<16xi32>) semaphore(%arg8 : memref<!tpu.dma_semaphore, #tpu.memory_space<semaphore_mem>>)
        } else {
        }
        %mul3A_540 = arith.constant 8 : i32
        %mul3A_541 = arith.muli %add3A_410, %mul3A_540 : i32
        %add3A_542 = arith.constant 4 : i32
        %add3A_543 = arith.addi %mul3A_541, %add3A_542 : i32
        %dma_wait3A_544 = arith.constant 4 : i32
        %dma_wait3A_545 = arith.constant 0 : i32
        %dma_wait3A_546 = arith.constant 0 : i32
        %dma_wait3A_547 = tpu.memref_slice %arg6[%dma_wait3A_544, %dma_wait3A_545, %dma_wait3A_546] : memref<8x16x512xf32, #tpu.memory_space<vmem>> -> memref<1x16x512xf32, #tpu.memory_space<vmem>>
        %dma_wait3A_548 = tpu.memref_squeeze %dma_wait3A_547 : memref<1x16x512xf32, #tpu.memory_space<vmem>> -> memref<16x512xf32, #tpu.memory_space<vmem>>
        %dma_wait3A_549 = arith.constant 0 : i32
        %dma_wait3A_550 = arith.constant 0 : i32
        %dma_wait3A_551 = tpu.memref_slice %arg2[%dma_wait3A_549, %dma_wait3A_550] : memref<50000x512xf32, #tpu.memory_space<hbm>> -> memref<16x512xf32, #tpu.memory_space<hbm>>
        %dma_wait3A_552 = arith.constant 0 : i32
        %dma_wait3A_553 = arith.constant 0 : i32
        %dma_wait3A_554 = tpu.memref_slice %arg6[%dma_wait3A_544, %dma_wait3A_552, %dma_wait3A_553] : memref<8x16x512xf32, #tpu.memory_space<vmem>> -> memref<1x16x512xf32, #tpu.memory_space<vmem>>
        %dma_wait3A_555 = tpu.memref_squeeze %dma_wait3A_554 : memref<1x16x512xf32, #tpu.memory_space<vmem>> -> memref<16x512xf32, #tpu.memory_space<vmem>>
        %dma_wait3A_556 = arith.constant 0 : i32
        %dma_wait3A_557 = arith.constant 0 : i32
        %dma_wait3A_558 = tpu.memref_slice %arg2[%dma_wait3A_556, %dma_wait3A_557] : memref<50000x512xf32, #tpu.memory_space<hbm>> -> memref<16x512xf32, #tpu.memory_space<hbm>>
        tpu.wait_dma2 semaphore(%arg8 : memref<!tpu.dma_semaphore, #tpu.memory_space<semaphore_mem>>) src(%dma_wait3A_558 : memref<16x512xf32, #tpu.memory_space<hbm>>) dst(%dma_wait3A_555 : memref<16x512xf32, #tpu.memory_space<vmem>>)
        %scan3A_559 = arith.constant 0 : i32
        %scan3A_560 = arith.constant 0 : i32
        %scan3A_561 = arith.constant 32 : i32
        %scan3A_562 = arith.addi %scan3A_560, %scan3A_561 : i32
        %scan3A_563 = arith.constant 1 : i32
        scf.for %scan3A_680 = %scan3A_560 to %scan3A_562 step %scan3A_563  : i32 {
          %mul3A_681 = arith.constant 16 : i32
          %mul3A_682 = arith.muli %scan3A_680, %mul3A_681 : i32
          %get3A_683 = arith.constant 4 : i32
          %get3A_684 = arith.constant 0 : i32
          %get3A_685 = arith.index_cast %get3A_683 : i32 to index
          %get3A_686 = arith.index_cast %get3A_684 : i32 to index
          %get3A_687 = arith.index_cast %mul3A_682 : i32 to index
          %get3A_688 = tpu.vector_load %arg6[%get3A_685, %get3A_686, %get3A_687] {strides = array<i32>} : memref<8x16x512xf32, #tpu.memory_space<vmem>>, vector<1x1x16xf32>,
          %get3A_689 = vector.shape_cast %get3A_688 : vector<1x1x16xf32> to vector<16xf32>
          %get3A_690 = arith.constant 4 : i32
          %get3A_691 = arith.constant 1 : i32
          %get3A_692 = arith.index_cast %get3A_690 : i32 to index
          %get3A_693 = arith.index_cast %get3A_691 : i32 to index
          %get3A_694 = arith.index_cast %mul3A_682 : i32 to index
          %get3A_695 = tpu.vector_load %arg6[%get3A_692, %get3A_693, %get3A_694] {strides = array<i32>} : memref<8x16x512xf32, #tpu.memory_space<vmem>>, vector<1x1x16xf32>,
          %get3A_696 = vector.shape_cast %get3A_695 : vector<1x1x16xf32> to vector<16xf32>
          %get3A_697 = arith.constant 4 : i32
          %get3A_698 = arith.constant 2 : i32
          %get3A_699 = arith.index_cast %get3A_697 : i32 to index
          %get3A_700 = arith.index_cast %get3A_698 : i32 to index
          %get3A_701 = arith.index_cast %mul3A_682 : i32 to index
          %get3A_702 = tpu.vector_load %arg6[%get3A_699, %get3A_700, %get3A_701] {strides = array<i32>} : memref<8x16x512xf32, #tpu.memory_space<vmem>>, vector<1x1x16xf32>,
          %get3A_703 = vector.shape_cast %get3A_702 : vector<1x1x16xf32> to vector<16xf32>
          %get3A_704 = arith.constant 4 : i32
          %get3A_705 = arith.constant 3 : i32
          %get3A_706 = arith.index_cast %get3A_704 : i32 to index
          %get3A_707 = arith.index_cast %get3A_705 : i32 to index
          %get3A_708 = arith.index_cast %mul3A_682 : i32 to index
          %get3A_709 = tpu.vector_load %arg6[%get3A_706, %get3A_707, %get3A_708] {strides = array<i32>} : memref<8x16x512xf32, #tpu.memory_space<vmem>>, vector<1x1x16xf32>,
          %get3A_710 = vector.shape_cast %get3A_709 : vector<1x1x16xf32> to vector<16xf32>
          %get3A_711 = arith.constant 4 : i32
          %get3A_712 = arith.constant 4 : i32
          %get3A_713 = arith.index_cast %get3A_711 : i32 to index
          %get3A_714 = arith.index_cast %get3A_712 : i32 to index
          %get3A_715 = arith.index_cast %mul3A_682 : i32 to index
          %get3A_716 = tpu.vector_load %arg6[%get3A_713, %get3A_714, %get3A_715] {strides = array<i32>} : memref<8x16x512xf32, #tpu.memory_space<vmem>>, vector<1x1x16xf32>,
          %get3A_717 = vector.shape_cast %get3A_716 : vector<1x1x16xf32> to vector<16xf32>
          %get3A_718 = arith.constant 4 : i32
          %get3A_719 = arith.constant 5 : i32
          %get3A_720 = arith.index_cast %get3A_718 : i32 to index
          %get3A_721 = arith.index_cast %get3A_719 : i32 to index
          %get3A_722 = arith.index_cast %mul3A_682 : i32 to index
          %get3A_723 = tpu.vector_load %arg6[%get3A_720, %get3A_721, %get3A_722] {strides = array<i32>} : memref<8x16x512xf32, #tpu.memory_space<vmem>>, vector<1x1x16xf32>,
          %get3A_724 = vector.shape_cast %get3A_723 : vector<1x1x16xf32> to vector<16xf32>
          %get3A_725 = arith.constant 4 : i32
          %get3A_726 = arith.constant 6 : i32
          %get3A_727 = arith.index_cast %get3A_725 : i32 to index
          %get3A_728 = arith.index_cast %get3A_726 : i32 to index
          %get3A_729 = arith.index_cast %mul3A_682 : i32 to index
          %get3A_730 = tpu.vector_load %arg6[%get3A_727, %get3A_728, %get3A_729] {strides = array<i32>} : memref<8x16x512xf32, #tpu.memory_space<vmem>>, vector<1x1x16xf32>,
          %get3A_731 = vector.shape_cast %get3A_730 : vector<1x1x16xf32> to vector<16xf32>
          %get3A_732 = arith.constant 4 : i32
          %get3A_733 = arith.constant 7 : i32
          %get3A_734 = arith.index_cast %get3A_732 : i32 to index
          %get3A_735 = arith.index_cast %get3A_733 : i32 to index
          %get3A_736 = arith.index_cast %mul3A_682 : i32 to index
          %get3A_737 = tpu.vector_load %arg6[%get3A_734, %get3A_735, %get3A_736] {strides = array<i32>} : memref<8x16x512xf32, #tpu.memory_space<vmem>>, vector<1x1x16xf32>,
          %get3A_738 = vector.shape_cast %get3A_737 : vector<1x1x16xf32> to vector<16xf32>
          %get3A_739 = arith.constant 4 : i32
          %get3A_740 = arith.constant 8 : i32
          %get3A_741 = arith.index_cast %get3A_739 : i32 to index
          %get3A_742 = arith.index_cast %get3A_740 : i32 to index
          %get3A_743 = arith.index_cast %mul3A_682 : i32 to index
          %get3A_744 = tpu.vector_load %arg6[%get3A_741, %get3A_742, %get3A_743] {strides = array<i32>} : memref<8x16x512xf32, #tpu.memory_space<vmem>>, vector<1x1x16xf32>,
          %get3A_745 = vector.shape_cast %get3A_744 : vector<1x1x16xf32> to vector<16xf32>
          %get3A_746 = arith.constant 4 : i32
          %get3A_747 = arith.constant 9 : i32
          %get3A_748 = arith.index_cast %get3A_746 : i32 to index
          %get3A_749 = arith.index_cast %get3A_747 : i32 to index
          %get3A_750 = arith.index_cast %mul3A_682 : i32 to index
          %get3A_751 = tpu.vector_load %arg6[%get3A_748, %get3A_749, %get3A_750] {strides = array<i32>} : memref<8x16x512xf32, #tpu.memory_space<vmem>>, vector<1x1x16xf32>,
          %get3A_752 = vector.shape_cast %get3A_751 : vector<1x1x16xf32> to vector<16xf32>
          %get3A_753 = arith.constant 4 : i32
          %get3A_754 = arith.constant 10 : i32
          %get3A_755 = arith.index_cast %get3A_753 : i32 to index
          %get3A_756 = arith.index_cast %get3A_754 : i32 to index
          %get3A_757 = arith.index_cast %mul3A_682 : i32 to index
          %get3A_758 = tpu.vector_load %arg6[%get3A_755, %get3A_756, %get3A_757] {strides = array<i32>} : memref<8x16x512xf32, #tpu.memory_space<vmem>>, vector<1x1x16xf32>,
          %get3A_759 = vector.shape_cast %get3A_758 : vector<1x1x16xf32> to vector<16xf32>
          %get3A_760 = arith.constant 4 : i32
          %get3A_761 = arith.constant 11 : i32
          %get3A_762 = arith.index_cast %get3A_760 : i32 to index
          %get3A_763 = arith.index_cast %get3A_761 : i32 to index
          %get3A_764 = arith.index_cast %mul3A_682 : i32 to index
          %get3A_765 = tpu.vector_load %arg6[%get3A_762, %get3A_763, %get3A_764] {strides = array<i32>} : memref<8x16x512xf32, #tpu.memory_space<vmem>>, vector<1x1x16xf32>,
          %get3A_766 = vector.shape_cast %get3A_765 : vector<1x1x16xf32> to vector<16xf32>
          %get3A_767 = arith.constant 4 : i32
          %get3A_768 = arith.constant 12 : i32
          %get3A_769 = arith.index_cast %get3A_767 : i32 to index
          %get3A_770 = arith.index_cast %get3A_768 : i32 to index
          %get3A_771 = arith.index_cast %mul3A_682 : i32 to index
          %get3A_772 = tpu.vector_load %arg6[%get3A_769, %get3A_770, %get3A_771] {strides = array<i32>} : memref<8x16x512xf32, #tpu.memory_space<vmem>>, vector<1x1x16xf32>,
          %get3A_773 = vector.shape_cast %get3A_772 : vector<1x1x16xf32> to vector<16xf32>
          %get3A_774 = arith.constant 4 : i32
          %get3A_775 = arith.constant 13 : i32
          %get3A_776 = arith.index_cast %get3A_774 : i32 to index
          %get3A_777 = arith.index_cast %get3A_775 : i32 to index
          %get3A_778 = arith.index_cast %mul3A_682 : i32 to index
          %get3A_779 = tpu.vector_load %arg6[%get3A_776, %get3A_777, %get3A_778] {strides = array<i32>} : memref<8x16x512xf32, #tpu.memory_space<vmem>>, vector<1x1x16xf32>,
          %get3A_780 = vector.shape_cast %get3A_779 : vector<1x1x16xf32> to vector<16xf32>
          %get3A_781 = arith.constant 4 : i32
          %get3A_782 = arith.constant 14 : i32
          %get3A_783 = arith.index_cast %get3A_781 : i32 to index
          %get3A_784 = arith.index_cast %get3A_782 : i32 to index
          %get3A_785 = arith.index_cast %mul3A_682 : i32 to index
          %get3A_786 = tpu.vector_load %arg6[%get3A_783, %get3A_784, %get3A_785] {strides = array<i32>} : memref<8x16x512xf32, #tpu.memory_space<vmem>>, vector<1x1x16xf32>,
          %get3A_787 = vector.shape_cast %get3A_786 : vector<1x1x16xf32> to vector<16xf32>
          %get3A_788 = arith.constant 4 : i32
          %get3A_789 = arith.constant 15 : i32
          %get3A_790 = arith.index_cast %get3A_788 : i32 to index
          %get3A_791 = arith.index_cast %get3A_789 : i32 to index
          %get3A_792 = arith.index_cast %mul3A_682 : i32 to index
          %get3A_793 = tpu.vector_load %arg6[%get3A_790, %get3A_791, %get3A_792] {strides = array<i32>} : memref<8x16x512xf32, #tpu.memory_space<vmem>>, vector<1x1x16xf32>,
          %get3A_794 = vector.shape_cast %get3A_793 : vector<1x1x16xf32> to vector<16xf32>
          %add3A_795 = arith.addf %get3A_689, %get3A_696 : vector<16xf32>
          %add3A_796 = arith.addf %get3A_703, %get3A_710 : vector<16xf32>
          %add3A_797 = arith.addf %get3A_717, %get3A_724 : vector<16xf32>
          %add3A_798 = arith.addf %get3A_731, %get3A_738 : vector<16xf32>
          %add3A_799 = arith.addf %get3A_745, %get3A_752 : vector<16xf32>
          %add3A_800 = arith.addf %get3A_759, %get3A_766 : vector<16xf32>
          %add3A_801 = arith.addf %get3A_773, %get3A_780 : vector<16xf32>
          %add3A_802 = arith.addf %get3A_787, %get3A_794 : vector<16xf32>
          %add3A_803 = arith.addf %add3A_795, %add3A_796 : vector<16xf32>
          %add3A_804 = arith.addf %add3A_797, %add3A_798 : vector<16xf32>
          %add3A_805 = arith.addf %add3A_799, %add3A_800 : vector<16xf32>
          %add3A_806 = arith.addf %add3A_801, %add3A_802 : vector<16xf32>
          %add3A_807 = arith.addf %add3A_803, %add3A_804 : vector<16xf32>
          %add3A_808 = arith.addf %add3A_805, %add3A_806 : vector<16xf32>
          %add3A_809 = arith.addf %add3A_807, %add3A_808 : vector<16xf32>
          %swap3A = arith.constant 1 : i32
          %swap3A_810 = arith.constant 4 : i32
          %swap3A_811 = arith.index_cast %swap3A : i32 to index
          %swap3A_812 = arith.index_cast %swap3A_810 : i32 to index
          %swap3A_813 = arith.index_cast %mul3A_682 : i32 to index
          %swap3A_814 = tpu.vector_load %arg7[%swap3A_811, %swap3A_812, %swap3A_813] {strides = array<i32>} : memref<2x8x512xf32, #tpu.memory_space<vmem>>, vector<1x1x16xf32>,
          %swap3A_815 = vector.shape_cast %swap3A_814 : vector<1x1x16xf32> to vector<16xf32>
          %swap3A_816 = vector.shape_cast %add3A_809 : vector<16xf32> to vector<1x1x16xf32>
          tpu.vector_store %arg7[%swap3A_811, %swap3A_812, %swap3A_813], %swap3A_816 {strides = array<i32>} : memref<2x8x512xf32, #tpu.memory_space<vmem>>, vector<1x1x16xf32>,
        }
        %scan3A_564 = arith.constant 32 : i32
        %add3A_565 = arith.constant 8 : i32
        %add3A_566 = arith.addi %add3A_543, %add3A_565 : i32
        %lt3A_567 = arith.cmpi slt, %add3A_566, %select_n3A_7 : i32
        %convert_element_type3A_568 = arith.extui %lt3A_567 : i1 to i32
        %cond3A_569 = arith.constant 0 : i32
        %cond3A_570 = arith.cmpi ne, %convert_element_type3A_568, %cond3A_569 : i32
        scf.if %cond3A_570 {
          %mul3A_680 = arith.constant 16 : i32
          %mul3A_681 = arith.muli %add3A_566, %mul3A_680 : i32
          %get3A_682 = arith.index_cast %mul3A_681 : i32 to index
          %get3A_683 = tpu.vector_load %arg5[%get3A_682] {strides = array<i32>} : memref<26624xi32, #tpu.memory_space<vmem>>, vector<16xi32>,
          %get3A_684 = vector.shape_cast %get3A_683 : vector<16xi32> to vector<16xi32>
          %dma_start3A_685 = arith.constant 4 : i32
          %dma_start3A_686 = arith.constant 0 : i32
          %dma_start3A_687 = arith.constant 0 : i32
          %dma_start3A_688 = tpu.memref_slice %arg6[%dma_start3A_685, %dma_start3A_686, %dma_start3A_687] : memref<8x16x512xf32, #tpu.memory_space<vmem>> -> memref<1x16x512xf32, #tpu.memory_space<vmem>>
          %dma_start3A_689 = tpu.memref_squeeze %dma_start3A_688 : memref<1x16x512xf32, #tpu.memory_space<vmem>> -> memref<16x512xf32, #tpu.memory_space<vmem>>
          %dma_start3A_690 = arith.constant 0 : i32
          %dma_start3A_691 = arith.constant 0 : i32
          %dma_start3A_692 = tpu.memref_slice %arg2[%dma_start3A_690, %dma_start3A_691] : memref<50000x512xf32, #tpu.memory_space<hbm>> -> memref<50000x512xf32, #tpu.memory_space<hbm>>
          tpu.enqueue_indirect_dma source(%dma_start3A_692 : memref<50000x512xf32, #tpu.memory_space<hbm>>) target(%dma_start3A_689 : memref<16x512xf32, #tpu.memory_space<vmem>>) offsets(%get3A_684 : vector<16xi32>) semaphore(%arg8 : memref<!tpu.dma_semaphore, #tpu.memory_space<semaphore_mem>>)
        } else {
        }
        %mul3A_571 = arith.constant 8 : i32
        %mul3A_572 = arith.muli %add3A_410, %mul3A_571 : i32
        %add3A_573 = arith.constant 5 : i32
        %add3A_574 = arith.addi %mul3A_572, %add3A_573 : i32
        %dma_wait3A_575 = arith.constant 5 : i32
        %dma_wait3A_576 = arith.constant 0 : i32
        %dma_wait3A_577 = arith.constant 0 : i32
        %dma_wait3A_578 = tpu.memref_slice %arg6[%dma_wait3A_575, %dma_wait3A_576, %dma_wait3A_577] : memref<8x16x512xf32, #tpu.memory_space<vmem>> -> memref<1x16x512xf32, #tpu.memory_space<vmem>>
        %dma_wait3A_579 = tpu.memref_squeeze %dma_wait3A_578 : memref<1x16x512xf32, #tpu.memory_space<vmem>> -> memref<16x512xf32, #tpu.memory_space<vmem>>
        %dma_wait3A_580 = arith.constant 0 : i32
        %dma_wait3A_581 = arith.constant 0 : i32
        %dma_wait3A_582 = tpu.memref_slice %arg2[%dma_wait3A_580, %dma_wait3A_581] : memref<50000x512xf32, #tpu.memory_space<hbm>> -> memref<16x512xf32, #tpu.memory_space<hbm>>
        %dma_wait3A_583 = arith.constant 0 : i32
        %dma_wait3A_584 = arith.constant 0 : i32
        %dma_wait3A_585 = tpu.memref_slice %arg6[%dma_wait3A_575, %dma_wait3A_583, %dma_wait3A_584] : memref<8x16x512xf32, #tpu.memory_space<vmem>> -> memref<1x16x512xf32, #tpu.memory_space<vmem>>
        %dma_wait3A_586 = tpu.memref_squeeze %dma_wait3A_585 : memref<1x16x512xf32, #tpu.memory_space<vmem>> -> memref<16x512xf32, #tpu.memory_space<vmem>>
        %dma_wait3A_587 = arith.constant 0 : i32
        %dma_wait3A_588 = arith.constant 0 : i32
        %dma_wait3A_589 = tpu.memref_slice %arg2[%dma_wait3A_587, %dma_wait3A_588] : memref<50000x512xf32, #tpu.memory_space<hbm>> -> memref<16x512xf32, #tpu.memory_space<hbm>>
        tpu.wait_dma2 semaphore(%arg8 : memref<!tpu.dma_semaphore, #tpu.memory_space<semaphore_mem>>) src(%dma_wait3A_589 : memref<16x512xf32, #tpu.memory_space<hbm>>) dst(%dma_wait3A_586 : memref<16x512xf32, #tpu.memory_space<vmem>>)
        %scan3A_590 = arith.constant 0 : i32
        %scan3A_591 = arith.constant 0 : i32
        %scan3A_592 = arith.constant 32 : i32
        %scan3A_593 = arith.addi %scan3A_591, %scan3A_592 : i32
        %scan3A_594 = arith.constant 1 : i32
        scf.for %scan3A_680 = %scan3A_591 to %scan3A_593 step %scan3A_594  : i32 {
          %mul3A_681 = arith.constant 16 : i32
          %mul3A_682 = arith.muli %scan3A_680, %mul3A_681 : i32
          %get3A_683 = arith.constant 5 : i32
          %get3A_684 = arith.constant 0 : i32
          %get3A_685 = arith.index_cast %get3A_683 : i32 to index
          %get3A_686 = arith.index_cast %get3A_684 : i32 to index
          %get3A_687 = arith.index_cast %mul3A_682 : i32 to index
          %get3A_688 = tpu.vector_load %arg6[%get3A_685, %get3A_686, %get3A_687] {strides = array<i32>} : memref<8x16x512xf32, #tpu.memory_space<vmem>>, vector<1x1x16xf32>,
          %get3A_689 = vector.shape_cast %get3A_688 : vector<1x1x16xf32> to vector<16xf32>
          %get3A_690 = arith.constant 5 : i32
          %get3A_691 = arith.constant 1 : i32
          %get3A_692 = arith.index_cast %get3A_690 : i32 to index
          %get3A_693 = arith.index_cast %get3A_691 : i32 to index
          %get3A_694 = arith.index_cast %mul3A_682 : i32 to index
          %get3A_695 = tpu.vector_load %arg6[%get3A_692, %get3A_693, %get3A_694] {strides = array<i32>} : memref<8x16x512xf32, #tpu.memory_space<vmem>>, vector<1x1x16xf32>,
          %get3A_696 = vector.shape_cast %get3A_695 : vector<1x1x16xf32> to vector<16xf32>
          %get3A_697 = arith.constant 5 : i32
          %get3A_698 = arith.constant 2 : i32
          %get3A_699 = arith.index_cast %get3A_697 : i32 to index
          %get3A_700 = arith.index_cast %get3A_698 : i32 to index
          %get3A_701 = arith.index_cast %mul3A_682 : i32 to index
          %get3A_702 = tpu.vector_load %arg6[%get3A_699, %get3A_700, %get3A_701] {strides = array<i32>} : memref<8x16x512xf32, #tpu.memory_space<vmem>>, vector<1x1x16xf32>,
          %get3A_703 = vector.shape_cast %get3A_702 : vector<1x1x16xf32> to vector<16xf32>
          %get3A_704 = arith.constant 5 : i32
          %get3A_705 = arith.constant 3 : i32
          %get3A_706 = arith.index_cast %get3A_704 : i32 to index
          %get3A_707 = arith.index_cast %get3A_705 : i32 to index
          %get3A_708 = arith.index_cast %mul3A_682 : i32 to index
          %get3A_709 = tpu.vector_load %arg6[%get3A_706, %get3A_707, %get3A_708] {strides = array<i32>} : memref<8x16x512xf32, #tpu.memory_space<vmem>>, vector<1x1x16xf32>,
          %get3A_710 = vector.shape_cast %get3A_709 : vector<1x1x16xf32> to vector<16xf32>
          %get3A_711 = arith.constant 5 : i32
          %get3A_712 = arith.constant 4 : i32
          %get3A_713 = arith.index_cast %get3A_711 : i32 to index
          %get3A_714 = arith.index_cast %get3A_712 : i32 to index
          %get3A_715 = arith.index_cast %mul3A_682 : i32 to index
          %get3A_716 = tpu.vector_load %arg6[%get3A_713, %get3A_714, %get3A_715] {strides = array<i32>} : memref<8x16x512xf32, #tpu.memory_space<vmem>>, vector<1x1x16xf32>,
          %get3A_717 = vector.shape_cast %get3A_716 : vector<1x1x16xf32> to vector<16xf32>
          %get3A_718 = arith.constant 5 : i32
          %get3A_719 = arith.constant 5 : i32
          %get3A_720 = arith.index_cast %get3A_718 : i32 to index
          %get3A_721 = arith.index_cast %get3A_719 : i32 to index
          %get3A_722 = arith.index_cast %mul3A_682 : i32 to index
          %get3A_723 = tpu.vector_load %arg6[%get3A_720, %get3A_721, %get3A_722] {strides = array<i32>} : memref<8x16x512xf32, #tpu.memory_space<vmem>>, vector<1x1x16xf32>,
          %get3A_724 = vector.shape_cast %get3A_723 : vector<1x1x16xf32> to vector<16xf32>
          %get3A_725 = arith.constant 5 : i32
          %get3A_726 = arith.constant 6 : i32
          %get3A_727 = arith.index_cast %get3A_725 : i32 to index
          %get3A_728 = arith.index_cast %get3A_726 : i32 to index
          %get3A_729 = arith.index_cast %mul3A_682 : i32 to index
          %get3A_730 = tpu.vector_load %arg6[%get3A_727, %get3A_728, %get3A_729] {strides = array<i32>} : memref<8x16x512xf32, #tpu.memory_space<vmem>>, vector<1x1x16xf32>,
          %get3A_731 = vector.shape_cast %get3A_730 : vector<1x1x16xf32> to vector<16xf32>
          %get3A_732 = arith.constant 5 : i32
          %get3A_733 = arith.constant 7 : i32
          %get3A_734 = arith.index_cast %get3A_732 : i32 to index
          %get3A_735 = arith.index_cast %get3A_733 : i32 to index
          %get3A_736 = arith.index_cast %mul3A_682 : i32 to index
          %get3A_737 = tpu.vector_load %arg6[%get3A_734, %get3A_735, %get3A_736] {strides = array<i32>} : memref<8x16x512xf32, #tpu.memory_space<vmem>>, vector<1x1x16xf32>,
          %get3A_738 = vector.shape_cast %get3A_737 : vector<1x1x16xf32> to vector<16xf32>
          %get3A_739 = arith.constant 5 : i32
          %get3A_740 = arith.constant 8 : i32
          %get3A_741 = arith.index_cast %get3A_739 : i32 to index
          %get3A_742 = arith.index_cast %get3A_740 : i32 to index
          %get3A_743 = arith.index_cast %mul3A_682 : i32 to index
          %get3A_744 = tpu.vector_load %arg6[%get3A_741, %get3A_742, %get3A_743] {strides = array<i32>} : memref<8x16x512xf32, #tpu.memory_space<vmem>>, vector<1x1x16xf32>,
          %get3A_745 = vector.shape_cast %get3A_744 : vector<1x1x16xf32> to vector<16xf32>
          %get3A_746 = arith.constant 5 : i32
          %get3A_747 = arith.constant 9 : i32
          %get3A_748 = arith.index_cast %get3A_746 : i32 to index
          %get3A_749 = arith.index_cast %get3A_747 : i32 to index
          %get3A_750 = arith.index_cast %mul3A_682 : i32 to index
          %get3A_751 = tpu.vector_load %arg6[%get3A_748, %get3A_749, %get3A_750] {strides = array<i32>} : memref<8x16x512xf32, #tpu.memory_space<vmem>>, vector<1x1x16xf32>,
          %get3A_752 = vector.shape_cast %get3A_751 : vector<1x1x16xf32> to vector<16xf32>
          %get3A_753 = arith.constant 5 : i32
          %get3A_754 = arith.constant 10 : i32
          %get3A_755 = arith.index_cast %get3A_753 : i32 to index
          %get3A_756 = arith.index_cast %get3A_754 : i32 to index
          %get3A_757 = arith.index_cast %mul3A_682 : i32 to index
          %get3A_758 = tpu.vector_load %arg6[%get3A_755, %get3A_756, %get3A_757] {strides = array<i32>} : memref<8x16x512xf32, #tpu.memory_space<vmem>>, vector<1x1x16xf32>,
          %get3A_759 = vector.shape_cast %get3A_758 : vector<1x1x16xf32> to vector<16xf32>
          %get3A_760 = arith.constant 5 : i32
          %get3A_761 = arith.constant 11 : i32
          %get3A_762 = arith.index_cast %get3A_760 : i32 to index
          %get3A_763 = arith.index_cast %get3A_761 : i32 to index
          %get3A_764 = arith.index_cast %mul3A_682 : i32 to index
          %get3A_765 = tpu.vector_load %arg6[%get3A_762, %get3A_763, %get3A_764] {strides = array<i32>} : memref<8x16x512xf32, #tpu.memory_space<vmem>>, vector<1x1x16xf32>,
          %get3A_766 = vector.shape_cast %get3A_765 : vector<1x1x16xf32> to vector<16xf32>
          %get3A_767 = arith.constant 5 : i32
          %get3A_768 = arith.constant 12 : i32
          %get3A_769 = arith.index_cast %get3A_767 : i32 to index
          %get3A_770 = arith.index_cast %get3A_768 : i32 to index
          %get3A_771 = arith.index_cast %mul3A_682 : i32 to index
          %get3A_772 = tpu.vector_load %arg6[%get3A_769, %get3A_770, %get3A_771] {strides = array<i32>} : memref<8x16x512xf32, #tpu.memory_space<vmem>>, vector<1x1x16xf32>,
          %get3A_773 = vector.shape_cast %get3A_772 : vector<1x1x16xf32> to vector<16xf32>
          %get3A_774 = arith.constant 5 : i32
          %get3A_775 = arith.constant 13 : i32
          %get3A_776 = arith.index_cast %get3A_774 : i32 to index
          %get3A_777 = arith.index_cast %get3A_775 : i32 to index
          %get3A_778 = arith.index_cast %mul3A_682 : i32 to index
          %get3A_779 = tpu.vector_load %arg6[%get3A_776, %get3A_777, %get3A_778] {strides = array<i32>} : memref<8x16x512xf32, #tpu.memory_space<vmem>>, vector<1x1x16xf32>,
          %get3A_780 = vector.shape_cast %get3A_779 : vector<1x1x16xf32> to vector<16xf32>
          %get3A_781 = arith.constant 5 : i32
          %get3A_782 = arith.constant 14 : i32
          %get3A_783 = arith.index_cast %get3A_781 : i32 to index
          %get3A_784 = arith.index_cast %get3A_782 : i32 to index
          %get3A_785 = arith.index_cast %mul3A_682 : i32 to index
          %get3A_786 = tpu.vector_load %arg6[%get3A_783, %get3A_784, %get3A_785] {strides = array<i32>} : memref<8x16x512xf32, #tpu.memory_space<vmem>>, vector<1x1x16xf32>,
          %get3A_787 = vector.shape_cast %get3A_786 : vector<1x1x16xf32> to vector<16xf32>
          %get3A_788 = arith.constant 5 : i32
          %get3A_789 = arith.constant 15 : i32
          %get3A_790 = arith.index_cast %get3A_788 : i32 to index
          %get3A_791 = arith.index_cast %get3A_789 : i32 to index
          %get3A_792 = arith.index_cast %mul3A_682 : i32 to index
          %get3A_793 = tpu.vector_load %arg6[%get3A_790, %get3A_791, %get3A_792] {strides = array<i32>} : memref<8x16x512xf32, #tpu.memory_space<vmem>>, vector<1x1x16xf32>,
          %get3A_794 = vector.shape_cast %get3A_793 : vector<1x1x16xf32> to vector<16xf32>
          %add3A_795 = arith.addf %get3A_689, %get3A_696 : vector<16xf32>
          %add3A_796 = arith.addf %get3A_703, %get3A_710 : vector<16xf32>
          %add3A_797 = arith.addf %get3A_717, %get3A_724 : vector<16xf32>
          %add3A_798 = arith.addf %get3A_731, %get3A_738 : vector<16xf32>
          %add3A_799 = arith.addf %get3A_745, %get3A_752 : vector<16xf32>
          %add3A_800 = arith.addf %get3A_759, %get3A_766 : vector<16xf32>
          %add3A_801 = arith.addf %get3A_773, %get3A_780 : vector<16xf32>
          %add3A_802 = arith.addf %get3A_787, %get3A_794 : vector<16xf32>
          %add3A_803 = arith.addf %add3A_795, %add3A_796 : vector<16xf32>
          %add3A_804 = arith.addf %add3A_797, %add3A_798 : vector<16xf32>
          %add3A_805 = arith.addf %add3A_799, %add3A_800 : vector<16xf32>
          %add3A_806 = arith.addf %add3A_801, %add3A_802 : vector<16xf32>
          %add3A_807 = arith.addf %add3A_803, %add3A_804 : vector<16xf32>
          %add3A_808 = arith.addf %add3A_805, %add3A_806 : vector<16xf32>
          %add3A_809 = arith.addf %add3A_807, %add3A_808 : vector<16xf32>
          %swap3A = arith.constant 1 : i32
          %swap3A_810 = arith.constant 5 : i32
          %swap3A_811 = arith.index_cast %swap3A : i32 to index
          %swap3A_812 = arith.index_cast %swap3A_810 : i32 to index
          %swap3A_813 = arith.index_cast %mul3A_682 : i32 to index
          %swap3A_814 = tpu.vector_load %arg7[%swap3A_811, %swap3A_812, %swap3A_813] {strides = array<i32>} : memref<2x8x512xf32, #tpu.memory_space<vmem>>, vector<1x1x16xf32>,
          %swap3A_815 = vector.shape_cast %swap3A_814 : vector<1x1x16xf32> to vector<16xf32>
          %swap3A_816 = vector.shape_cast %add3A_809 : vector<16xf32> to vector<1x1x16xf32>
          tpu.vector_store %arg7[%swap3A_811, %swap3A_812, %swap3A_813], %swap3A_816 {strides = array<i32>} : memref<2x8x512xf32, #tpu.memory_space<vmem>>, vector<1x1x16xf32>,
        }
        %scan3A_595 = arith.constant 32 : i32
        %add3A_596 = arith.constant 8 : i32
        %add3A_597 = arith.addi %add3A_574, %add3A_596 : i32
        %lt3A_598 = arith.cmpi slt, %add3A_597, %select_n3A_7 : i32
        %convert_element_type3A_599 = arith.extui %lt3A_598 : i1 to i32
        %cond3A_600 = arith.constant 0 : i32
        %cond3A_601 = arith.cmpi ne, %convert_element_type3A_599, %cond3A_600 : i32
        scf.if %cond3A_601 {
          %mul3A_680 = arith.constant 16 : i32
          %mul3A_681 = arith.muli %add3A_597, %mul3A_680 : i32
          %get3A_682 = arith.index_cast %mul3A_681 : i32 to index
          %get3A_683 = tpu.vector_load %arg5[%get3A_682] {strides = array<i32>} : memref<26624xi32, #tpu.memory_space<vmem>>, vector<16xi32>,
          %get3A_684 = vector.shape_cast %get3A_683 : vector<16xi32> to vector<16xi32>
          %dma_start3A_685 = arith.constant 5 : i32
          %dma_start3A_686 = arith.constant 0 : i32
          %dma_start3A_687 = arith.constant 0 : i32
          %dma_start3A_688 = tpu.memref_slice %arg6[%dma_start3A_685, %dma_start3A_686, %dma_start3A_687] : memref<8x16x512xf32, #tpu.memory_space<vmem>> -> memref<1x16x512xf32, #tpu.memory_space<vmem>>
          %dma_start3A_689 = tpu.memref_squeeze %dma_start3A_688 : memref<1x16x512xf32, #tpu.memory_space<vmem>> -> memref<16x512xf32, #tpu.memory_space<vmem>>
          %dma_start3A_690 = arith.constant 0 : i32
          %dma_start3A_691 = arith.constant 0 : i32
          %dma_start3A_692 = tpu.memref_slice %arg2[%dma_start3A_690, %dma_start3A_691] : memref<50000x512xf32, #tpu.memory_space<hbm>> -> memref<50000x512xf32, #tpu.memory_space<hbm>>
          tpu.enqueue_indirect_dma source(%dma_start3A_692 : memref<50000x512xf32, #tpu.memory_space<hbm>>) target(%dma_start3A_689 : memref<16x512xf32, #tpu.memory_space<vmem>>) offsets(%get3A_684 : vector<16xi32>) semaphore(%arg8 : memref<!tpu.dma_semaphore, #tpu.memory_space<semaphore_mem>>)
        } else {
        }
        %mul3A_602 = arith.constant 8 : i32
        %mul3A_603 = arith.muli %add3A_410, %mul3A_602 : i32
        %add3A_604 = arith.constant 6 : i32
        %add3A_605 = arith.addi %mul3A_603, %add3A_604 : i32
        %dma_wait3A_606 = arith.constant 6 : i32
        %dma_wait3A_607 = arith.constant 0 : i32
        %dma_wait3A_608 = arith.constant 0 : i32
        %dma_wait3A_609 = tpu.memref_slice %arg6[%dma_wait3A_606, %dma_wait3A_607, %dma_wait3A_608] : memref<8x16x512xf32, #tpu.memory_space<vmem>> -> memref<1x16x512xf32, #tpu.memory_space<vmem>>
        %dma_wait3A_610 = tpu.memref_squeeze %dma_wait3A_609 : memref<1x16x512xf32, #tpu.memory_space<vmem>> -> memref<16x512xf32, #tpu.memory_space<vmem>>
        %dma_wait3A_611 = arith.constant 0 : i32
        %dma_wait3A_612 = arith.constant 0 : i32
        %dma_wait3A_613 = tpu.memref_slice %arg2[%dma_wait3A_611, %dma_wait3A_612] : memref<50000x512xf32, #tpu.memory_space<hbm>> -> memref<16x512xf32, #tpu.memory_space<hbm>>
        %dma_wait3A_614 = arith.constant 0 : i32
        %dma_wait3A_615 = arith.constant 0 : i32
        %dma_wait3A_616 = tpu.memref_slice %arg6[%dma_wait3A_606, %dma_wait3A_614, %dma_wait3A_615] : memref<8x16x512xf32, #tpu.memory_space<vmem>> -> memref<1x16x512xf32, #tpu.memory_space<vmem>>
        %dma_wait3A_617 = tpu.memref_squeeze %dma_wait3A_616 : memref<1x16x512xf32, #tpu.memory_space<vmem>> -> memref<16x512xf32, #tpu.memory_space<vmem>>
        %dma_wait3A_618 = arith.constant 0 : i32
        %dma_wait3A_619 = arith.constant 0 : i32
        %dma_wait3A_620 = tpu.memref_slice %arg2[%dma_wait3A_618, %dma_wait3A_619] : memref<50000x512xf32, #tpu.memory_space<hbm>> -> memref<16x512xf32, #tpu.memory_space<hbm>>
        tpu.wait_dma2 semaphore(%arg8 : memref<!tpu.dma_semaphore, #tpu.memory_space<semaphore_mem>>) src(%dma_wait3A_620 : memref<16x512xf32, #tpu.memory_space<hbm>>) dst(%dma_wait3A_617 : memref<16x512xf32, #tpu.memory_space<vmem>>)
        %scan3A_621 = arith.constant 0 : i32
        %scan3A_622 = arith.constant 0 : i32
        %scan3A_623 = arith.constant 32 : i32
        %scan3A_624 = arith.addi %scan3A_622, %scan3A_623 : i32
        %scan3A_625 = arith.constant 1 : i32
        scf.for %scan3A_680 = %scan3A_622 to %scan3A_624 step %scan3A_625  : i32 {
          %mul3A_681 = arith.constant 16 : i32
          %mul3A_682 = arith.muli %scan3A_680, %mul3A_681 : i32
          %get3A_683 = arith.constant 6 : i32
          %get3A_684 = arith.constant 0 : i32
          %get3A_685 = arith.index_cast %get3A_683 : i32 to index
          %get3A_686 = arith.index_cast %get3A_684 : i32 to index
          %get3A_687 = arith.index_cast %mul3A_682 : i32 to index
          %get3A_688 = tpu.vector_load %arg6[%get3A_685, %get3A_686, %get3A_687] {strides = array<i32>} : memref<8x16x512xf32, #tpu.memory_space<vmem>>, vector<1x1x16xf32>,
          %get3A_689 = vector.shape_cast %get3A_688 : vector<1x1x16xf32> to vector<16xf32>
          %get3A_690 = arith.constant 6 : i32
          %get3A_691 = arith.constant 1 : i32
          %get3A_692 = arith.index_cast %get3A_690 : i32 to index
          %get3A_693 = arith.index_cast %get3A_691 : i32 to index
          %get3A_694 = arith.index_cast %mul3A_682 : i32 to index
          %get3A_695 = tpu.vector_load %arg6[%get3A_692, %get3A_693, %get3A_694] {strides = array<i32>} : memref<8x16x512xf32, #tpu.memory_space<vmem>>, vector<1x1x16xf32>,
          %get3A_696 = vector.shape_cast %get3A_695 : vector<1x1x16xf32> to vector<16xf32>
          %get3A_697 = arith.constant 6 : i32
          %get3A_698 = arith.constant 2 : i32
          %get3A_699 = arith.index_cast %get3A_697 : i32 to index
          %get3A_700 = arith.index_cast %get3A_698 : i32 to index
          %get3A_701 = arith.index_cast %mul3A_682 : i32 to index
          %get3A_702 = tpu.vector_load %arg6[%get3A_699, %get3A_700, %get3A_701] {strides = array<i32>} : memref<8x16x512xf32, #tpu.memory_space<vmem>>, vector<1x1x16xf32>,
          %get3A_703 = vector.shape_cast %get3A_702 : vector<1x1x16xf32> to vector<16xf32>
          %get3A_704 = arith.constant 6 : i32
          %get3A_705 = arith.constant 3 : i32
          %get3A_706 = arith.index_cast %get3A_704 : i32 to index
          %get3A_707 = arith.index_cast %get3A_705 : i32 to index
          %get3A_708 = arith.index_cast %mul3A_682 : i32 to index
          %get3A_709 = tpu.vector_load %arg6[%get3A_706, %get3A_707, %get3A_708] {strides = array<i32>} : memref<8x16x512xf32, #tpu.memory_space<vmem>>, vector<1x1x16xf32>,
          %get3A_710 = vector.shape_cast %get3A_709 : vector<1x1x16xf32> to vector<16xf32>
          %get3A_711 = arith.constant 6 : i32
          %get3A_712 = arith.constant 4 : i32
          %get3A_713 = arith.index_cast %get3A_711 : i32 to index
          %get3A_714 = arith.index_cast %get3A_712 : i32 to index
          %get3A_715 = arith.index_cast %mul3A_682 : i32 to index
          %get3A_716 = tpu.vector_load %arg6[%get3A_713, %get3A_714, %get3A_715] {strides = array<i32>} : memref<8x16x512xf32, #tpu.memory_space<vmem>>, vector<1x1x16xf32>,
          %get3A_717 = vector.shape_cast %get3A_716 : vector<1x1x16xf32> to vector<16xf32>
          %get3A_718 = arith.constant 6 : i32
          %get3A_719 = arith.constant 5 : i32
          %get3A_720 = arith.index_cast %get3A_718 : i32 to index
          %get3A_721 = arith.index_cast %get3A_719 : i32 to index
          %get3A_722 = arith.index_cast %mul3A_682 : i32 to index
          %get3A_723 = tpu.vector_load %arg6[%get3A_720, %get3A_721, %get3A_722] {strides = array<i32>} : memref<8x16x512xf32, #tpu.memory_space<vmem>>, vector<1x1x16xf32>,
          %get3A_724 = vector.shape_cast %get3A_723 : vector<1x1x16xf32> to vector<16xf32>
          %get3A_725 = arith.constant 6 : i32
          %get3A_726 = arith.constant 6 : i32
          %get3A_727 = arith.index_cast %get3A_725 : i32 to index
          %get3A_728 = arith.index_cast %get3A_726 : i32 to index
          %get3A_729 = arith.index_cast %mul3A_682 : i32 to index
          %get3A_730 = tpu.vector_load %arg6[%get3A_727, %get3A_728, %get3A_729] {strides = array<i32>} : memref<8x16x512xf32, #tpu.memory_space<vmem>>, vector<1x1x16xf32>,
          %get3A_731 = vector.shape_cast %get3A_730 : vector<1x1x16xf32> to vector<16xf32>
          %get3A_732 = arith.constant 6 : i32
          %get3A_733 = arith.constant 7 : i32
          %get3A_734 = arith.index_cast %get3A_732 : i32 to index
          %get3A_735 = arith.index_cast %get3A_733 : i32 to index
          %get3A_736 = arith.index_cast %mul3A_682 : i32 to index
          %get3A_737 = tpu.vector_load %arg6[%get3A_734, %get3A_735, %get3A_736] {strides = array<i32>} : memref<8x16x512xf32, #tpu.memory_space<vmem>>, vector<1x1x16xf32>,
          %get3A_738 = vector.shape_cast %get3A_737 : vector<1x1x16xf32> to vector<16xf32>
          %get3A_739 = arith.constant 6 : i32
          %get3A_740 = arith.constant 8 : i32
          %get3A_741 = arith.index_cast %get3A_739 : i32 to index
          %get3A_742 = arith.index_cast %get3A_740 : i32 to index
          %get3A_743 = arith.index_cast %mul3A_682 : i32 to index
          %get3A_744 = tpu.vector_load %arg6[%get3A_741, %get3A_742, %get3A_743] {strides = array<i32>} : memref<8x16x512xf32, #tpu.memory_space<vmem>>, vector<1x1x16xf32>,
          %get3A_745 = vector.shape_cast %get3A_744 : vector<1x1x16xf32> to vector<16xf32>
          %get3A_746 = arith.constant 6 : i32
          %get3A_747 = arith.constant 9 : i32
          %get3A_748 = arith.index_cast %get3A_746 : i32 to index
          %get3A_749 = arith.index_cast %get3A_747 : i32 to index
          %get3A_750 = arith.index_cast %mul3A_682 : i32 to index
          %get3A_751 = tpu.vector_load %arg6[%get3A_748, %get3A_749, %get3A_750] {strides = array<i32>} : memref<8x16x512xf32, #tpu.memory_space<vmem>>, vector<1x1x16xf32>,
          %get3A_752 = vector.shape_cast %get3A_751 : vector<1x1x16xf32> to vector<16xf32>
          %get3A_753 = arith.constant 6 : i32
          %get3A_754 = arith.constant 10 : i32
          %get3A_755 = arith.index_cast %get3A_753 : i32 to index
          %get3A_756 = arith.index_cast %get3A_754 : i32 to index
          %get3A_757 = arith.index_cast %mul3A_682 : i32 to index
          %get3A_758 = tpu.vector_load %arg6[%get3A_755, %get3A_756, %get3A_757] {strides = array<i32>} : memref<8x16x512xf32, #tpu.memory_space<vmem>>, vector<1x1x16xf32>,
          %get3A_759 = vector.shape_cast %get3A_758 : vector<1x1x16xf32> to vector<16xf32>
          %get3A_760 = arith.constant 6 : i32
          %get3A_761 = arith.constant 11 : i32
          %get3A_762 = arith.index_cast %get3A_760 : i32 to index
          %get3A_763 = arith.index_cast %get3A_761 : i32 to index
          %get3A_764 = arith.index_cast %mul3A_682 : i32 to index
          %get3A_765 = tpu.vector_load %arg6[%get3A_762, %get3A_763, %get3A_764] {strides = array<i32>} : memref<8x16x512xf32, #tpu.memory_space<vmem>>, vector<1x1x16xf32>,
          %get3A_766 = vector.shape_cast %get3A_765 : vector<1x1x16xf32> to vector<16xf32>
          %get3A_767 = arith.constant 6 : i32
          %get3A_768 = arith.constant 12 : i32
          %get3A_769 = arith.index_cast %get3A_767 : i32 to index
          %get3A_770 = arith.index_cast %get3A_768 : i32 to index
          %get3A_771 = arith.index_cast %mul3A_682 : i32 to index
          %get3A_772 = tpu.vector_load %arg6[%get3A_769, %get3A_770, %get3A_771] {strides = array<i32>} : memref<8x16x512xf32, #tpu.memory_space<vmem>>, vector<1x1x16xf32>,
          %get3A_773 = vector.shape_cast %get3A_772 : vector<1x1x16xf32> to vector<16xf32>
          %get3A_774 = arith.constant 6 : i32
          %get3A_775 = arith.constant 13 : i32
          %get3A_776 = arith.index_cast %get3A_774 : i32 to index
          %get3A_777 = arith.index_cast %get3A_775 : i32 to index
          %get3A_778 = arith.index_cast %mul3A_682 : i32 to index
          %get3A_779 = tpu.vector_load %arg6[%get3A_776, %get3A_777, %get3A_778] {strides = array<i32>} : memref<8x16x512xf32, #tpu.memory_space<vmem>>, vector<1x1x16xf32>,
          %get3A_780 = vector.shape_cast %get3A_779 : vector<1x1x16xf32> to vector<16xf32>
          %get3A_781 = arith.constant 6 : i32
          %get3A_782 = arith.constant 14 : i32
          %get3A_783 = arith.index_cast %get3A_781 : i32 to index
          %get3A_784 = arith.index_cast %get3A_782 : i32 to index
          %get3A_785 = arith.index_cast %mul3A_682 : i32 to index
          %get3A_786 = tpu.vector_load %arg6[%get3A_783, %get3A_784, %get3A_785] {strides = array<i32>} : memref<8x16x512xf32, #tpu.memory_space<vmem>>, vector<1x1x16xf32>,
          %get3A_787 = vector.shape_cast %get3A_786 : vector<1x1x16xf32> to vector<16xf32>
          %get3A_788 = arith.constant 6 : i32
          %get3A_789 = arith.constant 15 : i32
          %get3A_790 = arith.index_cast %get3A_788 : i32 to index
          %get3A_791 = arith.index_cast %get3A_789 : i32 to index
          %get3A_792 = arith.index_cast %mul3A_682 : i32 to index
          %get3A_793 = tpu.vector_load %arg6[%get3A_790, %get3A_791, %get3A_792] {strides = array<i32>} : memref<8x16x512xf32, #tpu.memory_space<vmem>>, vector<1x1x16xf32>,
          %get3A_794 = vector.shape_cast %get3A_793 : vector<1x1x16xf32> to vector<16xf32>
          %add3A_795 = arith.addf %get3A_689, %get3A_696 : vector<16xf32>
          %add3A_796 = arith.addf %get3A_703, %get3A_710 : vector<16xf32>
          %add3A_797 = arith.addf %get3A_717, %get3A_724 : vector<16xf32>
          %add3A_798 = arith.addf %get3A_731, %get3A_738 : vector<16xf32>
          %add3A_799 = arith.addf %get3A_745, %get3A_752 : vector<16xf32>
          %add3A_800 = arith.addf %get3A_759, %get3A_766 : vector<16xf32>
          %add3A_801 = arith.addf %get3A_773, %get3A_780 : vector<16xf32>
          %add3A_802 = arith.addf %get3A_787, %get3A_794 : vector<16xf32>
          %add3A_803 = arith.addf %add3A_795, %add3A_796 : vector<16xf32>
          %add3A_804 = arith.addf %add3A_797, %add3A_798 : vector<16xf32>
          %add3A_805 = arith.addf %add3A_799, %add3A_800 : vector<16xf32>
          %add3A_806 = arith.addf %add3A_801, %add3A_802 : vector<16xf32>
          %add3A_807 = arith.addf %add3A_803, %add3A_804 : vector<16xf32>
          %add3A_808 = arith.addf %add3A_805, %add3A_806 : vector<16xf32>
          %add3A_809 = arith.addf %add3A_807, %add3A_808 : vector<16xf32>
          %swap3A = arith.constant 1 : i32
          %swap3A_810 = arith.constant 6 : i32
          %swap3A_811 = arith.index_cast %swap3A : i32 to index
          %swap3A_812 = arith.index_cast %swap3A_810 : i32 to index
          %swap3A_813 = arith.index_cast %mul3A_682 : i32 to index
          %swap3A_814 = tpu.vector_load %arg7[%swap3A_811, %swap3A_812, %swap3A_813] {strides = array<i32>} : memref<2x8x512xf32, #tpu.memory_space<vmem>>, vector<1x1x16xf32>,
          %swap3A_815 = vector.shape_cast %swap3A_814 : vector<1x1x16xf32> to vector<16xf32>
          %swap3A_816 = vector.shape_cast %add3A_809 : vector<16xf32> to vector<1x1x16xf32>
          tpu.vector_store %arg7[%swap3A_811, %swap3A_812, %swap3A_813], %swap3A_816 {strides = array<i32>} : memref<2x8x512xf32, #tpu.memory_space<vmem>>, vector<1x1x16xf32>,
        }
        %scan3A_626 = arith.constant 32 : i32
        %add3A_627 = arith.constant 8 : i32
        %add3A_628 = arith.addi %add3A_605, %add3A_627 : i32
        %lt3A_629 = arith.cmpi slt, %add3A_628, %select_n3A_7 : i32
        %convert_element_type3A_630 = arith.extui %lt3A_629 : i1 to i32
        %cond3A_631 = arith.constant 0 : i32
        %cond3A_632 = arith.cmpi ne, %convert_element_type3A_630, %cond3A_631 : i32
        scf.if %cond3A_632 {
          %mul3A_680 = arith.constant 16 : i32
          %mul3A_681 = arith.muli %add3A_628, %mul3A_680 : i32
          %get3A_682 = arith.index_cast %mul3A_681 : i32 to index
          %get3A_683 = tpu.vector_load %arg5[%get3A_682] {strides = array<i32>} : memref<26624xi32, #tpu.memory_space<vmem>>, vector<16xi32>,
          %get3A_684 = vector.shape_cast %get3A_683 : vector<16xi32> to vector<16xi32>
          %dma_start3A_685 = arith.constant 6 : i32
          %dma_start3A_686 = arith.constant 0 : i32
          %dma_start3A_687 = arith.constant 0 : i32
          %dma_start3A_688 = tpu.memref_slice %arg6[%dma_start3A_685, %dma_start3A_686, %dma_start3A_687] : memref<8x16x512xf32, #tpu.memory_space<vmem>> -> memref<1x16x512xf32, #tpu.memory_space<vmem>>
          %dma_start3A_689 = tpu.memref_squeeze %dma_start3A_688 : memref<1x16x512xf32, #tpu.memory_space<vmem>> -> memref<16x512xf32, #tpu.memory_space<vmem>>
          %dma_start3A_690 = arith.constant 0 : i32
          %dma_start3A_691 = arith.constant 0 : i32
          %dma_start3A_692 = tpu.memref_slice %arg2[%dma_start3A_690, %dma_start3A_691] : memref<50000x512xf32, #tpu.memory_space<hbm>> -> memref<50000x512xf32, #tpu.memory_space<hbm>>
          tpu.enqueue_indirect_dma source(%dma_start3A_692 : memref<50000x512xf32, #tpu.memory_space<hbm>>) target(%dma_start3A_689 : memref<16x512xf32, #tpu.memory_space<vmem>>) offsets(%get3A_684 : vector<16xi32>) semaphore(%arg8 : memref<!tpu.dma_semaphore, #tpu.memory_space<semaphore_mem>>)
        } else {
        }
        %mul3A_633 = arith.constant 8 : i32
        %mul3A_634 = arith.muli %add3A_410, %mul3A_633 : i32
        %add3A_635 = arith.constant 7 : i32
        %add3A_636 = arith.addi %mul3A_634, %add3A_635 : i32
        %dma_wait3A_637 = arith.constant 7 : i32
        %dma_wait3A_638 = arith.constant 0 : i32
        %dma_wait3A_639 = arith.constant 0 : i32
        %dma_wait3A_640 = tpu.memref_slice %arg6[%dma_wait3A_637, %dma_wait3A_638, %dma_wait3A_639] : memref<8x16x512xf32, #tpu.memory_space<vmem>> -> memref<1x16x512xf32, #tpu.memory_space<vmem>>
        %dma_wait3A_641 = tpu.memref_squeeze %dma_wait3A_640 : memref<1x16x512xf32, #tpu.memory_space<vmem>> -> memref<16x512xf32, #tpu.memory_space<vmem>>
        %dma_wait3A_642 = arith.constant 0 : i32
        %dma_wait3A_643 = arith.constant 0 : i32
        %dma_wait3A_644 = tpu.memref_slice %arg2[%dma_wait3A_642, %dma_wait3A_643] : memref<50000x512xf32, #tpu.memory_space<hbm>> -> memref<16x512xf32, #tpu.memory_space<hbm>>
        %dma_wait3A_645 = arith.constant 0 : i32
        %dma_wait3A_646 = arith.constant 0 : i32
        %dma_wait3A_647 = tpu.memref_slice %arg6[%dma_wait3A_637, %dma_wait3A_645, %dma_wait3A_646] : memref<8x16x512xf32, #tpu.memory_space<vmem>> -> memref<1x16x512xf32, #tpu.memory_space<vmem>>
        %dma_wait3A_648 = tpu.memref_squeeze %dma_wait3A_647 : memref<1x16x512xf32, #tpu.memory_space<vmem>> -> memref<16x512xf32, #tpu.memory_space<vmem>>
        %dma_wait3A_649 = arith.constant 0 : i32
        %dma_wait3A_650 = arith.constant 0 : i32
        %dma_wait3A_651 = tpu.memref_slice %arg2[%dma_wait3A_649, %dma_wait3A_650] : memref<50000x512xf32, #tpu.memory_space<hbm>> -> memref<16x512xf32, #tpu.memory_space<hbm>>
        tpu.wait_dma2 semaphore(%arg8 : memref<!tpu.dma_semaphore, #tpu.memory_space<semaphore_mem>>) src(%dma_wait3A_651 : memref<16x512xf32, #tpu.memory_space<hbm>>) dst(%dma_wait3A_648 : memref<16x512xf32, #tpu.memory_space<vmem>>)
        %scan3A_652 = arith.constant 0 : i32
        %scan3A_653 = arith.constant 0 : i32
        %scan3A_654 = arith.constant 32 : i32
        %scan3A_655 = arith.addi %scan3A_653, %scan3A_654 : i32
        %scan3A_656 = arith.constant 1 : i32
        scf.for %scan3A_680 = %scan3A_653 to %scan3A_655 step %scan3A_656  : i32 {
          %mul3A_681 = arith.constant 16 : i32
          %mul3A_682 = arith.muli %scan3A_680, %mul3A_681 : i32
          %get3A_683 = arith.constant 7 : i32
          %get3A_684 = arith.constant 0 : i32
          %get3A_685 = arith.index_cast %get3A_683 : i32 to index
          %get3A_686 = arith.index_cast %get3A_684 : i32 to index
          %get3A_687 = arith.index_cast %mul3A_682 : i32 to index
          %get3A_688 = tpu.vector_load %arg6[%get3A_685, %get3A_686, %get3A_687] {strides = array<i32>} : memref<8x16x512xf32, #tpu.memory_space<vmem>>, vector<1x1x16xf32>,
          %get3A_689 = vector.shape_cast %get3A_688 : vector<1x1x16xf32> to vector<16xf32>
          %get3A_690 = arith.constant 7 : i32
          %get3A_691 = arith.constant 1 : i32
          %get3A_692 = arith.index_cast %get3A_690 : i32 to index
          %get3A_693 = arith.index_cast %get3A_691 : i32 to index
          %get3A_694 = arith.index_cast %mul3A_682 : i32 to index
          %get3A_695 = tpu.vector_load %arg6[%get3A_692, %get3A_693, %get3A_694] {strides = array<i32>} : memref<8x16x512xf32, #tpu.memory_space<vmem>>, vector<1x1x16xf32>,
          %get3A_696 = vector.shape_cast %get3A_695 : vector<1x1x16xf32> to vector<16xf32>
          %get3A_697 = arith.constant 7 : i32
          %get3A_698 = arith.constant 2 : i32
          %get3A_699 = arith.index_cast %get3A_697 : i32 to index
          %get3A_700 = arith.index_cast %get3A_698 : i32 to index
          %get3A_701 = arith.index_cast %mul3A_682 : i32 to index
          %get3A_702 = tpu.vector_load %arg6[%get3A_699, %get3A_700, %get3A_701] {strides = array<i32>} : memref<8x16x512xf32, #tpu.memory_space<vmem>>, vector<1x1x16xf32>,
          %get3A_703 = vector.shape_cast %get3A_702 : vector<1x1x16xf32> to vector<16xf32>
          %get3A_704 = arith.constant 7 : i32
          %get3A_705 = arith.constant 3 : i32
          %get3A_706 = arith.index_cast %get3A_704 : i32 to index
          %get3A_707 = arith.index_cast %get3A_705 : i32 to index
          %get3A_708 = arith.index_cast %mul3A_682 : i32 to index
          %get3A_709 = tpu.vector_load %arg6[%get3A_706, %get3A_707, %get3A_708] {strides = array<i32>} : memref<8x16x512xf32, #tpu.memory_space<vmem>>, vector<1x1x16xf32>,
          %get3A_710 = vector.shape_cast %get3A_709 : vector<1x1x16xf32> to vector<16xf32>
          %get3A_711 = arith.constant 7 : i32
          %get3A_712 = arith.constant 4 : i32
          %get3A_713 = arith.index_cast %get3A_711 : i32 to index
          %get3A_714 = arith.index_cast %get3A_712 : i32 to index
          %get3A_715 = arith.index_cast %mul3A_682 : i32 to index
          %get3A_716 = tpu.vector_load %arg6[%get3A_713, %get3A_714, %get3A_715] {strides = array<i32>} : memref<8x16x512xf32, #tpu.memory_space<vmem>>, vector<1x1x16xf32>,
          %get3A_717 = vector.shape_cast %get3A_716 : vector<1x1x16xf32> to vector<16xf32>
          %get3A_718 = arith.constant 7 : i32
          %get3A_719 = arith.constant 5 : i32
          %get3A_720 = arith.index_cast %get3A_718 : i32 to index
          %get3A_721 = arith.index_cast %get3A_719 : i32 to index
          %get3A_722 = arith.index_cast %mul3A_682 : i32 to index
          %get3A_723 = tpu.vector_load %arg6[%get3A_720, %get3A_721, %get3A_722] {strides = array<i32>} : memref<8x16x512xf32, #tpu.memory_space<vmem>>, vector<1x1x16xf32>,
          %get3A_724 = vector.shape_cast %get3A_723 : vector<1x1x16xf32> to vector<16xf32>
          %get3A_725 = arith.constant 7 : i32
          %get3A_726 = arith.constant 6 : i32
          %get3A_727 = arith.index_cast %get3A_725 : i32 to index
          %get3A_728 = arith.index_cast %get3A_726 : i32 to index
          %get3A_729 = arith.index_cast %mul3A_682 : i32 to index
          %get3A_730 = tpu.vector_load %arg6[%get3A_727, %get3A_728, %get3A_729] {strides = array<i32>} : memref<8x16x512xf32, #tpu.memory_space<vmem>>, vector<1x1x16xf32>,
          %get3A_731 = vector.shape_cast %get3A_730 : vector<1x1x16xf32> to vector<16xf32>
          %get3A_732 = arith.constant 7 : i32
          %get3A_733 = arith.constant 7 : i32
          %get3A_734 = arith.index_cast %get3A_732 : i32 to index
          %get3A_735 = arith.index_cast %get3A_733 : i32 to index
          %get3A_736 = arith.index_cast %mul3A_682 : i32 to index
          %get3A_737 = tpu.vector_load %arg6[%get3A_734, %get3A_735, %get3A_736] {strides = array<i32>} : memref<8x16x512xf32, #tpu.memory_space<vmem>>, vector<1x1x16xf32>,
          %get3A_738 = vector.shape_cast %get3A_737 : vector<1x1x16xf32> to vector<16xf32>
          %get3A_739 = arith.constant 7 : i32
          %get3A_740 = arith.constant 8 : i32
          %get3A_741 = arith.index_cast %get3A_739 : i32 to index
          %get3A_742 = arith.index_cast %get3A_740 : i32 to index
          %get3A_743 = arith.index_cast %mul3A_682 : i32 to index
          %get3A_744 = tpu.vector_load %arg6[%get3A_741, %get3A_742, %get3A_743] {strides = array<i32>} : memref<8x16x512xf32, #tpu.memory_space<vmem>>, vector<1x1x16xf32>,
          %get3A_745 = vector.shape_cast %get3A_744 : vector<1x1x16xf32> to vector<16xf32>
          %get3A_746 = arith.constant 7 : i32
          %get3A_747 = arith.constant 9 : i32
          %get3A_748 = arith.index_cast %get3A_746 : i32 to index
          %get3A_749 = arith.index_cast %get3A_747 : i32 to index
          %get3A_750 = arith.index_cast %mul3A_682 : i32 to index
          %get3A_751 = tpu.vector_load %arg6[%get3A_748, %get3A_749, %get3A_750] {strides = array<i32>} : memref<8x16x512xf32, #tpu.memory_space<vmem>>, vector<1x1x16xf32>,
          %get3A_752 = vector.shape_cast %get3A_751 : vector<1x1x16xf32> to vector<16xf32>
          %get3A_753 = arith.constant 7 : i32
          %get3A_754 = arith.constant 10 : i32
          %get3A_755 = arith.index_cast %get3A_753 : i32 to index
          %get3A_756 = arith.index_cast %get3A_754 : i32 to index
          %get3A_757 = arith.index_cast %mul3A_682 : i32 to index
          %get3A_758 = tpu.vector_load %arg6[%get3A_755, %get3A_756, %get3A_757] {strides = array<i32>} : memref<8x16x512xf32, #tpu.memory_space<vmem>>, vector<1x1x16xf32>,
          %get3A_759 = vector.shape_cast %get3A_758 : vector<1x1x16xf32> to vector<16xf32>
          %get3A_760 = arith.constant 7 : i32
          %get3A_761 = arith.constant 11 : i32
          %get3A_762 = arith.index_cast %get3A_760 : i32 to index
          %get3A_763 = arith.index_cast %get3A_761 : i32 to index
          %get3A_764 = arith.index_cast %mul3A_682 : i32 to index
          %get3A_765 = tpu.vector_load %arg6[%get3A_762, %get3A_763, %get3A_764] {strides = array<i32>} : memref<8x16x512xf32, #tpu.memory_space<vmem>>, vector<1x1x16xf32>,
          %get3A_766 = vector.shape_cast %get3A_765 : vector<1x1x16xf32> to vector<16xf32>
          %get3A_767 = arith.constant 7 : i32
          %get3A_768 = arith.constant 12 : i32
          %get3A_769 = arith.index_cast %get3A_767 : i32 to index
          %get3A_770 = arith.index_cast %get3A_768 : i32 to index
          %get3A_771 = arith.index_cast %mul3A_682 : i32 to index
          %get3A_772 = tpu.vector_load %arg6[%get3A_769, %get3A_770, %get3A_771] {strides = array<i32>} : memref<8x16x512xf32, #tpu.memory_space<vmem>>, vector<1x1x16xf32>,
          %get3A_773 = vector.shape_cast %get3A_772 : vector<1x1x16xf32> to vector<16xf32>
          %get3A_774 = arith.constant 7 : i32
          %get3A_775 = arith.constant 13 : i32
          %get3A_776 = arith.index_cast %get3A_774 : i32 to index
          %get3A_777 = arith.index_cast %get3A_775 : i32 to index
          %get3A_778 = arith.index_cast %mul3A_682 : i32 to index
          %get3A_779 = tpu.vector_load %arg6[%get3A_776, %get3A_777, %get3A_778] {strides = array<i32>} : memref<8x16x512xf32, #tpu.memory_space<vmem>>, vector<1x1x16xf32>,
          %get3A_780 = vector.shape_cast %get3A_779 : vector<1x1x16xf32> to vector<16xf32>
          %get3A_781 = arith.constant 7 : i32
          %get3A_782 = arith.constant 14 : i32
          %get3A_783 = arith.index_cast %get3A_781 : i32 to index
          %get3A_784 = arith.index_cast %get3A_782 : i32 to index
          %get3A_785 = arith.index_cast %mul3A_682 : i32 to index
          %get3A_786 = tpu.vector_load %arg6[%get3A_783, %get3A_784, %get3A_785] {strides = array<i32>} : memref<8x16x512xf32, #tpu.memory_space<vmem>>, vector<1x1x16xf32>,
          %get3A_787 = vector.shape_cast %get3A_786 : vector<1x1x16xf32> to vector<16xf32>
          %get3A_788 = arith.constant 7 : i32
          %get3A_789 = arith.constant 15 : i32
          %get3A_790 = arith.index_cast %get3A_788 : i32 to index
          %get3A_791 = arith.index_cast %get3A_789 : i32 to index
          %get3A_792 = arith.index_cast %mul3A_682 : i32 to index
          %get3A_793 = tpu.vector_load %arg6[%get3A_790, %get3A_791, %get3A_792] {strides = array<i32>} : memref<8x16x512xf32, #tpu.memory_space<vmem>>, vector<1x1x16xf32>,
          %get3A_794 = vector.shape_cast %get3A_793 : vector<1x1x16xf32> to vector<16xf32>
          %add3A_795 = arith.addf %get3A_689, %get3A_696 : vector<16xf32>
          %add3A_796 = arith.addf %get3A_703, %get3A_710 : vector<16xf32>
          %add3A_797 = arith.addf %get3A_717, %get3A_724 : vector<16xf32>
          %add3A_798 = arith.addf %get3A_731, %get3A_738 : vector<16xf32>
          %add3A_799 = arith.addf %get3A_745, %get3A_752 : vector<16xf32>
          %add3A_800 = arith.addf %get3A_759, %get3A_766 : vector<16xf32>
          %add3A_801 = arith.addf %get3A_773, %get3A_780 : vector<16xf32>
          %add3A_802 = arith.addf %get3A_787, %get3A_794 : vector<16xf32>
          %add3A_803 = arith.addf %add3A_795, %add3A_796 : vector<16xf32>
          %add3A_804 = arith.addf %add3A_797, %add3A_798 : vector<16xf32>
          %add3A_805 = arith.addf %add3A_799, %add3A_800 : vector<16xf32>
          %add3A_806 = arith.addf %add3A_801, %add3A_802 : vector<16xf32>
          %add3A_807 = arith.addf %add3A_803, %add3A_804 : vector<16xf32>
          %add3A_808 = arith.addf %add3A_805, %add3A_806 : vector<16xf32>
          %add3A_809 = arith.addf %add3A_807, %add3A_808 : vector<16xf32>
          %swap3A = arith.constant 1 : i32
          %swap3A_810 = arith.constant 7 : i32
          %swap3A_811 = arith.index_cast %swap3A : i32 to index
          %swap3A_812 = arith.index_cast %swap3A_810 : i32 to index
          %swap3A_813 = arith.index_cast %mul3A_682 : i32 to index
          %swap3A_814 = tpu.vector_load %arg7[%swap3A_811, %swap3A_812, %swap3A_813] {strides = array<i32>} : memref<2x8x512xf32, #tpu.memory_space<vmem>>, vector<1x1x16xf32>,
          %swap3A_815 = vector.shape_cast %swap3A_814 : vector<1x1x16xf32> to vector<16xf32>
          %swap3A_816 = vector.shape_cast %add3A_809 : vector<16xf32> to vector<1x1x16xf32>
          tpu.vector_store %arg7[%swap3A_811, %swap3A_812, %swap3A_813], %swap3A_816 {strides = array<i32>} : memref<2x8x512xf32, #tpu.memory_space<vmem>>, vector<1x1x16xf32>,
        }
        %scan3A_657 = arith.constant 32 : i32
        %add3A_658 = arith.constant 8 : i32
        %add3A_659 = arith.addi %add3A_636, %add3A_658 : i32
        %lt3A_660 = arith.cmpi slt, %add3A_659, %select_n3A_7 : i32
        %convert_element_type3A_661 = arith.extui %lt3A_660 : i1 to i32
        %cond3A_662 = arith.constant 0 : i32
        %cond3A_663 = arith.cmpi ne, %convert_element_type3A_661, %cond3A_662 : i32
        scf.if %cond3A_663 {
          %mul3A_680 = arith.constant 16 : i32
          %mul3A_681 = arith.muli %add3A_659, %mul3A_680 : i32
          %get3A_682 = arith.index_cast %mul3A_681 : i32 to index
          %get3A_683 = tpu.vector_load %arg5[%get3A_682] {strides = array<i32>} : memref<26624xi32, #tpu.memory_space<vmem>>, vector<16xi32>,
          %get3A_684 = vector.shape_cast %get3A_683 : vector<16xi32> to vector<16xi32>
          %dma_start3A_685 = arith.constant 7 : i32
          %dma_start3A_686 = arith.constant 0 : i32
          %dma_start3A_687 = arith.constant 0 : i32
          %dma_start3A_688 = tpu.memref_slice %arg6[%dma_start3A_685, %dma_start3A_686, %dma_start3A_687] : memref<8x16x512xf32, #tpu.memory_space<vmem>> -> memref<1x16x512xf32, #tpu.memory_space<vmem>>
          %dma_start3A_689 = tpu.memref_squeeze %dma_start3A_688 : memref<1x16x512xf32, #tpu.memory_space<vmem>> -> memref<16x512xf32, #tpu.memory_space<vmem>>
          %dma_start3A_690 = arith.constant 0 : i32
          %dma_start3A_691 = arith.constant 0 : i32
          %dma_start3A_692 = tpu.memref_slice %arg2[%dma_start3A_690, %dma_start3A_691] : memref<50000x512xf32, #tpu.memory_space<hbm>> -> memref<50000x512xf32, #tpu.memory_space<hbm>>
          tpu.enqueue_indirect_dma source(%dma_start3A_692 : memref<50000x512xf32, #tpu.memory_space<hbm>>) target(%dma_start3A_689 : memref<16x512xf32, #tpu.memory_space<vmem>>) offsets(%get3A_684 : vector<16xi32>) semaphore(%arg8 : memref<!tpu.dma_semaphore, #tpu.memory_space<semaphore_mem>>)
        } else {
        }
        %mul3A_664 = arith.constant 8 : i32
        %mul3A_665 = arith.muli %add3A_410, %mul3A_664 : i32
        %add3A_666 = arith.addi %select_n3A, %mul3A_665 : i32
        %dma_start3A_667 = arith.constant 1 : i32
        %dma_start3A_668 = arith.constant 0 : i32
        %dma_start3A_669 = arith.constant 0 : i32
        %dma_start3A_670 = tpu.memref_slice %arg7[%dma_start3A_667, %dma_start3A_668, %dma_start3A_669] : memref<2x8x512xf32, #tpu.memory_space<vmem>> -> memref<1x8x512xf32, #tpu.memory_space<vmem>>
        %dma_start3A_671 = tpu.memref_squeeze %dma_start3A_670 : memref<1x8x512xf32, #tpu.memory_space<vmem>> -> memref<8x512xf32, #tpu.memory_space<vmem>>
        %dma_start3A_672 = arith.constant 0 : i32
        %dma_start3A_673 = tpu.memref_slice %arg4[%add3A_666, %dma_start3A_672] : memref<50176x512xf32, #tpu.memory_space<hbm>> -> memref<8x512xf32, #tpu.memory_space<hbm>>
        %dma_start3A_674 = arith.constant 0 : i32
        %dma_start3A_675 = tpu.memref_slice %arg4[%add3A_666, %dma_start3A_674] : memref<50176x512xf32, #tpu.memory_space<hbm>> -> memref<8x512xf32, #tpu.memory_space<hbm>>
        %dma_start3A_676 = arith.constant 0 : i32
        %dma_start3A_677 = arith.constant 0 : i32
        %dma_start3A_678 = tpu.memref_slice %arg7[%dma_start3A_667, %dma_start3A_676, %dma_start3A_677] : memref<2x8x512xf32, #tpu.memory_space<vmem>> -> memref<1x8x512xf32, #tpu.memory_space<vmem>>
        %dma_start3A_679 = tpu.memref_squeeze %dma_start3A_678 : memref<1x8x512xf32, #tpu.memory_space<vmem>> -> memref<8x512xf32, #tpu.memory_space<vmem>>
        tpu.enqueue_dma source(%dma_start3A_679 : memref<8x512xf32, #tpu.memory_space<vmem>>) target(%dma_start3A_675 : memref<8x512xf32, #tpu.memory_space<hbm>>) target_semaphore(%arg9 : memref<!tpu.dma_semaphore, #tpu.memory_space<semaphore_mem>>)
      } else {
      }
    }
    %scan3A_103 = arith.constant 104 : i32
    %dma_wait3A = arith.constant 0 : i32
    %dma_wait3A_104 = arith.constant 0 : i32
    %dma_wait3A_105 = arith.constant 0 : i32
    %dma_wait3A_106 = tpu.memref_slice %arg7[%dma_wait3A, %dma_wait3A_104, %dma_wait3A_105] : memref<2x8x512xf32, #tpu.memory_space<vmem>> -> memref<1x8x512xf32, #tpu.memory_space<vmem>>
    %dma_wait3A_107 = tpu.memref_squeeze %dma_wait3A_106 : memref<1x8x512xf32, #tpu.memory_space<vmem>> -> memref<8x512xf32, #tpu.memory_space<vmem>>
    %dma_wait3A_108 = arith.constant 0 : i32
    %dma_wait3A_109 = arith.constant 0 : i32
    %dma_wait3A_110 = tpu.memref_slice %arg4[%dma_wait3A_108, %dma_wait3A_109] : memref<50176x512xf32, #tpu.memory_space<hbm>> -> memref<8x512xf32, #tpu.memory_space<hbm>>
    %dma_wait3A_111 = arith.constant 0 : i32
    %dma_wait3A_112 = arith.constant 0 : i32
    %dma_wait3A_113 = tpu.memref_slice %arg4[%dma_wait3A_111, %dma_wait3A_112] : memref<50176x512xf32, #tpu.memory_space<hbm>> -> memref<8x512xf32, #tpu.memory_space<hbm>>
    %dma_wait3A_114 = arith.constant 0 : i32
    %dma_wait3A_115 = arith.constant 0 : i32
    %dma_wait3A_116 = tpu.memref_slice %arg7[%dma_wait3A, %dma_wait3A_114, %dma_wait3A_115] : memref<2x8x512xf32, #tpu.memory_space<vmem>> -> memref<1x8x512xf32, #tpu.memory_space<vmem>>
    %dma_wait3A_117 = tpu.memref_squeeze %dma_wait3A_116 : memref<1x8x512xf32, #tpu.memory_space<vmem>> -> memref<8x512xf32, #tpu.memory_space<vmem>>
    tpu.wait_dma2 semaphore(%arg9 : memref<!tpu.dma_semaphore, #tpu.memory_space<semaphore_mem>>) src(%dma_wait3A_117 : memref<8x512xf32, #tpu.memory_space<vmem>>) dst(%dma_wait3A_113 : memref<8x512xf32, #tpu.memory_space<hbm>>)
    %dma_wait3A_118 = arith.constant 1 : i32
    %dma_wait3A_119 = arith.constant 0 : i32
    %dma_wait3A_120 = arith.constant 0 : i32
    %dma_wait3A_121 = tpu.memref_slice %arg7[%dma_wait3A_118, %dma_wait3A_119, %dma_wait3A_120] : memref<2x8x512xf32, #tpu.memory_space<vmem>> -> memref<1x8x512xf32, #tpu.memory_space<vmem>>
    %dma_wait3A_122 = tpu.memref_squeeze %dma_wait3A_121 : memref<1x8x512xf32, #tpu.memory_space<vmem>> -> memref<8x512xf32, #tpu.memory_space<vmem>>
    %dma_wait3A_123 = arith.constant 0 : i32
    %dma_wait3A_124 = arith.constant 0 : i32
    %dma_wait3A_125 = tpu.memref_slice %arg4[%dma_wait3A_123, %dma_wait3A_124] : memref<50176x512xf32, #tpu.memory_space<hbm>> -> memref<8x512xf32, #tpu.memory_space<hbm>>
    %dma_wait3A_126 = arith.constant 0 : i32
    %dma_wait3A_127 = arith.constant 0 : i32
    %dma_wait3A_128 = tpu.memref_slice %arg4[%dma_wait3A_126, %dma_wait3A_127] : memref<50176x512xf32, #tpu.memory_space<hbm>> -> memref<8x512xf32, #tpu.memory_space<hbm>>
    %dma_wait3A_129 = arith.constant 0 : i32
    %dma_wait3A_130 = arith.constant 0 : i32
    %dma_wait3A_131 = tpu.memref_slice %arg7[%dma_wait3A_118, %dma_wait3A_129, %dma_wait3A_130] : memref<2x8x512xf32, #tpu.memory_space<vmem>> -> memref<1x8x512xf32, #tpu.memory_space<vmem>>
    %dma_wait3A_132 = tpu.memref_squeeze %dma_wait3A_131 : memref<1x8x512xf32, #tpu.memory_space<vmem>> -> memref<8x512xf32, #tpu.memory_space<vmem>>
    tpu.wait_dma2 semaphore(%arg9 : memref<!tpu.dma_semaphore, #tpu.memory_space<semaphore_mem>>) src(%dma_wait3A_132 : memref<8x512xf32, #tpu.memory_space<vmem>>) dst(%dma_wait3A_128 : memref<8x512xf32, #tpu.memory_space<hbm>>)
    return
  }
}

module attributes {stable_mosaic.version = 14 : i64} {
  func.func @_mlp_body(%arg0: i32, %arg1: memref<1000x512xf32, #tpu.memory_space<vmem>>, %arg2: memref<1000x512xf32, #tpu.memory_space<vmem>>, %arg3: memref<512x128xf32, #tpu.memory_space<vmem>>, %arg4: memref<1x128xf32, #tpu.memory_space<vmem>>, %arg5: memref<128x512xf32, #tpu.memory_space<vmem>>, %arg6: memref<1x512xf32, #tpu.memory_space<vmem>>, %arg7: memref<1000x512xf32, #tpu.memory_space<vmem>>) attributes {dimension_semantics = [#tpu.dimension_semantics<arbitrary>], iteration_bounds = array<i64: 50>, scalar_prefetch = 0 : i64, scratch_operands = 0 : i64, tpu.core_type = #tpu.core_type<tc>, window_params = [{transform_indices = @transform_0, window_bounds = array<i64: 1000, 512>}, {transform_indices = @transform_1, window_bounds = array<i64: 1000, 512>}, {pipeline_mode = #tpu.pipeline_mode<synchronous>, transform_indices = @transform_2, window_bounds = array<i64: 512, 128>}, {pipeline_mode = #tpu.pipeline_mode<synchronous>, transform_indices = @transform_3, window_bounds = array<i64: 1, 128>}, {pipeline_mode = #tpu.pipeline_mode<synchronous>, transform_indices = @transform_4, window_bounds = array<i64: 128, 512>}, {pipeline_mode = #tpu.pipeline_mode<synchronous>, transform_indices = @transform_5, window_bounds = array<i64: 1, 512>}, {transform_indices = @transform_6, window_bounds = array<i64: 1000, 512>}]} {
    %get3A = arith.constant 0 : index
    %get3A_0 = arith.constant 0 : index
    %get3A_1 = vector.load %arg2[%get3A, %get3A_0] : memref<1000x512xf32, #tpu.memory_space<vmem>>, vector<1000x512xf32>
    %mul3A = arith.constant 6.250000e-02 : f32
    %mul3A_2 = vector.broadcast %mul3A : f32 to vector<1000x512xf32>
    %mul3A_3 = arith.mulf %get3A_1, %mul3A_2 : vector<1000x512xf32>
    %get3A_4 = arith.constant 0 : index
    %get3A_5 = arith.constant 0 : index
    %get3A_6 = vector.load %arg3[%get3A_4, %get3A_5] : memref<512x128xf32, #tpu.memory_space<vmem>>, vector<512x128xf32>
    %dot_general3A = arith.constant dense<0.000000e+00> : vector<1000x128xf32>
    %dot_general3A_7 = tpu.matmul %mul3A_3, %get3A_6, %dot_general3A {dimension_numbers = #tpu.dot_dimension_numbers<[1], [0], [0], [1], [0, 0, 1, 1], [], []>, transpose_lhs_hint = false} : vector<1000x512xf32>, vector<512x128xf32>, vector<1000x128xf32> -> vector<1000x128xf32>
    %get3A_8 = arith.constant 0 : index
    %get3A_9 = arith.constant 0 : index
    %get3A_10 = vector.load %arg4[%get3A_8, %get3A_9] : memref<1x128xf32, #tpu.memory_space<vmem>>, vector<1x128xf32>
    %add3A = vector.broadcast %get3A_10 : vector<1x128xf32> to vector<1000x128xf32>
    %add3A_11 = arith.addf %dot_general3A_7, %add3A : vector<1000x128xf32>
    %max3A = arith.constant 0.000000e+00 : f32
    %max3A_12 = vector.broadcast %max3A : f32 to vector<1000x128xf32>
    %max3A_13 = arith.maximumf %add3A_11, %max3A_12 : vector<1000x128xf32>
    %get3A_14 = arith.constant 0 : index
    %get3A_15 = arith.constant 0 : index
    %get3A_16 = vector.load %arg5[%get3A_14, %get3A_15] : memref<128x512xf32, #tpu.memory_space<vmem>>, vector<128x512xf32>
    %dot_general3A_17 = arith.constant dense<0.000000e+00> : vector<1000x512xf32>
    %dot_general3A_18 = tpu.matmul %max3A_13, %get3A_16, %dot_general3A_17 {dimension_numbers = #tpu.dot_dimension_numbers<[1], [0], [0], [1], [0, 0, 1, 1], [], []>, transpose_lhs_hint = false} : vector<1000x128xf32>, vector<128x512xf32>, vector<1000x512xf32> -> vector<1000x512xf32>
    %get3A_19 = arith.constant 0 : index
    %get3A_20 = arith.constant 0 : index
    %get3A_21 = vector.load %arg6[%get3A_19, %get3A_20] : memref<1x512xf32, #tpu.memory_space<vmem>>, vector<1x512xf32>
    %add3A_22 = vector.broadcast %get3A_21 : vector<1x512xf32> to vector<1000x512xf32>
    %add3A_23 = arith.addf %dot_general3A_18, %add3A_22 : vector<1000x512xf32>
    %get3A_24 = arith.constant 0 : index
    %get3A_25 = arith.constant 0 : index
    %get3A_26 = vector.load %arg1[%get3A_24, %get3A_25] : memref<1000x512xf32, #tpu.memory_space<vmem>>, vector<1000x512xf32>
    %logistic3A = arith.negf %add3A_23 : vector<1000x512xf32>
    %logistic3A_27 = math.exp %logistic3A : vector<1000x512xf32>
    %logistic3A_28 = arith.constant 1.000000e+00 : f32
    %logistic3A_29 = vector.broadcast %logistic3A_28 : f32 to vector<1000x512xf32>
    %logistic3A_30 = arith.addf %logistic3A_29, %logistic3A_27 : vector<1000x512xf32>
    %logistic3A_31 = arith.divf %logistic3A_29, %logistic3A_30 : vector<1000x512xf32>
    %mul3A_32 = arith.mulf %get3A_26, %logistic3A_31 : vector<1000x512xf32>
    %swap3A = arith.constant 0 : index
    %swap3A_33 = arith.constant 0 : index
    %swap3A_34 = vector.load %arg7[%swap3A, %swap3A_33] : memref<1000x512xf32, #tpu.memory_space<vmem>>, vector<1000x512xf32>
    tpu.vector_store %arg7[%swap3A, %swap3A_33], %mul3A_32 {strides = array<i32>} : memref<1000x512xf32, #tpu.memory_space<vmem>>, vector<1000x512xf32>,
    return
  }
  func.func @transform_0(%arg0: i32) -> (i32, i32) {
    %c0_i32 = arith.constant 0 : i32
    %c0_i32_0 = arith.constant 0 : i32
    return %arg0, %c0_i32 : i32, i32
  }
  func.func @transform_1(%arg0: i32) -> (i32, i32) {
    %c0_i32 = arith.constant 0 : i32
    %c0_i32_0 = arith.constant 0 : i32
    return %arg0, %c0_i32 : i32, i32
  }
  func.func @transform_2(%arg0: i32) -> (i32, i32) {
    %c0_i32 = arith.constant 0 : i32
    %c0_i32_0 = arith.constant 0 : i32
    %c0_i32_1 = arith.constant 0 : i32
    return %c0_i32, %c0_i32_0 : i32, i32
  }
  func.func @transform_3(%arg0: i32) -> (i32, i32) {
    %c0_i32 = arith.constant 0 : i32
    %c0_i32_0 = arith.constant 0 : i32
    %c0_i32_1 = arith.constant 0 : i32
    return %c0_i32, %c0_i32_0 : i32, i32
  }
  func.func @transform_4(%arg0: i32) -> (i32, i32) {
    %c0_i32 = arith.constant 0 : i32
    %c0_i32_0 = arith.constant 0 : i32
    %c0_i32_1 = arith.constant 0 : i32
    return %c0_i32, %c0_i32_0 : i32, i32
  }
  func.func @transform_5(%arg0: i32) -> (i32, i32) {
    %c0_i32 = arith.constant 0 : i32
    %c0_i32_0 = arith.constant 0 : i32
    %c0_i32_1 = arith.constant 0 : i32
    return %c0_i32, %c0_i32_0 : i32, i32
  }
  func.func @transform_6(%arg0: i32) -> (i32, i32) {
    %c0_i32 = arith.constant 0 : i32
    %c0_i32_0 = arith.constant 0 : i32
    return %arg0, %c0_i32 : i32, i32
  }
}

</mosaic_0001>

<sc_bundles>
// kernel: kernel.4.cloned.1.call-start
scs
__scs_entry_jumppad:
0x0: {  	(pc) =	sbr.rel $0x88, $3  }
0x1: {  	(tag) =	ssettag $0x0;
	lr =	simm.s32 $0x1  }
0x2: {  	[smem:$0x3F9B] =	sst lr;
	_ =	strace $0xD0000000  }
0x3: {  	_ = 	snop  }
0x4: {  	_ = 	snop  }
0x5: {  	_ = 	snop  }
0x6: {  	_ = 	snop  }
0x7: {  	_ = 	snop  }
__scs_overlays_trampoline_lowered:
0x8: {  	[smem:$0x3FAA] =	sst s0  }
0x9: {  	[smem:$0x3FAB] =	sst s1  }
0xa: {  	[smem:$0x3FAC] =	sst s2  }
0xb: {  	[smem:$0x3FAD] =	sst s3  }
0xc: {  	[smem:$0x3FAE] =	sst s4  }
0xd: {  	[smem:$0x3FAF] =	sst s5  }
0xe: {  	[smem:$0x3FB0] =	sst s6  }
0xf: {  	[smem:$0x3FB1] =	sst s7  }
0x10: {  	[smem:$0x3FB2] =	sst s8  }
0x11: {  	[smem:$0x3FB3] =	sst s9;
	s0 =	simm.s32 @!p0 $0x0  }
0x12: {  	s1 =	sld [smem:$0x3F99];
	s0 =	simm.s32 @p0 $0x1  }
0x13: {  	[smem:$0x3FB4] =	sst s0;
	s0 =	simm.s32 @!p1 $0x0  }
0x14: {  	s2 =	sld [smem:$0x3F98];
	s0 =	simm.s32 @p1 $0x1  }
0x15: {  	[smem:$0x3FB5] =	sst s0;
	s0 =	simm.s32 @!p2 $0x0  }
0x16: {  	s3 =	sld [smem:$0x3FDB];
	s0 =	simm.s32 @p2 $0x1  }
0x17: {  	s4 =	simm.s32 $0x1BF5;
	[smem:$0x3FB7] =	sst s0  }
0x18: {  	s0 =	sld [smem:$0x3F9A];
	_ =	swait.ge [sflag:s4], $0x0  }
0x19: {  	s7 =	sld [smem:$0x3F9B]  }
0x1a: {  	s8 =	sadd.s32 $0xFFFFE003, lr  }
0x1b: {  	s9 =	sadd.s32 $0xFFFFFEF7, lr;
	s5 =	simm.s32 $0xFFFFFFFF;
	p2 =	slt.u32 s8, $0xFFFFF086  }
0x1c: {  	p1 =	slt.u32 s9, $0xF7A;
	s5 =	simm.s32 @!p2 $0x0  }
0x1d: {  	s5 =	simm.s32 @p1 $0x1;
	p0 =	seq.s32 s7, s2  }
0x1e: {  	s7 =	smul.u32 @!p0 $0xF7A, s2;
	p2 =	seq.s32 @!p0 s5, $0x0  }
0x1f: {  	s9 =	smul.u32 $0xF7A, s1;
	s8 =	simm.s32 @!p0 $0x1BF5;
	p2 =	por !p2, p0  }
0x20: {  	[sflag:s8] =	ssyncset.s32 @!p0 $0xFFFFF086;
	s6 =	sadd.s32 @!p0 s3, s7;
	s7 =	simm.s32 @!p0 $0x108  }
0x21: {  	s3 =	sadd.s32 s3, s9;
	s6 =	sadd.s32 @!p0 $0x88, s6;
	s7 =	simm.s32 @p2 $0x1082  }
0x22: {  	[simem:s7], [sflag:s8] =	dma.local @!p0 [hbm:s6], $0xF7A  }
0x23: {  	s9 =	sor.u32 $0xD0000000, s2;
	s6 =	simm.s32 $0x108;
	_ =	swait.ge @!p0 [sflag:s8], $0x0  }
0x24: {  	s3 =	sadd.s32 $0x88, s3;
	s6 =	simm.s32 @!p1 $0x1082;
	[sflag:s4] =	ssyncset.s32 $0xFFFFF086  }
0x25: {  	[simem:s6], [sflag:s4] =	dma.local [hbm:s3], $0xF7A  }
0x26: {  	[smem:$0x3F9B] =	sst s1;
	(tag) =	ssettag s2;
	_ =	strace s9  }
0x27: {  	s1 =	sld [smem:$0x3FAB]  }
0x28: {  	s2 =	sld [smem:$0x3FAC]  }
0x29: {  	s4 =	sld [smem:$0x3FAE]  }
0x2a: {  	p0 =	seq.s32 s5, $0x0;
	s5 =	sld [smem:$0x3FAF]  }
0x2b: {  	s6 =	sld [smem:$0x3FB0]  }
0x2c: {  	s7 =	sld [smem:$0x3FB1]  }
0x2d: {  	s3 =	simm.s32 $0x108;
	s8 =	sld [smem:$0x3FB2]  }
0x2e: {  	s3 =	simm.s32 @!p0 $0x1082;
	s9 =	sld [smem:$0x3FB3]  }
0x2f: {  	lr =	sadd.s32 s0, s3;
	s0 =	sld [smem:$0x3FAA]  }
0x30: {  	s3 =	sld [smem:$0x3FAD]  }
0x31: {  	[smem:$0x3FB6] =	sst s10  }
0x32: {  	s10 =	sld [smem:$0x3FB4];
	_ =	sdelay $0x3  }
0x33: {  	p0 =	seq.s32 s10, $0x1;
	s10 =	sld [smem:$0x3FB6];
	_ =	sdelay $0x3  }
0x34: {  	[smem:$0x3FB6] =	sst s10  }
0x35: {  	s10 =	sld [smem:$0x3FB5];
	_ =	sdelay $0x3  }
0x36: {  	p1 =	seq.s32 s10, $0x1;
	s10 =	sld [smem:$0x3FB6];
	_ =	sdelay $0x3  }
0x37: {  	[smem:$0x3FB6] =	sst s10  }
0x38: {  	s10 =	sld [smem:$0x3FB7]  }
0x39: {  	_ = 	snop;
	(pc) =	sbr.ind lr, $3  }
0x3a: {  	_ = 	snop  }
0x3b: {  	_ = 	snop  }
0x3c: {  	p2 =	seq.s32 s10, $0x1;
	s10 =	sld [smem:$0x3FB6]  }
0x3d: {  	_ =	shalt  }
0x3e: {  	_ =	shalt  }
0x3f: {  	_ =	shalt  }
0x40: {  	_ =	shalt  }
0x41: {  	_ =	shalt  }
0x42: {  	_ =	shalt  }
0x43: {  	_ =	shalt  }
0x44: {  	_ =	shalt  }
0x45: {  	_ =	shalt  }
0x46: {  	_ =	shalt  }
0x47: {  	_ =	shalt  }
0x48: {  	_ =	shalt  }
0x49: {  	_ =	shalt  }
0x4a: {  	_ =	shalt  }
0x4b: {  	_ =	shalt  }
0x4c: {  	_ =	shalt  }
0x4d: {  	_ =	shalt  }
0x4e: {  	_ =	shalt  }
0x4f: {  	_ =	shalt  }
0x50: {  	_ =	shalt  }
0x51: {  	_ =	shalt  }
0x52: {  	_ =	shalt  }
0x53: {  	_ =	shalt  }
0x54: {  	_ =	shalt  }
0x55: {  	_ =	shalt  }
0x56: {  	_ =	shalt  }
0x57: {  	_ =	shalt  }
0x58: {  	_ =	shalt  }
0x59: {  	_ =	shalt  }
0x5a: {  	_ =	shalt  }
0x5b: {  	_ =	shalt  }
0x5c: {  	_ =	shalt  }
0x5d: {  	_ =	shalt  }
0x5e: {  	_ =	shalt  }
0x5f: {  	_ =	shalt  }
0x60: {  	_ =	shalt  }
0x61: {  	_ =	shalt  }
0x62: {  	_ =	shalt  }
0x63: {  	_ =	shalt  }
0x64: {  	_ =	shalt  }
0x65: {  	_ =	shalt  }
0x66: {  	_ =	shalt  }
0x67: {  	_ =	shalt  }
0x68: {  	_ =	shalt  }
0x69: {  	_ =	shalt  }
0x6a: {  	_ =	shalt  }
0x6b: {  	_ =	shalt  }
0x6c: {  	_ =	shalt  }
0x6d: {  	_ =	shalt  }
0x6e: {  	_ =	shalt  }
0x6f: {  	_ =	shalt  }
0x70: {  	_ =	shalt  }
0x71: {  	_ =	shalt  }
0x72: {  	_ =	shalt  }
0x73: {  	_ =	shalt  }
0x74: {  	_ =	shalt  }
0x75: {  	_ =	shalt  }
0x76: {  	_ =	shalt  }
0x77: {  	_ =	shalt  }
0x78: {  	_ =	shalt  }
0x79: {  	_ =	shalt  }
0x7a: {  	_ =	shalt  }
0x7b: {  	_ =	shalt  }
0x7c: {  	_ =	shalt  }
0x7d: {  	_ =	shalt  }
0x7e: {  	_ =	shalt  }
0x7f: {  	_ =	shalt  }
0x80: {  	_ =	shalt  }
0x81: {  	_ =	shalt  }
0x82: {  	_ =	shalt  }
0x83: {  	_ =	shalt  }
0x84: {  	_ =	shalt  }
0x85: {  	_ =	shalt  }
0x86: {  	_ =	shalt  }
0x87: {  	_ =	shalt  }
.Lfunc_end0:
.L_simem_size_0:
called_computation_lowered:
.L_overlay_start_0:
0x88: {  	s2 =	sld [smem:$0x3FD9]  }
0x89: {  	s3 =	sld [smem:$0x3FFE];
	_ =	sdelay $0x1  }
0x8a: {  	s1 =	srdreg.scid  }
0x8b: {  	s0 =	sand.u32 $0x1, s1  }
0x8c: {  	s17 =	sshll.u32 s0, $0xA;
	s2 =	sadd.s32 s3, s2  }
0x8d: {  	s2 =	sadd.s32 s2, s17  }
0x8e: {  	[smem:$0x3FC2] =	sst s2  }
0x8f: {  	_ = 	snop  }
0x90: {  	s2 =	sld [smem:$0x3FC9]  }
0x91: {  	s18 =	sld [smem:$0x3FD0];
	(tm) =	ssettm $0x1  }
0x92: {  	s4 =	sld [smem:$0x3FFB];
	_ =	sdelay $0x3  }
0x93: {  	_ =	strace s4  }
0x94: {  	s4 =	sld [smem:$0x3FFC];
	_ =	sdelay $0x3  }
0x95: {  	_ =	strace s4  }
0x96: {  	s4 =	sld [smem:$0x3FFD];
	_ =	sdelay $0x3  }
0x97: {  	_ =	strace s4  }
0x98: {  	_ =	strace $0x8FFFFFFF  }
0x99: {  	s19 =	sld [smem:$0x3FDB];
	_ =	sdelay $0x1  }
0x9a: {  	s5 =	simm.s32 $_scs_section_size  }
0x9b: {  	s6 =	simm.s32 $_size__tile_overlayer_lowered;
	s7 =	simm.s32 $_tile_overlayer_lowered  }
0x9c: {  	s22 =	simm.s32 $0x1BFF;
	s21 =	sshll.u32 s7, $0x1;
	s4 =	sadd.s32 s5, s19  }
0x9d: {  	s8 =	simm.s32 $0x0;
	s20 =	sshll.u32 s6, $0x1;
	s6 =	sadd.s32 s21, s4  }
0x9e: {  	[timem:s8], [sflag:s22] =	dma.local [hbm:s6], s20  }
0x9f: {  	_ =	swait.ge [sflag:s22], s20  }
0xa0: {  	s5 =	ssub.s32 $0x0, s20;
	[sflag:s22] =	ssyncset.done $0x0  }
0xa1: {  	[sflag:s22] =	ssyncadd.s32 s5;
	_ =	sdelay $0x1  }
0xa2: {  	s23 =	simm.s32 $0x1B8B  }
0xa3: {  	_ =	swait.ge [sflag:s23], $0x1  }
0xa4: {  	[sflag:s23] =	ssyncset.done $0x0  }
0xa5: {  	s25 =	simm.s32 $0x1B8E;
	s24 =	sld [smem:$0x3FFE];
	[sflag:s23] =	ssyncadd.s32 $0xFFFFFFFF  }
0xa6: {  	s26 =	simm.s32 $execute0_lowered;
	[smem:$0x3FD2] =	sst s25  }
0xa7: {  	s6 =	sshll.u32 s26, $0x1;
	_ =	strace $0x80000046;
	[dreg:$0x1] =	wrdreg $0xFFFFFFFF  }
0xa8: {  	s28 =	simm.s32 $_size_execute0_lowered;
	s4 =	sadd.s32 s4, s6;
	[dreg:$0x0] =	wrdreg $0x0  }
0xa9: {  	s6 =	sshll.u32 s28, $0x1;
	[dreg:$0x2] =	wrdreg s4  }
0xaa: {  	[dreg:$0x3] =	wrdreg s6  }
0xab: {  	[dreg:$0x4] =	wrdreg $0xC0  }
0xac: {  	_ =	task [dreg:s8], $0x5FFFF  }
0xad: {  	[dreg:$0x1] =	wrdreg $0xFFFFFFFF  }
0xae: {  	[dreg:$0x0] =	wrdreg $0x60  }
0xaf: {  	[dreg:$0x2] =	wrdreg s2  }
0xb0: {  	[dreg:$0x3] =	wrdreg s18  }
0xb1: {  	[dreg:$0x4] =	wrdreg s24  }
0xb2: {  	[dreg:$0x5] =	wrdreg $0x9  }
0xb3: {  	_ =	task.clear_ibuf [dreg:s8], $0x6FFFF;
	_ =	strace $0x90000046  }
0xb4: {  	s29 =	simm.s32 $0x9;
	_ =	strace $0x80000048  }
0xb5: {  	_ =	swait.ge [sflag:s29], $0x1  }
0xb6: {  	[sflag:s29] =	ssyncadd.s32 $0xFFFFFFFF  }
0xb7: {  	_ =	strace $0x90000048  }
0xb8: {  	_ =	sfence  }
0xb9: {  	s30 =	sld [smem:$0x0];
	_ =	sdelay $0x2  }
0xba: {  	s31 =	sshll.u32 s1, $0xD;
	s1 =	sshrl.u32 s1, $0x2  }
0xbb: {  	s3 =	sand.u32 $0x4000, s31;
	s1 =	sadd.s32 s1, s30  }
0xbc: {  	s0 =	sor.u32 s3, s0;
	s1 =	sshll.u32 s1, $0x11  }
0xbd: {  	s0 =	sor.u32 s1, s0  }
0xbe: {  	s0 =	sadd.s32 $0x8F2B, s0  }
0xbf: {  	[sflag:s0] =	ssyncadd.remote.s32 $0x1  }
0xc0: {  	_ =	sfence.sel $0xFFFF  }
0xc1: {  	[dreg:$0x0] =	wrdreg $0xFFFFFFFF;
	(pc) =	sbr.abs _section_cstart, $3  }
0xc2: {  	[dreg:$0x1] =	wrdreg $0xFFFFFFFF  }
0xc3: {  	_ =	task.clear_ibuf [dreg:s8], $0x2FFFF;
	_ =	strace $0x9FFFFFFF  }
0xc4: {  	(tm) =	ssettm $0x7FFFFFFF  }
0xc5: {  	_ =	shalt  }
tec
execute0_lowered:
.L_overlay_start_1:
0x0: {  	(tag) =	ssettag $0x1  }
0x1: {  	s1 =	rddreg [dreg:$0x0]  }
0x2: {  	s0 =	rddreg [dreg:$0x1]  }
0x3: {  	s2 =	rddreg [dreg:$0x2]  }
0x4: {  	s3 =	simm.s32 $0x0;
	s4 =	srdreg.scid;
	s7 =	stileid.u32  }
0x5: {  	s11 =	simm.s32 $0x3;
	s17 =	simm.s32 $0x13800;
	s18 =	simm.s32 $0x14000  }
0x6: {  	s19 =	simm.s32 $0x14800;
	s20 =	simm.s32 $0x15000;
	s21 =	simm.s32 $0x15800  }
0x7: {  	s22 =	simm.s32 $0x16000;
	s23 =	simm.s32 $0x1;
	s24 =	simm.s32 $0x16800  }
0x8: {  	s25 =	simm.s32 $0x17800;
	s26 =	simm.s32 $0x2;
	s28 =	simm.s32 $0x0  }
0x9: {  	[smem:$0x7FF] =	sst s3;
	s5 =	sand.u32 $0x1, s4;
	s6 =	smul.u32 $0x5C0, s7  }
0xa: {  	s4 =	sadd.s32 $0xC00, s2;
	s7 =	smul.u32 $0x680, s7;
	s9 =	sadd.s32 $0x100, s1  }
.Ltmp0:
0xb: {  	_ =	strace $0x80000047;
	s30 =	ssub.s32 $0x2, s5;
	(pc) =	sbr.rel .LBB2_1-.Ltmp0, $4  }
0xc: {  	p0 =	seq.s32 s5, $0x0;
	s8 =	sshrl.u32 s30, $0x1;
	s5 =	sadd.s32 $0x6800, s6  }
0xd: {  	v2 =	vlaneseq.u32;
	s6 =	simm.s32 $0x680;
	s2 =	ssub.s32 s30, s8;
	s5 =	smov.u32 @p0 s7  }
0xe: {  	vm0 =	vmmov $0xffff;
	v1 =	vshrl.u32 v2, $0x3;
	s6 =	simm.s32 @!p0 $0x5C0;
	s7 =	simm.s32 $0x68;
	s31 =	sshll.u32 s5, $0x1  }
0xf: {  	v0 =	vand.u32 $0x7, v2;
	v2 =	vor.u32 $0x8, v2;
	v1 =	vmul.u32 $0x8, v1;
	s7 =	simm.s32 @!p0 $0x5C;
	s10 =	smax.u32 s2, $0x1;
	s8 =	sadd.s32 s0, s31  }
.LBB2_37:
0x10: {  	s28 =	sadd.s32 $0x1, s28  }
0x11: {  	_ =	swait.ge [sflag:s26], $0x1000;
	p0 =	sne.s32 s28, s10  }
.Ltmp1:
0x12: {  	[sflag:s26] =	ssyncset.done $0x0;
	(pc) =	sbr.rel @!p0 .LBB2_38-.Ltmp1, $4  }
0x13: {  	[sflag:s26] =	ssyncadd.s32 $0xFFFFF000  }
0x14: {  	_ =	swait.ge [sflag:s26], $0x1000  }
0x15: {  	[sflag:s26] =	ssyncset.done $0x0  }
0x16: {  	[sflag:s26] =	ssyncadd.s32 $0xFFFFF000  }
.LBB2_1:
0x17: {  	[tilespmem:s3], [sflag:$0x3] =	stream.linear.gather [hbm4b:s8+s3], $0x6800, $0x38;
	[tilespmem:$0x18800] =	vst v63  }
0x18: {  	_ =	swait.ge [sflag:s11], $0x6800  }
0x19: {  	[sflag:s11] =	ssyncset.done $0x0  }
0x1a: {  	[sflag:s11] =	ssyncadd.s32 $0xFFFF9800  }
0x1b: {  	v3 =	vld [tilespmem:$0x0];
	_ =	sdelay $0x4  }
0x1c: {  	v4 =	vshll.u32 v3, $0x2  }
0x1d: {  	v3 =	vand.u32 $0x7, v3;
	v4 =	vand.u32 $0xFFFFFFE0, v4  }
0x1e: {  	v3 =	vor.u32 v3, v4  }
0x1f: {  	v4 =	vperm.xlane v3, v0;
	_ =	sdelay $0x1  }
0x20: {  	v4 =	vadd.s32 v1, v4;
	_ =	sdelay $0x1  }
0x21: {  	v3 =	vperm.xlane v3, v2;
	_ =	sdelay $0x1  }
0x22: {  	s0 =	simm.s32 $0x6800;
	v3 =	vadd.s32 v1, v3  }
0x23: {  	[tilespmem:s0], [sflag:$0x1] =	stream.indirect_vreg.gather [hbm4b:s1+s3], $0x80, v4, vm0, $0xb8;
	[tilespmem:$0x18800] =	vst v63  }
0x24: {  	s31 =	simm.s32 $0x7000  }
0x25: {  	[tilespmem:s31], [sflag:$0x1] =	stream.indirect_vreg.gather [hbm4b:s9+s3], $0x80, v4, vm0, $0xb8;
	[tilespmem:$0x18800] =	vst v63  }
0x26: {  	s2 =	simm.s32 $0x7800  }
0x27: {  	[tilespmem:s2], [sflag:$0x1] =	stream.indirect_vreg.gather [hbm4b:s1+s3], $0x80, v3, vm0, $0xb8;
	[tilespmem:$0x18800] =	vst v63  }
0x28: {  	s12 =	simm.s32 $0x8000  }
0x29: {  	[tilespmem:s12], [sflag:$0x1] =	stream.indirect_vreg.gather [hbm4b:s9+s3], $0x80, v3, vm0, $0xb8;
	[tilespmem:$0x18800] =	vst v63  }
0x2a: {  	v3 =	vld [tilespmem:$0x10];
	_ =	sdelay $0x4  }
0x2b: {  	v57 =	vshll.u32 v3, $0x2  }
0x2c: {  	v3 =	vand.u32 $0x7, v3;
	v4 =	vand.u32 $0xFFFFFFE0, v57  }
0x2d: {  	v3 =	vor.u32 v3, v4  }
0x2e: {  	v4 =	vperm.xlane v3, v0;
	_ =	sdelay $0x1  }
0x2f: {  	v4 =	vadd.s32 v1, v4;
	_ =	sdelay $0x1  }
0x30: {  	v3 =	vperm.xlane v3, v2;
	_ =	sdelay $0x1  }
0x31: {  	s13 =	simm.s32 $0x8800;
	v3 =	vadd.s32 v1, v3  }
0x32: {  	[tilespmem:s13], [sflag:$0x1] =	stream.indirect_vreg.gather [hbm4b:s1+s3], $0x80, v4, vm0, $0xb8;
	[tilespmem:$0x18800] =	vst v63  }
0x33: {  	s14 =	simm.s32 $0x9000  }
0x34: {  	[tilespmem:s14], [sflag:$0x1] =	stream.indirect_vreg.gather [hbm4b:s9+s3], $0x80, v4, vm0, $0xb8;
	[tilespmem:$0x18800] =	vst v63  }
0x35: {  	s15 =	simm.s32 $0x9800  }
0x36: {  	[tilespmem:s15], [sflag:$0x1] =	stream.indirect_vreg.gather [hbm4b:s1+s3], $0x80, v3, vm0, $0xb8;
	[tilespmem:$0x18800] =	vst v63  }
0x37: {  	s16 =	simm.s32 $0xA000  }
0x38: {  	[tilespmem:s16], [sflag:$0x1] =	stream.indirect_vreg.gather [hbm4b:s9+s3], $0x80, v3, vm0, $0xb8;
	[tilespmem:$0x18800] =	vst v63  }
0x39: {  	v3 =	vld [tilespmem:$0x20];
	_ =	sdelay $0x4  }
0x3a: {  	v58 =	vshll.u32 v3, $0x2  }
0x3b: {  	v3 =	vand.u32 $0x7, v3;
	v4 =	vand.u32 $0xFFFFFFE0, v58  }
0x3c: {  	v3 =	vor.u32 v3, v4  }
0x3d: {  	v4 =	vperm.xlane v3, v0;
	_ =	sdelay $0x1  }
0x3e: {  	v4 =	vadd.s32 v1, v4;
	_ =	sdelay $0x1  }
0x3f: {  	v3 =	vperm.xlane v3, v2;
	_ =	sdelay $0x1  }
0x40: {  	s30 =	simm.s32 $0xA800;
	v3 =	vadd.s32 v1, v3  }
0x41: {  	[tilespmem:s30], [sflag:$0x1] =	stream.indirect_vreg.gather [hbm4b:s1+s3], $0x80, v4, vm0, $0xb8;
	[tilespmem:$0x18800] =	vst v63  }
0x42: {  	s31 =	simm.s32 $0xB000  }
0x43: {  	[tilespmem:s31], [sflag:$0x1] =	stream.indirect_vreg.gather [hbm4b:s9+s3], $0x80, v4, vm0, $0xb8;
	[tilespmem:$0x18800] =	vst v63  }
0x44: {  	s2 =	simm.s32 $0xB800  }
0x45: {  	[tilespmem:s2], [sflag:$0x1] =	stream.indirect_vreg.gather [hbm4b:s1+s3], $0x80, v3, vm0, $0xb8;
	[tilespmem:$0x18800] =	vst v63  }
0x46: {  	s12 =	simm.s32 $0xC000  }
0x47: {  	[tilespmem:s12], [sflag:$0x1] =	stream.indirect_vreg.gather [hbm4b:s9+s3], $0x80, v3, vm0, $0xb8;
	[tilespmem:$0x18800] =	vst v63  }
0x48: {  	v3 =	vld [tilespmem:$0x30];
	_ =	sdelay $0x4  }
0x49: {  	v59 =	vshll.u32 v3, $0x2  }
0x4a: {  	v3 =	vand.u32 $0x7, v3;
	v4 =	vand.u32 $0xFFFFFFE0, v59  }
0x4b: {  	v3 =	vor.u32 v3, v4  }
0x4c: {  	v4 =	vperm.xlane v3, v0;
	_ =	sdelay $0x1  }
0x4d: {  	v4 =	vadd.s32 v1, v4;
	_ =	sdelay $0x1  }
0x4e: {  	v3 =	vperm.xlane v3, v2;
	_ =	sdelay $0x1  }
0x4f: {  	s13 =	simm.s32 $0xC800;
	v3 =	vadd.s32 v1, v3  }
0x50: {  	[tilespmem:s13], [sflag:$0x1] =	stream.indirect_vreg.gather [hbm4b:s1+s3], $0x80, v4, vm0, $0xb8;
	[tilespmem:$0x18800] =	vst v63  }
0x51: {  	s14 =	simm.s32 $0xD000  }
0x52: {  	[tilespmem:s14], [sflag:$0x1] =	stream.indirect_vreg.gather [hbm4b:s9+s3], $0x80, v4, vm0, $0xb8;
	[tilespmem:$0x18800] =	vst v63  }
0x53: {  	s15 =	simm.s32 $0xD800  }
0x54: {  	[tilespmem:s15], [sflag:$0x1] =	stream.indirect_vreg.gather [hbm4b:s1+s3], $0x80, v3, vm0, $0xb8;
	[tilespmem:$0x18800] =	vst v63  }
0x55: {  	s16 =	simm.s32 $0xE000  }
0x56: {  	[tilespmem:s16], [sflag:$0x1] =	stream.indirect_vreg.gather [hbm4b:s9+s3], $0x80, v3, vm0, $0xb8;
	[tilespmem:$0x18800] =	vst v63  }
0x57: {  	v3 =	vld [tilespmem:$0x40];
	_ =	sdelay $0x4  }
0x58: {  	v60 =	vshll.u32 v3, $0x2  }
0x59: {  	v3 =	vand.u32 $0x7, v3;
	v4 =	vand.u32 $0xFFFFFFE0, v60  }
0x5a: {  	v3 =	vor.u32 v3, v4  }
0x5b: {  	v4 =	vperm.xlane v3, v0;
	_ =	sdelay $0x1  }
0x5c: {  	v4 =	vadd.s32 v1, v4;
	_ =	sdelay $0x1  }
0x5d: {  	v3 =	vperm.xlane v3, v2;
	_ =	sdelay $0x1  }
0x5e: {  	s30 =	simm.s32 $0xE800;
	v3 =	vadd.s32 v1, v3  }
0x5f: {  	[tilespmem:s30], [sflag:$0x1] =	stream.indirect_vreg.gather [hbm4b:s1+s3], $0x80, v4, vm0, $0xb8;
	[tilespmem:$0x18800] =	vst v63  }
0x60: {  	s31 =	simm.s32 $0xF000  }
0x61: {  	[tilespmem:s31], [sflag:$0x1] =	stream.indirect_vreg.gather [hbm4b:s9+s3], $0x80, v4, vm0, $0xb8;
	[tilespmem:$0x18800] =	vst v63  }
0x62: {  	s2 =	simm.s32 $0xF800  }
0x63: {  	[tilespmem:s2], [sflag:$0x1] =	stream.indirect_vreg.gather [hbm4b:s1+s3], $0x80, v3, vm0, $0xb8;
	[tilespmem:$0x18800] =	vst v63  }
0x64: {  	s12 =	simm.s32 $0x10000  }
0x65: {  	[tilespmem:s12], [sflag:$0x1] =	stream.indirect_vreg.gather [hbm4b:s9+s3], $0x80, v3, vm0, $0xb8;
	[tilespmem:$0x18800] =	vst v63  }
0x66: {  	v3 =	vld [tilespmem:$0x50];
	_ =	sdelay $0x4  }
0x67: {  	v61 =	vshll.u32 v3, $0x2  }
0x68: {  	v3 =	vand.u32 $0x7, v3;
	v4 =	vand.u32 $0xFFFFFFE0, v61  }
0x69: {  	v3 =	vor.u32 v3, v4  }
0x6a: {  	v4 =	vperm.xlane v3, v0;
	_ =	sdelay $0x1  }
0x6b: {  	v4 =	vadd.s32 v1, v4;
	_ =	sdelay $0x1  }
0x6c: {  	v3 =	vperm.xlane v3, v2;
	_ =	sdelay $0x1  }
0x6d: {  	s13 =	simm.s32 $0x10800;
	v3 =	vadd.s32 v1, v3  }
0x6e: {  	[tilespmem:s13], [sflag:$0x1] =	stream.indirect_vreg.gather [hbm4b:s1+s3], $0x80, v4, vm0, $0xb8;
	[tilespmem:$0x18800] =	vst v63  }
0x6f: {  	s14 =	simm.s32 $0x11000  }
0x70: {  	[tilespmem:s14], [sflag:$0x1] =	stream.indirect_vreg.gather [hbm4b:s9+s3], $0x80, v4, vm0, $0xb8;
	[tilespmem:$0x18800] =	vst v63  }
0x71: {  	s15 =	simm.s32 $0x11800  }
0x72: {  	[tilespmem:s15], [sflag:$0x1] =	stream.indirect_vreg.gather [hbm4b:s1+s3], $0x80, v3, vm0, $0xb8;
	[tilespmem:$0x18800] =	vst v63  }
0x73: {  	s16 =	simm.s32 $0x12000  }
0x74: {  	[tilespmem:s16], [sflag:$0x1] =	stream.indirect_vreg.gather [hbm4b:s9+s3], $0x80, v3, vm0, $0xb8;
	[tilespmem:$0x18800] =	vst v63  }
0x75: {  	v3 =	vld [tilespmem:$0x60];
	_ =	sdelay $0x4  }
0x76: {  	v62 =	vshll.u32 v3, $0x2  }
0x77: {  	v3 =	vand.u32 $0x7, v3;
	v4 =	vand.u32 $0xFFFFFFE0, v62  }
0x78: {  	v3 =	vor.u32 v3, v4  }
0x79: {  	v4 =	vperm.xlane v3, v0;
	_ =	sdelay $0x1  }
0x7a: {  	v4 =	vadd.s32 v1, v4;
	_ =	sdelay $0x1  }
0x7b: {  	v3 =	vperm.xlane v3, v2;
	_ =	sdelay $0x1  }
0x7c: {  	s30 =	simm.s32 $0x12800;
	v3 =	vadd.s32 v1, v3  }
0x7d: {  	[tilespmem:s30], [sflag:$0x1] =	stream.indirect_vreg.gather [hbm4b:s1+s3], $0x80, v4, vm0, $0xb8;
	[tilespmem:$0x18800] =	vst v63  }
0x7e: {  	s31 =	simm.s32 $0x13000  }
0x7f: {  	[tilespmem:s31], [sflag:$0x1] =	stream.indirect_vreg.gather [hbm4b:s9+s3], $0x80, v4, vm0, $0xb8;
	[tilespmem:$0x18800] =	vst v63  }
0x80: {  	_ = 	snop  }
0x81: {  	[tilespmem:s17], [sflag:$0x1] =	stream.indirect_vreg.gather [hbm4b:s1+s3], $0x80, v3, vm0, $0xb8;
	[tilespmem:$0x18800] =	vst v63  }
0x82: {  	_ = 	snop  }
0x83: {  	[tilespmem:s18], [sflag:$0x1] =	stream.indirect_vreg.gather [hbm4b:s9+s3], $0x80, v3, vm0, $0xb8;
	[tilespmem:$0x18800] =	vst v63  }
0x84: {  	v3 =	vld [tilespmem:$0x70];
	_ =	sdelay $0x4  }
0x85: {  	v63 =	vshll.u32 v3, $0x2  }
0x86: {  	v3 =	vand.u32 $0x7, v3;
	v4 =	vand.u32 $0xFFFFFFE0, v63  }
0x87: {  	v3 =	vor.u32 v3, v4  }
0x88: {  	v4 =	vperm.xlane v3, v0;
	_ =	sdelay $0x1  }
0x89: {  	v4 =	vadd.s32 v1, v4;
	_ =	sdelay $0x2  }
0x8a: {  	v3 =	vperm.xlane v3, v2;
	_ =	sdelay $0x1  }
0x8b: {  	v3 =	vadd.s32 v1, v3;
	[tilespmem:s19], [sflag:$0x1] =	stream.indirect_vreg.gather [hbm4b:s1+s3], $0x80, v4, vm0, $0xb8;
	[tilespmem:$0x18800] =	vst v63  }
0x8c: {  	_ = 	snop  }
0x8d: {  	[tilespmem:s20], [sflag:$0x1] =	stream.indirect_vreg.gather [hbm4b:s9+s3], $0x80, v4, vm0, $0xb8;
	[tilespmem:$0x18800] =	vst v63  }
.Ltmp2:
0x8e: {  	_ = 	snop;
	(pc) =	sbr.rel .LBB2_2-.Ltmp2, $4  }
0x8f: {  	_ = 	snop  }
0x90: {  	[tilespmem:s21], [sflag:$0x1] =	stream.indirect_vreg.gather [hbm4b:s1+s3], $0x80, v3, vm0, $0xb8;
	[tilespmem:$0x18800] =	vst v63  }
0x91: {  	s29 =	simm.s32 $0x0  }
0x92: {  	[tilespmem:s22], [sflag:$0x1] =	stream.indirect_vreg.gather [hbm4b:s9+s3], $0x80, v3, vm0, $0xb8;
	[tilespmem:$0x18800] =	vst v63  }
.LBB2_36:
0x93: {  	s29 =	sadd.s32 $0x1, s29  }
0x94: {  	p0 =	sne.s32 s29, $0x68  }
.Ltmp3:
0x95: {  	_ = 	snop;
	(pc) =	sbr.rel @!p0 .LBB2_37-.Ltmp3, $1  }
0x96: {  	_ =	sdelay $0x3  }
.LBB2_2:
0x97: {  	p0 =	sge.u32 s29, s7  }
.Ltmp4:
0x98: {  	_ = 	snop;
	(pc) =	sbr.rel @p0 .LBB2_36-.Ltmp4, $1  }
0x99: {  	_ =	sdelay $0x3  }
0x9a: {  	p0 =	seq.s32 s29, $0x0  }
0x9b: {  	s0 =	simm.s32 @!p0 $0x2  }
0x9c: {  	_ =	swait.ge @!p0 [sflag:s0], $0x1000  }
0x9d: {  	[sflag:s0] =	ssyncset.done @!p0 $0x0  }
0x9e: {  	[sflag:s0] =	ssyncadd.s32 @!p0 $0xFFFFF000  }
0x9f: {  	s2 =	simm.s32 $0x0;
	_ =	swait.ge [sflag:s23], $0x2000  }
0xa0: {  	s31 =	sand.u32 $0x70, s2;
	s12 =	sand.u32 $0xC00, s2;
	[sflag:s23] =	ssyncset.done $0x0  }
0xa1: {  	s0 =	sor.u32 s31, s12;
	[sflag:s23] =	ssyncadd.s32 $0xFFFFE000  }
0xa2: {  	v3 =	vld [tilespmem:s0+$0x7B80]  }
0xa3: {  	v5 =	vld [tilespmem:s0+$0x7B00]  }
0xa4: {  	v6 =	vld [tilespmem:s0+$0x7A80]  }
0xa5: {  	v9 =	vld [tilespmem:s0+$0x7A00]  }
0xa6: {  	v12 =	vld [tilespmem:s0+$0x7980]  }
0xa7: {  	v13 =	vld [tilespmem:s0+$0x7900]  }
0xa8: {  	v14 =	vld [tilespmem:s0+$0x7880]  }
0xa9: {  	v15 =	vld [tilespmem:s0+$0x7800]  }
0xaa: {  	v7 =	vld [tilespmem:s0+$0x6A80]  }
0xab: {  	v4 =	vld [tilespmem:s0+$0x6980]  }
0xac: {  	v8 =	vld [tilespmem:s0+$0x6B00]  }
0xad: {  	s2 =	sor.u32 s2, s2;
	v11 =	vld [tilespmem:s0+$0x6A00]  }
0xae: {  	s2 =	sor.u32 $0x380, s2;
	v10 =	vld [tilespmem:s0+$0x6880];
	v3 =	vadd.f32 v3, v5;
	v5 =	vadd.f32 v6, v9  }
0xaf: {  	s12 =	simm.s32 $0x10;
	v6 =	vadd.f32 v12, v13;
	v9 =	vadd.f32 v14, v15;
	v12 =	vld [tilespmem:s2+$0x6800];
	s2 =	simm.s32 $0x80  }
.LBB2_4:
0xb0: {  	s13 =	sand.u32 $0x70, s12  }
0xb1: {  	s30 =	sand.u32 $0xC00, s2;
	s31 =	sor.u32 s2, s12;
	v13 =	vld [tilespmem:s0+$0x6800];
	s14 =	smov.u32 s12  }
0xb2: {  	s13 =	sor.u32 s13, s30;
	s14 =	sor.u32 $0x380, s31;
	s30 =	sadd.s32 $0x10, s12;
	v14 =	vld [tilespmem:s0+$0x6900]  }
0xb3: {  	p1 =	sne.s32 s12, $0x1F0;
	v15 =	vld [tilespmem:s13+$0x7B80];
	v7 =	vadd.f32 v7, v11  }
0xb4: {  	v11 =	vld [tilespmem:s13+$0x7B00]  }
0xb5: {  	v16 =	vld [tilespmem:s13+$0x7A80];
	v8 =	vadd.f32 v12, v8  }
0xb6: {  	v3 =	vadd.f32 v3, v5;
	v12 =	vld [tilespmem:s13+$0x7A00];
	v10 =	vadd.f32 v10, v13  }
0xb7: {  	v5 =	vadd.f32 v6, v9;
	v13 =	vld [tilespmem:s13+$0x7980];
	v4 =	vadd.f32 v4, v14  }
0xb8: {  	v8 =	vadd.f32 v8, v7;
	v6 =	vld [tilespmem:s13+$0x7900]  }
0xb9: {  	v9 =	vld [tilespmem:s13+$0x7880];
	v4 =	vadd.f32 v4, v10;
	v10 =	vadd.f32 v3, v5  }
0xba: {  	v3 =	vadd.f32 v15, v11;
	v14 =	vld [tilespmem:s13+$0x7800]  }
0xbb: {  	v7 =	vld [tilespmem:s13+$0x6A80];
	v5 =	vadd.f32 v16, v12;
	v11 =	vadd.f32 v8, v4  }
.Ltmp5:
0xbc: {  	v4 =	vld [tilespmem:s13+$0x6980];
	(pc) =	sbr.rel @p1 .LBB2_4-.Ltmp5, $4  }
0xbd: {  	v8 =	vld [tilespmem:s13+$0x6B00];
	v6 =	vadd.f32 v13, v6;
	v12 =	vadd.f32 v10, v11  }
0xbe: {  	v11 =	vld [tilespmem:s13+$0x6A00]  }
0xbf: {  	v10 =	vld [tilespmem:s13+$0x6880];
	v9 =	vadd.f32 v9, v14;
	[tilespmem:s0+$0x16800] =	vst v12;
	s0 =	smov.u32 s13  }
0xc0: {  	s2 =	sadd.s32 $0x80, s2;
	s12 =	smov.u32 s30;
	v12 =	vld [tilespmem:s14+$0x6800]  }
0xc1: {  	v13 =	vld [tilespmem:s0+$0x6800]  }
0xc2: {  	v14 =	vld [tilespmem:s0+$0x6900];
	_ =	sdelay $0x3  }
0xc3: {  	v7 =	vadd.f32 v7, v11;
	v8 =	vadd.f32 v12, v8  }
0xc4: {  	v10 =	vadd.f32 v10, v13;
	v4 =	vadd.f32 v4, v14  }
0xc5: {  	v3 =	vadd.f32 v3, v5;
	v5 =	vadd.f32 v6, v9  }
0xc6: {  	v6 =	vadd.f32 v8, v7;
	v4 =	vadd.f32 v4, v10;
	_ =	sdelay $0x1  }
0xc7: {  	s31 =	sshll.u32 s29, $0x4;
	v3 =	vadd.f32 v3, v5;
	v4 =	vadd.f32 v6, v4  }
0xc8: {  	s30 =	sor.u32 $0x8, s31  }
0xc9: {  	p1 =	sge.u32 s30, s6;
	v3 =	vadd.f32 v3, v4  }
0xca: {  	s2 =	sshll.u32 @!p1 s30, $0x4  }
0xcb: {  	[tilespmem:s0+$0x16800] =	vst v3;
	s0 =	sand.u32 @!p1 $0x3FFFFFF0, s2  }
0xcc: {  	v3 =	vld @!p1 [tilespmem:s0+$0x0];
	_ =	sdelay $0x4  }
0xcd: {  	v4 =	vshll.u32 @!p1 v3, $0x2  }
0xce: {  	v5 =	vlaneseq.u32 @!p1;
	v3 =	vand.u32 @!p1 $0x7, v3;
	v4 =	vand.u32 @!p1 $0xFFFFFFE0, v4  }
0xcf: {  	v6 =	vshrl.u32 @!p1 v5, $0x3;
	v3 =	vor.u32 @!p1 v3, v4;
	v4 =	vand.u32 @!p1 $0x7, v5  }
0xd0: {  	v6 =	vmul.u32 @!p1 $0x8, v6;
	v4 =	vperm.xlane @!p1 v3, v4;
	_ =	sdelay $0x1  }
0xd1: {  	v4 =	vadd.s32 @!p1 v6, v4  }
0xd2: {  	v5 =	vor.u32 @!p1 $0x8, v5  }
0xd3: {  	v3 =	vperm.xlane @!p1 v3, v5;
	_ =	sdelay $0x1  }
0xd4: {  	vm1 =	vmmov @!p1 $0xffff;
	s2 =	simm.s32 @!p1 $0x6800;
	s0 =	simm.s32 @!p1 $0x0;
	v3 =	vadd.s32 @!p1 v6, v3  }
0xd5: {  	[tilespmem:s2], [sflag:$0x1] =	stream.indirect_vreg.gather @!p1 [hbm4b:s1+s0], $0x80, v4, vm1, $0xb8;
	[tilespmem:$0x18800] =	vst v63  }
0xd6: {  	s2 =	simm.s32 @!p1 $0x7000  }
0xd7: {  	[tilespmem:s2], [sflag:$0x1] =	stream.indirect_vreg.gather @!p1 [hbm4b:s9+s0], $0x80, v4, vm1, $0xb8;
	[tilespmem:$0x18800] =	vst v63  }
0xd8: {  	s2 =	simm.s32 @!p1 $0x7800  }
0xd9: {  	[tilespmem:s2], [sflag:$0x1] =	stream.indirect_vreg.gather @!p1 [hbm4b:s1+s0], $0x80, v3, vm1, $0xb8;
	[tilespmem:$0x18800] =	vst v63  }
0xda: {  	s2 =	simm.s32 @!p1 $0x8000  }
0xdb: {  	[tilespmem:s2], [sflag:$0x1] =	stream.indirect_vreg.gather @!p1 [hbm4b:s9+s0], $0x80, v3, vm1, $0xb8;
	[tilespmem:$0x18800] =	vst v63  }
0xdc: {  	s15 =	simm.s32 $0x0;
	_ =	swait.ge [sflag:s23], $0x2000  }
0xdd: {  	s16 =	sand.u32 $0x70, s15;
	s0 =	sand.u32 $0xC00, s15;
	[sflag:s23] =	ssyncset.done $0x0  }
0xde: {  	s0 =	sor.u32 s16, s0;
	[sflag:s23] =	ssyncadd.s32 $0xFFFFE000  }
0xdf: {  	v9 =	vld [tilespmem:s0+$0x8800]  }
0xe0: {  	v3 =	vld [tilespmem:s0+$0x8880]  }
0xe1: {  	v4 =	vld [tilespmem:s0+$0x8900]  }
0xe2: {  	v5 =	vld [tilespmem:s0+$0x8980]  }
0xe3: {  	v6 =	vld [tilespmem:s0+$0x8A00]  }
0xe4: {  	v7 =	vld [tilespmem:s0+$0x8A80]  }
0xe5: {  	v8 =	vld [tilespmem:s0+$0x8B00]  }
0xe6: {  	v11 =	vld [tilespmem:s0+$0x8B80]  }
0xe7: {  	v10 =	vld [tilespmem:s0+$0x9800]  }
0xe8: {  	v12 =	vld [tilespmem:s0+$0x9880]  }
0xe9: {  	v13 =	vld [tilespmem:s0+$0x9900]  }
0xea: {  	v15 =	vld [tilespmem:s0+$0x9980]  }
0xeb: {  	v14 =	vld [tilespmem:s0+$0x9A00]  }
0xec: {  	s12 =	simm.s32 $0x10;
	s2 =	simm.s32 $0x80;
	v16 =	vld [tilespmem:s0+$0x9A80]  }
.LBB2_6:
0xed: {  	s13 =	sand.u32 $0x70, s12;
	s14 =	sand.u32 $0xC00, s2;
	p1 =	sne.s32 s12, $0x1F0;
	v17 =	vld [tilespmem:s0+$0x9B00]  }
0xee: {  	s13 =	sor.u32 s13, s14;
	v18 =	vld [tilespmem:s0+$0x9B80]  }
0xef: {  	v19 =	vld [tilespmem:s13+$0x8800]  }
0xf0: {  	v9 =	vadd.f32 v3, v9;
	v20 =	vadd.f32 v5, v4;
	v3 =	vld [tilespmem:s13+$0x8880]  }
0xf1: {  	v21 =	vadd.f32 v7, v6;
	v8 =	vadd.f32 v11, v8;
	v4 =	vld [tilespmem:s13+$0x8900]  }
0xf2: {  	v10 =	vadd.f32 v12, v10;
	v11 =	vadd.f32 v15, v13;
	v5 =	vld [tilespmem:s13+$0x8980]  }
0xf3: {  	v12 =	vadd.f32 v16, v14;
	v6 =	vld [tilespmem:s13+$0x8A00];
	v13 =	vadd.f32 v18, v17  }
0xf4: {  	v15 =	vadd.f32 v8, v21;
	v14 =	vadd.f32 v20, v9;
	v7 =	vld [tilespmem:s13+$0x8A80];
	v9 =	vmov v19  }
0xf5: {  	v16 =	vadd.f32 v11, v10;
	v8 =	vld [tilespmem:s13+$0x8B00];
	v12 =	vadd.f32 v13, v12  }
0xf6: {  	v11 =	vld [tilespmem:s13+$0x8B80]  }
0xf7: {  	v14 =	vadd.f32 v15, v14;
	v10 =	vld [tilespmem:s13+$0x9800];
	v15 =	vadd.f32 v12, v16  }
.Ltmp6:
0xf8: {  	v12 =	vld [tilespmem:s13+$0x9880];
	(pc) =	sbr.rel @p1 .LBB2_6-.Ltmp6, $4  }
0xf9: {  	v13 =	vld [tilespmem:s13+$0x9900];
	v16 =	vadd.f32 v15, v14  }
0xfa: {  	v15 =	vld [tilespmem:s13+$0x9980]  }
0xfb: {  	v14 =	vld [tilespmem:s13+$0x9A00];
	[tilespmem:s0+$0x16880] =	vst v16;
	s0 =	smov.u32 s13  }
0xfc: {  	s2 =	sadd.s32 $0x80, s2;
	s12 =	sadd.s32 $0x10, s12;
	v16 =	vld [tilespmem:s0+$0x9A80]  }
0xfd: {  	v17 =	vld [tilespmem:s0+$0x9B00]  }
0xfe: {  	v18 =	vld [tilespmem:s0+$0x9B80];
	_ =	sdelay $0x1  }
0xff: {  	v3 =	vadd.f32 v3, v9;
	v4 =	vadd.f32 v5, v4  }
0x100: {  	v5 =	vadd.f32 v7, v6;
	v6 =	vadd.f32 v11, v8  }
0x101: {  	v7 =	vadd.f32 v12, v10;
	v8 =	vadd.f32 v15, v13  }
0x102: {  	v9 =	vadd.f32 v16, v14;
	v10 =	vadd.f32 v18, v17  }
0x103: {  	v3 =	vadd.f32 v4, v3;
	v4 =	vadd.f32 v6, v5  }
0x104: {  	v5 =	vadd.f32 v8, v7;
	v6 =	vadd.f32 v10, v9;
	_ =	sdelay $0x1  }
0x105: {  	v3 =	vadd.f32 v4, v3;
	v4 =	vadd.f32 v6, v5  }
0x106: {  	s2 =	sor.u32 $0x9, s31  }
0x107: {  	p1 =	sge.u32 s2, s6;
	v3 =	vadd.f32 v4, v3  }
0x108: {  	s2 =	sshll.u32 @!p1 s2, $0x4  }
0x109: {  	[tilespmem:s0+$0x16880] =	vst v3;
	s0 =	sand.u32 @!p1 $0x3FFFFFF0, s2  }
0x10a: {  	v3 =	vld @!p1 [tilespmem:s0+$0x0];
	_ =	sdelay $0x4  }
0x10b: {  	v4 =	vshll.u32 @!p1 v3, $0x2  }
0x10c: {  	v5 =	vlaneseq.u32 @!p1;
	v3 =	vand.u32 @!p1 $0x7, v3;
	v4 =	vand.u32 @!p1 $0xFFFFFFE0, v4  }
0x10d: {  	v6 =	vshrl.u32 @!p1 v5, $0x3;
	v3 =	vor.u32 @!p1 v3, v4;
	v4 =	vand.u32 @!p1 $0x7, v5  }
0x10e: {  	v6 =	vmul.u32 @!p1 $0x8, v6;
	v4 =	vperm.xlane @!p1 v3, v4;
	_ =	sdelay $0x1  }
0x10f: {  	v4 =	vadd.s32 @!p1 v6, v4  }
0x110: {  	v5 =	vor.u32 @!p1 $0x8, v5  }
0x111: {  	v3 =	vperm.xlane @!p1 v3, v5;
	_ =	sdelay $0x1  }
0x112: {  	vm1 =	vmmov @!p1 $0xffff;
	s2 =	simm.s32 @!p1 $0x8800;
	s0 =	simm.s32 @!p1 $0x0;
	v3 =	vadd.s32 @!p1 v6, v3  }
0x113: {  	[tilespmem:s2], [sflag:$0x1] =	stream.indirect_vreg.gather @!p1 [hbm4b:s1+s0], $0x80, v4, vm1, $0xb8;
	[tilespmem:$0x18800] =	vst v63  }
0x114: {  	s2 =	simm.s32 @!p1 $0x9000  }
0x115: {  	[tilespmem:s2], [sflag:$0x1] =	stream.indirect_vreg.gather @!p1 [hbm4b:s9+s0], $0x80, v4, vm1, $0xb8;
	[tilespmem:$0x18800] =	vst v63  }
0x116: {  	s2 =	simm.s32 @!p1 $0x9800  }
0x117: {  	[tilespmem:s2], [sflag:$0x1] =	stream.indirect_vreg.gather @!p1 [hbm4b:s1+s0], $0x80, v3, vm1, $0xb8;
	[tilespmem:$0x18800] =	vst v63  }
0x118: {  	s2 =	simm.s32 @!p1 $0xA000  }
0x119: {  	[tilespmem:s2], [sflag:$0x1] =	stream.indirect_vreg.gather @!p1 [hbm4b:s9+s0], $0x80, v3, vm1, $0xb8;
	[tilespmem:$0x18800] =	vst v63  }
0x11a: {  	s15 =	simm.s32 $0x0;
	_ =	swait.ge [sflag:s23], $0x2000  }
0x11b: {  	s16 =	sand.u32 $0x70, s15;
	s0 =	sand.u32 $0xC00, s15;
	[sflag:s23] =	ssyncset.done $0x0  }
0x11c: {  	s0 =	sor.u32 s16, s0;
	[sflag:s23] =	ssyncadd.s32 $0xFFFFE000  }
0x11d: {  	v9 =	vld [tilespmem:s0+$0xA800]  }
0x11e: {  	v3 =	vld [tilespmem:s0+$0xA880]  }
0x11f: {  	v4 =	vld [tilespmem:s0+$0xA900]  }
0x120: {  	v5 =	vld [tilespmem:s0+$0xA980]  }
0x121: {  	v6 =	vld [tilespmem:s0+$0xAA00]  }
0x122: {  	v7 =	vld [tilespmem:s0+$0xAA80]  }
0x123: {  	v8 =	vld [tilespmem:s0+$0xAB00]  }
0x124: {  	v11 =	vld [tilespmem:s0+$0xAB80]  }
0x125: {  	v10 =	vld [tilespmem:s0+$0xB800]  }
0x126: {  	v12 =	vld [tilespmem:s0+$0xB880]  }
0x127: {  	v13 =	vld [tilespmem:s0+$0xB900]  }
0x128: {  	v15 =	vld [tilespmem:s0+$0xB980]  }
0x129: {  	v14 =	vld [tilespmem:s0+$0xBA00]  }
0x12a: {  	s12 =	simm.s32 $0x10;
	s2 =	simm.s32 $0x80;
	v16 =	vld [tilespmem:s0+$0xBA80]  }
.LBB2_8:
0x12b: {  	s13 =	sand.u32 $0x70, s12;
	s14 =	sand.u32 $0xC00, s2;
	p1 =	sne.s32 s12, $0x1F0;
	v17 =	vld [tilespmem:s0+$0xBB00]  }
0x12c: {  	s13 =	sor.u32 s13, s14;
	v18 =	vld [tilespmem:s0+$0xBB80]  }
0x12d: {  	v19 =	vld [tilespmem:s13+$0xA800]  }
0x12e: {  	v9 =	vadd.f32 v3, v9;
	v20 =	vadd.f32 v5, v4;
	v3 =	vld [tilespmem:s13+$0xA880]  }
0x12f: {  	v21 =	vadd.f32 v7, v6;
	v8 =	vadd.f32 v11, v8;
	v4 =	vld [tilespmem:s13+$0xA900]  }
0x130: {  	v10 =	vadd.f32 v12, v10;
	v11 =	vadd.f32 v15, v13;
	v5 =	vld [tilespmem:s13+$0xA980]  }
0x131: {  	v12 =	vadd.f32 v16, v14;
	v6 =	vld [tilespmem:s13+$0xAA00];
	v13 =	vadd.f32 v18, v17  }
0x132: {  	v15 =	vadd.f32 v8, v21;
	v14 =	vadd.f32 v20, v9;
	v7 =	vld [tilespmem:s13+$0xAA80];
	v9 =	vmov v19  }
0x133: {  	v16 =	vadd.f32 v11, v10;
	v8 =	vld [tilespmem:s13+$0xAB00];
	v12 =	vadd.f32 v13, v12  }
0x134: {  	v11 =	vld [tilespmem:s13+$0xAB80]  }
0x135: {  	v14 =	vadd.f32 v15, v14;
	v10 =	vld [tilespmem:s13+$0xB800];
	v15 =	vadd.f32 v12, v16  }
.Ltmp7:
0x136: {  	v12 =	vld [tilespmem:s13+$0xB880];
	(pc) =	sbr.rel @p1 .LBB2_8-.Ltmp7, $4  }
0x137: {  	v13 =	vld [tilespmem:s13+$0xB900];
	v16 =	vadd.f32 v15, v14  }
0x138: {  	v15 =	vld [tilespmem:s13+$0xB980]  }
0x139: {  	v14 =	vld [tilespmem:s13+$0xBA00];
	[tilespmem:s0+$0x16900] =	vst v16;
	s0 =	smov.u32 s13  }
0x13a: {  	s2 =	sadd.s32 $0x80, s2;
	s12 =	sadd.s32 $0x10, s12;
	v16 =	vld [tilespmem:s0+$0xBA80]  }
0x13b: {  	v17 =	vld [tilespmem:s0+$0xBB00]  }
0x13c: {  	v18 =	vld [tilespmem:s0+$0xBB80];
	_ =	sdelay $0x1  }
0x13d: {  	v3 =	vadd.f32 v3, v9;
	v4 =	vadd.f32 v5, v4  }
0x13e: {  	v5 =	vadd.f32 v7, v6;
	v6 =	vadd.f32 v11, v8  }
0x13f: {  	v7 =	vadd.f32 v12, v10;
	v8 =	vadd.f32 v15, v13  }
0x140: {  	v9 =	vadd.f32 v16, v14;
	v10 =	vadd.f32 v18, v17  }
0x141: {  	v3 =	vadd.f32 v4, v3;
	v4 =	vadd.f32 v6, v5  }
0x142: {  	v5 =	vadd.f32 v8, v7;
	v6 =	vadd.f32 v10, v9;
	_ =	sdelay $0x1  }
0x143: {  	v3 =	vadd.f32 v4, v3;
	v4 =	vadd.f32 v6, v5  }
0x144: {  	s2 =	sor.u32 $0xA, s31  }
0x145: {  	p1 =	sge.u32 s2, s6;
	v3 =	vadd.f32 v4, v3  }
0x146: {  	s2 =	sshll.u32 @!p1 s2, $0x4  }
0x147: {  	[tilespmem:s0+$0x16900] =	vst v3;
	s0 =	sand.u32 @!p1 $0x3FFFFFF0, s2  }
0x148: {  	v3 =	vld @!p1 [tilespmem:s0+$0x0];
	_ =	sdelay $0x4  }
0x149: {  	v4 =	vshll.u32 @!p1 v3, $0x2  }
0x14a: {  	v5 =	vlaneseq.u32 @!p1;
	v3 =	vand.u32 @!p1 $0x7, v3;
	v4 =	vand.u32 @!p1 $0xFFFFFFE0, v4  }
0x14b: {  	v6 =	vshrl.u32 @!p1 v5, $0x3;
	v3 =	vor.u32 @!p1 v3, v4;
	v4 =	vand.u32 @!p1 $0x7, v5  }
0x14c: {  	v6 =	vmul.u32 @!p1 $0x8, v6;
	v4 =	vperm.xlane @!p1 v3, v4;
	_ =	sdelay $0x1  }
0x14d: {  	v4 =	vadd.s32 @!p1 v6, v4  }
0x14e: {  	v5 =	vor.u32 @!p1 $0x8, v5  }
0x14f: {  	v3 =	vperm.xlane @!p1 v3, v5;
	_ =	sdelay $0x1  }
0x150: {  	vm1 =	vmmov @!p1 $0xffff;
	s2 =	simm.s32 @!p1 $0xA800;
	s0 =	simm.s32 @!p1 $0x0;
	v3 =	vadd.s32 @!p1 v6, v3  }
0x151: {  	[tilespmem:s2], [sflag:$0x1] =	stream.indirect_vreg.gather @!p1 [hbm4b:s1+s0], $0x80, v4, vm1, $0xb8;
	[tilespmem:$0x18800] =	vst v63  }
0x152: {  	s2 =	simm.s32 @!p1 $0xB000  }
0x153: {  	[tilespmem:s2], [sflag:$0x1] =	stream.indirect_vreg.gather @!p1 [hbm4b:s9+s0], $0x80, v4, vm1, $0xb8;
	[tilespmem:$0x18800] =	vst v63  }
0x154: {  	s2 =	simm.s32 @!p1 $0xB800  }
0x155: {  	[tilespmem:s2], [sflag:$0x1] =	stream.indirect_vreg.gather @!p1 [hbm4b:s1+s0], $0x80, v3, vm1, $0xb8;
	[tilespmem:$0x18800] =	vst v63  }
0x156: {  	s2 =	simm.s32 @!p1 $0xC000  }
0x157: {  	[tilespmem:s2], [sflag:$0x1] =	stream.indirect_vreg.gather @!p1 [hbm4b:s9+s0], $0x80, v3, vm1, $0xb8;
	[tilespmem:$0x18800] =	vst v63  }
0x158: {  	s15 =	simm.s32 $0x0;
	_ =	swait.ge [sflag:s23], $0x2000  }
0x159: {  	s16 =	sand.u32 $0x70, s15;
	s0 =	sand.u32 $0xC00, s15;
	[sflag:s23] =	ssyncset.done $0x0  }
0x15a: {  	s0 =	sor.u32 s16, s0;
	[sflag:s23] =	ssyncadd.s32 $0xFFFFE000  }
0x15b: {  	v9 =	vld [tilespmem:s0+$0xC800]  }
0x15c: {  	v3 =	vld [tilespmem:s0+$0xC880]  }
0x15d: {  	v4 =	vld [tilespmem:s0+$0xC900]  }
0x15e: {  	v5 =	vld [tilespmem:s0+$0xC980]  }
0x15f: {  	v6 =	vld [tilespmem:s0+$0xCA00]  }
0x160: {  	v7 =	vld [tilespmem:s0+$0xCA80]  }
0x161: {  	v8 =	vld [tilespmem:s0+$0xCB00]  }
0x162: {  	v11 =	vld [tilespmem:s0+$0xCB80]  }
0x163: {  	v10 =	vld [tilespmem:s0+$0xD800]  }
0x164: {  	v12 =	vld [tilespmem:s0+$0xD880]  }
0x165: {  	v13 =	vld [tilespmem:s0+$0xD900]  }
0x166: {  	v15 =	vld [tilespmem:s0+$0xD980]  }
0x167: {  	v14 =	vld [tilespmem:s0+$0xDA00]  }
0x168: {  	s12 =	simm.s32 $0x10;
	s2 =	simm.s32 $0x80;
	v16 =	vld [tilespmem:s0+$0xDA80]  }
.LBB2_10:
0x169: {  	s13 =	sand.u32 $0x70, s12;
	s14 =	sand.u32 $0xC00, s2;
	p1 =	sne.s32 s12, $0x1F0;
	v17 =	vld [tilespmem:s0+$0xDB00]  }
0x16a: {  	s13 =	sor.u32 s13, s14;
	v18 =	vld [tilespmem:s0+$0xDB80]  }
0x16b: {  	v19 =	vld [tilespmem:s13+$0xC800]  }
0x16c: {  	v9 =	vadd.f32 v3, v9;
	v20 =	vadd.f32 v5, v4;
	v3 =	vld [tilespmem:s13+$0xC880]  }
0x16d: {  	v21 =	vadd.f32 v7, v6;
	v8 =	vadd.f32 v11, v8;
	v4 =	vld [tilespmem:s13+$0xC900]  }
0x16e: {  	v10 =	vadd.f32 v12, v10;
	v11 =	vadd.f32 v15, v13;
	v5 =	vld [tilespmem:s13+$0xC980]  }
0x16f: {  	v12 =	vadd.f32 v16, v14;
	v6 =	vld [tilespmem:s13+$0xCA00];
	v13 =	vadd.f32 v18, v17  }
0x170: {  	v15 =	vadd.f32 v8, v21;
	v14 =	vadd.f32 v20, v9;
	v7 =	vld [tilespmem:s13+$0xCA80];
	v9 =	vmov v19  }
0x171: {  	v16 =	vadd.f32 v11, v10;
	v8 =	vld [tilespmem:s13+$0xCB00];
	v12 =	vadd.f32 v13, v12  }
0x172: {  	v11 =	vld [tilespmem:s13+$0xCB80]  }
0x173: {  	v14 =	vadd.f32 v15, v14;
	v10 =	vld [tilespmem:s13+$0xD800];
	v15 =	vadd.f32 v12, v16  }
.Ltmp8:
0x174: {  	v12 =	vld [tilespmem:s13+$0xD880];
	(pc) =	sbr.rel @p1 .LBB2_10-.Ltmp8, $4  }
0x175: {  	v13 =	vld [tilespmem:s13+$0xD900];
	v16 =	vadd.f32 v15, v14  }
0x176: {  	v15 =	vld [tilespmem:s13+$0xD980]  }
0x177: {  	v14 =	vld [tilespmem:s13+$0xDA00];
	[tilespmem:s0+$0x16980] =	vst v16;
	s0 =	smov.u32 s13  }
0x178: {  	s2 =	sadd.s32 $0x80, s2;
	s12 =	sadd.s32 $0x10, s12;
	v16 =	vld [tilespmem:s0+$0xDA80]  }
0x179: {  	v17 =	vld [tilespmem:s0+$0xDB00]  }
0x17a: {  	v18 =	vld [tilespmem:s0+$0xDB80];
	_ =	sdelay $0x1  }
0x17b: {  	v3 =	vadd.f32 v3, v9;
	v4 =	vadd.f32 v5, v4  }
0x17c: {  	v5 =	vadd.f32 v7, v6;
	v6 =	vadd.f32 v11, v8  }
0x17d: {  	v7 =	vadd.f32 v12, v10;
	v8 =	vadd.f32 v15, v13  }
0x17e: {  	v9 =	vadd.f32 v16, v14;
	v10 =	vadd.f32 v18, v17  }
0x17f: {  	v3 =	vadd.f32 v4, v3;
	v4 =	vadd.f32 v6, v5  }
0x180: {  	v5 =	vadd.f32 v8, v7;
	v6 =	vadd.f32 v10, v9;
	_ =	sdelay $0x1  }
0x181: {  	v3 =	vadd.f32 v4, v3;
	v4 =	vadd.f32 v6, v5  }
0x182: {  	s2 =	sor.u32 $0xB, s31  }
0x183: {  	p1 =	sge.u32 s2, s6;
	v3 =	vadd.f32 v4, v3  }
0x184: {  	s2 =	sshll.u32 @!p1 s2, $0x4  }
0x185: {  	[tilespmem:s0+$0x16980] =	vst v3;
	s0 =	sand.u32 @!p1 $0x3FFFFFF0, s2  }
0x186: {  	v3 =	vld @!p1 [tilespmem:s0+$0x0];
	_ =	sdelay $0x4  }
0x187: {  	v4 =	vshll.u32 @!p1 v3, $0x2  }
0x188: {  	v5 =	vlaneseq.u32 @!p1;
	v3 =	vand.u32 @!p1 $0x7, v3;
	v4 =	vand.u32 @!p1 $0xFFFFFFE0, v4  }
0x189: {  	v6 =	vshrl.u32 @!p1 v5, $0x3;
	v3 =	vor.u32 @!p1 v3, v4;
	v4 =	vand.u32 @!p1 $0x7, v5  }
0x18a: {  	v6 =	vmul.u32 @!p1 $0x8, v6;
	v4 =	vperm.xlane @!p1 v3, v4;
	_ =	sdelay $0x1  }
0x18b: {  	v4 =	vadd.s32 @!p1 v6, v4  }
0x18c: {  	v5 =	vor.u32 @!p1 $0x8, v5  }
0x18d: {  	v3 =	vperm.xlane @!p1 v3, v5;
	_ =	sdelay $0x1  }
0x18e: {  	vm1 =	vmmov @!p1 $0xffff;
	s2 =	simm.s32 @!p1 $0xC800;
	s0 =	simm.s32 @!p1 $0x0;
	v3 =	vadd.s32 @!p1 v6, v3  }
0x18f: {  	[tilespmem:s2], [sflag:$0x1] =	stream.indirect_vreg.gather @!p1 [hbm4b:s1+s0], $0x80, v4, vm1, $0xb8;
	[tilespmem:$0x18800] =	vst v63  }
0x190: {  	s2 =	simm.s32 @!p1 $0xD000  }
0x191: {  	[tilespmem:s2], [sflag:$0x1] =	stream.indirect_vreg.gather @!p1 [hbm4b:s9+s0], $0x80, v4, vm1, $0xb8;
	[tilespmem:$0x18800] =	vst v63  }
0x192: {  	s2 =	simm.s32 @!p1 $0xD800  }
0x193: {  	[tilespmem:s2], [sflag:$0x1] =	stream.indirect_vreg.gather @!p1 [hbm4b:s1+s0], $0x80, v3, vm1, $0xb8;
	[tilespmem:$0x18800] =	vst v63  }
0x194: {  	s2 =	simm.s32 @!p1 $0xE000  }
0x195: {  	[tilespmem:s2], [sflag:$0x1] =	stream.indirect_vreg.gather @!p1 [hbm4b:s9+s0], $0x80, v3, vm1, $0xb8;
	[tilespmem:$0x18800] =	vst v63  }
0x196: {  	s15 =	simm.s32 $0x0;
	_ =	swait.ge [sflag:s23], $0x2000  }
0x197: {  	s16 =	sand.u32 $0x70, s15;
	s0 =	sand.u32 $0xC00, s15;
	[sflag:s23] =	ssyncset.done $0x0  }
0x198: {  	s0 =	sor.u32 s16, s0;
	[sflag:s23] =	ssyncadd.s32 $0xFFFFE000  }
0x199: {  	v9 =	vld [tilespmem:s0+$0xE800]  }
0x19a: {  	v3 =	vld [tilespmem:s0+$0xE880]  }
0x19b: {  	v4 =	vld [tilespmem:s0+$0xE900]  }
0x19c: {  	v5 =	vld [tilespmem:s0+$0xE980]  }
0x19d: {  	v6 =	vld [tilespmem:s0+$0xEA00]  }
0x19e: {  	v7 =	vld [tilespmem:s0+$0xEA80]  }
0x19f: {  	v8 =	vld [tilespmem:s0+$0xEB00]  }
0x1a0: {  	v11 =	vld [tilespmem:s0+$0xEB80]  }
0x1a1: {  	v10 =	vld [tilespmem:s0+$0xF800]  }
0x1a2: {  	v12 =	vld [tilespmem:s0+$0xF880]  }
0x1a3: {  	v13 =	vld [tilespmem:s0+$0xF900]  }
0x1a4: {  	v15 =	vld [tilespmem:s0+$0xF980]  }
0x1a5: {  	v14 =	vld [tilespmem:s0+$0xFA00]  }
0x1a6: {  	s12 =	simm.s32 $0x10;
	s2 =	simm.s32 $0x80;
	v16 =	vld [tilespmem:s0+$0xFA80]  }
.LBB2_12:
0x1a7: {  	s13 =	sand.u32 $0x70, s12;
	s14 =	sand.u32 $0xC00, s2;
	p1 =	sne.s32 s12, $0x1F0;
	v17 =	vld [tilespmem:s0+$0xFB00]  }
0x1a8: {  	s13 =	sor.u32 s13, s14;
	v18 =	vld [tilespmem:s0+$0xFB80]  }
0x1a9: {  	v19 =	vld [tilespmem:s13+$0xE800]  }
0x1aa: {  	v9 =	vadd.f32 v3, v9;
	v20 =	vadd.f32 v5, v4;
	v3 =	vld [tilespmem:s13+$0xE880]  }
0x1ab: {  	v21 =	vadd.f32 v7, v6;
	v8 =	vadd.f32 v11, v8;
	v4 =	vld [tilespmem:s13+$0xE900]  }
0x1ac: {  	v10 =	vadd.f32 v12, v10;
	v11 =	vadd.f32 v15, v13;
	v5 =	vld [tilespmem:s13+$0xE980]  }
0x1ad: {  	v12 =	vadd.f32 v16, v14;
	v6 =	vld [tilespmem:s13+$0xEA00];
	v13 =	vadd.f32 v18, v17  }
0x1ae: {  	v15 =	vadd.f32 v8, v21;
	v14 =	vadd.f32 v20, v9;
	v7 =	vld [tilespmem:s13+$0xEA80];
	v9 =	vmov v19  }
0x1af: {  	v16 =	vadd.f32 v11, v10;
	v8 =	vld [tilespmem:s13+$0xEB00];
	v12 =	vadd.f32 v13, v12  }
0x1b0: {  	v11 =	vld [tilespmem:s13+$0xEB80]  }
0x1b1: {  	v14 =	vadd.f32 v15, v14;
	v10 =	vld [tilespmem:s13+$0xF800];
	v15 =	vadd.f32 v12, v16  }
.Ltmp9:
0x1b2: {  	v12 =	vld [tilespmem:s13+$0xF880];
	(pc) =	sbr.rel @p1 .LBB2_12-.Ltmp9, $4  }
0x1b3: {  	v13 =	vld [tilespmem:s13+$0xF900];
	v16 =	vadd.f32 v15, v14  }
0x1b4: {  	v15 =	vld [tilespmem:s13+$0xF980]  }
0x1b5: {  	v14 =	vld [tilespmem:s13+$0xFA00];
	[tilespmem:s0+$0x16A00] =	vst v16;
	s0 =	smov.u32 s13  }
0x1b6: {  	s2 =	sadd.s32 $0x80, s2;
	s12 =	sadd.s32 $0x10, s12;
	v16 =	vld [tilespmem:s0+$0xFA80]  }
0x1b7: {  	v17 =	vld [tilespmem:s0+$0xFB00]  }
0x1b8: {  	v18 =	vld [tilespmem:s0+$0xFB80];
	_ =	sdelay $0x1  }
0x1b9: {  	v3 =	vadd.f32 v3, v9;
	v4 =	vadd.f32 v5, v4  }
0x1ba: {  	v5 =	vadd.f32 v7, v6;
	v6 =	vadd.f32 v11, v8  }
0x1bb: {  	v7 =	vadd.f32 v12, v10;
	v8 =	vadd.f32 v15, v13  }
0x1bc: {  	v9 =	vadd.f32 v16, v14;
	v10 =	vadd.f32 v18, v17  }
0x1bd: {  	v3 =	vadd.f32 v4, v3;
	v4 =	vadd.f32 v6, v5  }
0x1be: {  	v5 =	vadd.f32 v8, v7;
	v6 =	vadd.f32 v10, v9;
	_ =	sdelay $0x1  }
0x1bf: {  	v3 =	vadd.f32 v4, v3;
	v4 =	vadd.f32 v6, v5  }
0x1c0: {  	s2 =	sor.u32 $0xC, s31  }
0x1c1: {  	p1 =	sge.u32 s2, s6;
	v3 =	vadd.f32 v4, v3  }
0x1c2: {  	s2 =	sshll.u32 @!p1 s2, $0x4  }
0x1c3: {  	[tilespmem:s0+$0x16A00] =	vst v3;
	s0 =	sand.u32 @!p1 $0x3FFFFFF0, s2  }
0x1c4: {  	v3 =	vld @!p1 [tilespmem:s0+$0x0];
	_ =	sdelay $0x4  }
0x1c5: {  	v4 =	vshll.u32 @!p1 v3, $0x2  }
0x1c6: {  	v5 =	vlaneseq.u32 @!p1;
	v3 =	vand.u32 @!p1 $0x7, v3;
	v4 =	vand.u32 @!p1 $0xFFFFFFE0, v4  }
0x1c7: {  	v6 =	vshrl.u32 @!p1 v5, $0x3;
	v3 =	vor.u32 @!p1 v3, v4;
	v4 =	vand.u32 @!p1 $0x7, v5  }
0x1c8: {  	v6 =	vmul.u32 @!p1 $0x8, v6;
	v4 =	vperm.xlane @!p1 v3, v4;
	_ =	sdelay $0x1  }
0x1c9: {  	v4 =	vadd.s32 @!p1 v6, v4  }
0x1ca: {  	v5 =	vor.u32 @!p1 $0x8, v5  }
0x1cb: {  	v3 =	vperm.xlane @!p1 v3, v5;
	_ =	sdelay $0x1  }
0x1cc: {  	vm1 =	vmmov @!p1 $0xffff;
	s2 =	simm.s32 @!p1 $0xE800;
	s0 =	simm.s32 @!p1 $0x0;
	v3 =	vadd.s32 @!p1 v6, v3  }
0x1cd: {  	[tilespmem:s2], [sflag:$0x1] =	stream.indirect_vreg.gather @!p1 [hbm4b:s1+s0], $0x80, v4, vm1, $0xb8;
	[tilespmem:$0x18800] =	vst v63  }
0x1ce: {  	s2 =	simm.s32 @!p1 $0xF000  }
0x1cf: {  	[tilespmem:s2], [sflag:$0x1] =	stream.indirect_vreg.gather @!p1 [hbm4b:s9+s0], $0x80, v4, vm1, $0xb8;
	[tilespmem:$0x18800] =	vst v63  }
0x1d0: {  	s2 =	simm.s32 @!p1 $0xF800  }
0x1d1: {  	[tilespmem:s2], [sflag:$0x1] =	stream.indirect_vreg.gather @!p1 [hbm4b:s1+s0], $0x80, v3, vm1, $0xb8;
	[tilespmem:$0x18800] =	vst v63  }
0x1d2: {  	s2 =	simm.s32 @!p1 $0x10000  }
0x1d3: {  	[tilespmem:s2], [sflag:$0x1] =	stream.indirect_vreg.gather @!p1 [hbm4b:s9+s0], $0x80, v3, vm1, $0xb8;
	[tilespmem:$0x18800] =	vst v63  }
0x1d4: {  	s15 =	simm.s32 $0x0;
	_ =	swait.ge [sflag:s23], $0x2000  }
0x1d5: {  	s16 =	sand.u32 $0x70, s15;
	s0 =	sand.u32 $0xC00, s15;
	[sflag:s23] =	ssyncset.done $0x0  }
0x1d6: {  	s0 =	sor.u32 s16, s0;
	[sflag:s23] =	ssyncadd.s32 $0xFFFFE000  }
0x1d7: {  	v9 =	vld [tilespmem:s0+$0x10800]  }
0x1d8: {  	v3 =	vld [tilespmem:s0+$0x10880]  }
0x1d9: {  	v4 =	vld [tilespmem:s0+$0x10900]  }
0x1da: {  	v5 =	vld [tilespmem:s0+$0x10980]  }
0x1db: {  	v6 =	vld [tilespmem:s0+$0x10A00]  }
0x1dc: {  	v7 =	vld [tilespmem:s0+$0x10A80]  }
0x1dd: {  	v8 =	vld [tilespmem:s0+$0x10B00]  }
0x1de: {  	v11 =	vld [tilespmem:s0+$0x10B80]  }
0x1df: {  	v10 =	vld [tilespmem:s0+$0x11800]  }
0x1e0: {  	v12 =	vld [tilespmem:s0+$0x11880]  }
0x1e1: {  	v13 =	vld [tilespmem:s0+$0x11900]  }
0x1e2: {  	v15 =	vld [tilespmem:s0+$0x11980]  }
0x1e3: {  	v14 =	vld [tilespmem:s0+$0x11A00]  }
0x1e4: {  	s12 =	simm.s32 $0x10;
	s2 =	simm.s32 $0x80;
	v16 =	vld [tilespmem:s0+$0x11A80]  }
.LBB2_14:
0x1e5: {  	s13 =	sand.u32 $0x70, s12;
	s14 =	sand.u32 $0xC00, s2;
	p1 =	sne.s32 s12, $0x1F0;
	v17 =	vld [tilespmem:s0+$0x11B00]  }
0x1e6: {  	s13 =	sor.u32 s13, s14;
	v18 =	vld [tilespmem:s0+$0x11B80]  }
0x1e7: {  	v19 =	vld [tilespmem:s13+$0x10800]  }
0x1e8: {  	v9 =	vadd.f32 v3, v9;
	v20 =	vadd.f32 v5, v4;
	v3 =	vld [tilespmem:s13+$0x10880]  }
0x1e9: {  	v21 =	vadd.f32 v7, v6;
	v8 =	vadd.f32 v11, v8;
	v4 =	vld [tilespmem:s13+$0x10900]  }
0x1ea: {  	v10 =	vadd.f32 v12, v10;
	v11 =	vadd.f32 v15, v13;
	v5 =	vld [tilespmem:s13+$0x10980]  }
0x1eb: {  	v12 =	vadd.f32 v16, v14;
	v6 =	vld [tilespmem:s13+$0x10A00];
	v13 =	vadd.f32 v18, v17  }
0x1ec: {  	v15 =	vadd.f32 v8, v21;
	v14 =	vadd.f32 v20, v9;
	v7 =	vld [tilespmem:s13+$0x10A80];
	v9 =	vmov v19  }
0x1ed: {  	v16 =	vadd.f32 v11, v10;
	v8 =	vld [tilespmem:s13+$0x10B00];
	v12 =	vadd.f32 v13, v12  }
0x1ee: {  	v11 =	vld [tilespmem:s13+$0x10B80]  }
0x1ef: {  	v14 =	vadd.f32 v15, v14;
	v10 =	vld [tilespmem:s13+$0x11800];
	v15 =	vadd.f32 v12, v16  }
.Ltmp10:
0x1f0: {  	v12 =	vld [tilespmem:s13+$0x11880];
	(pc) =	sbr.rel @p1 .LBB2_14-.Ltmp10, $4  }
0x1f1: {  	v13 =	vld [tilespmem:s13+$0x11900];
	v16 =	vadd.f32 v15, v14  }
0x1f2: {  	v15 =	vld [tilespmem:s13+$0x11980]  }
0x1f3: {  	v14 =	vld [tilespmem:s13+$0x11A00];
	[tilespmem:s0+$0x16A80] =	vst v16;
	s0 =	smov.u32 s13  }
0x1f4: {  	s2 =	sadd.s32 $0x80, s2;
	s12 =	sadd.s32 $0x10, s12;
	v16 =	vld [tilespmem:s0+$0x11A80]  }
0x1f5: {  	v17 =	vld [tilespmem:s0+$0x11B00]  }
0x1f6: {  	v18 =	vld [tilespmem:s0+$0x11B80];
	_ =	sdelay $0x1  }
0x1f7: {  	v3 =	vadd.f32 v3, v9;
	v4 =	vadd.f32 v5, v4  }
0x1f8: {  	v5 =	vadd.f32 v7, v6;
	v6 =	vadd.f32 v11, v8  }
0x1f9: {  	v7 =	vadd.f32 v12, v10;
	v8 =	vadd.f32 v15, v13  }
0x1fa: {  	v9 =	vadd.f32 v16, v14;
	v10 =	vadd.f32 v18, v17  }
0x1fb: {  	v3 =	vadd.f32 v4, v3;
	v4 =	vadd.f32 v6, v5  }
0x1fc: {  	v5 =	vadd.f32 v8, v7;
	v6 =	vadd.f32 v10, v9;
	_ =	sdelay $0x1  }
0x1fd: {  	v3 =	vadd.f32 v4, v3;
	v4 =	vadd.f32 v6, v5  }
0x1fe: {  	s2 =	sor.u32 $0xD, s31  }
0x1ff: {  	p1 =	sge.u32 s2, s6;
	v3 =	vadd.f32 v4, v3  }
0x200: {  	s2 =	sshll.u32 @!p1 s2, $0x4  }
0x201: {  	[tilespmem:s0+$0x16A80] =	vst v3;
	s0 =	sand.u32 @!p1 $0x3FFFFFF0, s2  }
0x202: {  	v3 =	vld @!p1 [tilespmem:s0+$0x0];
	_ =	sdelay $0x4  }
0x203: {  	v4 =	vshll.u32 @!p1 v3, $0x2  }
0x204: {  	v5 =	vlaneseq.u32 @!p1;
	v3 =	vand.u32 @!p1 $0x7, v3;
	v4 =	vand.u32 @!p1 $0xFFFFFFE0, v4  }
0x205: {  	v6 =	vshrl.u32 @!p1 v5, $0x3;
	v3 =	vor.u32 @!p1 v3, v4;
	v4 =	vand.u32 @!p1 $0x7, v5  }
0x206: {  	v6 =	vmul.u32 @!p1 $0x8, v6;
	v4 =	vperm.xlane @!p1 v3, v4;
	_ =	sdelay $0x1  }
0x207: {  	v4 =	vadd.s32 @!p1 v6, v4  }
0x208: {  	v5 =	vor.u32 @!p1 $0x8, v5  }
0x209: {  	v3 =	vperm.xlane @!p1 v3, v5;
	_ =	sdelay $0x1  }
0x20a: {  	vm1 =	vmmov @!p1 $0xffff;
	s2 =	simm.s32 @!p1 $0x10800;
	s0 =	simm.s32 @!p1 $0x0;
	v3 =	vadd.s32 @!p1 v6, v3  }
0x20b: {  	[tilespmem:s2], [sflag:$0x1] =	stream.indirect_vreg.gather @!p1 [hbm4b:s1+s0], $0x80, v4, vm1, $0xb8;
	[tilespmem:$0x18800] =	vst v63  }
0x20c: {  	s2 =	simm.s32 @!p1 $0x11000  }
0x20d: {  	[tilespmem:s2], [sflag:$0x1] =	stream.indirect_vreg.gather @!p1 [hbm4b:s9+s0], $0x80, v4, vm1, $0xb8;
	[tilespmem:$0x18800] =	vst v63  }
0x20e: {  	s2 =	simm.s32 @!p1 $0x11800  }
0x20f: {  	[tilespmem:s2], [sflag:$0x1] =	stream.indirect_vreg.gather @!p1 [hbm4b:s1+s0], $0x80, v3, vm1, $0xb8;
	[tilespmem:$0x18800] =	vst v63  }
0x210: {  	s2 =	simm.s32 @!p1 $0x12000  }
0x211: {  	[tilespmem:s2], [sflag:$0x1] =	stream.indirect_vreg.gather @!p1 [hbm4b:s9+s0], $0x80, v3, vm1, $0xb8;
	[tilespmem:$0x18800] =	vst v63  }
0x212: {  	s15 =	simm.s32 $0x0;
	_ =	swait.ge [sflag:s23], $0x2000  }
0x213: {  	s16 =	sand.u32 $0x70, s15;
	s0 =	sand.u32 $0xC00, s15;
	[sflag:s23] =	ssyncset.done $0x0  }
0x214: {  	s0 =	sor.u32 s16, s0;
	[sflag:s23] =	ssyncadd.s32 $0xFFFFE000  }
0x215: {  	v9 =	vld [tilespmem:s0+$0x12800]  }
0x216: {  	v3 =	vld [tilespmem:s0+$0x12880]  }
0x217: {  	v4 =	vld [tilespmem:s0+$0x12900]  }
0x218: {  	v5 =	vld [tilespmem:s0+$0x12980]  }
0x219: {  	v6 =	vld [tilespmem:s0+$0x12A00]  }
0x21a: {  	v7 =	vld [tilespmem:s0+$0x12A80]  }
0x21b: {  	v8 =	vld [tilespmem:s0+$0x12B00]  }
0x21c: {  	v11 =	vld [tilespmem:s0+$0x12B80]  }
0x21d: {  	v10 =	vld [tilespmem:s0+$0x13800]  }
0x21e: {  	v12 =	vld [tilespmem:s0+$0x13880]  }
0x21f: {  	v13 =	vld [tilespmem:s0+$0x13900]  }
0x220: {  	v15 =	vld [tilespmem:s0+$0x13980]  }
0x221: {  	v14 =	vld [tilespmem:s0+$0x13A00]  }
0x222: {  	s12 =	simm.s32 $0x10;
	s2 =	simm.s32 $0x80;
	v16 =	vld [tilespmem:s0+$0x13A80]  }
.LBB2_16:
0x223: {  	s13 =	sand.u32 $0x70, s12;
	s14 =	sand.u32 $0xC00, s2;
	p1 =	sne.s32 s12, $0x1F0;
	v17 =	vld [tilespmem:s0+$0x13B00]  }
0x224: {  	s13 =	sor.u32 s13, s14;
	v18 =	vld [tilespmem:s0+$0x13B80]  }
0x225: {  	v19 =	vld [tilespmem:s13+$0x12800]  }
0x226: {  	v9 =	vadd.f32 v3, v9;
	v20 =	vadd.f32 v5, v4;
	v3 =	vld [tilespmem:s13+$0x12880]  }
0x227: {  	v21 =	vadd.f32 v7, v6;
	v8 =	vadd.f32 v11, v8;
	v4 =	vld [tilespmem:s13+$0x12900]  }
0x228: {  	v10 =	vadd.f32 v12, v10;
	v11 =	vadd.f32 v15, v13;
	v5 =	vld [tilespmem:s13+$0x12980]  }
0x229: {  	v12 =	vadd.f32 v16, v14;
	v6 =	vld [tilespmem:s13+$0x12A00];
	v13 =	vadd.f32 v18, v17  }
0x22a: {  	v15 =	vadd.f32 v8, v21;
	v14 =	vadd.f32 v20, v9;
	v7 =	vld [tilespmem:s13+$0x12A80];
	v9 =	vmov v19  }
0x22b: {  	v16 =	vadd.f32 v11, v10;
	v8 =	vld [tilespmem:s13+$0x12B00];
	v12 =	vadd.f32 v13, v12  }
0x22c: {  	v11 =	vld [tilespmem:s13+$0x12B80]  }
0x22d: {  	v14 =	vadd.f32 v15, v14;
	v10 =	vld [tilespmem:s13+$0x13800];
	v15 =	vadd.f32 v12, v16  }
.Ltmp11:
0x22e: {  	v12 =	vld [tilespmem:s13+$0x13880];
	(pc) =	sbr.rel @p1 .LBB2_16-.Ltmp11, $4  }
0x22f: {  	v13 =	vld [tilespmem:s13+$0x13900];
	v16 =	vadd.f32 v15, v14  }
0x230: {  	v15 =	vld [tilespmem:s13+$0x13980]  }
0x231: {  	v14 =	vld [tilespmem:s13+$0x13A00];
	[tilespmem:s0+$0x16B00] =	vst v16;
	s0 =	smov.u32 s13  }
0x232: {  	s2 =	sadd.s32 $0x80, s2;
	s12 =	sadd.s32 $0x10, s12;
	v16 =	vld [tilespmem:s0+$0x13A80]  }
0x233: {  	v17 =	vld [tilespmem:s0+$0x13B00]  }
0x234: {  	v18 =	vld [tilespmem:s0+$0x13B80];
	_ =	sdelay $0x1  }
0x235: {  	v3 =	vadd.f32 v3, v9;
	v4 =	vadd.f32 v5, v4  }
0x236: {  	v5 =	vadd.f32 v7, v6;
	v6 =	vadd.f32 v11, v8  }
0x237: {  	v7 =	vadd.f32 v12, v10;
	v8 =	vadd.f32 v15, v13  }
0x238: {  	v9 =	vadd.f32 v16, v14;
	v10 =	vadd.f32 v18, v17  }
0x239: {  	v3 =	vadd.f32 v4, v3;
	v4 =	vadd.f32 v6, v5  }
0x23a: {  	v5 =	vadd.f32 v8, v7;
	v6 =	vadd.f32 v10, v9;
	_ =	sdelay $0x1  }
0x23b: {  	v3 =	vadd.f32 v4, v3;
	v4 =	vadd.f32 v6, v5  }
0x23c: {  	s2 =	sor.u32 $0xE, s31  }
0x23d: {  	p1 =	sge.u32 s2, s6;
	v3 =	vadd.f32 v4, v3  }
0x23e: {  	s2 =	sshll.u32 @!p1 s2, $0x4  }
0x23f: {  	[tilespmem:s0+$0x16B00] =	vst v3;
	s0 =	sand.u32 @!p1 $0x3FFFFFF0, s2  }
0x240: {  	v3 =	vld @!p1 [tilespmem:s0+$0x0];
	_ =	sdelay $0x4  }
0x241: {  	v4 =	vshll.u32 @!p1 v3, $0x2  }
0x242: {  	v5 =	vlaneseq.u32 @!p1;
	v3 =	vand.u32 @!p1 $0x7, v3;
	v4 =	vand.u32 @!p1 $0xFFFFFFE0, v4  }
0x243: {  	v6 =	vshrl.u32 @!p1 v5, $0x3;
	v3 =	vor.u32 @!p1 v3, v4;
	v4 =	vand.u32 @!p1 $0x7, v5  }
0x244: {  	v6 =	vmul.u32 @!p1 $0x8, v6;
	v4 =	vperm.xlane @!p1 v3, v4;
	_ =	sdelay $0x1  }
0x245: {  	v4 =	vadd.s32 @!p1 v6, v4  }
0x246: {  	v5 =	vor.u32 @!p1 $0x8, v5  }
0x247: {  	v3 =	vperm.xlane @!p1 v3, v5;
	_ =	sdelay $0x1  }
0x248: {  	vm1 =	vmmov @!p1 $0xffff;
	s2 =	simm.s32 @!p1 $0x12800;
	s0 =	simm.s32 @!p1 $0x0;
	v3 =	vadd.s32 @!p1 v6, v3  }
0x249: {  	[tilespmem:s2], [sflag:$0x1] =	stream.indirect_vreg.gather @!p1 [hbm4b:s1+s0], $0x80, v4, vm1, $0xb8;
	[tilespmem:$0x18800] =	vst v63  }
0x24a: {  	s2 =	simm.s32 @!p1 $0x13000  }
0x24b: {  	[tilespmem:s2], [sflag:$0x1] =	stream.indirect_vreg.gather @!p1 [hbm4b:s9+s0], $0x80, v4, vm1, $0xb8;
	[tilespmem:$0x18800] =	vst v63  }
0x24c: {  	s2 =	simm.s32 @!p1 $0x13800  }
0x24d: {  	[tilespmem:s2], [sflag:$0x1] =	stream.indirect_vreg.gather @!p1 [hbm4b:s1+s0], $0x80, v3, vm1, $0xb8;
	[tilespmem:$0x18800] =	vst v63  }
0x24e: {  	s2 =	simm.s32 @!p1 $0x14000  }
0x24f: {  	[tilespmem:s2], [sflag:$0x1] =	stream.indirect_vreg.gather @!p1 [hbm4b:s9+s0], $0x80, v3, vm1, $0xb8;
	[tilespmem:$0x18800] =	vst v63  }
0x250: {  	s0 =	simm.s32 $0x0;
	_ =	swait.ge [sflag:s23], $0x2000  }
0x251: {  	s16 =	sand.u32 $0x70, s0;
	s12 =	sand.u32 $0xC00, s0;
	[sflag:s23] =	ssyncset.done $0x0  }
0x252: {  	s13 =	sor.u32 s16, s12;
	[sflag:s23] =	ssyncadd.s32 $0xFFFFE000  }
0x253: {  	v3 =	vld [tilespmem:s13+$0x14880]  }
0x254: {  	v4 =	vld [tilespmem:s13+$0x14800]  }
0x255: {  	v5 =	vld [tilespmem:s13+$0x14900]  }
0x256: {  	v6 =	vld [tilespmem:s13+$0x14980]  }
0x257: {  	v7 =	vld [tilespmem:s13+$0x14A00]  }
0x258: {  	v8 =	vld [tilespmem:s13+$0x14A80]  }
0x259: {  	v9 =	vld [tilespmem:s13+$0x14B00]  }
0x25a: {  	v10 =	vld [tilespmem:s13+$0x14B80]  }
0x25b: {  	v11 =	vld [tilespmem:s13+$0x15800]  }
0x25c: {  	v12 =	vld [tilespmem:s13+$0x15880]  }
0x25d: {  	v13 =	vld [tilespmem:s13+$0x15900]  }
0x25e: {  	v14 =	vld [tilespmem:s13+$0x15980]  }
0x25f: {  	v15 =	vld [tilespmem:s13+$0x15A00]  }
0x260: {  	s2 =	simm.s32 $0x0;
	s12 =	simm.s32 $0x10;
	v16 =	vld [tilespmem:s13+$0x15A80]  }
.LBB2_18:
0x261: {  	p1 =	sne.s32 s12, $0x1F0;
	v17 =	vld [tilespmem:s13+$0x15B00]  }
0x262: {  	v18 =	vld [tilespmem:s13+$0x15B80];
	_ =	sdelay $0x1  }
0x263: {  	v3 =	vadd.f32 v3, v4;
	v4 =	vadd.f32 v6, v5  }
0x264: {  	v5 =	vadd.f32 v8, v7;
	v6 =	vadd.f32 v10, v9  }
0x265: {  	v7 =	vadd.f32 v12, v11;
	v8 =	vadd.f32 v14, v13  }
0x266: {  	v9 =	vadd.f32 v16, v15;
	v10 =	vadd.f32 v18, v17  }
0x267: {  	v3 =	vadd.f32 v4, v3;
	v4 =	vadd.f32 v6, v5  }
0x268: {  	v5 =	vadd.f32 v8, v7;
	v6 =	vadd.f32 v10, v9;
	_ =	sdelay $0x1  }
0x269: {  	v3 =	vadd.f32 v4, v3;
	v4 =	vadd.f32 v6, v5;
	_ =	sdelay $0x1  }
0x26a: {  	s13 =	sor.u32 s2, s0;
	s2 =	sadd.s32 $0x80, s2;
	s0 =	smov.u32 s12;
	v3 =	vadd.f32 v4, v3  }
0x26b: {  	s14 =	sand.u32 $0x70, s12;
	s15 =	sand.u32 $0xC00, s2;
	s16 =	sor.u32 $0x380, s13  }
0x26c: {  	s13 =	sor.u32 s14, s15;
	[tilespmem:s16+$0x16800] =	vst v3  }
0x26d: {  	v3 =	vld [tilespmem:s13+$0x14880]  }
0x26e: {  	v4 =	vld [tilespmem:s13+$0x14800]  }
0x26f: {  	v5 =	vld [tilespmem:s13+$0x14900]  }
0x270: {  	v6 =	vld [tilespmem:s13+$0x14980]  }
0x271: {  	v7 =	vld [tilespmem:s13+$0x14A00]  }
0x272: {  	v8 =	vld [tilespmem:s13+$0x14A80]  }
0x273: {  	v9 =	vld [tilespmem:s13+$0x14B00]  }
0x274: {  	v10 =	vld [tilespmem:s13+$0x14B80]  }
0x275: {  	v11 =	vld [tilespmem:s13+$0x15800]  }
.Ltmp12:
0x276: {  	v12 =	vld [tilespmem:s13+$0x15880];
	(pc) =	sbr.rel @p1 .LBB2_18-.Ltmp12, $4  }
0x277: {  	v13 =	vld [tilespmem:s13+$0x15900]  }
0x278: {  	v14 =	vld [tilespmem:s13+$0x15980]  }
0x279: {  	v15 =	vld [tilespmem:s13+$0x15A00]  }
0x27a: {  	s12 =	sadd.s32 $0x10, s12;
	v16 =	vld [tilespmem:s13+$0x15A80]  }
0x27b: {  	v17 =	vld [tilespmem:s13+$0x15B00]  }
0x27c: {  	v18 =	vld [tilespmem:s13+$0x15B80];
	_ =	sdelay $0x1  }
0x27d: {  	v3 =	vadd.f32 v3, v4;
	v4 =	vadd.f32 v6, v5  }
0x27e: {  	v5 =	vadd.f32 v8, v7;
	v6 =	vadd.f32 v10, v9  }
0x27f: {  	v7 =	vadd.f32 v12, v11;
	v8 =	vadd.f32 v14, v13  }
0x280: {  	v9 =	vadd.f32 v16, v15;
	v10 =	vadd.f32 v18, v17  }
0x281: {  	v3 =	vadd.f32 v4, v3;
	v4 =	vadd.f32 v6, v5  }
0x282: {  	v5 =	vadd.f32 v8, v7;
	v6 =	vadd.f32 v10, v9;
	_ =	sdelay $0x1  }
0x283: {  	v3 =	vadd.f32 v4, v3;
	v4 =	vadd.f32 v6, v5  }
0x284: {  	s12 =	sor.u32 $0xF, s31  }
0x285: {  	s0 =	sor.u32 s2, s0;
	p1 =	sge.u32 s12, s6;
	v3 =	vadd.f32 v4, v3  }
0x286: {  	s0 =	sor.u32 $0x380, s0;
	s2 =	sshll.u32 @!p1 s12, $0x4  }
0x287: {  	[tilespmem:s0+$0x16800] =	vst v3;
	s0 =	sand.u32 @!p1 $0x3FFFFFF0, s2  }
0x288: {  	v3 =	vld @!p1 [tilespmem:s0+$0x0];
	_ =	sdelay $0x4  }
0x289: {  	v4 =	vshll.u32 @!p1 v3, $0x2  }
0x28a: {  	v5 =	vlaneseq.u32 @!p1;
	v3 =	vand.u32 @!p1 $0x7, v3;
	v4 =	vand.u32 @!p1 $0xFFFFFFE0, v4  }
0x28b: {  	v6 =	vshrl.u32 @!p1 v5, $0x3;
	v3 =	vor.u32 @!p1 v3, v4;
	v4 =	vand.u32 @!p1 $0x7, v5  }
0x28c: {  	v6 =	vmul.u32 @!p1 $0x8, v6;
	v4 =	vperm.xlane @!p1 v3, v4;
	_ =	sdelay $0x1  }
0x28d: {  	v4 =	vadd.s32 @!p1 v6, v4  }
0x28e: {  	v5 =	vor.u32 @!p1 $0x8, v5  }
0x28f: {  	v3 =	vperm.xlane @!p1 v3, v5;
	_ =	sdelay $0x1  }
0x290: {  	vm1 =	vmmov @!p1 $0xffff;
	s2 =	simm.s32 @!p1 $0x14800;
	s0 =	simm.s32 @!p1 $0x0;
	v3 =	vadd.s32 @!p1 v6, v3  }
0x291: {  	[tilespmem:s2], [sflag:$0x1] =	stream.indirect_vreg.gather @!p1 [hbm4b:s1+s0], $0x80, v4, vm1, $0xb8;
	[tilespmem:$0x18800] =	vst v63  }
0x292: {  	s2 =	simm.s32 @!p1 $0x15000  }
0x293: {  	[tilespmem:s2], [sflag:$0x1] =	stream.indirect_vreg.gather @!p1 [hbm4b:s9+s0], $0x80, v4, vm1, $0xb8;
	[tilespmem:$0x18800] =	vst v63  }
0x294: {  	s2 =	simm.s32 @!p1 $0x15800  }
0x295: {  	[tilespmem:s2], [sflag:$0x1] =	stream.indirect_vreg.gather @!p1 [hbm4b:s1+s0], $0x80, v3, vm1, $0xb8;
	[tilespmem:$0x18800] =	vst v63  }
0x296: {  	s13 =	sadd.s32 s5, s31;
	s2 =	simm.s32 @!p1 $0x16000  }
0x297: {  	[tilespmem:s2], [sflag:$0x1] =	stream.indirect_vreg.gather @!p1 [hbm4b:s9+s0], $0x80, v3, vm1, $0xb8;
	[tilespmem:$0x18800] =	vst v63  }
0x298: {  	s0 =	sshll.u32 s13, $0x6  }
0x299: {  	s0 =	sadd.s32 s4, s0  }
0x29a: {  	[hbm4b:s0+s3] =	stream.linear.scatter [tilespmem:s24], [sflag:$0x2], $0x1000, $0x38;
	[tilespmem:$0x18800] =	vst v63  }
0x29b: {  	s0 =	simm.s32 @!p0 $0x2  }
0x29c: {  	_ =	swait.ge @!p0 [sflag:s0], $0x1000  }
0x29d: {  	[sflag:s0] =	ssyncset.done @!p0 $0x0  }
0x29e: {  	[sflag:s0] =	ssyncadd.s32 @!p0 $0xFFFFF000  }
0x29f: {  	s14 =	simm.s32 $0x0;
	_ =	swait.ge [sflag:s23], $0x2000  }
0x2a0: {  	s15 =	sand.u32 $0x70, s14;
	s16 =	sand.u32 $0xC00, s14;
	[sflag:s23] =	ssyncset.done $0x0  }
0x2a1: {  	s0 =	sor.u32 s15, s16;
	[sflag:s23] =	ssyncadd.s32 $0xFFFFE000  }
0x2a2: {  	v4 =	vld [tilespmem:s0+$0x7B80]  }
0x2a3: {  	v5 =	vld [tilespmem:s0+$0x7B00]  }
0x2a4: {  	v6 =	vld [tilespmem:s0+$0x7A80]  }
0x2a5: {  	v9 =	vld [tilespmem:s0+$0x7A00]  }
0x2a6: {  	v12 =	vld [tilespmem:s0+$0x7980]  }
0x2a7: {  	v13 =	vld [tilespmem:s0+$0x7900]  }
0x2a8: {  	v14 =	vld [tilespmem:s0+$0x7880]  }
0x2a9: {  	v15 =	vld [tilespmem:s0+$0x7800]  }
0x2aa: {  	v7 =	vld [tilespmem:s0+$0x6A80]  }
0x2ab: {  	v3 =	vld [tilespmem:s0+$0x6980]  }
0x2ac: {  	v8 =	vld [tilespmem:s0+$0x6B00]  }
0x2ad: {  	s2 =	sor.u32 s14, s14;
	v11 =	vld [tilespmem:s0+$0x6A00]  }
0x2ae: {  	s2 =	sor.u32 $0x380, s2;
	v10 =	vld [tilespmem:s0+$0x6880];
	v4 =	vadd.f32 v4, v5;
	v5 =	vadd.f32 v6, v9  }
0x2af: {  	s12 =	simm.s32 $0x10;
	v6 =	vadd.f32 v12, v13;
	v9 =	vadd.f32 v14, v15;
	v12 =	vld [tilespmem:s2+$0x6800];
	s2 =	simm.s32 $0x80  }
.LBB2_20:
0x2b0: {  	s13 =	sand.u32 $0x70, s12  }
0x2b1: {  	s14 =	sand.u32 $0xC00, s2;
	s15 =	sor.u32 s2, s12;
	v13 =	vld [tilespmem:s0+$0x6800];
	s16 =	smov.u32 s12  }
0x2b2: {  	s13 =	sor.u32 s13, s14;
	s14 =	sor.u32 $0x380, s15;
	s15 =	sadd.s32 $0x10, s12;
	v14 =	vld [tilespmem:s0+$0x6900]  }
0x2b3: {  	p0 =	sne.s32 s12, $0x1F0;
	v15 =	vld [tilespmem:s13+$0x7B80];
	v7 =	vadd.f32 v7, v11  }
0x2b4: {  	v11 =	vld [tilespmem:s13+$0x7B00]  }
0x2b5: {  	v16 =	vld [tilespmem:s13+$0x7A80];
	v8 =	vadd.f32 v12, v8  }
0x2b6: {  	v4 =	vadd.f32 v4, v5;
	v12 =	vld [tilespmem:s13+$0x7A00];
	v10 =	vadd.f32 v10, v13  }
0x2b7: {  	v5 =	vadd.f32 v6, v9;
	v13 =	vld [tilespmem:s13+$0x7980];
	v3 =	vadd.f32 v3, v14  }
0x2b8: {  	v8 =	vadd.f32 v8, v7;
	v6 =	vld [tilespmem:s13+$0x7900]  }
0x2b9: {  	v9 =	vld [tilespmem:s13+$0x7880];
	v3 =	vadd.f32 v3, v10;
	v10 =	vadd.f32 v4, v5  }
0x2ba: {  	v4 =	vadd.f32 v15, v11;
	v14 =	vld [tilespmem:s13+$0x7800]  }
0x2bb: {  	v7 =	vld [tilespmem:s13+$0x6A80];
	v5 =	vadd.f32 v16, v12;
	v11 =	vadd.f32 v8, v3  }
.Ltmp13:
0x2bc: {  	v3 =	vld [tilespmem:s13+$0x6980];
	(pc) =	sbr.rel @p0 .LBB2_20-.Ltmp13, $4  }
0x2bd: {  	v8 =	vld [tilespmem:s13+$0x6B00];
	v6 =	vadd.f32 v13, v6;
	v12 =	vadd.f32 v10, v11  }
0x2be: {  	v11 =	vld [tilespmem:s13+$0x6A00]  }
0x2bf: {  	v10 =	vld [tilespmem:s13+$0x6880];
	v9 =	vadd.f32 v9, v14;
	[tilespmem:s0+$0x17800] =	vst v12;
	s0 =	smov.u32 s13  }
0x2c0: {  	s2 =	sadd.s32 $0x80, s2;
	s12 =	smov.u32 s15;
	v12 =	vld [tilespmem:s14+$0x6800]  }
0x2c1: {  	v13 =	vld [tilespmem:s0+$0x6800]  }
0x2c2: {  	v14 =	vld [tilespmem:s0+$0x6900];
	_ =	sdelay $0x3  }
0x2c3: {  	v7 =	vadd.f32 v7, v11;
	v8 =	vadd.f32 v12, v8  }
0x2c4: {  	v10 =	vadd.f32 v10, v13;
	v3 =	vadd.f32 v3, v14  }
0x2c5: {  	v4 =	vadd.f32 v4, v5;
	v5 =	vadd.f32 v6, v9  }
0x2c6: {  	v6 =	vadd.f32 v8, v7;
	v3 =	vadd.f32 v3, v10;
	_ =	sdelay $0x1  }
0x2c7: {  	v4 =	vadd.f32 v4, v5;
	v3 =	vadd.f32 v6, v3  }
0x2c8: {  	s2 =	sadd.s32 $0x10, s31  }
0x2c9: {  	p0 =	sge.u32 s2, s6;
	v3 =	vadd.f32 v4, v3  }
0x2ca: {  	s2 =	sshll.u32 @!p0 s2, $0x4  }
0x2cb: {  	[tilespmem:s0+$0x17800] =	vst v3;
	s0 =	sand.u32 @!p0 $0x3FFFFFF0, s2  }
0x2cc: {  	v3 =	vld @!p0 [tilespmem:s0+$0x0];
	_ =	sdelay $0x4  }
0x2cd: {  	v4 =	vshll.u32 @!p0 v3, $0x2  }
0x2ce: {  	v5 =	vlaneseq.u32 @!p0;
	v3 =	vand.u32 @!p0 $0x7, v3;
	v4 =	vand.u32 @!p0 $0xFFFFFFE0, v4  }
0x2cf: {  	v6 =	vshrl.u32 @!p0 v5, $0x3;
	v3 =	vor.u32 @!p0 v3, v4;
	v4 =	vand.u32 @!p0 $0x7, v5  }
0x2d0: {  	v6 =	vmul.u32 @!p0 $0x8, v6;
	v4 =	vperm.xlane @!p0 v3, v4;
	_ =	sdelay $0x1  }
0x2d1: {  	v4 =	vadd.s32 @!p0 v6, v4  }
0x2d2: {  	v5 =	vor.u32 @!p0 $0x8, v5  }
0x2d3: {  	v3 =	vperm.xlane @!p0 v3, v5;
	_ =	sdelay $0x1  }
0x2d4: {  	vm1 =	vmmov @!p0 $0xffff;
	s2 =	simm.s32 @!p0 $0x6800;
	s0 =	simm.s32 @!p0 $0x0;
	v3 =	vadd.s32 @!p0 v6, v3  }
0x2d5: {  	[tilespmem:s2], [sflag:$0x1] =	stream.indirect_vreg.gather @!p0 [hbm4b:s1+s0], $0x80, v4, vm1, $0xb8;
	[tilespmem:$0x18800] =	vst v63  }
0x2d6: {  	s2 =	simm.s32 @!p0 $0x7000  }
0x2d7: {  	[tilespmem:s2], [sflag:$0x1] =	stream.indirect_vreg.gather @!p0 [hbm4b:s9+s0], $0x80, v4, vm1, $0xb8;
	[tilespmem:$0x18800] =	vst v63  }
0x2d8: {  	s2 =	simm.s32 @!p0 $0x7800  }
0x2d9: {  	[tilespmem:s2], [sflag:$0x1] =	stream.indirect_vreg.gather @!p0 [hbm4b:s1+s0], $0x80, v3, vm1, $0xb8;
	[tilespmem:$0x18800] =	vst v63  }
0x2da: {  	s2 =	simm.s32 @!p0 $0x8000  }
0x2db: {  	[tilespmem:s2], [sflag:$0x1] =	stream.indirect_vreg.gather @!p0 [hbm4b:s9+s0], $0x80, v3, vm1, $0xb8;
	[tilespmem:$0x18800] =	vst v63  }
0x2dc: {  	s15 =	simm.s32 $0x0;
	_ =	swait.ge [sflag:s23], $0x2000  }
0x2dd: {  	s16 =	sand.u32 $0x70, s15;
	s0 =	sand.u32 $0xC00, s15;
	[sflag:s23] =	ssyncset.done $0x0  }
0x2de: {  	s0 =	sor.u32 s16, s0;
	[sflag:s23] =	ssyncadd.s32 $0xFFFFE000  }
0x2df: {  	v9 =	vld [tilespmem:s0+$0x8800]  }
0x2e0: {  	v3 =	vld [tilespmem:s0+$0x8880]  }
0x2e1: {  	v4 =	vld [tilespmem:s0+$0x8900]  }
0x2e2: {  	v5 =	vld [tilespmem:s0+$0x8980]  }
0x2e3: {  	v6 =	vld [tilespmem:s0+$0x8A00]  }
0x2e4: {  	v7 =	vld [tilespmem:s0+$0x8A80]  }
0x2e5: {  	v8 =	vld [tilespmem:s0+$0x8B00]  }
0x2e6: {  	v11 =	vld [tilespmem:s0+$0x8B80]  }
0x2e7: {  	v10 =	vld [tilespmem:s0+$0x9800]  }
0x2e8: {  	v12 =	vld [tilespmem:s0+$0x9880]  }
0x2e9: {  	v13 =	vld [tilespmem:s0+$0x9900]  }
0x2ea: {  	v15 =	vld [tilespmem:s0+$0x9980]  }
0x2eb: {  	v14 =	vld [tilespmem:s0+$0x9A00]  }
0x2ec: {  	s12 =	simm.s32 $0x10;
	s2 =	simm.s32 $0x80;
	v16 =	vld [tilespmem:s0+$0x9A80]  }
.LBB2_22:
0x2ed: {  	s13 =	sand.u32 $0x70, s12;
	s14 =	sand.u32 $0xC00, s2;
	p0 =	sne.s32 s12, $0x1F0;
	v17 =	vld [tilespmem:s0+$0x9B00]  }
0x2ee: {  	s13 =	sor.u32 s13, s14;
	v18 =	vld [tilespmem:s0+$0x9B80]  }
0x2ef: {  	v19 =	vld [tilespmem:s13+$0x8800]  }
0x2f0: {  	v9 =	vadd.f32 v3, v9;
	v20 =	vadd.f32 v5, v4;
	v3 =	vld [tilespmem:s13+$0x8880]  }
0x2f1: {  	v21 =	vadd.f32 v7, v6;
	v8 =	vadd.f32 v11, v8;
	v4 =	vld [tilespmem:s13+$0x8900]  }
0x2f2: {  	v10 =	vadd.f32 v12, v10;
	v11 =	vadd.f32 v15, v13;
	v5 =	vld [tilespmem:s13+$0x8980]  }
0x2f3: {  	v12 =	vadd.f32 v16, v14;
	v6 =	vld [tilespmem:s13+$0x8A00];
	v13 =	vadd.f32 v18, v17  }
0x2f4: {  	v15 =	vadd.f32 v8, v21;
	v14 =	vadd.f32 v20, v9;
	v7 =	vld [tilespmem:s13+$0x8A80];
	v9 =	vmov v19  }
0x2f5: {  	v16 =	vadd.f32 v11, v10;
	v8 =	vld [tilespmem:s13+$0x8B00];
	v12 =	vadd.f32 v13, v12  }
0x2f6: {  	v11 =	vld [tilespmem:s13+$0x8B80]  }
0x2f7: {  	v14 =	vadd.f32 v15, v14;
	v10 =	vld [tilespmem:s13+$0x9800];
	v15 =	vadd.f32 v12, v16  }
.Ltmp14:
0x2f8: {  	v12 =	vld [tilespmem:s13+$0x9880];
	(pc) =	sbr.rel @p0 .LBB2_22-.Ltmp14, $4  }
0x2f9: {  	v13 =	vld [tilespmem:s13+$0x9900];
	v16 =	vadd.f32 v15, v14  }
0x2fa: {  	v15 =	vld [tilespmem:s13+$0x9980]  }
0x2fb: {  	v14 =	vld [tilespmem:s13+$0x9A00];
	[tilespmem:s0+$0x17880] =	vst v16;
	s0 =	smov.u32 s13  }
0x2fc: {  	s2 =	sadd.s32 $0x80, s2;
	s12 =	sadd.s32 $0x10, s12;
	v16 =	vld [tilespmem:s0+$0x9A80]  }
0x2fd: {  	v17 =	vld [tilespmem:s0+$0x9B00]  }
0x2fe: {  	v18 =	vld [tilespmem:s0+$0x9B80];
	_ =	sdelay $0x1  }
0x2ff: {  	v3 =	vadd.f32 v3, v9;
	v4 =	vadd.f32 v5, v4  }
0x300: {  	v5 =	vadd.f32 v7, v6;
	v6 =	vadd.f32 v11, v8  }
0x301: {  	v7 =	vadd.f32 v12, v10;
	v8 =	vadd.f32 v15, v13  }
0x302: {  	v9 =	vadd.f32 v16, v14;
	v10 =	vadd.f32 v18, v17  }
0x303: {  	v3 =	vadd.f32 v4, v3;
	v4 =	vadd.f32 v6, v5  }
0x304: {  	v5 =	vadd.f32 v8, v7;
	v6 =	vadd.f32 v10, v9;
	_ =	sdelay $0x1  }
0x305: {  	v3 =	vadd.f32 v4, v3;
	v4 =	vadd.f32 v6, v5  }
0x306: {  	s2 =	sadd.s32 $0x11, s31  }
0x307: {  	p0 =	sge.u32 s2, s6;
	v3 =	vadd.f32 v4, v3  }
0x308: {  	s2 =	sshll.u32 @!p0 s2, $0x4  }
0x309: {  	[tilespmem:s0+$0x17880] =	vst v3;
	s0 =	sand.u32 @!p0 $0x3FFFFFF0, s2  }
0x30a: {  	v3 =	vld @!p0 [tilespmem:s0+$0x0];
	_ =	sdelay $0x4  }
0x30b: {  	v4 =	vshll.u32 @!p0 v3, $0x2  }
0x30c: {  	v5 =	vlaneseq.u32 @!p0;
	v3 =	vand.u32 @!p0 $0x7, v3;
	v4 =	vand.u32 @!p0 $0xFFFFFFE0, v4  }
0x30d: {  	v6 =	vshrl.u32 @!p0 v5, $0x3;
	v3 =	vor.u32 @!p0 v3, v4;
	v4 =	vand.u32 @!p0 $0x7, v5  }
0x30e: {  	v6 =	vmul.u32 @!p0 $0x8, v6;
	v4 =	vperm.xlane @!p0 v3, v4;
	_ =	sdelay $0x1  }
0x30f: {  	v4 =	vadd.s32 @!p0 v6, v4  }
0x310: {  	v5 =	vor.u32 @!p0 $0x8, v5  }
0x311: {  	v3 =	vperm.xlane @!p0 v3, v5;
	_ =	sdelay $0x1  }
0x312: {  	vm1 =	vmmov @!p0 $0xffff;
	s2 =	simm.s32 @!p0 $0x8800;
	s0 =	simm.s32 @!p0 $0x0;
	v3 =	vadd.s32 @!p0 v6, v3  }
0x313: {  	[tilespmem:s2], [sflag:$0x1] =	stream.indirect_vreg.gather @!p0 [hbm4b:s1+s0], $0x80, v4, vm1, $0xb8;
	[tilespmem:$0x18800] =	vst v63  }
0x314: {  	s2 =	simm.s32 @!p0 $0x9000  }
0x315: {  	[tilespmem:s2], [sflag:$0x1] =	stream.indirect_vreg.gather @!p0 [hbm4b:s9+s0], $0x80, v4, vm1, $0xb8;
	[tilespmem:$0x18800] =	vst v63  }
0x316: {  	s2 =	simm.s32 @!p0 $0x9800  }
0x317: {  	[tilespmem:s2], [sflag:$0x1] =	stream.indirect_vreg.gather @!p0 [hbm4b:s1+s0], $0x80, v3, vm1, $0xb8;
	[tilespmem:$0x18800] =	vst v63  }
0x318: {  	s2 =	simm.s32 @!p0 $0xA000  }
0x319: {  	[tilespmem:s2], [sflag:$0x1] =	stream.indirect_vreg.gather @!p0 [hbm4b:s9+s0], $0x80, v3, vm1, $0xb8;
	[tilespmem:$0x18800] =	vst v63  }
0x31a: {  	s15 =	simm.s32 $0x0;
	_ =	swait.ge [sflag:s23], $0x2000  }
0x31b: {  	s16 =	sand.u32 $0x70, s15;
	s0 =	sand.u32 $0xC00, s15;
	[sflag:s23] =	ssyncset.done $0x0  }
0x31c: {  	s0 =	sor.u32 s16, s0;
	[sflag:s23] =	ssyncadd.s32 $0xFFFFE000  }
0x31d: {  	v9 =	vld [tilespmem:s0+$0xA800]  }
0x31e: {  	v3 =	vld [tilespmem:s0+$0xA880]  }
0x31f: {  	v4 =	vld [tilespmem:s0+$0xA900]  }
0x320: {  	v5 =	vld [tilespmem:s0+$0xA980]  }
0x321: {  	v6 =	vld [tilespmem:s0+$0xAA00]  }
0x322: {  	v7 =	vld [tilespmem:s0+$0xAA80]  }
0x323: {  	v8 =	vld [tilespmem:s0+$0xAB00]  }
0x324: {  	v11 =	vld [tilespmem:s0+$0xAB80]  }
0x325: {  	v10 =	vld [tilespmem:s0+$0xB800]  }
0x326: {  	v12 =	vld [tilespmem:s0+$0xB880]  }
0x327: {  	v13 =	vld [tilespmem:s0+$0xB900]  }
0x328: {  	v15 =	vld [tilespmem:s0+$0xB980]  }
0x329: {  	v14 =	vld [tilespmem:s0+$0xBA00]  }
0x32a: {  	s12 =	simm.s32 $0x10;
	s2 =	simm.s32 $0x80;
	v16 =	vld [tilespmem:s0+$0xBA80]  }
.LBB2_24:
0x32b: {  	s13 =	sand.u32 $0x70, s12;
	s14 =	sand.u32 $0xC00, s2;
	p0 =	sne.s32 s12, $0x1F0;
	v17 =	vld [tilespmem:s0+$0xBB00]  }
0x32c: {  	s13 =	sor.u32 s13, s14;
	v18 =	vld [tilespmem:s0+$0xBB80]  }
0x32d: {  	v19 =	vld [tilespmem:s13+$0xA800]  }
0x32e: {  	v9 =	vadd.f32 v3, v9;
	v20 =	vadd.f32 v5, v4;
	v3 =	vld [tilespmem:s13+$0xA880]  }
0x32f: {  	v21 =	vadd.f32 v7, v6;
	v8 =	vadd.f32 v11, v8;
	v4 =	vld [tilespmem:s13+$0xA900]  }
0x330: {  	v10 =	vadd.f32 v12, v10;
	v11 =	vadd.f32 v15, v13;
	v5 =	vld [tilespmem:s13+$0xA980]  }
0x331: {  	v12 =	vadd.f32 v16, v14;
	v6 =	vld [tilespmem:s13+$0xAA00];
	v13 =	vadd.f32 v18, v17  }
0x332: {  	v15 =	vadd.f32 v8, v21;
	v14 =	vadd.f32 v20, v9;
	v7 =	vld [tilespmem:s13+$0xAA80];
	v9 =	vmov v19  }
0x333: {  	v16 =	vadd.f32 v11, v10;
	v8 =	vld [tilespmem:s13+$0xAB00];
	v12 =	vadd.f32 v13, v12  }
0x334: {  	v11 =	vld [tilespmem:s13+$0xAB80]  }
0x335: {  	v14 =	vadd.f32 v15, v14;
	v10 =	vld [tilespmem:s13+$0xB800];
	v15 =	vadd.f32 v12, v16  }
.Ltmp15:
0x336: {  	v12 =	vld [tilespmem:s13+$0xB880];
	(pc) =	sbr.rel @p0 .LBB2_24-.Ltmp15, $4  }
0x337: {  	v13 =	vld [tilespmem:s13+$0xB900];
	v16 =	vadd.f32 v15, v14  }
0x338: {  	v15 =	vld [tilespmem:s13+$0xB980]  }
0x339: {  	v14 =	vld [tilespmem:s13+$0xBA00];
	[tilespmem:s0+$0x17900] =	vst v16;
	s0 =	smov.u32 s13  }
0x33a: {  	s2 =	sadd.s32 $0x80, s2;
	s12 =	sadd.s32 $0x10, s12;
	v16 =	vld [tilespmem:s0+$0xBA80]  }
0x33b: {  	v17 =	vld [tilespmem:s0+$0xBB00]  }
0x33c: {  	v18 =	vld [tilespmem:s0+$0xBB80];
	_ =	sdelay $0x1  }
0x33d: {  	v3 =	vadd.f32 v3, v9;
	v4 =	vadd.f32 v5, v4  }
0x33e: {  	v5 =	vadd.f32 v7, v6;
	v6 =	vadd.f32 v11, v8  }
0x33f: {  	v7 =	vadd.f32 v12, v10;
	v8 =	vadd.f32 v15, v13  }
0x340: {  	v9 =	vadd.f32 v16, v14;
	v10 =	vadd.f32 v18, v17  }
0x341: {  	v3 =	vadd.f32 v4, v3;
	v4 =	vadd.f32 v6, v5  }
0x342: {  	v5 =	vadd.f32 v8, v7;
	v6 =	vadd.f32 v10, v9;
	_ =	sdelay $0x1  }
0x343: {  	v3 =	vadd.f32 v4, v3;
	v4 =	vadd.f32 v6, v5  }
0x344: {  	s2 =	sadd.s32 $0x12, s31  }
0x345: {  	p0 =	sge.u32 s2, s6;
	v3 =	vadd.f32 v4, v3  }
0x346: {  	s2 =	sshll.u32 @!p0 s2, $0x4  }
0x347: {  	[tilespmem:s0+$0x17900] =	vst v3;
	s0 =	sand.u32 @!p0 $0x3FFFFFF0, s2  }
0x348: {  	v3 =	vld @!p0 [tilespmem:s0+$0x0];
	_ =	sdelay $0x4  }
0x349: {  	v4 =	vshll.u32 @!p0 v3, $0x2  }
0x34a: {  	v5 =	vlaneseq.u32 @!p0;
	v3 =	vand.u32 @!p0 $0x7, v3;
	v4 =	vand.u32 @!p0 $0xFFFFFFE0, v4  }
0x34b: {  	v6 =	vshrl.u32 @!p0 v5, $0x3;
	v3 =	vor.u32 @!p0 v3, v4;
	v4 =	vand.u32 @!p0 $0x7, v5  }
0x34c: {  	v6 =	vmul.u32 @!p0 $0x8, v6;
	v4 =	vperm.xlane @!p0 v3, v4;
	_ =	sdelay $0x1  }
0x34d: {  	v4 =	vadd.s32 @!p0 v6, v4  }
0x34e: {  	v5 =	vor.u32 @!p0 $0x8, v5  }
0x34f: {  	v3 =	vperm.xlane @!p0 v3, v5;
	_ =	sdelay $0x1  }
0x350: {  	vm1 =	vmmov @!p0 $0xffff;
	s2 =	simm.s32 @!p0 $0xA800;
	s0 =	simm.s32 @!p0 $0x0;
	v3 =	vadd.s32 @!p0 v6, v3  }
0x351: {  	[tilespmem:s2], [sflag:$0x1] =	stream.indirect_vreg.gather @!p0 [hbm4b:s1+s0], $0x80, v4, vm1, $0xb8;
	[tilespmem:$0x18800] =	vst v63  }
0x352: {  	s2 =	simm.s32 @!p0 $0xB000  }
0x353: {  	[tilespmem:s2], [sflag:$0x1] =	stream.indirect_vreg.gather @!p0 [hbm4b:s9+s0], $0x80, v4, vm1, $0xb8;
	[tilespmem:$0x18800] =	vst v63  }
0x354: {  	s2 =	simm.s32 @!p0 $0xB800  }
0x355: {  	[tilespmem:s2], [sflag:$0x1] =	stream.indirect_vreg.gather @!p0 [hbm4b:s1+s0], $0x80, v3, vm1, $0xb8;
	[tilespmem:$0x18800] =	vst v63  }
0x356: {  	s2 =	simm.s32 @!p0 $0xC000  }
0x357: {  	[tilespmem:s2], [sflag:$0x1] =	stream.indirect_vreg.gather @!p0 [hbm4b:s9+s0], $0x80, v3, vm1, $0xb8;
	[tilespmem:$0x18800] =	vst v63  }
0x358: {  	s15 =	simm.s32 $0x0;
	_ =	swait.ge [sflag:s23], $0x2000  }
0x359: {  	s16 =	sand.u32 $0x70, s15;
	s0 =	sand.u32 $0xC00, s15;
	[sflag:s23] =	ssyncset.done $0x0  }
0x35a: {  	s0 =	sor.u32 s16, s0;
	[sflag:s23] =	ssyncadd.s32 $0xFFFFE000  }
0x35b: {  	v9 =	vld [tilespmem:s0+$0xC800]  }
0x35c: {  	v3 =	vld [tilespmem:s0+$0xC880]  }
0x35d: {  	v4 =	vld [tilespmem:s0+$0xC900]  }
0x35e: {  	v5 =	vld [tilespmem:s0+$0xC980]  }
0x35f: {  	v6 =	vld [tilespmem:s0+$0xCA00]  }
0x360: {  	v7 =	vld [tilespmem:s0+$0xCA80]  }
0x361: {  	v8 =	vld [tilespmem:s0+$0xCB00]  }
0x362: {  	v11 =	vld [tilespmem:s0+$0xCB80]  }
0x363: {  	v10 =	vld [tilespmem:s0+$0xD800]  }
0x364: {  	v12 =	vld [tilespmem:s0+$0xD880]  }
0x365: {  	v13 =	vld [tilespmem:s0+$0xD900]  }
0x366: {  	v15 =	vld [tilespmem:s0+$0xD980]  }
0x367: {  	v14 =	vld [tilespmem:s0+$0xDA00]  }
0x368: {  	s12 =	simm.s32 $0x10;
	s2 =	simm.s32 $0x80;
	v16 =	vld [tilespmem:s0+$0xDA80]  }
.LBB2_26:
0x369: {  	s13 =	sand.u32 $0x70, s12;
	s14 =	sand.u32 $0xC00, s2;
	p0 =	sne.s32 s12, $0x1F0;
	v17 =	vld [tilespmem:s0+$0xDB00]  }
0x36a: {  	s13 =	sor.u32 s13, s14;
	v18 =	vld [tilespmem:s0+$0xDB80]  }
0x36b: {  	v19 =	vld [tilespmem:s13+$0xC800]  }
0x36c: {  	v9 =	vadd.f32 v3, v9;
	v20 =	vadd.f32 v5, v4;
	v3 =	vld [tilespmem:s13+$0xC880]  }
0x36d: {  	v21 =	vadd.f32 v7, v6;
	v8 =	vadd.f32 v11, v8;
	v4 =	vld [tilespmem:s13+$0xC900]  }
0x36e: {  	v10 =	vadd.f32 v12, v10;
	v11 =	vadd.f32 v15, v13;
	v5 =	vld [tilespmem:s13+$0xC980]  }
0x36f: {  	v12 =	vadd.f32 v16, v14;
	v6 =	vld [tilespmem:s13+$0xCA00];
	v13 =	vadd.f32 v18, v17  }
0x370: {  	v15 =	vadd.f32 v8, v21;
	v14 =	vadd.f32 v20, v9;
	v7 =	vld [tilespmem:s13+$0xCA80];
	v9 =	vmov v19  }
0x371: {  	v16 =	vadd.f32 v11, v10;
	v8 =	vld [tilespmem:s13+$0xCB00];
	v12 =	vadd.f32 v13, v12  }
0x372: {  	v11 =	vld [tilespmem:s13+$0xCB80]  }
0x373: {  	v14 =	vadd.f32 v15, v14;
	v10 =	vld [tilespmem:s13+$0xD800];
	v15 =	vadd.f32 v12, v16  }
.Ltmp16:
0x374: {  	v12 =	vld [tilespmem:s13+$0xD880];
	(pc) =	sbr.rel @p0 .LBB2_26-.Ltmp16, $4  }
0x375: {  	v13 =	vld [tilespmem:s13+$0xD900];
	v16 =	vadd.f32 v15, v14  }
0x376: {  	v15 =	vld [tilespmem:s13+$0xD980]  }
0x377: {  	v14 =	vld [tilespmem:s13+$0xDA00];
	[tilespmem:s0+$0x17980] =	vst v16;
	s0 =	smov.u32 s13  }
0x378: {  	s2 =	sadd.s32 $0x80, s2;
	s12 =	sadd.s32 $0x10, s12;
	v16 =	vld [tilespmem:s0+$0xDA80]  }
0x379: {  	v17 =	vld [tilespmem:s0+$0xDB00]  }
0x37a: {  	v18 =	vld [tilespmem:s0+$0xDB80];
	_ =	sdelay $0x1  }
0x37b: {  	v3 =	vadd.f32 v3, v9;
	v4 =	vadd.f32 v5, v4  }
0x37c: {  	v5 =	vadd.f32 v7, v6;
	v6 =	vadd.f32 v11, v8  }
0x37d: {  	v7 =	vadd.f32 v12, v10;
	v8 =	vadd.f32 v15, v13  }
0x37e: {  	v9 =	vadd.f32 v16, v14;
	v10 =	vadd.f32 v18, v17  }
0x37f: {  	v3 =	vadd.f32 v4, v3;
	v4 =	vadd.f32 v6, v5  }
0x380: {  	v5 =	vadd.f32 v8, v7;
	v6 =	vadd.f32 v10, v9;
	_ =	sdelay $0x1  }
0x381: {  	v3 =	vadd.f32 v4, v3;
	v4 =	vadd.f32 v6, v5  }
0x382: {  	s2 =	sadd.s32 $0x13, s31  }
0x383: {  	p0 =	sge.u32 s2, s6;
	v3 =	vadd.f32 v4, v3  }
0x384: {  	s2 =	sshll.u32 @!p0 s2, $0x4  }
0x385: {  	[tilespmem:s0+$0x17980] =	vst v3;
	s0 =	sand.u32 @!p0 $0x3FFFFFF0, s2  }
0x386: {  	v3 =	vld @!p0 [tilespmem:s0+$0x0];
	_ =	sdelay $0x4  }
0x387: {  	v4 =	vshll.u32 @!p0 v3, $0x2  }
0x388: {  	v5 =	vlaneseq.u32 @!p0;
	v3 =	vand.u32 @!p0 $0x7, v3;
	v4 =	vand.u32 @!p0 $0xFFFFFFE0, v4  }
0x389: {  	v6 =	vshrl.u32 @!p0 v5, $0x3;
	v3 =	vor.u32 @!p0 v3, v4;
	v4 =	vand.u32 @!p0 $0x7, v5  }
0x38a: {  	v6 =	vmul.u32 @!p0 $0x8, v6;
	v4 =	vperm.xlane @!p0 v3, v4;
	_ =	sdelay $0x1  }
0x38b: {  	v4 =	vadd.s32 @!p0 v6, v4  }
0x38c: {  	v5 =	vor.u32 @!p0 $0x8, v5  }
0x38d: {  	v3 =	vperm.xlane @!p0 v3, v5;
	_ =	sdelay $0x1  }
0x38e: {  	vm1 =	vmmov @!p0 $0xffff;
	s2 =	simm.s32 @!p0 $0xC800;
	s0 =	simm.s32 @!p0 $0x0;
	v3 =	vadd.s32 @!p0 v6, v3  }
0x38f: {  	[tilespmem:s2], [sflag:$0x1] =	stream.indirect_vreg.gather @!p0 [hbm4b:s1+s0], $0x80, v4, vm1, $0xb8;
	[tilespmem:$0x18800] =	vst v63  }
0x390: {  	s2 =	simm.s32 @!p0 $0xD000  }
0x391: {  	[tilespmem:s2], [sflag:$0x1] =	stream.indirect_vreg.gather @!p0 [hbm4b:s9+s0], $0x80, v4, vm1, $0xb8;
	[tilespmem:$0x18800] =	vst v63  }
0x392: {  	s2 =	simm.s32 @!p0 $0xD800  }
0x393: {  	[tilespmem:s2], [sflag:$0x1] =	stream.indirect_vreg.gather @!p0 [hbm4b:s1+s0], $0x80, v3, vm1, $0xb8;
	[tilespmem:$0x18800] =	vst v63  }
0x394: {  	s2 =	simm.s32 @!p0 $0xE000  }
0x395: {  	[tilespmem:s2], [sflag:$0x1] =	stream.indirect_vreg.gather @!p0 [hbm4b:s9+s0], $0x80, v3, vm1, $0xb8;
	[tilespmem:$0x18800] =	vst v63  }
0x396: {  	s15 =	simm.s32 $0x0;
	_ =	swait.ge [sflag:s23], $0x2000  }
0x397: {  	s16 =	sand.u32 $0x70, s15;
	s0 =	sand.u32 $0xC00, s15;
	[sflag:s23] =	ssyncset.done $0x0  }
0x398: {  	s0 =	sor.u32 s16, s0;
	[sflag:s23] =	ssyncadd.s32 $0xFFFFE000  }
0x399: {  	v9 =	vld [tilespmem:s0+$0xE800]  }
0x39a: {  	v3 =	vld [tilespmem:s0+$0xE880]  }
0x39b: {  	v4 =	vld [tilespmem:s0+$0xE900]  }
0x39c: {  	v5 =	vld [tilespmem:s0+$0xE980]  }
0x39d: {  	v6 =	vld [tilespmem:s0+$0xEA00]  }
0x39e: {  	v7 =	vld [tilespmem:s0+$0xEA80]  }
0x39f: {  	v8 =	vld [tilespmem:s0+$0xEB00]  }
0x3a0: {  	v11 =	vld [tilespmem:s0+$0xEB80]  }
0x3a1: {  	v10 =	vld [tilespmem:s0+$0xF800]  }
0x3a2: {  	v12 =	vld [tilespmem:s0+$0xF880]  }
0x3a3: {  	v13 =	vld [tilespmem:s0+$0xF900]  }
0x3a4: {  	v15 =	vld [tilespmem:s0+$0xF980]  }
0x3a5: {  	v14 =	vld [tilespmem:s0+$0xFA00]  }
0x3a6: {  	s12 =	simm.s32 $0x10;
	s2 =	simm.s32 $0x80;
	v16 =	vld [tilespmem:s0+$0xFA80]  }
.LBB2_28:
0x3a7: {  	s13 =	sand.u32 $0x70, s12;
	s14 =	sand.u32 $0xC00, s2;
	p0 =	sne.s32 s12, $0x1F0;
	v17 =	vld [tilespmem:s0+$0xFB00]  }
0x3a8: {  	s13 =	sor.u32 s13, s14;
	v18 =	vld [tilespmem:s0+$0xFB80]  }
0x3a9: {  	v19 =	vld [tilespmem:s13+$0xE800]  }
0x3aa: {  	v9 =	vadd.f32 v3, v9;
	v20 =	vadd.f32 v5, v4;
	v3 =	vld [tilespmem:s13+$0xE880]  }
0x3ab: {  	v21 =	vadd.f32 v7, v6;
	v8 =	vadd.f32 v11, v8;
	v4 =	vld [tilespmem:s13+$0xE900]  }
0x3ac: {  	v10 =	vadd.f32 v12, v10;
	v11 =	vadd.f32 v15, v13;
	v5 =	vld [tilespmem:s13+$0xE980]  }
0x3ad: {  	v12 =	vadd.f32 v16, v14;
	v6 =	vld [tilespmem:s13+$0xEA00];
	v13 =	vadd.f32 v18, v17  }
0x3ae: {  	v15 =	vadd.f32 v8, v21;
	v14 =	vadd.f32 v20, v9;
	v7 =	vld [tilespmem:s13+$0xEA80];
	v9 =	vmov v19  }
0x3af: {  	v16 =	vadd.f32 v11, v10;
	v8 =	vld [tilespmem:s13+$0xEB00];
	v12 =	vadd.f32 v13, v12  }
0x3b0: {  	v11 =	vld [tilespmem:s13+$0xEB80]  }
0x3b1: {  	v14 =	vadd.f32 v15, v14;
	v10 =	vld [tilespmem:s13+$0xF800];
	v15 =	vadd.f32 v12, v16  }
.Ltmp17:
0x3b2: {  	v12 =	vld [tilespmem:s13+$0xF880];
	(pc) =	sbr.rel @p0 .LBB2_28-.Ltmp17, $4  }
0x3b3: {  	v13 =	vld [tilespmem:s13+$0xF900];
	v16 =	vadd.f32 v15, v14  }
0x3b4: {  	v15 =	vld [tilespmem:s13+$0xF980]  }
0x3b5: {  	v14 =	vld [tilespmem:s13+$0xFA00];
	[tilespmem:s0+$0x17A00] =	vst v16;
	s0 =	smov.u32 s13  }
0x3b6: {  	s2 =	sadd.s32 $0x80, s2;
	s12 =	sadd.s32 $0x10, s12;
	v16 =	vld [tilespmem:s0+$0xFA80]  }
0x3b7: {  	v17 =	vld [tilespmem:s0+$0xFB00]  }
0x3b8: {  	v18 =	vld [tilespmem:s0+$0xFB80];
	_ =	sdelay $0x1  }
0x3b9: {  	v3 =	vadd.f32 v3, v9;
	v4 =	vadd.f32 v5, v4  }
0x3ba: {  	v5 =	vadd.f32 v7, v6;
	v6 =	vadd.f32 v11, v8  }
0x3bb: {  	v7 =	vadd.f32 v12, v10;
	v8 =	vadd.f32 v15, v13  }
0x3bc: {  	v9 =	vadd.f32 v16, v14;
	v10 =	vadd.f32 v18, v17  }
0x3bd: {  	v3 =	vadd.f32 v4, v3;
	v4 =	vadd.f32 v6, v5  }
0x3be: {  	v5 =	vadd.f32 v8, v7;
	v6 =	vadd.f32 v10, v9;
	_ =	sdelay $0x1  }
0x3bf: {  	v3 =	vadd.f32 v4, v3;
	v4 =	vadd.f32 v6, v5  }
0x3c0: {  	s2 =	sadd.s32 $0x14, s31  }
0x3c1: {  	p0 =	sge.u32 s2, s6;
	v3 =	vadd.f32 v4, v3  }
0x3c2: {  	s2 =	sshll.u32 @!p0 s2, $0x4  }
0x3c3: {  	[tilespmem:s0+$0x17A00] =	vst v3;
	s0 =	sand.u32 @!p0 $0x3FFFFFF0, s2  }
0x3c4: {  	v3 =	vld @!p0 [tilespmem:s0+$0x0];
	_ =	sdelay $0x4  }
0x3c5: {  	v4 =	vshll.u32 @!p0 v3, $0x2  }
0x3c6: {  	v5 =	vlaneseq.u32 @!p0;
	v3 =	vand.u32 @!p0 $0x7, v3;
	v4 =	vand.u32 @!p0 $0xFFFFFFE0, v4  }
0x3c7: {  	v6 =	vshrl.u32 @!p0 v5, $0x3;
	v3 =	vor.u32 @!p0 v3, v4;
	v4 =	vand.u32 @!p0 $0x7, v5  }
0x3c8: {  	v6 =	vmul.u32 @!p0 $0x8, v6;
	v4 =	vperm.xlane @!p0 v3, v4;
	_ =	sdelay $0x1  }
0x3c9: {  	v4 =	vadd.s32 @!p0 v6, v4  }
0x3ca: {  	v5 =	vor.u32 @!p0 $0x8, v5  }
0x3cb: {  	v3 =	vperm.xlane @!p0 v3, v5;
	_ =	sdelay $0x1  }
0x3cc: {  	vm1 =	vmmov @!p0 $0xffff;
	s2 =	simm.s32 @!p0 $0xE800;
	s0 =	simm.s32 @!p0 $0x0;
	v3 =	vadd.s32 @!p0 v6, v3  }
0x3cd: {  	[tilespmem:s2], [sflag:$0x1] =	stream.indirect_vreg.gather @!p0 [hbm4b:s1+s0], $0x80, v4, vm1, $0xb8;
	[tilespmem:$0x18800] =	vst v63  }
0x3ce: {  	s2 =	simm.s32 @!p0 $0xF000  }
0x3cf: {  	[tilespmem:s2], [sflag:$0x1] =	stream.indirect_vreg.gather @!p0 [hbm4b:s9+s0], $0x80, v4, vm1, $0xb8;
	[tilespmem:$0x18800] =	vst v63  }
0x3d0: {  	s2 =	simm.s32 @!p0 $0xF800  }
0x3d1: {  	[tilespmem:s2], [sflag:$0x1] =	stream.indirect_vreg.gather @!p0 [hbm4b:s1+s0], $0x80, v3, vm1, $0xb8;
	[tilespmem:$0x18800] =	vst v63  }
0x3d2: {  	s2 =	simm.s32 @!p0 $0x10000  }
0x3d3: {  	[tilespmem:s2], [sflag:$0x1] =	stream.indirect_vreg.gather @!p0 [hbm4b:s9+s0], $0x80, v3, vm1, $0xb8;
	[tilespmem:$0x18800] =	vst v63  }
0x3d4: {  	s15 =	simm.s32 $0x0;
	_ =	swait.ge [sflag:s23], $0x2000  }
0x3d5: {  	s16 =	sand.u32 $0x70, s15;
	s0 =	sand.u32 $0xC00, s15;
	[sflag:s23] =	ssyncset.done $0x0  }
0x3d6: {  	s0 =	sor.u32 s16, s0;
	[sflag:s23] =	ssyncadd.s32 $0xFFFFE000  }
0x3d7: {  	v9 =	vld [tilespmem:s0+$0x10800]  }
0x3d8: {  	v3 =	vld [tilespmem:s0+$0x10880]  }
0x3d9: {  	v4 =	vld [tilespmem:s0+$0x10900]  }
0x3da: {  	v5 =	vld [tilespmem:s0+$0x10980]  }
0x3db: {  	v6 =	vld [tilespmem:s0+$0x10A00]  }
0x3dc: {  	v7 =	vld [tilespmem:s0+$0x10A80]  }
0x3dd: {  	v8 =	vld [tilespmem:s0+$0x10B00]  }
0x3de: {  	v11 =	vld [tilespmem:s0+$0x10B80]  }
0x3df: {  	v10 =	vld [tilespmem:s0+$0x11800]  }
0x3e0: {  	v12 =	vld [tilespmem:s0+$0x11880]  }
0x3e1: {  	v13 =	vld [tilespmem:s0+$0x11900]  }
0x3e2: {  	v15 =	vld [tilespmem:s0+$0x11980]  }
0x3e3: {  	v14 =	vld [tilespmem:s0+$0x11A00]  }
0x3e4: {  	s12 =	simm.s32 $0x10;
	s2 =	simm.s32 $0x80;
	v16 =	vld [tilespmem:s0+$0x11A80]  }
.LBB2_30:
0x3e5: {  	s13 =	sand.u32 $0x70, s12;
	s14 =	sand.u32 $0xC00, s2;
	p0 =	sne.s32 s12, $0x1F0;
	v17 =	vld [tilespmem:s0+$0x11B00]  }
0x3e6: {  	s13 =	sor.u32 s13, s14;
	v18 =	vld [tilespmem:s0+$0x11B80]  }
0x3e7: {  	v19 =	vld [tilespmem:s13+$0x10800]  }
0x3e8: {  	v9 =	vadd.f32 v3, v9;
	v20 =	vadd.f32 v5, v4;
	v3 =	vld [tilespmem:s13+$0x10880]  }
0x3e9: {  	v21 =	vadd.f32 v7, v6;
	v8 =	vadd.f32 v11, v8;
	v4 =	vld [tilespmem:s13+$0x10900]  }
0x3ea: {  	v10 =	vadd.f32 v12, v10;
	v11 =	vadd.f32 v15, v13;
	v5 =	vld [tilespmem:s13+$0x10980]  }
0x3eb: {  	v12 =	vadd.f32 v16, v14;
	v6 =	vld [tilespmem:s13+$0x10A00];
	v13 =	vadd.f32 v18, v17  }
0x3ec: {  	v15 =	vadd.f32 v8, v21;
	v14 =	vadd.f32 v20, v9;
	v7 =	vld [tilespmem:s13+$0x10A80];
	v9 =	vmov v19  }
0x3ed: {  	v16 =	vadd.f32 v11, v10;
	v8 =	vld [tilespmem:s13+$0x10B00];
	v12 =	vadd.f32 v13, v12  }
0x3ee: {  	v11 =	vld [tilespmem:s13+$0x10B80]  }
0x3ef: {  	v14 =	vadd.f32 v15, v14;
	v10 =	vld [tilespmem:s13+$0x11800];
	v15 =	vadd.f32 v12, v16  }
.Ltmp18:
0x3f0: {  	v12 =	vld [tilespmem:s13+$0x11880];
	(pc) =	sbr.rel @p0 .LBB2_30-.Ltmp18, $4  }
0x3f1: {  	v13 =	vld [tilespmem:s13+$0x11900];
	v16 =	vadd.f32 v15, v14  }
0x3f2: {  	v15 =	vld [tilespmem:s13+$0x11980]  }
0x3f3: {  	v14 =	vld [tilespmem:s13+$0x11A00];
	[tilespmem:s0+$0x17A80] =	vst v16;
	s0 =	smov.u32 s13  }
0x3f4: {  	s2 =	sadd.s32 $0x80, s2;
	s12 =	sadd.s32 $0x10, s12;
	v16 =	vld [tilespmem:s0+$0x11A80]  }
0x3f5: {  	v17 =	vld [tilespmem:s0+$0x11B00]  }
0x3f6: {  	v18 =	vld [tilespmem:s0+$0x11B80];
	_ =	sdelay $0x1  }
0x3f7: {  	v3 =	vadd.f32 v3, v9;
	v4 =	vadd.f32 v5, v4  }
0x3f8: {  	v5 =	vadd.f32 v7, v6;
	v6 =	vadd.f32 v11, v8  }
0x3f9: {  	v7 =	vadd.f32 v12, v10;
	v8 =	vadd.f32 v15, v13  }
0x3fa: {  	v9 =	vadd.f32 v16, v14;
	v10 =	vadd.f32 v18, v17  }
0x3fb: {  	v3 =	vadd.f32 v4, v3;
	v4 =	vadd.f32 v6, v5  }
0x3fc: {  	v5 =	vadd.f32 v8, v7;
	v6 =	vadd.f32 v10, v9;
	_ =	sdelay $0x1  }
0x3fd: {  	v3 =	vadd.f32 v4, v3;
	v4 =	vadd.f32 v6, v5  }
0x3fe: {  	s2 =	sadd.s32 $0x15, s31  }
0x3ff: {  	p0 =	sge.u32 s2, s6;
	v3 =	vadd.f32 v4, v3  }
0x400: {  	s2 =	sshll.u32 @!p0 s2, $0x4  }
0x401: {  	[tilespmem:s0+$0x17A80] =	vst v3;
	s0 =	sand.u32 @!p0 $0x3FFFFFF0, s2  }
0x402: {  	v3 =	vld @!p0 [tilespmem:s0+$0x0];
	_ =	sdelay $0x4  }
0x403: {  	v4 =	vshll.u32 @!p0 v3, $0x2  }
0x404: {  	v5 =	vlaneseq.u32 @!p0;
	v3 =	vand.u32 @!p0 $0x7, v3;
	v4 =	vand.u32 @!p0 $0xFFFFFFE0, v4  }
0x405: {  	v6 =	vshrl.u32 @!p0 v5, $0x3;
	v3 =	vor.u32 @!p0 v3, v4;
	v4 =	vand.u32 @!p0 $0x7, v5  }
0x406: {  	v6 =	vmul.u32 @!p0 $0x8, v6;
	v4 =	vperm.xlane @!p0 v3, v4;
	_ =	sdelay $0x1  }
0x407: {  	v4 =	vadd.s32 @!p0 v6, v4  }
0x408: {  	v5 =	vor.u32 @!p0 $0x8, v5  }
0x409: {  	v3 =	vperm.xlane @!p0 v3, v5;
	_ =	sdelay $0x1  }
0x40a: {  	vm1 =	vmmov @!p0 $0xffff;
	s2 =	simm.s32 @!p0 $0x10800;
	s0 =	simm.s32 @!p0 $0x0;
	v3 =	vadd.s32 @!p0 v6, v3  }
0x40b: {  	[tilespmem:s2], [sflag:$0x1] =	stream.indirect_vreg.gather @!p0 [hbm4b:s1+s0], $0x80, v4, vm1, $0xb8;
	[tilespmem:$0x18800] =	vst v63  }
0x40c: {  	s2 =	simm.s32 @!p0 $0x11000  }
0x40d: {  	[tilespmem:s2], [sflag:$0x1] =	stream.indirect_vreg.gather @!p0 [hbm4b:s9+s0], $0x80, v4, vm1, $0xb8;
	[tilespmem:$0x18800] =	vst v63  }
0x40e: {  	s2 =	simm.s32 @!p0 $0x11800  }
0x40f: {  	[tilespmem:s2], [sflag:$0x1] =	stream.indirect_vreg.gather @!p0 [hbm4b:s1+s0], $0x80, v3, vm1, $0xb8;
	[tilespmem:$0x18800] =	vst v63  }
0x410: {  	s2 =	simm.s32 @!p0 $0x12000  }
0x411: {  	[tilespmem:s2], [sflag:$0x1] =	stream.indirect_vreg.gather @!p0 [hbm4b:s9+s0], $0x80, v3, vm1, $0xb8;
	[tilespmem:$0x18800] =	vst v63  }
0x412: {  	s15 =	simm.s32 $0x0;
	_ =	swait.ge [sflag:s23], $0x2000  }
0x413: {  	s16 =	sand.u32 $0x70, s15;
	s0 =	sand.u32 $0xC00, s15;
	[sflag:s23] =	ssyncset.done $0x0  }
0x414: {  	s0 =	sor.u32 s16, s0;
	[sflag:s23] =	ssyncadd.s32 $0xFFFFE000  }
0x415: {  	v9 =	vld [tilespmem:s0+$0x12800]  }
0x416: {  	v3 =	vld [tilespmem:s0+$0x12880]  }
0x417: {  	v4 =	vld [tilespmem:s0+$0x12900]  }
0x418: {  	v5 =	vld [tilespmem:s0+$0x12980]  }
0x419: {  	v6 =	vld [tilespmem:s0+$0x12A00]  }
0x41a: {  	v7 =	vld [tilespmem:s0+$0x12A80]  }
0x41b: {  	v8 =	vld [tilespmem:s0+$0x12B00]  }
0x41c: {  	v11 =	vld [tilespmem:s0+$0x12B80]  }
0x41d: {  	v10 =	vld [tilespmem:s0+$0x13800]  }
0x41e: {  	v12 =	vld [tilespmem:s0+$0x13880]  }
0x41f: {  	v13 =	vld [tilespmem:s0+$0x13900]  }
0x420: {  	v15 =	vld [tilespmem:s0+$0x13980]  }
0x421: {  	v14 =	vld [tilespmem:s0+$0x13A00]  }
0x422: {  	s12 =	simm.s32 $0x10;
	s2 =	simm.s32 $0x80;
	v16 =	vld [tilespmem:s0+$0x13A80]  }
.LBB2_32:
0x423: {  	s13 =	sand.u32 $0x70, s12;
	s14 =	sand.u32 $0xC00, s2;
	p0 =	sne.s32 s12, $0x1F0;
	v17 =	vld [tilespmem:s0+$0x13B00]  }
0x424: {  	s13 =	sor.u32 s13, s14;
	v18 =	vld [tilespmem:s0+$0x13B80]  }
0x425: {  	v19 =	vld [tilespmem:s13+$0x12800]  }
0x426: {  	v9 =	vadd.f32 v3, v9;
	v20 =	vadd.f32 v5, v4;
	v3 =	vld [tilespmem:s13+$0x12880]  }
0x427: {  	v21 =	vadd.f32 v7, v6;
	v8 =	vadd.f32 v11, v8;
	v4 =	vld [tilespmem:s13+$0x12900]  }
0x428: {  	v10 =	vadd.f32 v12, v10;
	v11 =	vadd.f32 v15, v13;
	v5 =	vld [tilespmem:s13+$0x12980]  }
0x429: {  	v12 =	vadd.f32 v16, v14;
	v6 =	vld [tilespmem:s13+$0x12A00];
	v13 =	vadd.f32 v18, v17  }
0x42a: {  	v15 =	vadd.f32 v8, v21;
	v14 =	vadd.f32 v20, v9;
	v7 =	vld [tilespmem:s13+$0x12A80];
	v9 =	vmov v19  }
0x42b: {  	v16 =	vadd.f32 v11, v10;
	v8 =	vld [tilespmem:s13+$0x12B00];
	v12 =	vadd.f32 v13, v12  }
0x42c: {  	v11 =	vld [tilespmem:s13+$0x12B80]  }
0x42d: {  	v14 =	vadd.f32 v15, v14;
	v10 =	vld [tilespmem:s13+$0x13800];
	v15 =	vadd.f32 v12, v16  }
.Ltmp19:
0x42e: {  	v12 =	vld [tilespmem:s13+$0x13880];
	(pc) =	sbr.rel @p0 .LBB2_32-.Ltmp19, $4  }
0x42f: {  	v13 =	vld [tilespmem:s13+$0x13900];
	v16 =	vadd.f32 v15, v14  }
0x430: {  	v15 =	vld [tilespmem:s13+$0x13980]  }
0x431: {  	v14 =	vld [tilespmem:s13+$0x13A00];
	[tilespmem:s0+$0x17B00] =	vst v16;
	s0 =	smov.u32 s13  }
0x432: {  	s2 =	sadd.s32 $0x80, s2;
	s12 =	sadd.s32 $0x10, s12;
	v16 =	vld [tilespmem:s0+$0x13A80]  }
0x433: {  	v17 =	vld [tilespmem:s0+$0x13B00]  }
0x434: {  	v18 =	vld [tilespmem:s0+$0x13B80];
	_ =	sdelay $0x1  }
0x435: {  	v3 =	vadd.f32 v3, v9;
	v4 =	vadd.f32 v5, v4  }
0x436: {  	v5 =	vadd.f32 v7, v6;
	v6 =	vadd.f32 v11, v8  }
0x437: {  	v7 =	vadd.f32 v12, v10;
	v8 =	vadd.f32 v15, v13  }
0x438: {  	v9 =	vadd.f32 v16, v14;
	v10 =	vadd.f32 v18, v17  }
0x439: {  	v3 =	vadd.f32 v4, v3;
	v4 =	vadd.f32 v6, v5  }
0x43a: {  	v5 =	vadd.f32 v8, v7;
	v6 =	vadd.f32 v10, v9;
	_ =	sdelay $0x1  }
0x43b: {  	v3 =	vadd.f32 v4, v3;
	v4 =	vadd.f32 v6, v5  }
0x43c: {  	s2 =	sadd.s32 $0x16, s31  }
0x43d: {  	p0 =	sge.u32 s2, s6;
	v3 =	vadd.f32 v4, v3  }
0x43e: {  	s2 =	sshll.u32 @!p0 s2, $0x4  }
0x43f: {  	[tilespmem:s0+$0x17B00] =	vst v3;
	s0 =	sand.u32 @!p0 $0x3FFFFFF0, s2  }
0x440: {  	v3 =	vld @!p0 [tilespmem:s0+$0x0];
	_ =	sdelay $0x4  }
0x441: {  	v4 =	vshll.u32 @!p0 v3, $0x2  }
0x442: {  	v5 =	vlaneseq.u32 @!p0;
	v3 =	vand.u32 @!p0 $0x7, v3;
	v4 =	vand.u32 @!p0 $0xFFFFFFE0, v4  }
0x443: {  	v6 =	vshrl.u32 @!p0 v5, $0x3;
	v3 =	vor.u32 @!p0 v3, v4;
	v4 =	vand.u32 @!p0 $0x7, v5  }
0x444: {  	v6 =	vmul.u32 @!p0 $0x8, v6;
	v4 =	vperm.xlane @!p0 v3, v4;
	_ =	sdelay $0x1  }
0x445: {  	v4 =	vadd.s32 @!p0 v6, v4  }
0x446: {  	v5 =	vor.u32 @!p0 $0x8, v5  }
0x447: {  	v3 =	vperm.xlane @!p0 v3, v5;
	_ =	sdelay $0x1  }
0x448: {  	vm1 =	vmmov @!p0 $0xffff;
	s2 =	simm.s32 @!p0 $0x12800;
	s0 =	simm.s32 @!p0 $0x0;
	v3 =	vadd.s32 @!p0 v6, v3  }
0x449: {  	[tilespmem:s2], [sflag:$0x1] =	stream.indirect_vreg.gather @!p0 [hbm4b:s1+s0], $0x80, v4, vm1, $0xb8;
	[tilespmem:$0x18800] =	vst v63  }
0x44a: {  	s2 =	simm.s32 @!p0 $0x13000  }
0x44b: {  	[tilespmem:s2], [sflag:$0x1] =	stream.indirect_vreg.gather @!p0 [hbm4b:s9+s0], $0x80, v4, vm1, $0xb8;
	[tilespmem:$0x18800] =	vst v63  }
0x44c: {  	s2 =	simm.s32 @!p0 $0x13800  }
0x44d: {  	[tilespmem:s2], [sflag:$0x1] =	stream.indirect_vreg.gather @!p0 [hbm4b:s1+s0], $0x80, v3, vm1, $0xb8;
	[tilespmem:$0x18800] =	vst v63  }
0x44e: {  	s2 =	simm.s32 @!p0 $0x14000  }
0x44f: {  	[tilespmem:s2], [sflag:$0x1] =	stream.indirect_vreg.gather @!p0 [hbm4b:s9+s0], $0x80, v3, vm1, $0xb8;
	[tilespmem:$0x18800] =	vst v63  }
0x450: {  	s15 =	simm.s32 $0x0;
	_ =	swait.ge [sflag:s23], $0x2000  }
0x451: {  	s16 =	sand.u32 $0x70, s15;
	s0 =	sand.u32 $0xC00, s15;
	[sflag:s23] =	ssyncset.done $0x0  }
0x452: {  	s0 =	sor.u32 s16, s0;
	[sflag:s23] =	ssyncadd.s32 $0xFFFFE000  }
0x453: {  	v9 =	vld [tilespmem:s0+$0x14800]  }
0x454: {  	v3 =	vld [tilespmem:s0+$0x14880]  }
0x455: {  	v4 =	vld [tilespmem:s0+$0x14900]  }
0x456: {  	v5 =	vld [tilespmem:s0+$0x14980]  }
0x457: {  	v6 =	vld [tilespmem:s0+$0x14A00]  }
0x458: {  	v7 =	vld [tilespmem:s0+$0x14A80]  }
0x459: {  	v8 =	vld [tilespmem:s0+$0x14B00]  }
0x45a: {  	v11 =	vld [tilespmem:s0+$0x14B80]  }
0x45b: {  	v10 =	vld [tilespmem:s0+$0x15800]  }
0x45c: {  	v12 =	vld [tilespmem:s0+$0x15880]  }
0x45d: {  	v13 =	vld [tilespmem:s0+$0x15900]  }
0x45e: {  	v15 =	vld [tilespmem:s0+$0x15980]  }
0x45f: {  	v14 =	vld [tilespmem:s0+$0x15A00]  }
0x460: {  	s12 =	simm.s32 $0x10;
	s2 =	simm.s32 $0x80;
	v16 =	vld [tilespmem:s0+$0x15A80]  }
.LBB2_34:
0x461: {  	s13 =	sand.u32 $0x70, s12;
	s14 =	sand.u32 $0xC00, s2;
	p0 =	sne.s32 s12, $0x1F0;
	v17 =	vld [tilespmem:s0+$0x15B00]  }
0x462: {  	s13 =	sor.u32 s13, s14;
	v18 =	vld [tilespmem:s0+$0x15B80]  }
0x463: {  	v19 =	vld [tilespmem:s13+$0x14800]  }
0x464: {  	v9 =	vadd.f32 v3, v9;
	v20 =	vadd.f32 v5, v4;
	v3 =	vld [tilespmem:s13+$0x14880]  }
0x465: {  	v21 =	vadd.f32 v7, v6;
	v8 =	vadd.f32 v11, v8;
	v4 =	vld [tilespmem:s13+$0x14900]  }
0x466: {  	v10 =	vadd.f32 v12, v10;
	v11 =	vadd.f32 v15, v13;
	v5 =	vld [tilespmem:s13+$0x14980]  }
0x467: {  	v12 =	vadd.f32 v16, v14;
	v6 =	vld [tilespmem:s13+$0x14A00];
	v13 =	vadd.f32 v18, v17  }
0x468: {  	v15 =	vadd.f32 v8, v21;
	v14 =	vadd.f32 v20, v9;
	v7 =	vld [tilespmem:s13+$0x14A80];
	v9 =	vmov v19  }
0x469: {  	v16 =	vadd.f32 v11, v10;
	v8 =	vld [tilespmem:s13+$0x14B00];
	v12 =	vadd.f32 v13, v12  }
0x46a: {  	v11 =	vld [tilespmem:s13+$0x14B80]  }
0x46b: {  	v14 =	vadd.f32 v15, v14;
	v10 =	vld [tilespmem:s13+$0x15800];
	v15 =	vadd.f32 v12, v16  }
.Ltmp20:
0x46c: {  	v12 =	vld [tilespmem:s13+$0x15880];
	(pc) =	sbr.rel @p0 .LBB2_34-.Ltmp20, $4  }
0x46d: {  	v13 =	vld [tilespmem:s13+$0x15900];
	v16 =	vadd.f32 v15, v14  }
0x46e: {  	v15 =	vld [tilespmem:s13+$0x15980]  }
0x46f: {  	v14 =	vld [tilespmem:s13+$0x15A00];
	[tilespmem:s0+$0x17B80] =	vst v16;
	s0 =	smov.u32 s13  }
0x470: {  	s2 =	sadd.s32 $0x80, s2;
	s12 =	sadd.s32 $0x10, s12;
	v16 =	vld [tilespmem:s0+$0x15A80]  }
0x471: {  	v17 =	vld [tilespmem:s0+$0x15B00]  }
0x472: {  	v18 =	vld [tilespmem:s0+$0x15B80];
	_ =	sdelay $0x1  }
0x473: {  	v3 =	vadd.f32 v3, v9;
	v4 =	vadd.f32 v5, v4  }
0x474: {  	v54 =	vadd.f32 v7, v6;
	v55 =	vadd.f32 v11, v8  }
0x475: {  	v56 =	vadd.f32 v12, v10;
	v57 =	vadd.f32 v15, v13  }
0x476: {  	v58 =	vadd.f32 v16, v14;
	v59 =	vadd.f32 v18, v17  }
0x477: {  	v3 =	vadd.f32 v4, v3;
	v60 =	vadd.f32 v55, v54  }
0x478: {  	v61 =	vadd.f32 v57, v56;
	v62 =	vadd.f32 v59, v58;
	_ =	sdelay $0x1  }
0x479: {  	v3 =	vadd.f32 v60, v3;
	v63 =	vadd.f32 v62, v61  }
0x47a: {  	s2 =	sadd.s32 $0x17, s31  }
0x47b: {  	p0 =	sge.u32 s2, s6;
	v3 =	vadd.f32 v63, v3  }
0x47c: {  	s2 =	sshll.u32 @!p0 s2, $0x4  }
0x47d: {  	[tilespmem:s0+$0x17B80] =	vst v3;
	s0 =	sand.u32 @!p0 $0x3FFFFFF0, s2  }
0x47e: {  	v3 =	vld @!p0 [tilespmem:s0+$0x0];
	_ =	sdelay $0x4  }
0x47f: {  	v4 =	vshll.u32 @!p0 v3, $0x2  }
0x480: {  	v5 =	vlaneseq.u32 @!p0;
	v3 =	vand.u32 @!p0 $0x7, v3;
	v4 =	vand.u32 @!p0 $0xFFFFFFE0, v4  }
0x481: {  	v6 =	vshrl.u32 @!p0 v5, $0x3;
	v3 =	vor.u32 @!p0 v3, v4;
	v4 =	vand.u32 @!p0 $0x7, v5  }
0x482: {  	v6 =	vmul.u32 @!p0 $0x8, v6;
	v4 =	vperm.xlane @!p0 v3, v4;
	_ =	sdelay $0x1  }
0x483: {  	v4 =	vadd.s32 @!p0 v6, v4  }
0x484: {  	v5 =	vor.u32 @!p0 $0x8, v5  }
0x485: {  	v3 =	vperm.xlane @!p0 v3, v5;
	_ =	sdelay $0x1  }
0x486: {  	vm1 =	vmmov @!p0 $0xffff;
	s2 =	simm.s32 @!p0 $0x14800;
	s0 =	simm.s32 @!p0 $0x0;
	v3 =	vadd.s32 @!p0 v6, v3  }
0x487: {  	[tilespmem:s2], [sflag:$0x1] =	stream.indirect_vreg.gather @!p0 [hbm4b:s1+s0], $0x80, v4, vm1, $0xb8;
	[tilespmem:$0x18800] =	vst v63  }
0x488: {  	s2 =	simm.s32 @!p0 $0x15000  }
0x489: {  	[tilespmem:s2], [sflag:$0x1] =	stream.indirect_vreg.gather @!p0 [hbm4b:s9+s0], $0x80, v4, vm1, $0xb8;
	[tilespmem:$0x18800] =	vst v63  }
0x48a: {  	s2 =	simm.s32 @!p0 $0x15800  }
0x48b: {  	[tilespmem:s2], [sflag:$0x1] =	stream.indirect_vreg.gather @!p0 [hbm4b:s1+s0], $0x80, v3, vm1, $0xb8;
	[tilespmem:$0x18800] =	vst v63  }
.Ltmp21:
0x48c: {  	s31 =	sadd.s32 s5, s30;
	s2 =	simm.s32 @!p0 $0x16000;
	(pc) =	sbr.rel .LBB2_36-.Ltmp21, $4  }
0x48d: {  	[tilespmem:s2], [sflag:$0x1] =	stream.indirect_vreg.gather @!p0 [hbm4b:s9+s0], $0x80, v3, vm1, $0xb8;
	[tilespmem:$0x18800] =	vst v63  }
0x48e: {  	s0 =	sshll.u32 s31, $0x6  }
0x48f: {  	s0 =	sadd.s32 s4, s0  }
0x490: {  	[hbm4b:s0+s3] =	stream.linear.scatter [tilespmem:s25], [sflag:$0x2], $0x1000, $0x38;
	[tilespmem:$0x18800] =	vst v63  }
.LBB2_38:
0x491: {  	_ =	sfence.sel $0x180000  }
0x492: {  	[bflag:$0x0] =	sbarrier.arrive $0xFFFF  }
0x493: {  	_ =	strace $0x90000047  }
0x494: {  	s0 =	stileid.u32;
	[bflag:$0x2] =	sbarrier.arrive $0xFFFF  }
0x495: {  	p0 =	sne.s32 s0, $0x0;
	s0 =	rddreg [dreg:$0x3]  }
0x496: {  	s0 =	sadd.s32 @!p0 $0x100000, s0  }
0x497: {  	[sflag:s0] =	ssyncadd.tile.s32 @!p0 $0x1;
	_ =	shalt  }
.Lfunc_end2:
_tile_overlayer_lowered:
.L_overlay_start_2:
0x498: {  	(tag) =	ssettag $0x2  }
0x499: {  	s0 =	rddreg [dreg:$0x0];
	s2 =	stileid.u32  }
0x49a: {  	s1 =	rddreg [dreg:$0x1];
	p0 =	sne.s32 s2, $0x0  }
0x49b: {  	s3 =	rddreg [dreg:$0x2];
	[bflag:$0x3] =	sbarrier.arrive $0xFFFF;
	s2 =	simm.s32 @!p0 $0x1C03  }
0x49c: {  	[timem:s3], [sflag:s2] =	dma.local @!p0 [hbm:s0], s1  }
0x49d: {  	s0 =	simm.s32 @!p0 $0x3  }
0x49e: {  	_ =	swait.ge @!p0 [sflag:s0], s1  }
0x49f: {  	s1 =	ssub.s32 @!p0 $0x0, s1;
	[sflag:s0] =	ssyncset.done @!p0 $0x0  }
0x4a0: {  	[sflag:s0] =	ssyncadd.s32 @!p0 s1  }
0x4a1: {  	[bflag:$0x3] =	sbarrier.arrive $0xFFFF  }
0x4a2: {  	_ =	shalt  }

</sc_bundles>
